<compile_context>
chip_gen: v7x
topology: tpu7x:2x2x1
jax: 0.10.2.dev20260603
libtpu: 0.0.44.dev20260713+nightly
codegen_flags: <defaults>
</compile_context>

<pallas_src>
import functools

import jax
import jax.numpy as jnp
from jax import lax
from jax.experimental import pallas as pl
from jax.experimental.pallas import tpu as pltpu
from jax.experimental.pallas import tpu_sc as plsc

_N = 50000
_M = 16
_F = 128
_K = 4
_NH = 16
_D = _K * _NH
_ROUTIT = 6
_B = 2000
_NC = 2
_NS = 16
_NW = _NC * _NS
_CH = 128


def _reduce_mat(g, d):
    i = lax.broadcasted_iota(jnp.int32, (d, d // g), 0)
    c = lax.broadcasted_iota(jnp.int32, (d, d // g), 1)
    return (i // g == c).astype(jnp.float32)


def _expand_mat(g, d):
    c = lax.broadcasted_iota(jnp.int32, (d // g, d), 0)
    i = lax.broadcasted_iota(jnp.int32, (d // g, d), 1)
    return (i // g == c).astype(jnp.float32)


def _dot(a, b):
    return jnp.dot(a, b, preferred_element_type=jnp.float32)


def _pack_bf16(u):
    ub = u.astype(jnp.bfloat16)
    dw = ub.shape[1] // 2
    a = lax.bitcast_convert_type(ub[:, :dw], jnp.uint16).astype(jnp.int32)
    b = lax.bitcast_convert_type(ub[:, dw:], jnp.uint16).astype(jnp.int32)
    return a | (b << 16)


def _unpack_bf16(zi):
    lo = lax.bitcast_convert_type(
        (zi & 0xffff).astype(jnp.uint16), jnp.bfloat16)
    hi = lax.bitcast_convert_type(
        lax.shift_right_logical(zi, 16).astype(jnp.uint16), jnp.bfloat16)
    dw = _D // 2
    parts = []
    for m in range(_M):
        parts.append(lo[:, m * dw:(m + 1) * dw])
        parts.append(hi[:, m * dw:(m + 1) * dw])
    return jnp.concatenate(parts, axis=1)


def _cap_normalize(u, r4, e4):
    nsq = _dot(u * u, r4)
    inv = 1.0 / jnp.maximum(jnp.sqrt(nsq), 1e-12)
    return u * _dot(inv, e4)


def _pca_body(x_ref, w_ref, b_ref, o_ref, ob_ref):
    h = jnp.maximum(_dot(x_ref[...], w_ref[...]) + b_ref[...], 0.0)
    r4 = _reduce_mat(_NH, _D)
    e4 = _expand_mat(_NH, _D)
    hn = _cap_normalize(h, r4, e4)
    o_ref[...] = hn
    ob_ref[...] = _pack_bf16(hn)


def _pca(x, pca_W, pca_b):
    grid = (_N // _B,)
    return pl.pallas_call(
        _pca_body,
        grid=grid,
        in_specs=[
            pl.BlockSpec((_B, _F), lambda i: (i, 0)),
            pl.BlockSpec((_F, _D), lambda i: (0, 0)),
            pl.BlockSpec((1, _D), lambda i: (0, 0)),
        ],
        out_specs=[
            pl.BlockSpec((_B, _D), lambda i: (i, 0)),
            pl.BlockSpec((_B, _DW), lambda i: (i, 0)),
        ],
        out_shape=[
            jax.ShapeDtypeStruct((_N, _D), jnp.float32),
            jax.ShapeDtypeStruct((_N, _DW), jnp.int32),
        ],
    )(x, pca_W, pca_b.reshape(1, _D))


_PER_W = 198
_RPAD = _PER_W * _NW * _CH


_DW = _D // 2


def _gather_sc(hn_packed, idx_pad):
    mesh = plsc.VectorSubcoreMesh(core_axis_name="c", subcore_axis_name="s")

    @functools.partial(
        pl.kernel,
        mesh=mesh,
        out_type=jax.ShapeDtypeStruct((_RPAD, _DW), jnp.int32),
        scratch_types=[
            pltpu.VMEM((_PER_W * _CH,), jnp.int32),
            pltpu.VMEM((_CH, _DW), jnp.int32),
            pltpu.VMEM((_CH, _DW), jnp.int32),
            pltpu.VMEM((_CH, _DW), jnp.int32),
            pltpu.SemaphoreType.DMA,
            pltpu.SemaphoreType.DMA,
            pltpu.SemaphoreType.DMA,
            pltpu.SemaphoreType.DMA,
            pltpu.SemaphoreType.DMA,
            pltpu.SemaphoreType.DMA,
        ],
        compiler_params=pltpu.CompilerParams(use_tc_tiling_on_sc=False),
    )
    def k(hn_hbm, idx_hbm, out_hbm, idx_v, r0, r1, r2,
          g0, g1, g2, w0, w1, w2):
        wid = lax.axis_index("s") * _NC + lax.axis_index("c")
        base = wid * _PER_W
        rbufs, gsems, wsems = (r0, r1, r2), (g0, g1, g2), (w0, w1, w2)

        pltpu.sync_copy(idx_hbm.at[pl.ds(base * _CH, _PER_W * _CH)], idx_v)

        def gath_start(j, b):
            pltpu.async_copy(
                hn_hbm.at[idx_v.at[pl.ds(j * _CH, _CH)]], rbufs[b], gsems[b])

        def gath_wait(b):
            pltpu.make_async_copy(
                hn_hbm.at[idx_v.at[pl.ds(0, _CH)]], rbufs[b], gsems[b]).wait()

        def wback_start(j, b):
            pltpu.async_copy(
                rbufs[b], out_hbm.at[pl.ds((base + j) * _CH, _CH)], wsems[b])

        def wback_wait(b):
            pltpu.make_async_copy(
                rbufs[b], out_hbm.at[pl.ds(base * _CH, _CH)], wsems[b]).wait()

        gath_start(0, 0)
        gath_start(1, 1)

        def body(p, carry):
            for b in range(3):
                j = 3 * p + b
                b2 = (b + 2) % 3
                gath_wait(b)
                wback_start(j, b)
                ok = jnp.logical_and(j >= 1, j < _PER_W - 2)

                @pl.when(ok)
                def _():
                    wback_wait(b2)

                @pl.when(j < _PER_W - 2)
                def _():
                    gath_start(j + 2, b2)

            return carry

        lax.fori_loop(0, _PER_W // 3, body, 0)
        for b in range(3):
            wback_wait(b)

    return k(hn_packed, idx_pad)


_W = _M * _D


def _np_consts():
    import numpy as np
    i = np.arange(_W)
    m_i, k_i = i // _D, (i % _D) // _NH
    c = np.arange(_M * _K)
    r_all = (m_i[:, None] * _K + k_i[:, None] == c[None, :]).astype(np.float32)
    g_all = (c[:, None] // _K == c[None, :] // _K).astype(np.float32)
    r4 = (np.arange(_D)[:, None] // _NH == np.arange(_K)[None, :]).astype(
        np.float32)
    return (jnp.asarray(r_all, dtype=jnp.bfloat16),
            jnp.asarray(r_all.T, dtype=jnp.bfloat16), jnp.asarray(g_all),
            jnp.asarray(r4), jnp.asarray(r4.T))


def _fold16(w):
    acc = None
    for m in range(0, _M, 2):
        wp = (w[:, m * _D:(m + 1) * _D]
              + w[:, (m + 1) * _D:(m + 2) * _D]).astype(jnp.float32)
        acc = wp if acc is None else acc + wp
    return acc


def _route_body(z_ref, xn_ref, rall_ref, eall_ref, gall_ref, r4_ref, e4_ref,
                o_ref, ob_ref, *, final):
    r_all, e_all, g_all = rall_ref[...], eall_ref[...], gall_ref[...]
    r4, e4 = r4_ref[...], e4_ref[...]

    _H = _B // 2
    zs = [_unpack_bf16(z_ref[0:_H, :]), _unpack_bf16(z_ref[_H:_B, :])]
    xns = [xn_ref[0:_H, :], xn_ref[_H:_B, :]]
    us = [None, None]

    for h in range(2):
        us[h] = _cap_normalize((1.0 / _K) * _fold16(zs[h]) + xns[h], r4, e4)

    for t in range(1, _ROUTIT):
        for h in range(2):
            z, xn, u = zs[h], xns[h], us[h]
            uw = jnp.concatenate([u] * _M, axis=1).astype(jnp.bfloat16)
            p = _dot(z * uw, r_all)
            e = jnp.exp(p)
            s = _dot(e, g_all)
            pb = _dot((e / s).astype(jnp.bfloat16),
                      e_all).astype(jnp.bfloat16)
            u = _fold16(z * pb) + xn
            if t < _ROUTIT - 1:
                u = _cap_normalize(u, r4, e4)
            us[h] = u

    for h in range(2):
        sl = slice(0, _H) if h == 0 else slice(_H, _B)
        if final:
            o_ref[sl, :] = us[h]
            ob_ref[sl, :] = _pack_bf16(us[h])
        else:
            hn = _cap_normalize(jnp.maximum(us[h], 0.0), r4, e4)
            o_ref[sl, :] = hn
            ob_ref[sl, :] = _pack_bf16(hn)


def _route(z2d, xn, final):
    grid = (_N // _B,)
    full = lambda shape: pl.BlockSpec(shape, lambda i: tuple(0 for _ in shape))
    return pl.pallas_call(
        functools.partial(_route_body, final=final),
        grid=grid,
        in_specs=[
            pl.BlockSpec((_B, _W // 2), lambda i: (i, 0)),
            pl.BlockSpec((_B, _D), lambda i: (i, 0)),
            full((_W, _M * _K)),
            full((_M * _K, _W)),
            full((_M * _K, _M * _K)),
            full((_D, _K)),
            full((_K, _D)),
        ],
        out_specs=[
            pl.BlockSpec((_B, _D), lambda i: (i, 0)),
            pl.BlockSpec((_B, _DW), lambda i: (i, 0)),
        ],
        out_shape=[
            jax.ShapeDtypeStruct((_N, _D), jnp.float32),
            jax.ShapeDtypeStruct((_N, _DW), jnp.int32),
        ],
    )(z2d, xn, *_np_consts())


def _head_body(u_ref, awf_ref, attpW_ref, attpb_ref, predW_ref, predb_ref,
               o1_ref, o2_ref, o3_ref, o4_ref):
    u = u_ref[...]
    r4 = _reduce_mat(_NH, _D)
    e4 = _expand_mat(_NH, _D)
    scores = _dot(u * awf_ref[...], r4)
    m = jnp.max(scores, axis=1, keepdims=True)
    e = jnp.exp(scores - m)
    att = e / jnp.sum(e, axis=1, keepdims=True)
    h_att = u * _dot(att, e4)

    ar = _dot(att, attpW_ref[...]) + attpb_ref[...]
    arm = jnp.max(ar, axis=1, keepdims=True)
    ars = ar - arm
    o3 = ars - jnp.log(jnp.sum(jnp.exp(ars), axis=1, keepdims=True))

    logits = _dot(h_att, predW_ref[...]) + predb_ref[...]
    lm = jnp.max(logits, axis=1, keepdims=True)
    ls = logits - lm
    o1 = ls - jnp.log(jnp.sum(jnp.exp(ls), axis=1, keepdims=True))

    o1_ref[...] = o1
    o2_ref[...] = att
    o3_ref[...] = o3
    o4_ref[...] = h_att


def _head(u, att_w, attp_W, attp_b, pred_W, pred_b):
    nclass = pred_W.shape[1]
    awf = att_w.reshape(1, _D)
    predWt = jnp.concatenate([pred_W] * _K, axis=0)
    grid = (_N // _B,)
    full = lambda shape: pl.BlockSpec(shape, lambda i: tuple(0 for _ in shape))
    return pl.pallas_call(
        _head_body,
        grid=grid,
        in_specs=[
            pl.BlockSpec((_B, _D), lambda i: (i, 0)),
            full((1, _D)),
            full((_K, nclass)),
            full((1, nclass)),
            full((_D, nclass)),
            full((1, nclass)),
        ],
        out_specs=[
            pl.BlockSpec((_B, nclass), lambda i: (i, 0)),
            pl.BlockSpec((_B, _K), lambda i: (i, 0)),
            pl.BlockSpec((_B, nclass), lambda i: (i, 0)),
            pl.BlockSpec((_B, _D), lambda i: (i, 0)),
        ],
        out_shape=[
            jax.ShapeDtypeStruct((_N, nclass), jnp.float32),
            jax.ShapeDtypeStruct((_N, _K), jnp.float32),
            jax.ShapeDtypeStruct((_N, nclass), jnp.float32),
            jax.ShapeDtypeStruct((_N, _D), jnp.float32),
        ],
    )(u, awf, attp_W, attp_b.reshape(1, nclass), predWt,
      pred_b.reshape(1, nclass))


def kernel(x, nb, pca_W, pca_b, att_w, pred_W, pred_b, attp_W, attp_b):
    n, m = nb.shape
    idx_pad = jnp.concatenate(
        [nb.reshape(-1), jnp.zeros((_RPAD - n * m,), dtype=nb.dtype)])

    hn, hn_pk = _pca(x, pca_W, pca_b)
    for stage in range(3):
        zi = _gather_sc(hn_pk, idx_pad)
        z2d = zi.reshape(_RPAD * _DW * 2 // _W, _W // 2)
        hn, hn_pk = _route(z2d, hn, final=(stage == 2))
    u = hn

    o1, att, o3, h_att = _head(u, att_w, attp_W, attp_b, pred_W, pred_b)
    return (o1, att, o3, h_att, u)

# --- scband reference (transcript-rebuilt; emitter-appended) ---
"""Pipeline reference for scband-capsule-net-9792525435159 (READ-ONLY COPY).

The authoritative reference and input builder live on the scoring server;
editing this copy changes nothing except your own understanding.
"""

import jax, jax.numpy as jnp
import numpy as np

N = 50000
M = 16
F = 128
K = 4
NH = 16
D = K * NH
NCLASS = 16
NLAYER = 2
ROUTIT = 6
ITERAT = 3


def _normalize(v, axis):
    n = jnp.linalg.norm(v, axis=axis, keepdims=True)
    return v / jnp.maximum(n, 1e-12)


def _routing(x, nb_flat, k, routit):
    n, d = x.shape
    m = nb_flat.shape[0] // n
    dd = d // k
    x = _normalize(x.reshape(n, k, dd), 2).reshape(n, d)
    z = jnp.take(x, nb_flat, axis=0).reshape(n, m, k, dd)
    u = None
    for t in range(routit):
        if u is None:
            p = jnp.zeros((n, m, k), dtype=x.dtype)
        else:
            p = jnp.sum(z * u.reshape(n, 1, k, dd), axis=3)
        p = jax.nn.softmax(p, axis=2)
        u = jnp.sum(z * p.reshape(n, m, k, 1), axis=1) + x.reshape(n, k, dd)
        if t < routit - 1:
            u = _normalize(u, 2)
    return u


def setup_inputs(seed: int = 0):
    key = jax.random.key(seed)
    ks = jax.random.split(key, 8)
    x = jax.random.normal(ks[0], (N, F), dtype=jnp.float32)
    nb = jax.random.randint(ks[1], (N, M), 0, N, dtype=jnp.int32)
    pca_W = jax.random.normal(ks[2], (F, D), dtype=jnp.float32) * (1.0 / np.sqrt(F))
    pca_b = jnp.zeros((D,), dtype=jnp.float32)
    att_w = jax.random.normal(ks[3], (K, NH), dtype=jnp.float32) * (1.0 / np.sqrt(NH))
    pred_W = jax.random.normal(ks[4], (NH, NCLASS), dtype=jnp.float32) * (1.0 / np.sqrt(NH))
    pred_b = jnp.zeros((NCLASS,), dtype=jnp.float32)
    attp_W = jax.random.normal(ks[5], (K, NCLASS), dtype=jnp.float32) * (1.0 / np.sqrt(K))
    attp_b = jnp.zeros((NCLASS,), dtype=jnp.float32)
    return {"x": x, "nb": nb, "pca_W": pca_W, "pca_b": pca_b, "att_w": att_w,
            "pred_W": pred_W, "pred_b": pred_b, "attp_W": attp_W, "attp_b": attp_b}


def reference(x, nb, pca_W, pca_b, att_w, pred_W, pred_b, attp_W, attp_b):
    nb_flat = nb.reshape(-1)
    # SparseInputLinear (dense equivalent) + relu
    h = jax.nn.relu(x @ pca_W + pca_b)
    # stacked neighbor-routing (NR) conv layers; dropout is identity in eval mode
    for _ in range(NLAYER):
        h = jax.nn.relu(_routing(h, nb_flat, K, ROUTIT).reshape(-1, D))
    # AttentionLayer: one more routing pass producing per-capsule embeddings, then
    # capsule-level attention refined iterat times
    u = _routing(h, nb_flat, K, ROUTIT)  # [N, K, NH]
    att = None
    for _ in range(ITERAT):
        scores = jnp.sum(u * att_w[None, :, :], axis=2)  # [N, K]
        att = jax.nn.softmax(scores, axis=1)[:, :, None]  # [N, K, 1]
    h_att = (u * att).reshape(-1, D)
    att_sq = att[:, :, 0]  # squeeze -> [N, K]
    # AttentionPredictionLayer
    attentionResult = att_sq @ attp_W + attp_b
    vis_x = h_att
    # PredictionLayer: per-capsule linear (nhidden -> nclass), summed over capsules
    logits = jnp.sum(h_att.reshape(-1, K, NH) @ pred_W, axis=1) + pred_b
    return (jax.nn.log_softmax(logits, axis=1), att_sq,
            jax.nn.log_softmax(attentionResult, axis=1), vis_x, u.reshape(-1, D))

if __name__ == "__main__":
    import jax
    _d = setup_inputs()
    print(jax.jit(kernel)(*tuple(_d.values())))

</pallas_src>

<mosaic_0001>
#map = affine_map<(d0, d1) -> (0, 0)>
#map1 = affine_map<(d0, d1) -> (0)>
module attributes {stable_mosaic.version = 14 : i64} {
  func.func @k(%arg0: i32, %arg1: i32, %arg2: memref<50000x32xi32, #tpu.memory_space<hbm>>, %arg3: memref<811008xi32, #tpu.memory_space<hbm>>, %arg4: memref<811008x32xi32, #tpu.memory_space<hbm>>, %arg5: memref<25344xi32, #tpu.memory_space<vmem>>, %arg6: memref<128x32xi32, #tpu.memory_space<vmem>>, %arg7: memref<128x32xi32, #tpu.memory_space<vmem>>, %arg8: memref<128x32xi32, #tpu.memory_space<vmem>>, %arg9: memref<!tpu.dma_semaphore, #tpu.memory_space<semaphore_mem>>, %arg10: memref<!tpu.dma_semaphore, #tpu.memory_space<semaphore_mem>>, %arg11: memref<!tpu.dma_semaphore, #tpu.memory_space<semaphore_mem>>, %arg12: memref<!tpu.dma_semaphore, #tpu.memory_space<semaphore_mem>>, %arg13: memref<!tpu.dma_semaphore, #tpu.memory_space<semaphore_mem>>, %arg14: memref<!tpu.dma_semaphore, #tpu.memory_space<semaphore_mem>>) attributes {dimension_semantics = [#tpu.dimension_semantics<core_parallel>, #tpu.dimension_semantics<subcore_parallel>], iteration_bounds = array<i64: 2, 16>, scalar_prefetch = 0 : i64, scratch_operands = 10 : i64, tpu.core_type = #tpu.core_type<sc_vector_subcore>, window_params = [{transform_indices = #map}, {transform_indices = #map1}, {transform_indices = #map}]} {
    %mul3A = arith.constant 2 : i32
    %mul3A_0 = arith.muli %arg1, %mul3A : i32
    %add3A = arith.addi %mul3A_0, %arg0 : i32
    %mul3A_1 = arith.constant 198 : i32
    %mul3A_2 = arith.muli %add3A, %mul3A_1 : i32
    %mul3A_3 = arith.constant 128 : i32
    %mul3A_4 = arith.muli %mul3A_2, %mul3A_3 : i32
    "tpu.region"() ({
      %run_scoped3A = tpu.sem_alloc : memref<!tpu.dma_semaphore, #tpu.memory_space<semaphore_mem>>
      %dma_start3A_36 = tpu.memref_slice %arg3[%mul3A_4] : memref<811008xi32, #tpu.memory_space<hbm>> -> memref<25344xi32, #tpu.memory_space<hbm>>
      %dma_start3A_37 = tpu.memref_slice %arg3[%mul3A_4] : memref<811008xi32, #tpu.memory_space<hbm>> -> memref<25344xi32, #tpu.memory_space<hbm>>
      tpu.enqueue_dma source(%dma_start3A_37 : memref<25344xi32, #tpu.memory_space<hbm>>) target(%arg5 : memref<25344xi32, #tpu.memory_space<vmem>>) target_semaphore(%run_scoped3A : memref<!tpu.dma_semaphore, #tpu.memory_space<semaphore_mem>>)
      %dma_wait3A_38 = tpu.memref_slice %arg3[%mul3A_4] : memref<811008xi32, #tpu.memory_space<hbm>> -> memref<25344xi32, #tpu.memory_space<hbm>>
      %dma_wait3A_39 = tpu.memref_slice %arg3[%mul3A_4] : memref<811008xi32, #tpu.memory_space<hbm>> -> memref<25344xi32, #tpu.memory_space<hbm>>
      tpu.wait_dma2 semaphore(%run_scoped3A : memref<!tpu.dma_semaphore, #tpu.memory_space<semaphore_mem>>) src(%dma_wait3A_39 : memref<25344xi32, #tpu.memory_space<hbm>>) dst(%arg5 : memref<25344xi32, #tpu.memory_space<vmem>>)
      tpu.yield
    }) : () -> ()
    %dma_start3A = arith.constant 0 : i32
    %dma_start3A_5 = tpu.memref_slice %arg5[%dma_start3A] : memref<25344xi32, #tpu.memory_space<vmem>> -> memref<128xi32, #tpu.memory_space<vmem>>
    %dma_start3A_6 = arith.constant 0 : i32
    %dma_start3A_7 = arith.constant 0 : i32
    %dma_start3A_8 = tpu.memref_slice %arg2[%dma_start3A_6, %dma_start3A_7] : memref<50000x32xi32, #tpu.memory_space<hbm>> -> memref<50000x32xi32, #tpu.memory_space<hbm>>
    tpu.enqueue_indirect_dma source(%dma_start3A_8 : memref<50000x32xi32, #tpu.memory_space<hbm>>) target(%arg6 : memref<128x32xi32, #tpu.memory_space<vmem>>) offsets(%dma_start3A_5 : memref<128xi32, #tpu.memory_space<vmem>>) semaphore(%arg9 : memref<!tpu.dma_semaphore, #tpu.memory_space<semaphore_mem>>)
    %dma_start3A_9 = arith.constant 128 : i32
    %dma_start3A_10 = tpu.memref_slice %arg5[%dma_start3A_9] : memref<25344xi32, #tpu.memory_space<vmem>> -> memref<128xi32, #tpu.memory_space<vmem>>
    %dma_start3A_11 = arith.constant 0 : i32
    %dma_start3A_12 = arith.constant 0 : i32
    %dma_start3A_13 = tpu.memref_slice %arg2[%dma_start3A_11, %dma_start3A_12] : memref<50000x32xi32, #tpu.memory_space<hbm>> -> memref<50000x32xi32, #tpu.memory_space<hbm>>
    tpu.enqueue_indirect_dma source(%dma_start3A_13 : memref<50000x32xi32, #tpu.memory_space<hbm>>) target(%arg7 : memref<128x32xi32, #tpu.memory_space<vmem>>) offsets(%dma_start3A_10 : memref<128xi32, #tpu.memory_space<vmem>>) semaphore(%arg10 : memref<!tpu.dma_semaphore, #tpu.memory_space<semaphore_mem>>)
    %scan3A = arith.constant 0 : i32
    %scan3A_14 = arith.constant 0 : i32
    %scan3A_15 = arith.constant 66 : i32
    %scan3A_16 = arith.addi %scan3A_14, %scan3A_15 : i32
    %scan3A_17 = arith.constant 1 : i32
    scf.for %scan3A_36 = %scan3A_14 to %scan3A_16 step %scan3A_17  : i32 {
      %mul3A_37 = arith.constant 3 : i32
      %mul3A_38 = arith.muli %mul3A_37, %scan3A_36 : i32
      %add3A_39 = arith.constant 0 : i32
      %add3A_40 = arith.addi %mul3A_38, %add3A_39 : i32
      %dma_wait3A_41 = arith.constant 0 : i32
      %dma_wait3A_42 = tpu.memref_slice %arg5[%dma_wait3A_41] : memref<25344xi32, #tpu.memory_space<vmem>> -> memref<128xi32, #tpu.memory_space<vmem>>
      %dma_wait3A_43 = arith.constant 0 : i32
      %dma_wait3A_44 = arith.constant 0 : i32
      %dma_wait3A_45 = tpu.memref_slice %arg2[%dma_wait3A_43, %dma_wait3A_44] : memref<50000x32xi32, #tpu.memory_space<hbm>> -> memref<50000x32xi32, #tpu.memory_space<hbm>>
      tpu.wait_indirect_dma semaphore(%arg9 : memref<!tpu.dma_semaphore, #tpu.memory_space<semaphore_mem>>) src(%dma_wait3A_45 : memref<50000x32xi32, #tpu.memory_space<hbm>>) dst(%arg6 : memref<128x32xi32, #tpu.memory_space<vmem>>)
      %add3A_46 = arith.addi %mul3A_2, %add3A_40 : i32
      %mul3A_47 = arith.constant 128 : i32
      %mul3A_48 = arith.muli %add3A_46, %mul3A_47 : i32
      %dma_start3A_49 = arith.constant 0 : i32
      %dma_start3A_50 = tpu.memref_slice %arg4[%mul3A_48, %dma_start3A_49] : memref<811008x32xi32, #tpu.memory_space<hbm>> -> memref<128x32xi32, #tpu.memory_space<hbm>>
      %dma_start3A_51 = arith.constant 0 : i32
      %dma_start3A_52 = tpu.memref_slice %arg4[%mul3A_48, %dma_start3A_51] : memref<811008x32xi32, #tpu.memory_space<hbm>> -> memref<128x32xi32, #tpu.memory_space<hbm>>
      tpu.enqueue_dma source(%arg6 : memref<128x32xi32, #tpu.memory_space<vmem>>) target(%dma_start3A_52 : memref<128x32xi32, #tpu.memory_space<hbm>>) target_semaphore(%arg12 : memref<!tpu.dma_semaphore, #tpu.memory_space<semaphore_mem>>)
      %ge3A = arith.constant 1 : i32
      %ge3A_53 = arith.cmpi sge, %add3A_40, %ge3A : i32
      %lt3A = arith.constant 196 : i32
      %lt3A_54 = arith.cmpi slt, %add3A_40, %lt3A : i32
      %and3A = arith.andi %ge3A_53, %lt3A_54 : i1
      %convert_element_type3A = arith.extui %and3A : i1 to i32
      %cond3A = arith.constant 0 : i32
      %cond3A_55 = arith.cmpi ne, %convert_element_type3A, %cond3A : i32
      scf.if %cond3A_55 {
        %mul3A_119 = arith.constant 128 : i32
        %mul3A_120 = arith.muli %mul3A_2, %mul3A_119 : i32
        %dma_wait3A_121 = arith.constant 0 : i32
        %dma_wait3A_122 = tpu.memref_slice %arg4[%mul3A_120, %dma_wait3A_121] : memref<811008x32xi32, #tpu.memory_space<hbm>> -> memref<128x32xi32, #tpu.memory_space<hbm>>
        %dma_wait3A_123 = arith.constant 0 : i32
        %dma_wait3A_124 = tpu.memref_slice %arg4[%mul3A_120, %dma_wait3A_123] : memref<811008x32xi32, #tpu.memory_space<hbm>> -> memref<128x32xi32, #tpu.memory_space<hbm>>
        tpu.wait_dma2 semaphore(%arg14 : memref<!tpu.dma_semaphore, #tpu.memory_space<semaphore_mem>>) src(%arg8 : memref<128x32xi32, #tpu.memory_space<vmem>>) dst(%dma_wait3A_124 : memref<128x32xi32, #tpu.memory_space<hbm>>)
      } else {
      }
      %lt3A_56 = arith.constant 196 : i32
      %lt3A_57 = arith.cmpi slt, %add3A_40, %lt3A_56 : i32
      %convert_element_type3A_58 = arith.extui %lt3A_57 : i1 to i32
      %cond3A_59 = arith.constant 0 : i32
      %cond3A_60 = arith.cmpi ne, %convert_element_type3A_58, %cond3A_59 : i32
      scf.if %cond3A_60 {
        %add3A_119 = arith.constant 2 : i32
        %add3A_120 = arith.addi %add3A_40, %add3A_119 : i32
        %mul3A_121 = arith.constant 128 : i32
        %mul3A_122 = arith.muli %add3A_120, %mul3A_121 : i32
        %dma_start3A_123 = tpu.memref_slice %arg5[%mul3A_122] : memref<25344xi32, #tpu.memory_space<vmem>> -> memref<128xi32, #tpu.memory_space<vmem>>
        %dma_start3A_124 = arith.constant 0 : i32
        %dma_start3A_125 = arith.constant 0 : i32
        %dma_start3A_126 = tpu.memref_slice %arg2[%dma_start3A_124, %dma_start3A_125] : memref<50000x32xi32, #tpu.memory_space<hbm>> -> memref<50000x32xi32, #tpu.memory_space<hbm>>
        tpu.enqueue_indirect_dma source(%dma_start3A_126 : memref<50000x32xi32, #tpu.memory_space<hbm>>) target(%arg8 : memref<128x32xi32, #tpu.memory_space<vmem>>) offsets(%dma_start3A_123 : memref<128xi32, #tpu.memory_space<vmem>>) semaphore(%arg11 : memref<!tpu.dma_semaphore, #tpu.memory_space<semaphore_mem>>)
      } else {
      }
      %mul3A_61 = arith.constant 3 : i32
      %mul3A_62 = arith.muli %mul3A_61, %scan3A_36 : i32
      %add3A_63 = arith.constant 1 : i32
      %add3A_64 = arith.addi %mul3A_62, %add3A_63 : i32
      %dma_wait3A_65 = arith.constant 0 : i32
      %dma_wait3A_66 = tpu.memref_slice %arg5[%dma_wait3A_65] : memref<25344xi32, #tpu.memory_space<vmem>> -> memref<128xi32, #tpu.memory_space<vmem>>
      %dma_wait3A_67 = arith.constant 0 : i32
      %dma_wait3A_68 = arith.constant 0 : i32
      %dma_wait3A_69 = tpu.memref_slice %arg2[%dma_wait3A_67, %dma_wait3A_68] : memref<50000x32xi32, #tpu.memory_space<hbm>> -> memref<50000x32xi32, #tpu.memory_space<hbm>>
      tpu.wait_indirect_dma semaphore(%arg10 : memref<!tpu.dma_semaphore, #tpu.memory_space<semaphore_mem>>) src(%dma_wait3A_69 : memref<50000x32xi32, #tpu.memory_space<hbm>>) dst(%arg7 : memref<128x32xi32, #tpu.memory_space<vmem>>)
      %add3A_70 = arith.addi %mul3A_2, %add3A_64 : i32
      %mul3A_71 = arith.constant 128 : i32
      %mul3A_72 = arith.muli %add3A_70, %mul3A_71 : i32
      %dma_start3A_73 = arith.constant 0 : i32
      %dma_start3A_74 = tpu.memref_slice %arg4[%mul3A_72, %dma_start3A_73] : memref<811008x32xi32, #tpu.memory_space<hbm>> -> memref<128x32xi32, #tpu.memory_space<hbm>>
      %dma_start3A_75 = arith.constant 0 : i32
      %dma_start3A_76 = tpu.memref_slice %arg4[%mul3A_72, %dma_start3A_75] : memref<811008x32xi32, #tpu.memory_space<hbm>> -> memref<128x32xi32, #tpu.memory_space<hbm>>
      tpu.enqueue_dma source(%arg7 : memref<128x32xi32, #tpu.memory_space<vmem>>) target(%dma_start3A_76 : memref<128x32xi32, #tpu.memory_space<hbm>>) target_semaphore(%arg13 : memref<!tpu.dma_semaphore, #tpu.memory_space<semaphore_mem>>)
      %ge3A_77 = arith.constant 1 : i32
      %ge3A_78 = arith.cmpi sge, %add3A_64, %ge3A_77 : i32
      %lt3A_79 = arith.constant 196 : i32
      %lt3A_80 = arith.cmpi slt, %add3A_64, %lt3A_79 : i32
      %and3A_81 = arith.andi %ge3A_78, %lt3A_80 : i1
      %convert_element_type3A_82 = arith.extui %and3A_81 : i1 to i32
      %cond3A_83 = arith.constant 0 : i32
      %cond3A_84 = arith.cmpi ne, %convert_element_type3A_82, %cond3A_83 : i32
      scf.if %cond3A_84 {
        %mul3A_119 = arith.constant 128 : i32
        %mul3A_120 = arith.muli %mul3A_2, %mul3A_119 : i32
        %dma_wait3A_121 = arith.constant 0 : i32
        %dma_wait3A_122 = tpu.memref_slice %arg4[%mul3A_120, %dma_wait3A_121] : memref<811008x32xi32, #tpu.memory_space<hbm>> -> memref<128x32xi32, #tpu.memory_space<hbm>>
        %dma_wait3A_123 = arith.constant 0 : i32
        %dma_wait3A_124 = tpu.memref_slice %arg4[%mul3A_120, %dma_wait3A_123] : memref<811008x32xi32, #tpu.memory_space<hbm>> -> memref<128x32xi32, #tpu.memory_space<hbm>>
        tpu.wait_dma2 semaphore(%arg12 : memref<!tpu.dma_semaphore, #tpu.memory_space<semaphore_mem>>) src(%arg6 : memref<128x32xi32, #tpu.memory_space<vmem>>) dst(%dma_wait3A_124 : memref<128x32xi32, #tpu.memory_space<hbm>>)
      } else {
      }
      %lt3A_85 = arith.constant 196 : i32
      %lt3A_86 = arith.cmpi slt, %add3A_64, %lt3A_85 : i32
      %convert_element_type3A_87 = arith.extui %lt3A_86 : i1 to i32
      %cond3A_88 = arith.constant 0 : i32
      %cond3A_89 = arith.cmpi ne, %convert_element_type3A_87, %cond3A_88 : i32
      scf.if %cond3A_89 {
        %add3A_119 = arith.constant 2 : i32
        %add3A_120 = arith.addi %add3A_64, %add3A_119 : i32
        %mul3A_121 = arith.constant 128 : i32
        %mul3A_122 = arith.muli %add3A_120, %mul3A_121 : i32
        %dma_start3A_123 = tpu.memref_slice %arg5[%mul3A_122] : memref<25344xi32, #tpu.memory_space<vmem>> -> memref<128xi32, #tpu.memory_space<vmem>>
        %dma_start3A_124 = arith.constant 0 : i32
        %dma_start3A_125 = arith.constant 0 : i32
        %dma_start3A_126 = tpu.memref_slice %arg2[%dma_start3A_124, %dma_start3A_125] : memref<50000x32xi32, #tpu.memory_space<hbm>> -> memref<50000x32xi32, #tpu.memory_space<hbm>>
        tpu.enqueue_indirect_dma source(%dma_start3A_126 : memref<50000x32xi32, #tpu.memory_space<hbm>>) target(%arg6 : memref<128x32xi32, #tpu.memory_space<vmem>>) offsets(%dma_start3A_123 : memref<128xi32, #tpu.memory_space<vmem>>) semaphore(%arg9 : memref<!tpu.dma_semaphore, #tpu.memory_space<semaphore_mem>>)
      } else {
      }
      %mul3A_90 = arith.constant 3 : i32
      %mul3A_91 = arith.muli %mul3A_90, %scan3A_36 : i32
      %add3A_92 = arith.constant 2 : i32
      %add3A_93 = arith.addi %mul3A_91, %add3A_92 : i32
      %dma_wait3A_94 = arith.constant 0 : i32
      %dma_wait3A_95 = tpu.memref_slice %arg5[%dma_wait3A_94] : memref<25344xi32, #tpu.memory_space<vmem>> -> memref<128xi32, #tpu.memory_space<vmem>>
      %dma_wait3A_96 = arith.constant 0 : i32
      %dma_wait3A_97 = arith.constant 0 : i32
      %dma_wait3A_98 = tpu.memref_slice %arg2[%dma_wait3A_96, %dma_wait3A_97] : memref<50000x32xi32, #tpu.memory_space<hbm>> -> memref<50000x32xi32, #tpu.memory_space<hbm>>
      tpu.wait_indirect_dma semaphore(%arg11 : memref<!tpu.dma_semaphore, #tpu.memory_space<semaphore_mem>>) src(%dma_wait3A_98 : memref<50000x32xi32, #tpu.memory_space<hbm>>) dst(%arg8 : memref<128x32xi32, #tpu.memory_space<vmem>>)
      %add3A_99 = arith.addi %mul3A_2, %add3A_93 : i32
      %mul3A_100 = arith.constant 128 : i32
      %mul3A_101 = arith.muli %add3A_99, %mul3A_100 : i32
      %dma_start3A_102 = arith.constant 0 : i32
      %dma_start3A_103 = tpu.memref_slice %arg4[%mul3A_101, %dma_start3A_102] : memref<811008x32xi32, #tpu.memory_space<hbm>> -> memref<128x32xi32, #tpu.memory_space<hbm>>
      %dma_start3A_104 = arith.constant 0 : i32
      %dma_start3A_105 = tpu.memref_slice %arg4[%mul3A_101, %dma_start3A_104] : memref<811008x32xi32, #tpu.memory_space<hbm>> -> memref<128x32xi32, #tpu.memory_space<hbm>>
      tpu.enqueue_dma source(%arg8 : memref<128x32xi32, #tpu.memory_space<vmem>>) target(%dma_start3A_105 : memref<128x32xi32, #tpu.memory_space<hbm>>) target_semaphore(%arg14 : memref<!tpu.dma_semaphore, #tpu.memory_space<semaphore_mem>>)
      %ge3A_106 = arith.constant 1 : i32
      %ge3A_107 = arith.cmpi sge, %add3A_93, %ge3A_106 : i32
      %lt3A_108 = arith.constant 196 : i32
      %lt3A_109 = arith.cmpi slt, %add3A_93, %lt3A_108 : i32
      %and3A_110 = arith.andi %ge3A_107, %lt3A_109 : i1
      %convert_element_type3A_111 = arith.extui %and3A_110 : i1 to i32
      %cond3A_112 = arith.constant 0 : i32
      %cond3A_113 = arith.cmpi ne, %convert_element_type3A_111, %cond3A_112 : i32
      scf.if %cond3A_113 {
        %mul3A_119 = arith.constant 128 : i32
        %mul3A_120 = arith.muli %mul3A_2, %mul3A_119 : i32
        %dma_wait3A_121 = arith.constant 0 : i32
        %dma_wait3A_122 = tpu.memref_slice %arg4[%mul3A_120, %dma_wait3A_121] : memref<811008x32xi32, #tpu.memory_space<hbm>> -> memref<128x32xi32, #tpu.memory_space<hbm>>
        %dma_wait3A_123 = arith.constant 0 : i32
        %dma_wait3A_124 = tpu.memref_slice %arg4[%mul3A_120, %dma_wait3A_123] : memref<811008x32xi32, #tpu.memory_space<hbm>> -> memref<128x32xi32, #tpu.memory_space<hbm>>
        tpu.wait_dma2 semaphore(%arg13 : memref<!tpu.dma_semaphore, #tpu.memory_space<semaphore_mem>>) src(%arg7 : memref<128x32xi32, #tpu.memory_space<vmem>>) dst(%dma_wait3A_124 : memref<128x32xi32, #tpu.memory_space<hbm>>)
      } else {
      }
      %lt3A_114 = arith.constant 196 : i32
      %lt3A_115 = arith.cmpi slt, %add3A_93, %lt3A_114 : i32
      %convert_element_type3A_116 = arith.extui %lt3A_115 : i1 to i32
      %cond3A_117 = arith.constant 0 : i32
      %cond3A_118 = arith.cmpi ne, %convert_element_type3A_116, %cond3A_117 : i32
      scf.if %cond3A_118 {
        %add3A_119 = arith.constant 2 : i32
        %add3A_120 = arith.addi %add3A_93, %add3A_119 : i32
        %mul3A_121 = arith.constant 128 : i32
        %mul3A_122 = arith.muli %add3A_120, %mul3A_121 : i32
        %dma_start3A_123 = tpu.memref_slice %arg5[%mul3A_122] : memref<25344xi32, #tpu.memory_space<vmem>> -> memref<128xi32, #tpu.memory_space<vmem>>
        %dma_start3A_124 = arith.constant 0 : i32
        %dma_start3A_125 = arith.constant 0 : i32
        %dma_start3A_126 = tpu.memref_slice %arg2[%dma_start3A_124, %dma_start3A_125] : memref<50000x32xi32, #tpu.memory_space<hbm>> -> memref<50000x32xi32, #tpu.memory_space<hbm>>
        tpu.enqueue_indirect_dma source(%dma_start3A_126 : memref<50000x32xi32, #tpu.memory_space<hbm>>) target(%arg7 : memref<128x32xi32, #tpu.memory_space<vmem>>) offsets(%dma_start3A_123 : memref<128xi32, #tpu.memory_space<vmem>>) semaphore(%arg10 : memref<!tpu.dma_semaphore, #tpu.memory_space<semaphore_mem>>)
      } else {
      }
    }
    %scan3A_18 = arith.constant 66 : i32
    %mul3A_19 = arith.constant 128 : i32
    %mul3A_20 = arith.muli %mul3A_2, %mul3A_19 : i32
    %dma_wait3A = arith.constant 0 : i32
    %dma_wait3A_21 = tpu.memref_slice %arg4[%mul3A_20, %dma_wait3A] : memref<811008x32xi32, #tpu.memory_space<hbm>> -> memref<128x32xi32, #tpu.memory_space<hbm>>
    %dma_wait3A_22 = arith.constant 0 : i32
    %dma_wait3A_23 = tpu.memref_slice %arg4[%mul3A_20, %dma_wait3A_22] : memref<811008x32xi32, #tpu.memory_space<hbm>> -> memref<128x32xi32, #tpu.memory_space<hbm>>
    tpu.wait_dma2 semaphore(%arg12 : memref<!tpu.dma_semaphore, #tpu.memory_space<semaphore_mem>>) src(%arg6 : memref<128x32xi32, #tpu.memory_space<vmem>>) dst(%dma_wait3A_23 : memref<128x32xi32, #tpu.memory_space<hbm>>)
    %mul3A_24 = arith.constant 128 : i32
    %mul3A_25 = arith.muli %mul3A_2, %mul3A_24 : i32
    %dma_wait3A_26 = arith.constant 0 : i32
    %dma_wait3A_27 = tpu.memref_slice %arg4[%mul3A_25, %dma_wait3A_26] : memref<811008x32xi32, #tpu.memory_space<hbm>> -> memref<128x32xi32, #tpu.memory_space<hbm>>
    %dma_wait3A_28 = arith.constant 0 : i32
    %dma_wait3A_29 = tpu.memref_slice %arg4[%mul3A_25, %dma_wait3A_28] : memref<811008x32xi32, #tpu.memory_space<hbm>> -> memref<128x32xi32, #tpu.memory_space<hbm>>
    tpu.wait_dma2 semaphore(%arg13 : memref<!tpu.dma_semaphore, #tpu.memory_space<semaphore_mem>>) src(%arg7 : memref<128x32xi32, #tpu.memory_space<vmem>>) dst(%dma_wait3A_29 : memref<128x32xi32, #tpu.memory_space<hbm>>)
    %mul3A_30 = arith.constant 128 : i32
    %mul3A_31 = arith.muli %mul3A_2, %mul3A_30 : i32
    %dma_wait3A_32 = arith.constant 0 : i32
    %dma_wait3A_33 = tpu.memref_slice %arg4[%mul3A_31, %dma_wait3A_32] : memref<811008x32xi32, #tpu.memory_space<hbm>> -> memref<128x32xi32, #tpu.memory_space<hbm>>
    %dma_wait3A_34 = arith.constant 0 : i32
    %dma_wait3A_35 = tpu.memref_slice %arg4[%mul3A_31, %dma_wait3A_34] : memref<811008x32xi32, #tpu.memory_space<hbm>> -> memref<128x32xi32, #tpu.memory_space<hbm>>
    tpu.wait_dma2 semaphore(%arg14 : memref<!tpu.dma_semaphore, #tpu.memory_space<semaphore_mem>>) src(%arg8 : memref<128x32xi32, #tpu.memory_space<vmem>>) dst(%dma_wait3A_35 : memref<128x32xi32, #tpu.memory_space<hbm>>)
    return
  }
}

#map = affine_map<(d0, d1) -> (0, 0)>
#map1 = affine_map<(d0, d1) -> (0)>
module attributes {stable_mosaic.version = 14 : i64} {
  func.func @k(%arg0: i32, %arg1: i32, %arg2: memref<50000x32xi32, #tpu.memory_space<hbm>>, %arg3: memref<811008xi32, #tpu.memory_space<hbm>>, %arg4: memref<811008x32xi32, #tpu.memory_space<hbm>>, %arg5: memref<25344xi32, #tpu.memory_space<vmem>>, %arg6: memref<128x32xi32, #tpu.memory_space<vmem>>, %arg7: memref<128x32xi32, #tpu.memory_space<vmem>>, %arg8: memref<128x32xi32, #tpu.memory_space<vmem>>, %arg9: memref<!tpu.dma_semaphore, #tpu.memory_space<semaphore_mem>>, %arg10: memref<!tpu.dma_semaphore, #tpu.memory_space<semaphore_mem>>, %arg11: memref<!tpu.dma_semaphore, #tpu.memory_space<semaphore_mem>>, %arg12: memref<!tpu.dma_semaphore, #tpu.memory_space<semaphore_mem>>, %arg13: memref<!tpu.dma_semaphore, #tpu.memory_space<semaphore_mem>>, %arg14: memref<!tpu.dma_semaphore, #tpu.memory_space<semaphore_mem>>) attributes {dimension_semantics = [#tpu.dimension_semantics<core_parallel>, #tpu.dimension_semantics<subcore_parallel>], iteration_bounds = array<i64: 2, 16>, scalar_prefetch = 0 : i64, scratch_operands = 10 : i64, tpu.core_type = #tpu.core_type<sc_vector_subcore>, window_params = [{transform_indices = #map}, {transform_indices = #map1}, {transform_indices = #map}]} {
    %mul3A = arith.constant 2 : i32
    %mul3A_0 = arith.muli %arg1, %mul3A : i32
    %add3A = arith.addi %mul3A_0, %arg0 : i32
    %mul3A_1 = arith.constant 198 : i32
    %mul3A_2 = arith.muli %add3A, %mul3A_1 : i32
    %mul3A_3 = arith.constant 128 : i32
    %mul3A_4 = arith.muli %mul3A_2, %mul3A_3 : i32
    "tpu.region"() ({
      %run_scoped3A = tpu.sem_alloc : memref<!tpu.dma_semaphore, #tpu.memory_space<semaphore_mem>>
      %dma_start3A_36 = tpu.memref_slice %arg3[%mul3A_4] : memref<811008xi32, #tpu.memory_space<hbm>> -> memref<25344xi32, #tpu.memory_space<hbm>>
      %dma_start3A_37 = tpu.memref_slice %arg3[%mul3A_4] : memref<811008xi32, #tpu.memory_space<hbm>> -> memref<25344xi32, #tpu.memory_space<hbm>>
      tpu.enqueue_dma source(%dma_start3A_37 : memref<25344xi32, #tpu.memory_space<hbm>>) target(%arg5 : memref<25344xi32, #tpu.memory_space<vmem>>) target_semaphore(%run_scoped3A : memref<!tpu.dma_semaphore, #tpu.memory_space<semaphore_mem>>)
      %dma_wait3A_38 = tpu.memref_slice %arg3[%mul3A_4] : memref<811008xi32, #tpu.memory_space<hbm>> -> memref<25344xi32, #tpu.memory_space<hbm>>
      %dma_wait3A_39 = tpu.memref_slice %arg3[%mul3A_4] : memref<811008xi32, #tpu.memory_space<hbm>> -> memref<25344xi32, #tpu.memory_space<hbm>>
      tpu.wait_dma2 semaphore(%run_scoped3A : memref<!tpu.dma_semaphore, #tpu.memory_space<semaphore_mem>>) src(%dma_wait3A_39 : memref<25344xi32, #tpu.memory_space<hbm>>) dst(%arg5 : memref<25344xi32, #tpu.memory_space<vmem>>)
      tpu.yield
    }) : () -> ()
    %dma_start3A = arith.constant 0 : i32
    %dma_start3A_5 = tpu.memref_slice %arg5[%dma_start3A] : memref<25344xi32, #tpu.memory_space<vmem>> -> memref<128xi32, #tpu.memory_space<vmem>>
    %dma_start3A_6 = arith.constant 0 : i32
    %dma_start3A_7 = arith.constant 0 : i32
    %dma_start3A_8 = tpu.memref_slice %arg2[%dma_start3A_6, %dma_start3A_7] : memref<50000x32xi32, #tpu.memory_space<hbm>> -> memref<50000x32xi32, #tpu.memory_space<hbm>>
    tpu.enqueue_indirect_dma source(%dma_start3A_8 : memref<50000x32xi32, #tpu.memory_space<hbm>>) target(%arg6 : memref<128x32xi32, #tpu.memory_space<vmem>>) offsets(%dma_start3A_5 : memref<128xi32, #tpu.memory_space<vmem>>) semaphore(%arg9 : memref<!tpu.dma_semaphore, #tpu.memory_space<semaphore_mem>>)
    %dma_start3A_9 = arith.constant 128 : i32
    %dma_start3A_10 = tpu.memref_slice %arg5[%dma_start3A_9] : memref<25344xi32, #tpu.memory_space<vmem>> -> memref<128xi32, #tpu.memory_space<vmem>>
    %dma_start3A_11 = arith.constant 0 : i32
    %dma_start3A_12 = arith.constant 0 : i32
    %dma_start3A_13 = tpu.memref_slice %arg2[%dma_start3A_11, %dma_start3A_12] : memref<50000x32xi32, #tpu.memory_space<hbm>> -> memref<50000x32xi32, #tpu.memory_space<hbm>>
    tpu.enqueue_indirect_dma source(%dma_start3A_13 : memref<50000x32xi32, #tpu.memory_space<hbm>>) target(%arg7 : memref<128x32xi32, #tpu.memory_space<vmem>>) offsets(%dma_start3A_10 : memref<128xi32, #tpu.memory_space<vmem>>) semaphore(%arg10 : memref<!tpu.dma_semaphore, #tpu.memory_space<semaphore_mem>>)
    %scan3A = arith.constant 0 : i32
    %scan3A_14 = arith.constant 0 : i32
    %scan3A_15 = arith.constant 66 : i32
    %scan3A_16 = arith.addi %scan3A_14, %scan3A_15 : i32
    %scan3A_17 = arith.constant 1 : i32
    scf.for %scan3A_36 = %scan3A_14 to %scan3A_16 step %scan3A_17  : i32 {
      %mul3A_37 = arith.constant 3 : i32
      %mul3A_38 = arith.muli %mul3A_37, %scan3A_36 : i32
      %add3A_39 = arith.constant 0 : i32
      %add3A_40 = arith.addi %mul3A_38, %add3A_39 : i32
      %dma_wait3A_41 = arith.constant 0 : i32
      %dma_wait3A_42 = tpu.memref_slice %arg5[%dma_wait3A_41] : memref<25344xi32, #tpu.memory_space<vmem>> -> memref<128xi32, #tpu.memory_space<vmem>>
      %dma_wait3A_43 = arith.constant 0 : i32
      %dma_wait3A_44 = arith.constant 0 : i32
      %dma_wait3A_45 = tpu.memref_slice %arg2[%dma_wait3A_43, %dma_wait3A_44] : memref<50000x32xi32, #tpu.memory_space<hbm>> -> memref<50000x32xi32, #tpu.memory_space<hbm>>
      tpu.wait_indirect_dma semaphore(%arg9 : memref<!tpu.dma_semaphore, #tpu.memory_space<semaphore_mem>>) src(%dma_wait3A_45 : memref<50000x32xi32, #tpu.memory_space<hbm>>) dst(%arg6 : memref<128x32xi32, #tpu.memory_space<vmem>>)
      %add3A_46 = arith.addi %mul3A_2, %add3A_40 : i32
      %mul3A_47 = arith.constant 128 : i32
      %mul3A_48 = arith.muli %add3A_46, %mul3A_47 : i32
      %dma_start3A_49 = arith.constant 0 : i32
      %dma_start3A_50 = tpu.memref_slice %arg4[%mul3A_48, %dma_start3A_49] : memref<811008x32xi32, #tpu.memory_space<hbm>> -> memref<128x32xi32, #tpu.memory_space<hbm>>
      %dma_start3A_51 = arith.constant 0 : i32
      %dma_start3A_52 = tpu.memref_slice %arg4[%mul3A_48, %dma_start3A_51] : memref<811008x32xi32, #tpu.memory_space<hbm>> -> memref<128x32xi32, #tpu.memory_space<hbm>>
      tpu.enqueue_dma source(%arg6 : memref<128x32xi32, #tpu.memory_space<vmem>>) target(%dma_start3A_52 : memref<128x32xi32, #tpu.memory_space<hbm>>) target_semaphore(%arg12 : memref<!tpu.dma_semaphore, #tpu.memory_space<semaphore_mem>>)
      %ge3A = arith.constant 1 : i32
      %ge3A_53 = arith.cmpi sge, %add3A_40, %ge3A : i32
      %lt3A = arith.constant 196 : i32
      %lt3A_54 = arith.cmpi slt, %add3A_40, %lt3A : i32
      %and3A = arith.andi %ge3A_53, %lt3A_54 : i1
      %convert_element_type3A = arith.extui %and3A : i1 to i32
      %cond3A = arith.constant 0 : i32
      %cond3A_55 = arith.cmpi ne, %convert_element_type3A, %cond3A : i32
      scf.if %cond3A_55 {
        %mul3A_119 = arith.constant 128 : i32
        %mul3A_120 = arith.muli %mul3A_2, %mul3A_119 : i32
        %dma_wait3A_121 = arith.constant 0 : i32
        %dma_wait3A_122 = tpu.memref_slice %arg4[%mul3A_120, %dma_wait3A_121] : memref<811008x32xi32, #tpu.memory_space<hbm>> -> memref<128x32xi32, #tpu.memory_space<hbm>>
        %dma_wait3A_123 = arith.constant 0 : i32
        %dma_wait3A_124 = tpu.memref_slice %arg4[%mul3A_120, %dma_wait3A_123] : memref<811008x32xi32, #tpu.memory_space<hbm>> -> memref<128x32xi32, #tpu.memory_space<hbm>>
        tpu.wait_dma2 semaphore(%arg14 : memref<!tpu.dma_semaphore, #tpu.memory_space<semaphore_mem>>) src(%arg8 : memref<128x32xi32, #tpu.memory_space<vmem>>) dst(%dma_wait3A_124 : memref<128x32xi32, #tpu.memory_space<hbm>>)
      } else {
      }
      %lt3A_56 = arith.constant 196 : i32
      %lt3A_57 = arith.cmpi slt, %add3A_40, %lt3A_56 : i32
      %convert_element_type3A_58 = arith.extui %lt3A_57 : i1 to i32
      %cond3A_59 = arith.constant 0 : i32
      %cond3A_60 = arith.cmpi ne, %convert_element_type3A_58, %cond3A_59 : i32
      scf.if %cond3A_60 {
        %add3A_119 = arith.constant 2 : i32
        %add3A_120 = arith.addi %add3A_40, %add3A_119 : i32
        %mul3A_121 = arith.constant 128 : i32
        %mul3A_122 = arith.muli %add3A_120, %mul3A_121 : i32
        %dma_start3A_123 = tpu.memref_slice %arg5[%mul3A_122] : memref<25344xi32, #tpu.memory_space<vmem>> -> memref<128xi32, #tpu.memory_space<vmem>>
        %dma_start3A_124 = arith.constant 0 : i32
        %dma_start3A_125 = arith.constant 0 : i32
        %dma_start3A_126 = tpu.memref_slice %arg2[%dma_start3A_124, %dma_start3A_125] : memref<50000x32xi32, #tpu.memory_space<hbm>> -> memref<50000x32xi32, #tpu.memory_space<hbm>>
        tpu.enqueue_indirect_dma source(%dma_start3A_126 : memref<50000x32xi32, #tpu.memory_space<hbm>>) target(%arg8 : memref<128x32xi32, #tpu.memory_space<vmem>>) offsets(%dma_start3A_123 : memref<128xi32, #tpu.memory_space<vmem>>) semaphore(%arg11 : memref<!tpu.dma_semaphore, #tpu.memory_space<semaphore_mem>>)
      } else {
      }
      %mul3A_61 = arith.constant 3 : i32
      %mul3A_62 = arith.muli %mul3A_61, %scan3A_36 : i32
      %add3A_63 = arith.constant 1 : i32
      %add3A_64 = arith.addi %mul3A_62, %add3A_63 : i32
      %dma_wait3A_65 = arith.constant 0 : i32
      %dma_wait3A_66 = tpu.memref_slice %arg5[%dma_wait3A_65] : memref<25344xi32, #tpu.memory_space<vmem>> -> memref<128xi32, #tpu.memory_space<vmem>>
      %dma_wait3A_67 = arith.constant 0 : i32
      %dma_wait3A_68 = arith.constant 0 : i32
      %dma_wait3A_69 = tpu.memref_slice %arg2[%dma_wait3A_67, %dma_wait3A_68] : memref<50000x32xi32, #tpu.memory_space<hbm>> -> memref<50000x32xi32, #tpu.memory_space<hbm>>
      tpu.wait_indirect_dma semaphore(%arg10 : memref<!tpu.dma_semaphore, #tpu.memory_space<semaphore_mem>>) src(%dma_wait3A_69 : memref<50000x32xi32, #tpu.memory_space<hbm>>) dst(%arg7 : memref<128x32xi32, #tpu.memory_space<vmem>>)
      %add3A_70 = arith.addi %mul3A_2, %add3A_64 : i32
      %mul3A_71 = arith.constant 128 : i32
      %mul3A_72 = arith.muli %add3A_70, %mul3A_71 : i32
      %dma_start3A_73 = arith.constant 0 : i32
      %dma_start3A_74 = tpu.memref_slice %arg4[%mul3A_72, %dma_start3A_73] : memref<811008x32xi32, #tpu.memory_space<hbm>> -> memref<128x32xi32, #tpu.memory_space<hbm>>
      %dma_start3A_75 = arith.constant 0 : i32
      %dma_start3A_76 = tpu.memref_slice %arg4[%mul3A_72, %dma_start3A_75] : memref<811008x32xi32, #tpu.memory_space<hbm>> -> memref<128x32xi32, #tpu.memory_space<hbm>>
      tpu.enqueue_dma source(%arg7 : memref<128x32xi32, #tpu.memory_space<vmem>>) target(%dma_start3A_76 : memref<128x32xi32, #tpu.memory_space<hbm>>) target_semaphore(%arg13 : memref<!tpu.dma_semaphore, #tpu.memory_space<semaphore_mem>>)
      %ge3A_77 = arith.constant 1 : i32
      %ge3A_78 = arith.cmpi sge, %add3A_64, %ge3A_77 : i32
      %lt3A_79 = arith.constant 196 : i32
      %lt3A_80 = arith.cmpi slt, %add3A_64, %lt3A_79 : i32
      %and3A_81 = arith.andi %ge3A_78, %lt3A_80 : i1
      %convert_element_type3A_82 = arith.extui %and3A_81 : i1 to i32
      %cond3A_83 = arith.constant 0 : i32
      %cond3A_84 = arith.cmpi ne, %convert_element_type3A_82, %cond3A_83 : i32
      scf.if %cond3A_84 {
        %mul3A_119 = arith.constant 128 : i32
        %mul3A_120 = arith.muli %mul3A_2, %mul3A_119 : i32
        %dma_wait3A_121 = arith.constant 0 : i32
        %dma_wait3A_122 = tpu.memref_slice %arg4[%mul3A_120, %dma_wait3A_121] : memref<811008x32xi32, #tpu.memory_space<hbm>> -> memref<128x32xi32, #tpu.memory_space<hbm>>
        %dma_wait3A_123 = arith.constant 0 : i32
        %dma_wait3A_124 = tpu.memref_slice %arg4[%mul3A_120, %dma_wait3A_123] : memref<811008x32xi32, #tpu.memory_space<hbm>> -> memref<128x32xi32, #tpu.memory_space<hbm>>
        tpu.wait_dma2 semaphore(%arg12 : memref<!tpu.dma_semaphore, #tpu.memory_space<semaphore_mem>>) src(%arg6 : memref<128x32xi32, #tpu.memory_space<vmem>>) dst(%dma_wait3A_124 : memref<128x32xi32, #tpu.memory_space<hbm>>)
      } else {
      }
      %lt3A_85 = arith.constant 196 : i32
      %lt3A_86 = arith.cmpi slt, %add3A_64, %lt3A_85 : i32
      %convert_element_type3A_87 = arith.extui %lt3A_86 : i1 to i32
      %cond3A_88 = arith.constant 0 : i32
      %cond3A_89 = arith.cmpi ne, %convert_element_type3A_87, %cond3A_88 : i32
      scf.if %cond3A_89 {
        %add3A_119 = arith.constant 2 : i32
        %add3A_120 = arith.addi %add3A_64, %add3A_119 : i32
        %mul3A_121 = arith.constant 128 : i32
        %mul3A_122 = arith.muli %add3A_120, %mul3A_121 : i32
        %dma_start3A_123 = tpu.memref_slice %arg5[%mul3A_122] : memref<25344xi32, #tpu.memory_space<vmem>> -> memref<128xi32, #tpu.memory_space<vmem>>
        %dma_start3A_124 = arith.constant 0 : i32
        %dma_start3A_125 = arith.constant 0 : i32
        %dma_start3A_126 = tpu.memref_slice %arg2[%dma_start3A_124, %dma_start3A_125] : memref<50000x32xi32, #tpu.memory_space<hbm>> -> memref<50000x32xi32, #tpu.memory_space<hbm>>
        tpu.enqueue_indirect_dma source(%dma_start3A_126 : memref<50000x32xi32, #tpu.memory_space<hbm>>) target(%arg6 : memref<128x32xi32, #tpu.memory_space<vmem>>) offsets(%dma_start3A_123 : memref<128xi32, #tpu.memory_space<vmem>>) semaphore(%arg9 : memref<!tpu.dma_semaphore, #tpu.memory_space<semaphore_mem>>)
      } else {
      }
      %mul3A_90 = arith.constant 3 : i32
      %mul3A_91 = arith.muli %mul3A_90, %scan3A_36 : i32
      %add3A_92 = arith.constant 2 : i32
      %add3A_93 = arith.addi %mul3A_91, %add3A_92 : i32
      %dma_wait3A_94 = arith.constant 0 : i32
      %dma_wait3A_95 = tpu.memref_slice %arg5[%dma_wait3A_94] : memref<25344xi32, #tpu.memory_space<vmem>> -> memref<128xi32, #tpu.memory_space<vmem>>
      %dma_wait3A_96 = arith.constant 0 : i32
      %dma_wait3A_97 = arith.constant 0 : i32
      %dma_wait3A_98 = tpu.memref_slice %arg2[%dma_wait3A_96, %dma_wait3A_97] : memref<50000x32xi32, #tpu.memory_space<hbm>> -> memref<50000x32xi32, #tpu.memory_space<hbm>>
      tpu.wait_indirect_dma semaphore(%arg11 : memref<!tpu.dma_semaphore, #tpu.memory_space<semaphore_mem>>) src(%dma_wait3A_98 : memref<50000x32xi32, #tpu.memory_space<hbm>>) dst(%arg8 : memref<128x32xi32, #tpu.memory_space<vmem>>)
      %add3A_99 = arith.addi %mul3A_2, %add3A_93 : i32
      %mul3A_100 = arith.constant 128 : i32
      %mul3A_101 = arith.muli %add3A_99, %mul3A_100 : i32
      %dma_start3A_102 = arith.constant 0 : i32
      %dma_start3A_103 = tpu.memref_slice %arg4[%mul3A_101, %dma_start3A_102] : memref<811008x32xi32, #tpu.memory_space<hbm>> -> memref<128x32xi32, #tpu.memory_space<hbm>>
      %dma_start3A_104 = arith.constant 0 : i32
      %dma_start3A_105 = tpu.memref_slice %arg4[%mul3A_101, %dma_start3A_104] : memref<811008x32xi32, #tpu.memory_space<hbm>> -> memref<128x32xi32, #tpu.memory_space<hbm>>
      tpu.enqueue_dma source(%arg8 : memref<128x32xi32, #tpu.memory_space<vmem>>) target(%dma_start3A_105 : memref<128x32xi32, #tpu.memory_space<hbm>>) target_semaphore(%arg14 : memref<!tpu.dma_semaphore, #tpu.memory_space<semaphore_mem>>)
      %ge3A_106 = arith.constant 1 : i32
      %ge3A_107 = arith.cmpi sge, %add3A_93, %ge3A_106 : i32
      %lt3A_108 = arith.constant 196 : i32
      %lt3A_109 = arith.cmpi slt, %add3A_93, %lt3A_108 : i32
      %and3A_110 = arith.andi %ge3A_107, %lt3A_109 : i1
      %convert_element_type3A_111 = arith.extui %and3A_110 : i1 to i32
      %cond3A_112 = arith.constant 0 : i32
      %cond3A_113 = arith.cmpi ne, %convert_element_type3A_111, %cond3A_112 : i32
      scf.if %cond3A_113 {
        %mul3A_119 = arith.constant 128 : i32
        %mul3A_120 = arith.muli %mul3A_2, %mul3A_119 : i32
        %dma_wait3A_121 = arith.constant 0 : i32
        %dma_wait3A_122 = tpu.memref_slice %arg4[%mul3A_120, %dma_wait3A_121] : memref<811008x32xi32, #tpu.memory_space<hbm>> -> memref<128x32xi32, #tpu.memory_space<hbm>>
        %dma_wait3A_123 = arith.constant 0 : i32
        %dma_wait3A_124 = tpu.memref_slice %arg4[%mul3A_120, %dma_wait3A_123] : memref<811008x32xi32, #tpu.memory_space<hbm>> -> memref<128x32xi32, #tpu.memory_space<hbm>>
        tpu.wait_dma2 semaphore(%arg13 : memref<!tpu.dma_semaphore, #tpu.memory_space<semaphore_mem>>) src(%arg7 : memref<128x32xi32, #tpu.memory_space<vmem>>) dst(%dma_wait3A_124 : memref<128x32xi32, #tpu.memory_space<hbm>>)
      } else {
      }
      %lt3A_114 = arith.constant 196 : i32
      %lt3A_115 = arith.cmpi slt, %add3A_93, %lt3A_114 : i32
      %convert_element_type3A_116 = arith.extui %lt3A_115 : i1 to i32
      %cond3A_117 = arith.constant 0 : i32
      %cond3A_118 = arith.cmpi ne, %convert_element_type3A_116, %cond3A_117 : i32
      scf.if %cond3A_118 {
        %add3A_119 = arith.constant 2 : i32
        %add3A_120 = arith.addi %add3A_93, %add3A_119 : i32
        %mul3A_121 = arith.constant 128 : i32
        %mul3A_122 = arith.muli %add3A_120, %mul3A_121 : i32
        %dma_start3A_123 = tpu.memref_slice %arg5[%mul3A_122] : memref<25344xi32, #tpu.memory_space<vmem>> -> memref<128xi32, #tpu.memory_space<vmem>>
        %dma_start3A_124 = arith.constant 0 : i32
        %dma_start3A_125 = arith.constant 0 : i32
        %dma_start3A_126 = tpu.memref_slice %arg2[%dma_start3A_124, %dma_start3A_125] : memref<50000x32xi32, #tpu.memory_space<hbm>> -> memref<50000x32xi32, #tpu.memory_space<hbm>>
        tpu.enqueue_indirect_dma source(%dma_start3A_126 : memref<50000x32xi32, #tpu.memory_space<hbm>>) target(%arg7 : memref<128x32xi32, #tpu.memory_space<vmem>>) offsets(%dma_start3A_123 : memref<128xi32, #tpu.memory_space<vmem>>) semaphore(%arg10 : memref<!tpu.dma_semaphore, #tpu.memory_space<semaphore_mem>>)
      } else {
      }
    }
    %scan3A_18 = arith.constant 66 : i32
    %mul3A_19 = arith.constant 128 : i32
    %mul3A_20 = arith.muli %mul3A_2, %mul3A_19 : i32
    %dma_wait3A = arith.constant 0 : i32
    %dma_wait3A_21 = tpu.memref_slice %arg4[%mul3A_20, %dma_wait3A] : memref<811008x32xi32, #tpu.memory_space<hbm>> -> memref<128x32xi32, #tpu.memory_space<hbm>>
    %dma_wait3A_22 = arith.constant 0 : i32
    %dma_wait3A_23 = tpu.memref_slice %arg4[%mul3A_20, %dma_wait3A_22] : memref<811008x32xi32, #tpu.memory_space<hbm>> -> memref<128x32xi32, #tpu.memory_space<hbm>>
    tpu.wait_dma2 semaphore(%arg12 : memref<!tpu.dma_semaphore, #tpu.memory_space<semaphore_mem>>) src(%arg6 : memref<128x32xi32, #tpu.memory_space<vmem>>) dst(%dma_wait3A_23 : memref<128x32xi32, #tpu.memory_space<hbm>>)
    %mul3A_24 = arith.constant 128 : i32
    %mul3A_25 = arith.muli %mul3A_2, %mul3A_24 : i32
    %dma_wait3A_26 = arith.constant 0 : i32
    %dma_wait3A_27 = tpu.memref_slice %arg4[%mul3A_25, %dma_wait3A_26] : memref<811008x32xi32, #tpu.memory_space<hbm>> -> memref<128x32xi32, #tpu.memory_space<hbm>>
    %dma_wait3A_28 = arith.constant 0 : i32
    %dma_wait3A_29 = tpu.memref_slice %arg4[%mul3A_25, %dma_wait3A_28] : memref<811008x32xi32, #tpu.memory_space<hbm>> -> memref<128x32xi32, #tpu.memory_space<hbm>>
    tpu.wait_dma2 semaphore(%arg13 : memref<!tpu.dma_semaphore, #tpu.memory_space<semaphore_mem>>) src(%arg7 : memref<128x32xi32, #tpu.memory_space<vmem>>) dst(%dma_wait3A_29 : memref<128x32xi32, #tpu.memory_space<hbm>>)
    %mul3A_30 = arith.constant 128 : i32
    %mul3A_31 = arith.muli %mul3A_2, %mul3A_30 : i32
    %dma_wait3A_32 = arith.constant 0 : i32
    %dma_wait3A_33 = tpu.memref_slice %arg4[%mul3A_31, %dma_wait3A_32] : memref<811008x32xi32, #tpu.memory_space<hbm>> -> memref<128x32xi32, #tpu.memory_space<hbm>>
    %dma_wait3A_34 = arith.constant 0 : i32
    %dma_wait3A_35 = tpu.memref_slice %arg4[%mul3A_31, %dma_wait3A_34] : memref<811008x32xi32, #tpu.memory_space<hbm>> -> memref<128x32xi32, #tpu.memory_space<hbm>>
    tpu.wait_dma2 semaphore(%arg14 : memref<!tpu.dma_semaphore, #tpu.memory_space<semaphore_mem>>) src(%arg8 : memref<128x32xi32, #tpu.memory_space<vmem>>) dst(%dma_wait3A_35 : memref<128x32xi32, #tpu.memory_space<hbm>>)
    return
  }
}

#map = affine_map<(d0, d1) -> (0, 0)>
#map1 = affine_map<(d0, d1) -> (0)>
module attributes {stable_mosaic.version = 14 : i64} {
  func.func @k(%arg0: i32, %arg1: i32, %arg2: memref<50000x32xi32, #tpu.memory_space<hbm>>, %arg3: memref<811008xi32, #tpu.memory_space<hbm>>, %arg4: memref<811008x32xi32, #tpu.memory_space<hbm>>, %arg5: memref<25344xi32, #tpu.memory_space<vmem>>, %arg6: memref<128x32xi32, #tpu.memory_space<vmem>>, %arg7: memref<128x32xi32, #tpu.memory_space<vmem>>, %arg8: memref<128x32xi32, #tpu.memory_space<vmem>>, %arg9: memref<!tpu.dma_semaphore, #tpu.memory_space<semaphore_mem>>, %arg10: memref<!tpu.dma_semaphore, #tpu.memory_space<semaphore_mem>>, %arg11: memref<!tpu.dma_semaphore, #tpu.memory_space<semaphore_mem>>, %arg12: memref<!tpu.dma_semaphore, #tpu.memory_space<semaphore_mem>>, %arg13: memref<!tpu.dma_semaphore, #tpu.memory_space<semaphore_mem>>, %arg14: memref<!tpu.dma_semaphore, #tpu.memory_space<semaphore_mem>>) attributes {dimension_semantics = [#tpu.dimension_semantics<core_parallel>, #tpu.dimension_semantics<subcore_parallel>], iteration_bounds = array<i64: 2, 16>, scalar_prefetch = 0 : i64, scratch_operands = 10 : i64, tpu.core_type = #tpu.core_type<sc_vector_subcore>, window_params = [{transform_indices = #map}, {transform_indices = #map1}, {transform_indices = #map}]} {
    %mul3A = arith.constant 2 : i32
    %mul3A_0 = arith.muli %arg1, %mul3A : i32
    %add3A = arith.addi %mul3A_0, %arg0 : i32
    %mul3A_1 = arith.constant 198 : i32
    %mul3A_2 = arith.muli %add3A, %mul3A_1 : i32
    %mul3A_3 = arith.constant 128 : i32
    %mul3A_4 = arith.muli %mul3A_2, %mul3A_3 : i32
    "tpu.region"() ({
      %run_scoped3A = tpu.sem_alloc : memref<!tpu.dma_semaphore, #tpu.memory_space<semaphore_mem>>
      %dma_start3A_36 = tpu.memref_slice %arg3[%mul3A_4] : memref<811008xi32, #tpu.memory_space<hbm>> -> memref<25344xi32, #tpu.memory_space<hbm>>
      %dma_start3A_37 = tpu.memref_slice %arg3[%mul3A_4] : memref<811008xi32, #tpu.memory_space<hbm>> -> memref<25344xi32, #tpu.memory_space<hbm>>
      tpu.enqueue_dma source(%dma_start3A_37 : memref<25344xi32, #tpu.memory_space<hbm>>) target(%arg5 : memref<25344xi32, #tpu.memory_space<vmem>>) target_semaphore(%run_scoped3A : memref<!tpu.dma_semaphore, #tpu.memory_space<semaphore_mem>>)
      %dma_wait3A_38 = tpu.memref_slice %arg3[%mul3A_4] : memref<811008xi32, #tpu.memory_space<hbm>> -> memref<25344xi32, #tpu.memory_space<hbm>>
      %dma_wait3A_39 = tpu.memref_slice %arg3[%mul3A_4] : memref<811008xi32, #tpu.memory_space<hbm>> -> memref<25344xi32, #tpu.memory_space<hbm>>
      tpu.wait_dma2 semaphore(%run_scoped3A : memref<!tpu.dma_semaphore, #tpu.memory_space<semaphore_mem>>) src(%dma_wait3A_39 : memref<25344xi32, #tpu.memory_space<hbm>>) dst(%arg5 : memref<25344xi32, #tpu.memory_space<vmem>>)
      tpu.yield
    }) : () -> ()
    %dma_start3A = arith.constant 0 : i32
    %dma_start3A_5 = tpu.memref_slice %arg5[%dma_start3A] : memref<25344xi32, #tpu.memory_space<vmem>> -> memref<128xi32, #tpu.memory_space<vmem>>
    %dma_start3A_6 = arith.constant 0 : i32
    %dma_start3A_7 = arith.constant 0 : i32
    %dma_start3A_8 = tpu.memref_slice %arg2[%dma_start3A_6, %dma_start3A_7] : memref<50000x32xi32, #tpu.memory_space<hbm>> -> memref<50000x32xi32, #tpu.memory_space<hbm>>
    tpu.enqueue_indirect_dma source(%dma_start3A_8 : memref<50000x32xi32, #tpu.memory_space<hbm>>) target(%arg6 : memref<128x32xi32, #tpu.memory_space<vmem>>) offsets(%dma_start3A_5 : memref<128xi32, #tpu.memory_space<vmem>>) semaphore(%arg9 : memref<!tpu.dma_semaphore, #tpu.memory_space<semaphore_mem>>)
    %dma_start3A_9 = arith.constant 128 : i32
    %dma_start3A_10 = tpu.memref_slice %arg5[%dma_start3A_9] : memref<25344xi32, #tpu.memory_space<vmem>> -> memref<128xi32, #tpu.memory_space<vmem>>
    %dma_start3A_11 = arith.constant 0 : i32
    %dma_start3A_12 = arith.constant 0 : i32
    %dma_start3A_13 = tpu.memref_slice %arg2[%dma_start3A_11, %dma_start3A_12] : memref<50000x32xi32, #tpu.memory_space<hbm>> -> memref<50000x32xi32, #tpu.memory_space<hbm>>
    tpu.enqueue_indirect_dma source(%dma_start3A_13 : memref<50000x32xi32, #tpu.memory_space<hbm>>) target(%arg7 : memref<128x32xi32, #tpu.memory_space<vmem>>) offsets(%dma_start3A_10 : memref<128xi32, #tpu.memory_space<vmem>>) semaphore(%arg10 : memref<!tpu.dma_semaphore, #tpu.memory_space<semaphore_mem>>)
    %scan3A = arith.constant 0 : i32
    %scan3A_14 = arith.constant 0 : i32
    %scan3A_15 = arith.constant 66 : i32
    %scan3A_16 = arith.addi %scan3A_14, %scan3A_15 : i32
    %scan3A_17 = arith.constant 1 : i32
    scf.for %scan3A_36 = %scan3A_14 to %scan3A_16 step %scan3A_17  : i32 {
      %mul3A_37 = arith.constant 3 : i32
      %mul3A_38 = arith.muli %mul3A_37, %scan3A_36 : i32
      %add3A_39 = arith.constant 0 : i32
      %add3A_40 = arith.addi %mul3A_38, %add3A_39 : i32
      %dma_wait3A_41 = arith.constant 0 : i32
      %dma_wait3A_42 = tpu.memref_slice %arg5[%dma_wait3A_41] : memref<25344xi32, #tpu.memory_space<vmem>> -> memref<128xi32, #tpu.memory_space<vmem>>
      %dma_wait3A_43 = arith.constant 0 : i32
      %dma_wait3A_44 = arith.constant 0 : i32
      %dma_wait3A_45 = tpu.memref_slice %arg2[%dma_wait3A_43, %dma_wait3A_44] : memref<50000x32xi32, #tpu.memory_space<hbm>> -> memref<50000x32xi32, #tpu.memory_space<hbm>>
      tpu.wait_indirect_dma semaphore(%arg9 : memref<!tpu.dma_semaphore, #tpu.memory_space<semaphore_mem>>) src(%dma_wait3A_45 : memref<50000x32xi32, #tpu.memory_space<hbm>>) dst(%arg6 : memref<128x32xi32, #tpu.memory_space<vmem>>)
      %add3A_46 = arith.addi %mul3A_2, %add3A_40 : i32
      %mul3A_47 = arith.constant 128 : i32
      %mul3A_48 = arith.muli %add3A_46, %mul3A_47 : i32
      %dma_start3A_49 = arith.constant 0 : i32
      %dma_start3A_50 = tpu.memref_slice %arg4[%mul3A_48, %dma_start3A_49] : memref<811008x32xi32, #tpu.memory_space<hbm>> -> memref<128x32xi32, #tpu.memory_space<hbm>>
      %dma_start3A_51 = arith.constant 0 : i32
      %dma_start3A_52 = tpu.memref_slice %arg4[%mul3A_48, %dma_start3A_51] : memref<811008x32xi32, #tpu.memory_space<hbm>> -> memref<128x32xi32, #tpu.memory_space<hbm>>
      tpu.enqueue_dma source(%arg6 : memref<128x32xi32, #tpu.memory_space<vmem>>) target(%dma_start3A_52 : memref<128x32xi32, #tpu.memory_space<hbm>>) target_semaphore(%arg12 : memref<!tpu.dma_semaphore, #tpu.memory_space<semaphore_mem>>)
      %ge3A = arith.constant 1 : i32
      %ge3A_53 = arith.cmpi sge, %add3A_40, %ge3A : i32
      %lt3A = arith.constant 196 : i32
      %lt3A_54 = arith.cmpi slt, %add3A_40, %lt3A : i32
      %and3A = arith.andi %ge3A_53, %lt3A_54 : i1
      %convert_element_type3A = arith.extui %and3A : i1 to i32
      %cond3A = arith.constant 0 : i32
      %cond3A_55 = arith.cmpi ne, %convert_element_type3A, %cond3A : i32
      scf.if %cond3A_55 {
        %mul3A_119 = arith.constant 128 : i32
        %mul3A_120 = arith.muli %mul3A_2, %mul3A_119 : i32
        %dma_wait3A_121 = arith.constant 0 : i32
        %dma_wait3A_122 = tpu.memref_slice %arg4[%mul3A_120, %dma_wait3A_121] : memref<811008x32xi32, #tpu.memory_space<hbm>> -> memref<128x32xi32, #tpu.memory_space<hbm>>
        %dma_wait3A_123 = arith.constant 0 : i32
        %dma_wait3A_124 = tpu.memref_slice %arg4[%mul3A_120, %dma_wait3A_123] : memref<811008x32xi32, #tpu.memory_space<hbm>> -> memref<128x32xi32, #tpu.memory_space<hbm>>
        tpu.wait_dma2 semaphore(%arg14 : memref<!tpu.dma_semaphore, #tpu.memory_space<semaphore_mem>>) src(%arg8 : memref<128x32xi32, #tpu.memory_space<vmem>>) dst(%dma_wait3A_124 : memref<128x32xi32, #tpu.memory_space<hbm>>)
      } else {
      }
      %lt3A_56 = arith.constant 196 : i32
      %lt3A_57 = arith.cmpi slt, %add3A_40, %lt3A_56 : i32
      %convert_element_type3A_58 = arith.extui %lt3A_57 : i1 to i32
      %cond3A_59 = arith.constant 0 : i32
      %cond3A_60 = arith.cmpi ne, %convert_element_type3A_58, %cond3A_59 : i32
      scf.if %cond3A_60 {
        %add3A_119 = arith.constant 2 : i32
        %add3A_120 = arith.addi %add3A_40, %add3A_119 : i32
        %mul3A_121 = arith.constant 128 : i32
        %mul3A_122 = arith.muli %add3A_120, %mul3A_121 : i32
        %dma_start3A_123 = tpu.memref_slice %arg5[%mul3A_122] : memref<25344xi32, #tpu.memory_space<vmem>> -> memref<128xi32, #tpu.memory_space<vmem>>
        %dma_start3A_124 = arith.constant 0 : i32
        %dma_start3A_125 = arith.constant 0 : i32
        %dma_start3A_126 = tpu.memref_slice %arg2[%dma_start3A_124, %dma_start3A_125] : memref<50000x32xi32, #tpu.memory_space<hbm>> -> memref<50000x32xi32, #tpu.memory_space<hbm>>
        tpu.enqueue_indirect_dma source(%dma_start3A_126 : memref<50000x32xi32, #tpu.memory_space<hbm>>) target(%arg8 : memref<128x32xi32, #tpu.memory_space<vmem>>) offsets(%dma_start3A_123 : memref<128xi32, #tpu.memory_space<vmem>>) semaphore(%arg11 : memref<!tpu.dma_semaphore, #tpu.memory_space<semaphore_mem>>)
      } else {
      }
      %mul3A_61 = arith.constant 3 : i32
      %mul3A_62 = arith.muli %mul3A_61, %scan3A_36 : i32
      %add3A_63 = arith.constant 1 : i32
      %add3A_64 = arith.addi %mul3A_62, %add3A_63 : i32
      %dma_wait3A_65 = arith.constant 0 : i32
      %dma_wait3A_66 = tpu.memref_slice %arg5[%dma_wait3A_65] : memref<25344xi32, #tpu.memory_space<vmem>> -> memref<128xi32, #tpu.memory_space<vmem>>
      %dma_wait3A_67 = arith.constant 0 : i32
      %dma_wait3A_68 = arith.constant 0 : i32
      %dma_wait3A_69 = tpu.memref_slice %arg2[%dma_wait3A_67, %dma_wait3A_68] : memref<50000x32xi32, #tpu.memory_space<hbm>> -> memref<50000x32xi32, #tpu.memory_space<hbm>>
      tpu.wait_indirect_dma semaphore(%arg10 : memref<!tpu.dma_semaphore, #tpu.memory_space<semaphore_mem>>) src(%dma_wait3A_69 : memref<50000x32xi32, #tpu.memory_space<hbm>>) dst(%arg7 : memref<128x32xi32, #tpu.memory_space<vmem>>)
      %add3A_70 = arith.addi %mul3A_2, %add3A_64 : i32
      %mul3A_71 = arith.constant 128 : i32
      %mul3A_72 = arith.muli %add3A_70, %mul3A_71 : i32
      %dma_start3A_73 = arith.constant 0 : i32
      %dma_start3A_74 = tpu.memref_slice %arg4[%mul3A_72, %dma_start3A_73] : memref<811008x32xi32, #tpu.memory_space<hbm>> -> memref<128x32xi32, #tpu.memory_space<hbm>>
      %dma_start3A_75 = arith.constant 0 : i32
      %dma_start3A_76 = tpu.memref_slice %arg4[%mul3A_72, %dma_start3A_75] : memref<811008x32xi32, #tpu.memory_space<hbm>> -> memref<128x32xi32, #tpu.memory_space<hbm>>
      tpu.enqueue_dma source(%arg7 : memref<128x32xi32, #tpu.memory_space<vmem>>) target(%dma_start3A_76 : memref<128x32xi32, #tpu.memory_space<hbm>>) target_semaphore(%arg13 : memref<!tpu.dma_semaphore, #tpu.memory_space<semaphore_mem>>)
      %ge3A_77 = arith.constant 1 : i32
      %ge3A_78 = arith.cmpi sge, %add3A_64, %ge3A_77 : i32
      %lt3A_79 = arith.constant 196 : i32
      %lt3A_80 = arith.cmpi slt, %add3A_64, %lt3A_79 : i32
      %and3A_81 = arith.andi %ge3A_78, %lt3A_80 : i1
      %convert_element_type3A_82 = arith.extui %and3A_81 : i1 to i32
      %cond3A_83 = arith.constant 0 : i32
      %cond3A_84 = arith.cmpi ne, %convert_element_type3A_82, %cond3A_83 : i32
      scf.if %cond3A_84 {
        %mul3A_119 = arith.constant 128 : i32
        %mul3A_120 = arith.muli %mul3A_2, %mul3A_119 : i32
        %dma_wait3A_121 = arith.constant 0 : i32
        %dma_wait3A_122 = tpu.memref_slice %arg4[%mul3A_120, %dma_wait3A_121] : memref<811008x32xi32, #tpu.memory_space<hbm>> -> memref<128x32xi32, #tpu.memory_space<hbm>>
        %dma_wait3A_123 = arith.constant 0 : i32
        %dma_wait3A_124 = tpu.memref_slice %arg4[%mul3A_120, %dma_wait3A_123] : memref<811008x32xi32, #tpu.memory_space<hbm>> -> memref<128x32xi32, #tpu.memory_space<hbm>>
        tpu.wait_dma2 semaphore(%arg12 : memref<!tpu.dma_semaphore, #tpu.memory_space<semaphore_mem>>) src(%arg6 : memref<128x32xi32, #tpu.memory_space<vmem>>) dst(%dma_wait3A_124 : memref<128x32xi32, #tpu.memory_space<hbm>>)
      } else {
      }
      %lt3A_85 = arith.constant 196 : i32
      %lt3A_86 = arith.cmpi slt, %add3A_64, %lt3A_85 : i32
      %convert_element_type3A_87 = arith.extui %lt3A_86 : i1 to i32
      %cond3A_88 = arith.constant 0 : i32
      %cond3A_89 = arith.cmpi ne, %convert_element_type3A_87, %cond3A_88 : i32
      scf.if %cond3A_89 {
        %add3A_119 = arith.constant 2 : i32
        %add3A_120 = arith.addi %add3A_64, %add3A_119 : i32
        %mul3A_121 = arith.constant 128 : i32
        %mul3A_122 = arith.muli %add3A_120, %mul3A_121 : i32
        %dma_start3A_123 = tpu.memref_slice %arg5[%mul3A_122] : memref<25344xi32, #tpu.memory_space<vmem>> -> memref<128xi32, #tpu.memory_space<vmem>>
        %dma_start3A_124 = arith.constant 0 : i32
        %dma_start3A_125 = arith.constant 0 : i32
        %dma_start3A_126 = tpu.memref_slice %arg2[%dma_start3A_124, %dma_start3A_125] : memref<50000x32xi32, #tpu.memory_space<hbm>> -> memref<50000x32xi32, #tpu.memory_space<hbm>>
        tpu.enqueue_indirect_dma source(%dma_start3A_126 : memref<50000x32xi32, #tpu.memory_space<hbm>>) target(%arg6 : memref<128x32xi32, #tpu.memory_space<vmem>>) offsets(%dma_start3A_123 : memref<128xi32, #tpu.memory_space<vmem>>) semaphore(%arg9 : memref<!tpu.dma_semaphore, #tpu.memory_space<semaphore_mem>>)
      } else {
      }
      %mul3A_90 = arith.constant 3 : i32
      %mul3A_91 = arith.muli %mul3A_90, %scan3A_36 : i32
      %add3A_92 = arith.constant 2 : i32
      %add3A_93 = arith.addi %mul3A_91, %add3A_92 : i32
      %dma_wait3A_94 = arith.constant 0 : i32
      %dma_wait3A_95 = tpu.memref_slice %arg5[%dma_wait3A_94] : memref<25344xi32, #tpu.memory_space<vmem>> -> memref<128xi32, #tpu.memory_space<vmem>>
      %dma_wait3A_96 = arith.constant 0 : i32
      %dma_wait3A_97 = arith.constant 0 : i32
      %dma_wait3A_98 = tpu.memref_slice %arg2[%dma_wait3A_96, %dma_wait3A_97] : memref<50000x32xi32, #tpu.memory_space<hbm>> -> memref<50000x32xi32, #tpu.memory_space<hbm>>
      tpu.wait_indirect_dma semaphore(%arg11 : memref<!tpu.dma_semaphore, #tpu.memory_space<semaphore_mem>>) src(%dma_wait3A_98 : memref<50000x32xi32, #tpu.memory_space<hbm>>) dst(%arg8 : memref<128x32xi32, #tpu.memory_space<vmem>>)
      %add3A_99 = arith.addi %mul3A_2, %add3A_93 : i32
      %mul3A_100 = arith.constant 128 : i32
      %mul3A_101 = arith.muli %add3A_99, %mul3A_100 : i32
      %dma_start3A_102 = arith.constant 0 : i32
      %dma_start3A_103 = tpu.memref_slice %arg4[%mul3A_101, %dma_start3A_102] : memref<811008x32xi32, #tpu.memory_space<hbm>> -> memref<128x32xi32, #tpu.memory_space<hbm>>
      %dma_start3A_104 = arith.constant 0 : i32
      %dma_start3A_105 = tpu.memref_slice %arg4[%mul3A_101, %dma_start3A_104] : memref<811008x32xi32, #tpu.memory_space<hbm>> -> memref<128x32xi32, #tpu.memory_space<hbm>>
      tpu.enqueue_dma source(%arg8 : memref<128x32xi32, #tpu.memory_space<vmem>>) target(%dma_start3A_105 : memref<128x32xi32, #tpu.memory_space<hbm>>) target_semaphore(%arg14 : memref<!tpu.dma_semaphore, #tpu.memory_space<semaphore_mem>>)
      %ge3A_106 = arith.constant 1 : i32
      %ge3A_107 = arith.cmpi sge, %add3A_93, %ge3A_106 : i32
      %lt3A_108 = arith.constant 196 : i32
      %lt3A_109 = arith.cmpi slt, %add3A_93, %lt3A_108 : i32
      %and3A_110 = arith.andi %ge3A_107, %lt3A_109 : i1
      %convert_element_type3A_111 = arith.extui %and3A_110 : i1 to i32
      %cond3A_112 = arith.constant 0 : i32
      %cond3A_113 = arith.cmpi ne, %convert_element_type3A_111, %cond3A_112 : i32
      scf.if %cond3A_113 {
        %mul3A_119 = arith.constant 128 : i32
        %mul3A_120 = arith.muli %mul3A_2, %mul3A_119 : i32
        %dma_wait3A_121 = arith.constant 0 : i32
        %dma_wait3A_122 = tpu.memref_slice %arg4[%mul3A_120, %dma_wait3A_121] : memref<811008x32xi32, #tpu.memory_space<hbm>> -> memref<128x32xi32, #tpu.memory_space<hbm>>
        %dma_wait3A_123 = arith.constant 0 : i32
        %dma_wait3A_124 = tpu.memref_slice %arg4[%mul3A_120, %dma_wait3A_123] : memref<811008x32xi32, #tpu.memory_space<hbm>> -> memref<128x32xi32, #tpu.memory_space<hbm>>
        tpu.wait_dma2 semaphore(%arg13 : memref<!tpu.dma_semaphore, #tpu.memory_space<semaphore_mem>>) src(%arg7 : memref<128x32xi32, #tpu.memory_space<vmem>>) dst(%dma_wait3A_124 : memref<128x32xi32, #tpu.memory_space<hbm>>)
      } else {
      }
      %lt3A_114 = arith.constant 196 : i32
      %lt3A_115 = arith.cmpi slt, %add3A_93, %lt3A_114 : i32
      %convert_element_type3A_116 = arith.extui %lt3A_115 : i1 to i32
      %cond3A_117 = arith.constant 0 : i32
      %cond3A_118 = arith.cmpi ne, %convert_element_type3A_116, %cond3A_117 : i32
      scf.if %cond3A_118 {
        %add3A_119 = arith.constant 2 : i32
        %add3A_120 = arith.addi %add3A_93, %add3A_119 : i32
        %mul3A_121 = arith.constant 128 : i32
        %mul3A_122 = arith.muli %add3A_120, %mul3A_121 : i32
        %dma_start3A_123 = tpu.memref_slice %arg5[%mul3A_122] : memref<25344xi32, #tpu.memory_space<vmem>> -> memref<128xi32, #tpu.memory_space<vmem>>
        %dma_start3A_124 = arith.constant 0 : i32
        %dma_start3A_125 = arith.constant 0 : i32
        %dma_start3A_126 = tpu.memref_slice %arg2[%dma_start3A_124, %dma_start3A_125] : memref<50000x32xi32, #tpu.memory_space<hbm>> -> memref<50000x32xi32, #tpu.memory_space<hbm>>
        tpu.enqueue_indirect_dma source(%dma_start3A_126 : memref<50000x32xi32, #tpu.memory_space<hbm>>) target(%arg7 : memref<128x32xi32, #tpu.memory_space<vmem>>) offsets(%dma_start3A_123 : memref<128xi32, #tpu.memory_space<vmem>>) semaphore(%arg10 : memref<!tpu.dma_semaphore, #tpu.memory_space<semaphore_mem>>)
      } else {
      }
    }
    %scan3A_18 = arith.constant 66 : i32
    %mul3A_19 = arith.constant 128 : i32
    %mul3A_20 = arith.muli %mul3A_2, %mul3A_19 : i32
    %dma_wait3A = arith.constant 0 : i32
    %dma_wait3A_21 = tpu.memref_slice %arg4[%mul3A_20, %dma_wait3A] : memref<811008x32xi32, #tpu.memory_space<hbm>> -> memref<128x32xi32, #tpu.memory_space<hbm>>
    %dma_wait3A_22 = arith.constant 0 : i32
    %dma_wait3A_23 = tpu.memref_slice %arg4[%mul3A_20, %dma_wait3A_22] : memref<811008x32xi32, #tpu.memory_space<hbm>> -> memref<128x32xi32, #tpu.memory_space<hbm>>
    tpu.wait_dma2 semaphore(%arg12 : memref<!tpu.dma_semaphore, #tpu.memory_space<semaphore_mem>>) src(%arg6 : memref<128x32xi32, #tpu.memory_space<vmem>>) dst(%dma_wait3A_23 : memref<128x32xi32, #tpu.memory_space<hbm>>)
    %mul3A_24 = arith.constant 128 : i32
    %mul3A_25 = arith.muli %mul3A_2, %mul3A_24 : i32
    %dma_wait3A_26 = arith.constant 0 : i32
    %dma_wait3A_27 = tpu.memref_slice %arg4[%mul3A_25, %dma_wait3A_26] : memref<811008x32xi32, #tpu.memory_space<hbm>> -> memref<128x32xi32, #tpu.memory_space<hbm>>
    %dma_wait3A_28 = arith.constant 0 : i32
    %dma_wait3A_29 = tpu.memref_slice %arg4[%mul3A_25, %dma_wait3A_28] : memref<811008x32xi32, #tpu.memory_space<hbm>> -> memref<128x32xi32, #tpu.memory_space<hbm>>
    tpu.wait_dma2 semaphore(%arg13 : memref<!tpu.dma_semaphore, #tpu.memory_space<semaphore_mem>>) src(%arg7 : memref<128x32xi32, #tpu.memory_space<vmem>>) dst(%dma_wait3A_29 : memref<128x32xi32, #tpu.memory_space<hbm>>)
    %mul3A_30 = arith.constant 128 : i32
    %mul3A_31 = arith.muli %mul3A_2, %mul3A_30 : i32
    %dma_wait3A_32 = arith.constant 0 : i32
    %dma_wait3A_33 = tpu.memref_slice %arg4[%mul3A_31, %dma_wait3A_32] : memref<811008x32xi32, #tpu.memory_space<hbm>> -> memref<128x32xi32, #tpu.memory_space<hbm>>
    %dma_wait3A_34 = arith.constant 0 : i32
    %dma_wait3A_35 = tpu.memref_slice %arg4[%mul3A_31, %dma_wait3A_34] : memref<811008x32xi32, #tpu.memory_space<hbm>> -> memref<128x32xi32, #tpu.memory_space<hbm>>
    tpu.wait_dma2 semaphore(%arg14 : memref<!tpu.dma_semaphore, #tpu.memory_space<semaphore_mem>>) src(%arg8 : memref<128x32xi32, #tpu.memory_space<vmem>>) dst(%dma_wait3A_35 : memref<128x32xi32, #tpu.memory_space<hbm>>)
    return
  }
}

module attributes {stable_mosaic.version = 14 : i64} {
  func.func @_pca_body(%arg0: i32, %arg1: memref<2000x128xf32, #tpu.memory_space<vmem>>, %arg2: memref<128x64xf32, #tpu.memory_space<vmem>>, %arg3: memref<1x64xf32, #tpu.memory_space<vmem>>, %arg4: memref<2000x64xf32, #tpu.memory_space<vmem>>, %arg5: memref<2000x32xi32, #tpu.memory_space<vmem>>) attributes {dimension_semantics = [#tpu.dimension_semantics<arbitrary>], iteration_bounds = array<i64: 25>, scalar_prefetch = 0 : i64, scratch_operands = 0 : i64, tpu.core_type = #tpu.core_type<tc>, window_params = [{transform_indices = @transform_0, window_bounds = array<i64: 2000, 128>}, {pipeline_mode = #tpu.pipeline_mode<synchronous>, transform_indices = @transform_1, window_bounds = array<i64: 128, 64>}, {pipeline_mode = #tpu.pipeline_mode<synchronous>, transform_indices = @transform_2, window_bounds = array<i64: 1, 64>}, {transform_indices = @transform_3, window_bounds = array<i64: 2000, 64>}, {transform_indices = @transform_4, window_bounds = array<i64: 2000, 32>}]} {
    %get3A = arith.constant 0 : index
    %get3A_0 = arith.constant 0 : index
    %get3A_1 = vector.load %arg1[%get3A, %get3A_0] : memref<2000x128xf32, #tpu.memory_space<vmem>>, vector<2000x128xf32>
    %get3A_2 = arith.constant 0 : index
    %get3A_3 = arith.constant 0 : index
    %get3A_4 = vector.load %arg2[%get3A_2, %get3A_3] : memref<128x64xf32, #tpu.memory_space<vmem>>, vector<128x64xf32>
    %dot_general3A = arith.constant dense<0.000000e+00> : vector<2000x64xf32>
    %dot_general3A_5 = tpu.matmul %get3A_1, %get3A_4, %dot_general3A {dimension_numbers = #tpu.dot_dimension_numbers<[1], [0], [0], [1], [0, 0, 1, 1], [], []>, transpose_lhs_hint = false} : vector<2000x128xf32>, vector<128x64xf32>, vector<2000x64xf32> -> vector<2000x64xf32>
    %get3A_6 = arith.constant 0 : index
    %get3A_7 = arith.constant 0 : index
    %get3A_8 = vector.load %arg3[%get3A_6, %get3A_7] : memref<1x64xf32, #tpu.memory_space<vmem>>, vector<1x64xf32>
    %add3A = vector.broadcast %get3A_8 : vector<1x64xf32> to vector<2000x64xf32>
    %add3A_9 = arith.addf %dot_general3A_5, %add3A : vector<2000x64xf32>
    %max3A = arith.constant 0.000000e+00 : f32
    %max3A_10 = vector.broadcast %max3A : f32 to vector<2000x64xf32>
    %max3A_11 = arith.maximumf %add3A_9, %max3A_10 : vector<2000x64xf32>
    %iota3A = tpu.iota {dimensions = array<i32: 0>} : vector<64x4xi32>
    %iota3A_12 = tpu.iota {dimensions = array<i32: 1>} : vector<64x4xi32>
    %jit3A = arith.constant 16 : i32
    %div3A = vector.broadcast %jit3A : i32 to vector<64x4xi32>
    %div3A_13 = arith.divsi %iota3A, %div3A : vector<64x4xi32>
    %sign3A = arith.constant 0 : i32
    %sign3A_14 = vector.broadcast %sign3A : i32 to vector<64x4xi32>
    %sign3A_15 = arith.cmpi sgt, %iota3A, %sign3A_14 : vector<64x4xi32>
    %sign3A_16 = arith.extui %sign3A_15 : vector<64x4xi1> to vector<64x4xi32>
    %sign3A_17 = arith.constant 0 : i32
    %sign3A_18 = vector.broadcast %sign3A_17 : i32 to vector<64x4xi32>
    %sign3A_19 = arith.cmpi slt, %iota3A, %sign3A_18 : vector<64x4xi32>
    %sign3A_20 = arith.extui %sign3A_19 : vector<64x4xi1> to vector<64x4xi32>
    %sign3A_21 = arith.subi %sign3A_16, %sign3A_20 : vector<64x4xi32>
    %sign3A_22 = arith.constant 0 : i32
    %sign3A_23 = arith.cmpi sgt, %jit3A, %sign3A_22 : i32
    %sign3A_24 = arith.extui %sign3A_23 : i1 to i32
    %sign3A_25 = arith.constant 0 : i32
    %sign3A_26 = arith.cmpi slt, %jit3A, %sign3A_25 : i32
    %sign3A_27 = arith.extui %sign3A_26 : i1 to i32
    %sign3A_28 = arith.subi %sign3A_24, %sign3A_27 : i32
    %ne3A = vector.broadcast %sign3A_28 : i32 to vector<64x4xi32>
    %ne3A_29 = arith.cmpi ne, %sign3A_21, %ne3A : vector<64x4xi32>
    %rem3A = vector.broadcast %jit3A : i32 to vector<64x4xi32>
    %rem3A_30 = arith.remsi %iota3A, %rem3A : vector<64x4xi32>
    %ne3A_31 = arith.constant 0 : i32
    %ne3A_32 = vector.broadcast %ne3A_31 : i32 to vector<64x4xi32>
    %ne3A_33 = arith.cmpi ne, %rem3A_30, %ne3A_32 : vector<64x4xi32>
    %and3A = arith.andi %ne3A_29, %ne3A_33 : vector<64x4xi1>
    %sub3A = arith.constant 1 : i32
    %sub3A_34 = vector.broadcast %sub3A : i32 to vector<64x4xi32>
    %sub3A_35 = arith.subi %div3A_13, %sub3A_34 : vector<64x4xi32>
    %select_n3A = arith.select %and3A, %sub3A_35, %div3A_13 : vector<64x4xi1>, vector<64x4xi32>
    %eq3A = arith.cmpi eq, %select_n3A, %iota3A_12 : vector<64x4xi32>
    %convert_element_type3A = arith.extui %eq3A : vector<64x4xi1> to vector<64x4xi32>
    %convert_element_type3A_36 = arith.sitofp %convert_element_type3A : vector<64x4xi32> to vector<64x4xf32>
    %iota3A_37 = tpu.iota {dimensions = array<i32: 0>} : vector<4x64xi32>
    %iota3A_38 = tpu.iota {dimensions = array<i32: 1>} : vector<4x64xi32>
    %jit3A_39 = arith.constant 16 : i32
    %div3A_40 = vector.broadcast %jit3A_39 : i32 to vector<4x64xi32>
    %div3A_41 = arith.divsi %iota3A_38, %div3A_40 : vector<4x64xi32>
    %sign3A_42 = arith.constant 0 : i32
    %sign3A_43 = vector.broadcast %sign3A_42 : i32 to vector<4x64xi32>
    %sign3A_44 = arith.cmpi sgt, %iota3A_38, %sign3A_43 : vector<4x64xi32>
    %sign3A_45 = arith.extui %sign3A_44 : vector<4x64xi1> to vector<4x64xi32>
    %sign3A_46 = arith.constant 0 : i32
    %sign3A_47 = vector.broadcast %sign3A_46 : i32 to vector<4x64xi32>
    %sign3A_48 = arith.cmpi slt, %iota3A_38, %sign3A_47 : vector<4x64xi32>
    %sign3A_49 = arith.extui %sign3A_48 : vector<4x64xi1> to vector<4x64xi32>
    %sign3A_50 = arith.subi %sign3A_45, %sign3A_49 : vector<4x64xi32>
    %sign3A_51 = arith.constant 0 : i32
    %sign3A_52 = arith.cmpi sgt, %jit3A_39, %sign3A_51 : i32
    %sign3A_53 = arith.extui %sign3A_52 : i1 to i32
    %sign3A_54 = arith.constant 0 : i32
    %sign3A_55 = arith.cmpi slt, %jit3A_39, %sign3A_54 : i32
    %sign3A_56 = arith.extui %sign3A_55 : i1 to i32
    %sign3A_57 = arith.subi %sign3A_53, %sign3A_56 : i32
    %ne3A_58 = vector.broadcast %sign3A_57 : i32 to vector<4x64xi32>
    %ne3A_59 = arith.cmpi ne, %sign3A_50, %ne3A_58 : vector<4x64xi32>
    %rem3A_60 = vector.broadcast %jit3A_39 : i32 to vector<4x64xi32>
    %rem3A_61 = arith.remsi %iota3A_38, %rem3A_60 : vector<4x64xi32>
    %ne3A_62 = arith.constant 0 : i32
    %ne3A_63 = vector.broadcast %ne3A_62 : i32 to vector<4x64xi32>
    %ne3A_64 = arith.cmpi ne, %rem3A_61, %ne3A_63 : vector<4x64xi32>
    %and3A_65 = arith.andi %ne3A_59, %ne3A_64 : vector<4x64xi1>
    %sub3A_66 = arith.constant 1 : i32
    %sub3A_67 = vector.broadcast %sub3A_66 : i32 to vector<4x64xi32>
    %sub3A_68 = arith.subi %div3A_41, %sub3A_67 : vector<4x64xi32>
    %select_n3A_69 = arith.select %and3A_65, %sub3A_68, %div3A_41 : vector<4x64xi1>, vector<4x64xi32>
    %eq3A_70 = arith.cmpi eq, %select_n3A_69, %iota3A_37 : vector<4x64xi32>
    %convert_element_type3A_71 = arith.extui %eq3A_70 : vector<4x64xi1> to vector<4x64xi32>
    %convert_element_type3A_72 = arith.sitofp %convert_element_type3A_71 : vector<4x64xi32> to vector<4x64xf32>
    %mul3A = arith.mulf %max3A_11, %max3A_11 : vector<2000x64xf32>
    %dot_general3A_73 = arith.constant dense<0.000000e+00> : vector<2000x4xf32>
    %dot_general3A_74 = tpu.matmul %mul3A, %convert_element_type3A_36, %dot_general3A_73 {dimension_numbers = #tpu.dot_dimension_numbers<[1], [0], [0], [1], [0, 0, 1, 1], [], []>, transpose_lhs_hint = false} : vector<2000x64xf32>, vector<64x4xf32>, vector<2000x4xf32> -> vector<2000x4xf32>
    %sqrt3A = math.sqrt %dot_general3A_74 : vector<2000x4xf32>
    %max3A_75 = arith.constant 9.99999996E-13 : f32
    %max3A_76 = vector.broadcast %max3A_75 : f32 to vector<2000x4xf32>
    %max3A_77 = arith.maximumf %sqrt3A, %max3A_76 : vector<2000x4xf32>
    %div3A_78 = arith.constant 1.000000e+00 : f32
    %div3A_79 = vector.broadcast %div3A_78 : f32 to vector<2000x4xf32>
    %div3A_80 = arith.divf %div3A_79, %max3A_77 : vector<2000x4xf32>
    %dot_general3A_81 = arith.constant dense<0.000000e+00> : vector<2000x64xf32>
    %dot_general3A_82 = tpu.matmul %div3A_80, %convert_element_type3A_72, %dot_general3A_81 {dimension_numbers = #tpu.dot_dimension_numbers<[1], [0], [0], [1], [0, 0, 1, 1], [], []>, transpose_lhs_hint = false} : vector<2000x4xf32>, vector<4x64xf32>, vector<2000x64xf32> -> vector<2000x64xf32>
    %mul3A_83 = arith.mulf %max3A_11, %dot_general3A_82 : vector<2000x64xf32>
    %swap3A = arith.constant 0 : index
    %swap3A_84 = arith.constant 0 : index
    %swap3A_85 = vector.load %arg4[%swap3A, %swap3A_84] : memref<2000x64xf32, #tpu.memory_space<vmem>>, vector<2000x64xf32>
    tpu.vector_store %arg4[%swap3A, %swap3A_84], %mul3A_83 {strides = array<i32>} : memref<2000x64xf32, #tpu.memory_space<vmem>>, vector<2000x64xf32>,
    %convert_element_type3A_86 = arith.truncf %mul3A_83 : vector<2000x64xf32> to vector<2000x64xbf16>
    %slice3A = vector.extract_strided_slice %convert_element_type3A_86 {offsets = [0, 0], sizes = [2000, 32], strides = [1, 1]} : vector<2000x64xbf16> to vector<2000x32xbf16>
    %bitcast_convert_type3A = tpu.bitcast %slice3A : vector<2000x32xbf16> -> vector<2000x32xi16>
    %convert_element_type3A_87 = arith.extui %bitcast_convert_type3A : vector<2000x32xi16> to vector<2000x32xi32>
    %slice3A_88 = vector.extract_strided_slice %convert_element_type3A_86 {offsets = [0, 32], sizes = [2000, 32], strides = [1, 1]} : vector<2000x64xbf16> to vector<2000x32xbf16>
    %bitcast_convert_type3A_89 = tpu.bitcast %slice3A_88 : vector<2000x32xbf16> -> vector<2000x32xi16>
    %convert_element_type3A_90 = arith.extui %bitcast_convert_type3A_89 : vector<2000x32xi16> to vector<2000x32xi32>
    %shift_left3A = arith.constant 16 : i32
    %shift_left3A_91 = vector.broadcast %shift_left3A : i32 to vector<2000x32xi32>
    %shift_left3A_92 = arith.shli %convert_element_type3A_90, %shift_left3A_91 : vector<2000x32xi32>
    %or3A = arith.ori %convert_element_type3A_87, %shift_left3A_92 : vector<2000x32xi32>
    %swap3A_93 = arith.constant 0 : index
    %swap3A_94 = arith.constant 0 : index
    %swap3A_95 = vector.load %arg5[%swap3A_93, %swap3A_94] : memref<2000x32xi32, #tpu.memory_space<vmem>>, vector<2000x32xi32>
    tpu.vector_store %arg5[%swap3A_93, %swap3A_94], %or3A {strides = array<i32>} : memref<2000x32xi32, #tpu.memory_space<vmem>>, vector<2000x32xi32>,
    return
  }
  func.func @transform_0(%arg0: i32) -> (i32, i32) {
    %c0_i32 = arith.constant 0 : i32
    %c0_i32_0 = arith.constant 0 : i32
    return %arg0, %c0_i32 : i32, i32
  }
  func.func @transform_1(%arg0: i32) -> (i32, i32) {
    %c0_i32 = arith.constant 0 : i32
    %c0_i32_0 = arith.constant 0 : i32
    %c0_i32_1 = arith.constant 0 : i32
    return %c0_i32, %c0_i32_0 : i32, i32
  }
  func.func @transform_2(%arg0: i32) -> (i32, i32) {
    %c0_i32 = arith.constant 0 : i32
    %c0_i32_0 = arith.constant 0 : i32
    %c0_i32_1 = arith.constant 0 : i32
    return %c0_i32, %c0_i32_0 : i32, i32
  }
  func.func @transform_3(%arg0: i32) -> (i32, i32) {
    %c0_i32 = arith.constant 0 : i32
    %c0_i32_0 = arith.constant 0 : i32
    return %arg0, %c0_i32 : i32, i32
  }
  func.func @transform_4(%arg0: i32) -> (i32, i32) {
    %c0_i32 = arith.constant 0 : i32
    %c0_i32_0 = arith.constant 0 : i32
    return %arg0, %c0_i32 : i32, i32
  }
}

module attributes {stable_mosaic.version = 14 : i64} {
  func.func @_route_body(%arg0: i32, %arg1: memref<2000x512xi32, #tpu.memory_space<vmem>>, %arg2: memref<2000x64xf32, #tpu.memory_space<vmem>>, %arg3: memref<1024x64xbf16, #tpu.memory_space<vmem>>, %arg4: memref<64x1024xbf16, #tpu.memory_space<vmem>>, %arg5: memref<64x64xf32, #tpu.memory_space<vmem>>, %arg6: memref<64x4xf32, #tpu.memory_space<vmem>>, %arg7: memref<4x64xf32, #tpu.memory_space<vmem>>, %arg8: memref<2000x64xf32, #tpu.memory_space<vmem>>, %arg9: memref<2000x32xi32, #tpu.memory_space<vmem>>) attributes {dimension_semantics = [#tpu.dimension_semantics<arbitrary>], iteration_bounds = array<i64: 25>, scalar_prefetch = 0 : i64, scratch_operands = 0 : i64, tpu.core_type = #tpu.core_type<tc>, window_params = [{transform_indices = @transform_0, window_bounds = array<i64: 2000, 512>}, {transform_indices = @transform_1, window_bounds = array<i64: 2000, 64>}, {pipeline_mode = #tpu.pipeline_mode<synchronous>, transform_indices = @transform_2, window_bounds = array<i64: 1024, 64>}, {pipeline_mode = #tpu.pipeline_mode<synchronous>, transform_indices = @transform_3, window_bounds = array<i64: 64, 1024>}, {pipeline_mode = #tpu.pipeline_mode<synchronous>, transform_indices = @transform_4, window_bounds = array<i64: 64, 64>}, {pipeline_mode = #tpu.pipeline_mode<synchronous>, transform_indices = @transform_5, window_bounds = array<i64: 64, 4>}, {pipeline_mode = #tpu.pipeline_mode<synchronous>, transform_indices = @transform_6, window_bounds = array<i64: 4, 64>}, {transform_indices = @transform_7, window_bounds = array<i64: 2000, 64>}, {transform_indices = @transform_8, window_bounds = array<i64: 2000, 32>}]} {
    %get3A = arith.constant 0 : index
    %get3A_0 = arith.constant 0 : index
    %get3A_1 = vector.load %arg3[%get3A, %get3A_0] : memref<1024x64xbf16, #tpu.memory_space<vmem>>, vector<1024x64xbf16>
    %get3A_2 = arith.constant 0 : index
    %get3A_3 = arith.constant 0 : index
    %get3A_4 = vector.load %arg4[%get3A_2, %get3A_3] : memref<64x1024xbf16, #tpu.memory_space<vmem>>, vector<64x1024xbf16>
    %get3A_5 = arith.constant 0 : index
    %get3A_6 = arith.constant 0 : index
    %get3A_7 = vector.load %arg5[%get3A_5, %get3A_6] : memref<64x64xf32, #tpu.memory_space<vmem>>, vector<64x64xf32>
    %get3A_8 = arith.constant 0 : index
    %get3A_9 = arith.constant 0 : index
    %get3A_10 = vector.load %arg6[%get3A_8, %get3A_9] : memref<64x4xf32, #tpu.memory_space<vmem>>, vector<64x4xf32>
    %get3A_11 = arith.constant 0 : index
    %get3A_12 = arith.constant 0 : index
    %get3A_13 = vector.load %arg7[%get3A_11, %get3A_12] : memref<4x64xf32, #tpu.memory_space<vmem>>, vector<4x64xf32>
    %get3A_14 = arith.constant 0 : index
    %get3A_15 = arith.constant 0 : index
    %get3A_16 = vector.load %arg1[%get3A_14, %get3A_15] : memref<2000x512xi32, #tpu.memory_space<vmem>>, vector<1000x512xi32>
    %and3A = arith.constant 65535 : i32
    %and3A_17 = vector.broadcast %and3A : i32 to vector<1000x512xi32>
    %and3A_18 = arith.andi %get3A_16, %and3A_17 : vector<1000x512xi32>
    %convert_element_type3A = arith.trunci %and3A_18 : vector<1000x512xi32> to vector<1000x512xi16>
    %bitcast_convert_type3A = tpu.bitcast %convert_element_type3A : vector<1000x512xi16> -> vector<1000x512xbf16>
    %shift_right_logical3A = arith.constant 16 : i32
    %shift_right_logical3A_19 = vector.broadcast %shift_right_logical3A : i32 to vector<1000x512xi32>
    %shift_right_logical3A_20 = arith.shrui %get3A_16, %shift_right_logical3A_19 : vector<1000x512xi32>
    %convert_element_type3A_21 = arith.trunci %shift_right_logical3A_20 : vector<1000x512xi32> to vector<1000x512xi16>
    %bitcast_convert_type3A_22 = tpu.bitcast %convert_element_type3A_21 : vector<1000x512xi16> -> vector<1000x512xbf16>
    %slice3A = vector.extract_strided_slice %bitcast_convert_type3A {offsets = [0, 0], sizes = [1000, 32], strides = [1, 1]} : vector<1000x512xbf16> to vector<1000x32xbf16>
    %slice3A_23 = vector.extract_strided_slice %bitcast_convert_type3A_22 {offsets = [0, 0], sizes = [1000, 32], strides = [1, 1]} : vector<1000x512xbf16> to vector<1000x32xbf16>
    %slice3A_24 = vector.extract_strided_slice %bitcast_convert_type3A {offsets = [0, 32], sizes = [1000, 32], strides = [1, 1]} : vector<1000x512xbf16> to vector<1000x32xbf16>
    %slice3A_25 = vector.extract_strided_slice %bitcast_convert_type3A_22 {offsets = [0, 32], sizes = [1000, 32], strides = [1, 1]} : vector<1000x512xbf16> to vector<1000x32xbf16>
    %slice3A_26 = vector.extract_strided_slice %bitcast_convert_type3A {offsets = [0, 64], sizes = [1000, 32], strides = [1, 1]} : vector<1000x512xbf16> to vector<1000x32xbf16>
    %slice3A_27 = vector.extract_strided_slice %bitcast_convert_type3A_22 {offsets = [0, 64], sizes = [1000, 32], strides = [1, 1]} : vector<1000x512xbf16> to vector<1000x32xbf16>
    %slice3A_28 = vector.extract_strided_slice %bitcast_convert_type3A {offsets = [0, 96], sizes = [1000, 32], strides = [1, 1]} : vector<1000x512xbf16> to vector<1000x32xbf16>
    %slice3A_29 = vector.extract_strided_slice %bitcast_convert_type3A_22 {offsets = [0, 96], sizes = [1000, 32], strides = [1, 1]} : vector<1000x512xbf16> to vector<1000x32xbf16>
    %slice3A_30 = vector.extract_strided_slice %bitcast_convert_type3A {offsets = [0, 128], sizes = [1000, 32], strides = [1, 1]} : vector<1000x512xbf16> to vector<1000x32xbf16>
    %slice3A_31 = vector.extract_strided_slice %bitcast_convert_type3A_22 {offsets = [0, 128], sizes = [1000, 32], strides = [1, 1]} : vector<1000x512xbf16> to vector<1000x32xbf16>
    %slice3A_32 = vector.extract_strided_slice %bitcast_convert_type3A {offsets = [0, 160], sizes = [1000, 32], strides = [1, 1]} : vector<1000x512xbf16> to vector<1000x32xbf16>
    %slice3A_33 = vector.extract_strided_slice %bitcast_convert_type3A_22 {offsets = [0, 160], sizes = [1000, 32], strides = [1, 1]} : vector<1000x512xbf16> to vector<1000x32xbf16>
    %slice3A_34 = vector.extract_strided_slice %bitcast_convert_type3A {offsets = [0, 192], sizes = [1000, 32], strides = [1, 1]} : vector<1000x512xbf16> to vector<1000x32xbf16>
    %slice3A_35 = vector.extract_strided_slice %bitcast_convert_type3A_22 {offsets = [0, 192], sizes = [1000, 32], strides = [1, 1]} : vector<1000x512xbf16> to vector<1000x32xbf16>
    %slice3A_36 = vector.extract_strided_slice %bitcast_convert_type3A {offsets = [0, 224], sizes = [1000, 32], strides = [1, 1]} : vector<1000x512xbf16> to vector<1000x32xbf16>
    %slice3A_37 = vector.extract_strided_slice %bitcast_convert_type3A_22 {offsets = [0, 224], sizes = [1000, 32], strides = [1, 1]} : vector<1000x512xbf16> to vector<1000x32xbf16>
    %slice3A_38 = vector.extract_strided_slice %bitcast_convert_type3A {offsets = [0, 256], sizes = [1000, 32], strides = [1, 1]} : vector<1000x512xbf16> to vector<1000x32xbf16>
    %slice3A_39 = vector.extract_strided_slice %bitcast_convert_type3A_22 {offsets = [0, 256], sizes = [1000, 32], strides = [1, 1]} : vector<1000x512xbf16> to vector<1000x32xbf16>
    %slice3A_40 = vector.extract_strided_slice %bitcast_convert_type3A {offsets = [0, 288], sizes = [1000, 32], strides = [1, 1]} : vector<1000x512xbf16> to vector<1000x32xbf16>
    %slice3A_41 = vector.extract_strided_slice %bitcast_convert_type3A_22 {offsets = [0, 288], sizes = [1000, 32], strides = [1, 1]} : vector<1000x512xbf16> to vector<1000x32xbf16>
    %slice3A_42 = vector.extract_strided_slice %bitcast_convert_type3A {offsets = [0, 320], sizes = [1000, 32], strides = [1, 1]} : vector<1000x512xbf16> to vector<1000x32xbf16>
    %slice3A_43 = vector.extract_strided_slice %bitcast_convert_type3A_22 {offsets = [0, 320], sizes = [1000, 32], strides = [1, 1]} : vector<1000x512xbf16> to vector<1000x32xbf16>
    %slice3A_44 = vector.extract_strided_slice %bitcast_convert_type3A {offsets = [0, 352], sizes = [1000, 32], strides = [1, 1]} : vector<1000x512xbf16> to vector<1000x32xbf16>
    %slice3A_45 = vector.extract_strided_slice %bitcast_convert_type3A_22 {offsets = [0, 352], sizes = [1000, 32], strides = [1, 1]} : vector<1000x512xbf16> to vector<1000x32xbf16>
    %slice3A_46 = vector.extract_strided_slice %bitcast_convert_type3A {offsets = [0, 384], sizes = [1000, 32], strides = [1, 1]} : vector<1000x512xbf16> to vector<1000x32xbf16>
    %slice3A_47 = vector.extract_strided_slice %bitcast_convert_type3A_22 {offsets = [0, 384], sizes = [1000, 32], strides = [1, 1]} : vector<1000x512xbf16> to vector<1000x32xbf16>
    %slice3A_48 = vector.extract_strided_slice %bitcast_convert_type3A {offsets = [0, 416], sizes = [1000, 32], strides = [1, 1]} : vector<1000x512xbf16> to vector<1000x32xbf16>
    %slice3A_49 = vector.extract_strided_slice %bitcast_convert_type3A_22 {offsets = [0, 416], sizes = [1000, 32], strides = [1, 1]} : vector<1000x512xbf16> to vector<1000x32xbf16>
    %slice3A_50 = vector.extract_strided_slice %bitcast_convert_type3A {offsets = [0, 448], sizes = [1000, 32], strides = [1, 1]} : vector<1000x512xbf16> to vector<1000x32xbf16>
    %slice3A_51 = vector.extract_strided_slice %bitcast_convert_type3A_22 {offsets = [0, 448], sizes = [1000, 32], strides = [1, 1]} : vector<1000x512xbf16> to vector<1000x32xbf16>
    %slice3A_52 = vector.extract_strided_slice %bitcast_convert_type3A {offsets = [0, 480], sizes = [1000, 32], strides = [1, 1]} : vector<1000x512xbf16> to vector<1000x32xbf16>
    %slice3A_53 = vector.extract_strided_slice %bitcast_convert_type3A_22 {offsets = [0, 480], sizes = [1000, 32], strides = [1, 1]} : vector<1000x512xbf16> to vector<1000x32xbf16>
    %concatenate3A = tpu.concatenate %slice3A, %slice3A_23, %slice3A_24, %slice3A_25, %slice3A_26, %slice3A_27, %slice3A_28, %slice3A_29, %slice3A_30, %slice3A_31, %slice3A_32, %slice3A_33, %slice3A_34, %slice3A_35, %slice3A_36, %slice3A_37, %slice3A_38, %slice3A_39, %slice3A_40, %slice3A_41, %slice3A_42, %slice3A_43, %slice3A_44, %slice3A_45, %slice3A_46, %slice3A_47, %slice3A_48, %slice3A_49, %slice3A_50, %slice3A_51, %slice3A_52, %slice3A_53 in 1 : vector<1000x32xbf16>, vector<1000x32xbf16>, vector<1000x32xbf16>, vector<1000x32xbf16>, vector<1000x32xbf16>, vector<1000x32xbf16>, vector<1000x32xbf16>, vector<1000x32xbf16>, vector<1000x32xbf16>, vector<1000x32xbf16>, vector<1000x32xbf16>, vector<1000x32xbf16>, vector<1000x32xbf16>, vector<1000x32xbf16>, vector<1000x32xbf16>, vector<1000x32xbf16>, vector<1000x32xbf16>, vector<1000x32xbf16>, vector<1000x32xbf16>, vector<1000x32xbf16>, vector<1000x32xbf16>, vector<1000x32xbf16>, vector<1000x32xbf16>, vector<1000x32xbf16>, vector<1000x32xbf16>, vector<1000x32xbf16>, vector<1000x32xbf16>, vector<1000x32xbf16>, vector<1000x32xbf16>, vector<1000x32xbf16>, vector<1000x32xbf16>, vector<1000x32xbf16> -> vector<1000x1024xbf16>
    %get3A_54 = arith.constant 1000 : index
    %get3A_55 = arith.constant 0 : index
    %get3A_56 = vector.load %arg1[%get3A_54, %get3A_55] : memref<2000x512xi32, #tpu.memory_space<vmem>>, vector<1000x512xi32>
    %and3A_57 = arith.constant 65535 : i32
    %and3A_58 = vector.broadcast %and3A_57 : i32 to vector<1000x512xi32>
    %and3A_59 = arith.andi %get3A_56, %and3A_58 : vector<1000x512xi32>
    %convert_element_type3A_60 = arith.trunci %and3A_59 : vector<1000x512xi32> to vector<1000x512xi16>
    %bitcast_convert_type3A_61 = tpu.bitcast %convert_element_type3A_60 : vector<1000x512xi16> -> vector<1000x512xbf16>
    %shift_right_logical3A_62 = arith.constant 16 : i32
    %shift_right_logical3A_63 = vector.broadcast %shift_right_logical3A_62 : i32 to vector<1000x512xi32>
    %shift_right_logical3A_64 = arith.shrui %get3A_56, %shift_right_logical3A_63 : vector<1000x512xi32>
    %convert_element_type3A_65 = arith.trunci %shift_right_logical3A_64 : vector<1000x512xi32> to vector<1000x512xi16>
    %bitcast_convert_type3A_66 = tpu.bitcast %convert_element_type3A_65 : vector<1000x512xi16> -> vector<1000x512xbf16>
    %slice3A_67 = vector.extract_strided_slice %bitcast_convert_type3A_61 {offsets = [0, 0], sizes = [1000, 32], strides = [1, 1]} : vector<1000x512xbf16> to vector<1000x32xbf16>
    %slice3A_68 = vector.extract_strided_slice %bitcast_convert_type3A_66 {offsets = [0, 0], sizes = [1000, 32], strides = [1, 1]} : vector<1000x512xbf16> to vector<1000x32xbf16>
    %slice3A_69 = vector.extract_strided_slice %bitcast_convert_type3A_61 {offsets = [0, 32], sizes = [1000, 32], strides = [1, 1]} : vector<1000x512xbf16> to vector<1000x32xbf16>
    %slice3A_70 = vector.extract_strided_slice %bitcast_convert_type3A_66 {offsets = [0, 32], sizes = [1000, 32], strides = [1, 1]} : vector<1000x512xbf16> to vector<1000x32xbf16>
    %slice3A_71 = vector.extract_strided_slice %bitcast_convert_type3A_61 {offsets = [0, 64], sizes = [1000, 32], strides = [1, 1]} : vector<1000x512xbf16> to vector<1000x32xbf16>
    %slice3A_72 = vector.extract_strided_slice %bitcast_convert_type3A_66 {offsets = [0, 64], sizes = [1000, 32], strides = [1, 1]} : vector<1000x512xbf16> to vector<1000x32xbf16>
    %slice3A_73 = vector.extract_strided_slice %bitcast_convert_type3A_61 {offsets = [0, 96], sizes = [1000, 32], strides = [1, 1]} : vector<1000x512xbf16> to vector<1000x32xbf16>
    %slice3A_74 = vector.extract_strided_slice %bitcast_convert_type3A_66 {offsets = [0, 96], sizes = [1000, 32], strides = [1, 1]} : vector<1000x512xbf16> to vector<1000x32xbf16>
    %slice3A_75 = vector.extract_strided_slice %bitcast_convert_type3A_61 {offsets = [0, 128], sizes = [1000, 32], strides = [1, 1]} : vector<1000x512xbf16> to vector<1000x32xbf16>
    %slice3A_76 = vector.extract_strided_slice %bitcast_convert_type3A_66 {offsets = [0, 128], sizes = [1000, 32], strides = [1, 1]} : vector<1000x512xbf16> to vector<1000x32xbf16>
    %slice3A_77 = vector.extract_strided_slice %bitcast_convert_type3A_61 {offsets = [0, 160], sizes = [1000, 32], strides = [1, 1]} : vector<1000x512xbf16> to vector<1000x32xbf16>
    %slice3A_78 = vector.extract_strided_slice %bitcast_convert_type3A_66 {offsets = [0, 160], sizes = [1000, 32], strides = [1, 1]} : vector<1000x512xbf16> to vector<1000x32xbf16>
    %slice3A_79 = vector.extract_strided_slice %bitcast_convert_type3A_61 {offsets = [0, 192], sizes = [1000, 32], strides = [1, 1]} : vector<1000x512xbf16> to vector<1000x32xbf16>
    %slice3A_80 = vector.extract_strided_slice %bitcast_convert_type3A_66 {offsets = [0, 192], sizes = [1000, 32], strides = [1, 1]} : vector<1000x512xbf16> to vector<1000x32xbf16>
    %slice3A_81 = vector.extract_strided_slice %bitcast_convert_type3A_61 {offsets = [0, 224], sizes = [1000, 32], strides = [1, 1]} : vector<1000x512xbf16> to vector<1000x32xbf16>
    %slice3A_82 = vector.extract_strided_slice %bitcast_convert_type3A_66 {offsets = [0, 224], sizes = [1000, 32], strides = [1, 1]} : vector<1000x512xbf16> to vector<1000x32xbf16>
    %slice3A_83 = vector.extract_strided_slice %bitcast_convert_type3A_61 {offsets = [0, 256], sizes = [1000, 32], strides = [1, 1]} : vector<1000x512xbf16> to vector<1000x32xbf16>
    %slice3A_84 = vector.extract_strided_slice %bitcast_convert_type3A_66 {offsets = [0, 256], sizes = [1000, 32], strides = [1, 1]} : vector<1000x512xbf16> to vector<1000x32xbf16>
    %slice3A_85 = vector.extract_strided_slice %bitcast_convert_type3A_61 {offsets = [0, 288], sizes = [1000, 32], strides = [1, 1]} : vector<1000x512xbf16> to vector<1000x32xbf16>
    %slice3A_86 = vector.extract_strided_slice %bitcast_convert_type3A_66 {offsets = [0, 288], sizes = [1000, 32], strides = [1, 1]} : vector<1000x512xbf16> to vector<1000x32xbf16>
    %slice3A_87 = vector.extract_strided_slice %bitcast_convert_type3A_61 {offsets = [0, 320], sizes = [1000, 32], strides = [1, 1]} : vector<1000x512xbf16> to vector<1000x32xbf16>
    %slice3A_88 = vector.extract_strided_slice %bitcast_convert_type3A_66 {offsets = [0, 320], sizes = [1000, 32], strides = [1, 1]} : vector<1000x512xbf16> to vector<1000x32xbf16>
    %slice3A_89 = vector.extract_strided_slice %bitcast_convert_type3A_61 {offsets = [0, 352], sizes = [1000, 32], strides = [1, 1]} : vector<1000x512xbf16> to vector<1000x32xbf16>
    %slice3A_90 = vector.extract_strided_slice %bitcast_convert_type3A_66 {offsets = [0, 352], sizes = [1000, 32], strides = [1, 1]} : vector<1000x512xbf16> to vector<1000x32xbf16>
    %slice3A_91 = vector.extract_strided_slice %bitcast_convert_type3A_61 {offsets = [0, 384], sizes = [1000, 32], strides = [1, 1]} : vector<1000x512xbf16> to vector<1000x32xbf16>
    %slice3A_92 = vector.extract_strided_slice %bitcast_convert_type3A_66 {offsets = [0, 384], sizes = [1000, 32], strides = [1, 1]} : vector<1000x512xbf16> to vector<1000x32xbf16>
    %slice3A_93 = vector.extract_strided_slice %bitcast_convert_type3A_61 {offsets = [0, 416], sizes = [1000, 32], strides = [1, 1]} : vector<1000x512xbf16> to vector<1000x32xbf16>
    %slice3A_94 = vector.extract_strided_slice %bitcast_convert_type3A_66 {offsets = [0, 416], sizes = [1000, 32], strides = [1, 1]} : vector<1000x512xbf16> to vector<1000x32xbf16>
    %slice3A_95 = vector.extract_strided_slice %bitcast_convert_type3A_61 {offsets = [0, 448], sizes = [1000, 32], strides = [1, 1]} : vector<1000x512xbf16> to vector<1000x32xbf16>
    %slice3A_96 = vector.extract_strided_slice %bitcast_convert_type3A_66 {offsets = [0, 448], sizes = [1000, 32], strides = [1, 1]} : vector<1000x512xbf16> to vector<1000x32xbf16>
    %slice3A_97 = vector.extract_strided_slice %bitcast_convert_type3A_61 {offsets = [0, 480], sizes = [1000, 32], strides = [1, 1]} : vector<1000x512xbf16> to vector<1000x32xbf16>
    %slice3A_98 = vector.extract_strided_slice %bitcast_convert_type3A_66 {offsets = [0, 480], sizes = [1000, 32], strides = [1, 1]} : vector<1000x512xbf16> to vector<1000x32xbf16>
    %concatenate3A_99 = tpu.concatenate %slice3A_67, %slice3A_68, %slice3A_69, %slice3A_70, %slice3A_71, %slice3A_72, %slice3A_73, %slice3A_74, %slice3A_75, %slice3A_76, %slice3A_77, %slice3A_78, %slice3A_79, %slice3A_80, %slice3A_81, %slice3A_82, %slice3A_83, %slice3A_84, %slice3A_85, %slice3A_86, %slice3A_87, %slice3A_88, %slice3A_89, %slice3A_90, %slice3A_91, %slice3A_92, %slice3A_93, %slice3A_94, %slice3A_95, %slice3A_96, %slice3A_97, %slice3A_98 in 1 : vector<1000x32xbf16>, vector<1000x32xbf16>, vector<1000x32xbf16>, vector<1000x32xbf16>, vector<1000x32xbf16>, vector<1000x32xbf16>, vector<1000x32xbf16>, vector<1000x32xbf16>, vector<1000x32xbf16>, vector<1000x32xbf16>, vector<1000x32xbf16>, vector<1000x32xbf16>, vector<1000x32xbf16>, vector<1000x32xbf16>, vector<1000x32xbf16>, vector<1000x32xbf16>, vector<1000x32xbf16>, vector<1000x32xbf16>, vector<1000x32xbf16>, vector<1000x32xbf16>, vector<1000x32xbf16>, vector<1000x32xbf16>, vector<1000x32xbf16>, vector<1000x32xbf16>, vector<1000x32xbf16>, vector<1000x32xbf16>, vector<1000x32xbf16>, vector<1000x32xbf16>, vector<1000x32xbf16>, vector<1000x32xbf16>, vector<1000x32xbf16>, vector<1000x32xbf16> -> vector<1000x1024xbf16>
    %get3A_100 = arith.constant 0 : index
    %get3A_101 = arith.constant 0 : index
    %get3A_102 = vector.load %arg2[%get3A_100, %get3A_101] : memref<2000x64xf32, #tpu.memory_space<vmem>>, vector<1000x64xf32>
    %get3A_103 = arith.constant 1000 : index
    %get3A_104 = arith.constant 0 : index
    %get3A_105 = vector.load %arg2[%get3A_103, %get3A_104] : memref<2000x64xf32, #tpu.memory_space<vmem>>, vector<1000x64xf32>
    %slice3A_106 = vector.extract_strided_slice %concatenate3A {offsets = [0, 0], sizes = [1000, 64], strides = [1, 1]} : vector<1000x1024xbf16> to vector<1000x64xbf16>
    %slice3A_107 = vector.extract_strided_slice %concatenate3A {offsets = [0, 64], sizes = [1000, 64], strides = [1, 1]} : vector<1000x1024xbf16> to vector<1000x64xbf16>
    %add3A = arith.addf %slice3A_106, %slice3A_107 : vector<1000x64xbf16>
    %convert_element_type3A_108 = arith.extf %add3A : vector<1000x64xbf16> to vector<1000x64xf32>
    %slice3A_109 = vector.extract_strided_slice %concatenate3A {offsets = [0, 128], sizes = [1000, 64], strides = [1, 1]} : vector<1000x1024xbf16> to vector<1000x64xbf16>
    %slice3A_110 = vector.extract_strided_slice %concatenate3A {offsets = [0, 192], sizes = [1000, 64], strides = [1, 1]} : vector<1000x1024xbf16> to vector<1000x64xbf16>
    %add3A_111 = arith.addf %slice3A_109, %slice3A_110 : vector<1000x64xbf16>
    %convert_element_type3A_112 = arith.extf %add3A_111 : vector<1000x64xbf16> to vector<1000x64xf32>
    %add3A_113 = arith.addf %convert_element_type3A_108, %convert_element_type3A_112 : vector<1000x64xf32>
    %slice3A_114 = vector.extract_strided_slice %concatenate3A {offsets = [0, 256], sizes = [1000, 64], strides = [1, 1]} : vector<1000x1024xbf16> to vector<1000x64xbf16>
    %slice3A_115 = vector.extract_strided_slice %concatenate3A {offsets = [0, 320], sizes = [1000, 64], strides = [1, 1]} : vector<1000x1024xbf16> to vector<1000x64xbf16>
    %add3A_116 = arith.addf %slice3A_114, %slice3A_115 : vector<1000x64xbf16>
    %convert_element_type3A_117 = arith.extf %add3A_116 : vector<1000x64xbf16> to vector<1000x64xf32>
    %add3A_118 = arith.addf %add3A_113, %convert_element_type3A_117 : vector<1000x64xf32>
    %slice3A_119 = vector.extract_strided_slice %concatenate3A {offsets = [0, 384], sizes = [1000, 64], strides = [1, 1]} : vector<1000x1024xbf16> to vector<1000x64xbf16>
    %slice3A_120 = vector.extract_strided_slice %concatenate3A {offsets = [0, 448], sizes = [1000, 64], strides = [1, 1]} : vector<1000x1024xbf16> to vector<1000x64xbf16>
    %add3A_121 = arith.addf %slice3A_119, %slice3A_120 : vector<1000x64xbf16>
    %convert_element_type3A_122 = arith.extf %add3A_121 : vector<1000x64xbf16> to vector<1000x64xf32>
    %add3A_123 = arith.addf %add3A_118, %convert_element_type3A_122 : vector<1000x64xf32>
    %slice3A_124 = vector.extract_strided_slice %concatenate3A {offsets = [0, 512], sizes = [1000, 64], strides = [1, 1]} : vector<1000x1024xbf16> to vector<1000x64xbf16>
    %slice3A_125 = vector.extract_strided_slice %concatenate3A {offsets = [0, 576], sizes = [1000, 64], strides = [1, 1]} : vector<1000x1024xbf16> to vector<1000x64xbf16>
    %add3A_126 = arith.addf %slice3A_124, %slice3A_125 : vector<1000x64xbf16>
    %convert_element_type3A_127 = arith.extf %add3A_126 : vector<1000x64xbf16> to vector<1000x64xf32>
    %add3A_128 = arith.addf %add3A_123, %convert_element_type3A_127 : vector<1000x64xf32>
    %slice3A_129 = vector.extract_strided_slice %concatenate3A {offsets = [0, 640], sizes = [1000, 64], strides = [1, 1]} : vector<1000x1024xbf16> to vector<1000x64xbf16>
    %slice3A_130 = vector.extract_strided_slice %concatenate3A {offsets = [0, 704], sizes = [1000, 64], strides = [1, 1]} : vector<1000x1024xbf16> to vector<1000x64xbf16>
    %add3A_131 = arith.addf %slice3A_129, %slice3A_130 : vector<1000x64xbf16>
    %convert_element_type3A_132 = arith.extf %add3A_131 : vector<1000x64xbf16> to vector<1000x64xf32>
    %add3A_133 = arith.addf %add3A_128, %convert_element_type3A_132 : vector<1000x64xf32>
    %slice3A_134 = vector.extract_strided_slice %concatenate3A {offsets = [0, 768], sizes = [1000, 64], strides = [1, 1]} : vector<1000x1024xbf16> to vector<1000x64xbf16>
    %slice3A_135 = vector.extract_strided_slice %concatenate3A {offsets = [0, 832], sizes = [1000, 64], strides = [1, 1]} : vector<1000x1024xbf16> to vector<1000x64xbf16>
    %add3A_136 = arith.addf %slice3A_134, %slice3A_135 : vector<1000x64xbf16>
    %convert_element_type3A_137 = arith.extf %add3A_136 : vector<1000x64xbf16> to vector<1000x64xf32>
    %add3A_138 = arith.addf %add3A_133, %convert_element_type3A_137 : vector<1000x64xf32>
    %slice3A_139 = vector.extract_strided_slice %concatenate3A {offsets = [0, 896], sizes = [1000, 64], strides = [1, 1]} : vector<1000x1024xbf16> to vector<1000x64xbf16>
    %slice3A_140 = vector.extract_strided_slice %concatenate3A {offsets = [0, 960], sizes = [1000, 64], strides = [1, 1]} : vector<1000x1024xbf16> to vector<1000x64xbf16>
    %add3A_141 = arith.addf %slice3A_139, %slice3A_140 : vector<1000x64xbf16>
    %convert_element_type3A_142 = arith.extf %add3A_141 : vector<1000x64xbf16> to vector<1000x64xf32>
    %add3A_143 = arith.addf %add3A_138, %convert_element_type3A_142 : vector<1000x64xf32>
    %mul3A = arith.constant 2.500000e-01 : f32
    %mul3A_144 = vector.broadcast %mul3A : f32 to vector<1000x64xf32>
    %mul3A_145 = arith.mulf %mul3A_144, %add3A_143 : vector<1000x64xf32>
    %add3A_146 = arith.addf %mul3A_145, %get3A_102 : vector<1000x64xf32>
    %mul3A_147 = arith.mulf %add3A_146, %add3A_146 : vector<1000x64xf32>
    %dot_general3A = arith.constant dense<0.000000e+00> : vector<1000x4xf32>
    %dot_general3A_148 = tpu.matmul %mul3A_147, %get3A_10, %dot_general3A {dimension_numbers = #tpu.dot_dimension_numbers<[1], [0], [0], [1], [0, 0, 1, 1], [], []>, transpose_lhs_hint = false} : vector<1000x64xf32>, vector<64x4xf32>, vector<1000x4xf32> -> vector<1000x4xf32>
    %sqrt3A = math.sqrt %dot_general3A_148 : vector<1000x4xf32>
    %max3A = arith.constant 9.99999996E-13 : f32
    %max3A_149 = vector.broadcast %max3A : f32 to vector<1000x4xf32>
    %max3A_150 = arith.maximumf %sqrt3A, %max3A_149 : vector<1000x4xf32>
    %div3A = arith.constant 1.000000e+00 : f32
    %div3A_151 = vector.broadcast %div3A : f32 to vector<1000x4xf32>
    %div3A_152 = arith.divf %div3A_151, %max3A_150 : vector<1000x4xf32>
    %dot_general3A_153 = arith.constant dense<0.000000e+00> : vector<1000x64xf32>
    %dot_general3A_154 = tpu.matmul %div3A_152, %get3A_13, %dot_general3A_153 {dimension_numbers = #tpu.dot_dimension_numbers<[1], [0], [0], [1], [0, 0, 1, 1], [], []>, transpose_lhs_hint = false} : vector<1000x4xf32>, vector<4x64xf32>, vector<1000x64xf32> -> vector<1000x64xf32>
    %mul3A_155 = arith.mulf %add3A_146, %dot_general3A_154 : vector<1000x64xf32>
    %slice3A_156 = vector.extract_strided_slice %concatenate3A_99 {offsets = [0, 0], sizes = [1000, 64], strides = [1, 1]} : vector<1000x1024xbf16> to vector<1000x64xbf16>
    %slice3A_157 = vector.extract_strided_slice %concatenate3A_99 {offsets = [0, 64], sizes = [1000, 64], strides = [1, 1]} : vector<1000x1024xbf16> to vector<1000x64xbf16>
    %add3A_158 = arith.addf %slice3A_156, %slice3A_157 : vector<1000x64xbf16>
    %convert_element_type3A_159 = arith.extf %add3A_158 : vector<1000x64xbf16> to vector<1000x64xf32>
    %slice3A_160 = vector.extract_strided_slice %concatenate3A_99 {offsets = [0, 128], sizes = [1000, 64], strides = [1, 1]} : vector<1000x1024xbf16> to vector<1000x64xbf16>
    %slice3A_161 = vector.extract_strided_slice %concatenate3A_99 {offsets = [0, 192], sizes = [1000, 64], strides = [1, 1]} : vector<1000x1024xbf16> to vector<1000x64xbf16>
    %add3A_162 = arith.addf %slice3A_160, %slice3A_161 : vector<1000x64xbf16>
    %convert_element_type3A_163 = arith.extf %add3A_162 : vector<1000x64xbf16> to vector<1000x64xf32>
    %add3A_164 = arith.addf %convert_element_type3A_159, %convert_element_type3A_163 : vector<1000x64xf32>
    %slice3A_165 = vector.extract_strided_slice %concatenate3A_99 {offsets = [0, 256], sizes = [1000, 64], strides = [1, 1]} : vector<1000x1024xbf16> to vector<1000x64xbf16>
    %slice3A_166 = vector.extract_strided_slice %concatenate3A_99 {offsets = [0, 320], sizes = [1000, 64], strides = [1, 1]} : vector<1000x1024xbf16> to vector<1000x64xbf16>
    %add3A_167 = arith.addf %slice3A_165, %slice3A_166 : vector<1000x64xbf16>
    %convert_element_type3A_168 = arith.extf %add3A_167 : vector<1000x64xbf16> to vector<1000x64xf32>
    %add3A_169 = arith.addf %add3A_164, %convert_element_type3A_168 : vector<1000x64xf32>
    %slice3A_170 = vector.extract_strided_slice %concatenate3A_99 {offsets = [0, 384], sizes = [1000, 64], strides = [1, 1]} : vector<1000x1024xbf16> to vector<1000x64xbf16>
    %slice3A_171 = vector.extract_strided_slice %concatenate3A_99 {offsets = [0, 448], sizes = [1000, 64], strides = [1, 1]} : vector<1000x1024xbf16> to vector<1000x64xbf16>
    %add3A_172 = arith.addf %slice3A_170, %slice3A_171 : vector<1000x64xbf16>
    %convert_element_type3A_173 = arith.extf %add3A_172 : vector<1000x64xbf16> to vector<1000x64xf32>
    %add3A_174 = arith.addf %add3A_169, %convert_element_type3A_173 : vector<1000x64xf32>
    %slice3A_175 = vector.extract_strided_slice %concatenate3A_99 {offsets = [0, 512], sizes = [1000, 64], strides = [1, 1]} : vector<1000x1024xbf16> to vector<1000x64xbf16>
    %slice3A_176 = vector.extract_strided_slice %concatenate3A_99 {offsets = [0, 576], sizes = [1000, 64], strides = [1, 1]} : vector<1000x1024xbf16> to vector<1000x64xbf16>
    %add3A_177 = arith.addf %slice3A_175, %slice3A_176 : vector<1000x64xbf16>
    %convert_element_type3A_178 = arith.extf %add3A_177 : vector<1000x64xbf16> to vector<1000x64xf32>
    %add3A_179 = arith.addf %add3A_174, %convert_element_type3A_178 : vector<1000x64xf32>
    %slice3A_180 = vector.extract_strided_slice %concatenate3A_99 {offsets = [0, 640], sizes = [1000, 64], strides = [1, 1]} : vector<1000x1024xbf16> to vector<1000x64xbf16>
    %slice3A_181 = vector.extract_strided_slice %concatenate3A_99 {offsets = [0, 704], sizes = [1000, 64], strides = [1, 1]} : vector<1000x1024xbf16> to vector<1000x64xbf16>
    %add3A_182 = arith.addf %slice3A_180, %slice3A_181 : vector<1000x64xbf16>
    %convert_element_type3A_183 = arith.extf %add3A_182 : vector<1000x64xbf16> to vector<1000x64xf32>
    %add3A_184 = arith.addf %add3A_179, %convert_element_type3A_183 : vector<1000x64xf32>
    %slice3A_185 = vector.extract_strided_slice %concatenate3A_99 {offsets = [0, 768], sizes = [1000, 64], strides = [1, 1]} : vector<1000x1024xbf16> to vector<1000x64xbf16>
    %slice3A_186 = vector.extract_strided_slice %concatenate3A_99 {offsets = [0, 832], sizes = [1000, 64], strides = [1, 1]} : vector<1000x1024xbf16> to vector<1000x64xbf16>
    %add3A_187 = arith.addf %slice3A_185, %slice3A_186 : vector<1000x64xbf16>
    %convert_element_type3A_188 = arith.extf %add3A_187 : vector<1000x64xbf16> to vector<1000x64xf32>
    %add3A_189 = arith.addf %add3A_184, %convert_element_type3A_188 : vector<1000x64xf32>
    %slice3A_190 = vector.extract_strided_slice %concatenate3A_99 {offsets = [0, 896], sizes = [1000, 64], strides = [1, 1]} : vector<1000x1024xbf16> to vector<1000x64xbf16>
    %slice3A_191 = vector.extract_strided_slice %concatenate3A_99 {offsets = [0, 960], sizes = [1000, 64], strides = [1, 1]} : vector<1000x1024xbf16> to vector<1000x64xbf16>
    %add3A_192 = arith.addf %slice3A_190, %slice3A_191 : vector<1000x64xbf16>
    %convert_element_type3A_193 = arith.extf %add3A_192 : vector<1000x64xbf16> to vector<1000x64xf32>
    %add3A_194 = arith.addf %add3A_189, %convert_element_type3A_193 : vector<1000x64xf32>
    %mul3A_195 = arith.constant 2.500000e-01 : f32
    %mul3A_196 = vector.broadcast %mul3A_195 : f32 to vector<1000x64xf32>
    %mul3A_197 = arith.mulf %mul3A_196, %add3A_194 : vector<1000x64xf32>
    %add3A_198 = arith.addf %mul3A_197, %get3A_105 : vector<1000x64xf32>
    %mul3A_199 = arith.mulf %add3A_198, %add3A_198 : vector<1000x64xf32>
    %dot_general3A_200 = arith.constant dense<0.000000e+00> : vector<1000x4xf32>
    %dot_general3A_201 = tpu.matmul %mul3A_199, %get3A_10, %dot_general3A_200 {dimension_numbers = #tpu.dot_dimension_numbers<[1], [0], [0], [1], [0, 0, 1, 1], [], []>, transpose_lhs_hint = false} : vector<1000x64xf32>, vector<64x4xf32>, vector<1000x4xf32> -> vector<1000x4xf32>
    %sqrt3A_202 = math.sqrt %dot_general3A_201 : vector<1000x4xf32>
    %max3A_203 = arith.constant 9.99999996E-13 : f32
    %max3A_204 = vector.broadcast %max3A_203 : f32 to vector<1000x4xf32>
    %max3A_205 = arith.maximumf %sqrt3A_202, %max3A_204 : vector<1000x4xf32>
    %div3A_206 = arith.constant 1.000000e+00 : f32
    %div3A_207 = vector.broadcast %div3A_206 : f32 to vector<1000x4xf32>
    %div3A_208 = arith.divf %div3A_207, %max3A_205 : vector<1000x4xf32>
    %dot_general3A_209 = arith.constant dense<0.000000e+00> : vector<1000x64xf32>
    %dot_general3A_210 = tpu.matmul %div3A_208, %get3A_13, %dot_general3A_209 {dimension_numbers = #tpu.dot_dimension_numbers<[1], [0], [0], [1], [0, 0, 1, 1], [], []>, transpose_lhs_hint = false} : vector<1000x4xf32>, vector<4x64xf32>, vector<1000x64xf32> -> vector<1000x64xf32>
    %mul3A_211 = arith.mulf %add3A_198, %dot_general3A_210 : vector<1000x64xf32>
    %concatenate3A_212 = tpu.concatenate %mul3A_155, %mul3A_155, %mul3A_155, %mul3A_155, %mul3A_155, %mul3A_155, %mul3A_155, %mul3A_155, %mul3A_155, %mul3A_155, %mul3A_155, %mul3A_155, %mul3A_155, %mul3A_155, %mul3A_155, %mul3A_155 in 1 : vector<1000x64xf32>, vector<1000x64xf32>, vector<1000x64xf32>, vector<1000x64xf32>, vector<1000x64xf32>, vector<1000x64xf32>, vector<1000x64xf32>, vector<1000x64xf32>, vector<1000x64xf32>, vector<1000x64xf32>, vector<1000x64xf32>, vector<1000x64xf32>, vector<1000x64xf32>, vector<1000x64xf32>, vector<1000x64xf32>, vector<1000x64xf32> -> vector<1000x1024xf32>
    %convert_element_type3A_213 = arith.truncf %concatenate3A_212 : vector<1000x1024xf32> to vector<1000x1024xbf16>
    %mul3A_214 = arith.mulf %concatenate3A, %convert_element_type3A_213 : vector<1000x1024xbf16>
    %dot_general3A_215 = arith.constant dense<0.000000e+00> : vector<1000x64xf32>
    %dot_general3A_216 = tpu.matmul %mul3A_214, %get3A_1, %dot_general3A_215 {dimension_numbers = #tpu.dot_dimension_numbers<[1], [0], [0], [1], [0, 0, 1, 1], [], []>, transpose_lhs_hint = false} : vector<1000x1024xbf16>, vector<1024x64xbf16>, vector<1000x64xf32> -> vector<1000x64xf32>
    %exp3A = math.exp %dot_general3A_216 : vector<1000x64xf32>
    %dot_general3A_217 = arith.constant dense<0.000000e+00> : vector<1000x64xf32>
    %dot_general3A_218 = tpu.matmul %exp3A, %get3A_7, %dot_general3A_217 {dimension_numbers = #tpu.dot_dimension_numbers<[1], [0], [0], [1], [0, 0, 1, 1], [], []>, transpose_lhs_hint = false} : vector<1000x64xf32>, vector<64x64xf32>, vector<1000x64xf32> -> vector<1000x64xf32>
    %div3A_219 = arith.divf %exp3A, %dot_general3A_218 : vector<1000x64xf32>
    %convert_element_type3A_220 = arith.truncf %div3A_219 : vector<1000x64xf32> to vector<1000x64xbf16>
    %dot_general3A_221 = arith.constant dense<0.000000e+00> : vector<1000x1024xf32>
    %dot_general3A_222 = tpu.matmul %convert_element_type3A_220, %get3A_4, %dot_general3A_221 {dimension_numbers = #tpu.dot_dimension_numbers<[1], [0], [0], [1], [0, 0, 1, 1], [], []>, transpose_lhs_hint = false} : vector<1000x64xbf16>, vector<64x1024xbf16>, vector<1000x1024xf32> -> vector<1000x1024xf32>
    %convert_element_type3A_223 = arith.truncf %dot_general3A_222 : vector<1000x1024xf32> to vector<1000x1024xbf16>
    %mul3A_224 = arith.mulf %concatenate3A, %convert_element_type3A_223 : vector<1000x1024xbf16>
    %slice3A_225 = vector.extract_strided_slice %mul3A_224 {offsets = [0, 0], sizes = [1000, 64], strides = [1, 1]} : vector<1000x1024xbf16> to vector<1000x64xbf16>
    %slice3A_226 = vector.extract_strided_slice %mul3A_224 {offsets = [0, 64], sizes = [1000, 64], strides = [1, 1]} : vector<1000x1024xbf16> to vector<1000x64xbf16>
    %add3A_227 = arith.addf %slice3A_225, %slice3A_226 : vector<1000x64xbf16>
    %convert_element_type3A_228 = arith.extf %add3A_227 : vector<1000x64xbf16> to vector<1000x64xf32>
    %slice3A_229 = vector.extract_strided_slice %mul3A_224 {offsets = [0, 128], sizes = [1000, 64], strides = [1, 1]} : vector<1000x1024xbf16> to vector<1000x64xbf16>
    %slice3A_230 = vector.extract_strided_slice %mul3A_224 {offsets = [0, 192], sizes = [1000, 64], strides = [1, 1]} : vector<1000x1024xbf16> to vector<1000x64xbf16>
    %add3A_231 = arith.addf %slice3A_229, %slice3A_230 : vector<1000x64xbf16>
    %convert_element_type3A_232 = arith.extf %add3A_231 : vector<1000x64xbf16> to vector<1000x64xf32>
    %add3A_233 = arith.addf %convert_element_type3A_228, %convert_element_type3A_232 : vector<1000x64xf32>
    %slice3A_234 = vector.extract_strided_slice %mul3A_224 {offsets = [0, 256], sizes = [1000, 64], strides = [1, 1]} : vector<1000x1024xbf16> to vector<1000x64xbf16>
    %slice3A_235 = vector.extract_strided_slice %mul3A_224 {offsets = [0, 320], sizes = [1000, 64], strides = [1, 1]} : vector<1000x1024xbf16> to vector<1000x64xbf16>
    %add3A_236 = arith.addf %slice3A_234, %slice3A_235 : vector<1000x64xbf16>
    %convert_element_type3A_237 = arith.extf %add3A_236 : vector<1000x64xbf16> to vector<1000x64xf32>
    %add3A_238 = arith.addf %add3A_233, %convert_element_type3A_237 : vector<1000x64xf32>
    %slice3A_239 = vector.extract_strided_slice %mul3A_224 {offsets = [0, 384], sizes = [1000, 64], strides = [1, 1]} : vector<1000x1024xbf16> to vector<1000x64xbf16>
    %slice3A_240 = vector.extract_strided_slice %mul3A_224 {offsets = [0, 448], sizes = [1000, 64], strides = [1, 1]} : vector<1000x1024xbf16> to vector<1000x64xbf16>
    %add3A_241 = arith.addf %slice3A_239, %slice3A_240 : vector<1000x64xbf16>
    %convert_element_type3A_242 = arith.extf %add3A_241 : vector<1000x64xbf16> to vector<1000x64xf32>
    %add3A_243 = arith.addf %add3A_238, %convert_element_type3A_242 : vector<1000x64xf32>
    %slice3A_244 = vector.extract_strided_slice %mul3A_224 {offsets = [0, 512], sizes = [1000, 64], strides = [1, 1]} : vector<1000x1024xbf16> to vector<1000x64xbf16>
    %slice3A_245 = vector.extract_strided_slice %mul3A_224 {offsets = [0, 576], sizes = [1000, 64], strides = [1, 1]} : vector<1000x1024xbf16> to vector<1000x64xbf16>
    %add3A_246 = arith.addf %slice3A_244, %slice3A_245 : vector<1000x64xbf16>
    %convert_element_type3A_247 = arith.extf %add3A_246 : vector<1000x64xbf16> to vector<1000x64xf32>
    %add3A_248 = arith.addf %add3A_243, %convert_element_type3A_247 : vector<1000x64xf32>
    %slice3A_249 = vector.extract_strided_slice %mul3A_224 {offsets = [0, 640], sizes = [1000, 64], strides = [1, 1]} : vector<1000x1024xbf16> to vector<1000x64xbf16>
    %slice3A_250 = vector.extract_strided_slice %mul3A_224 {offsets = [0, 704], sizes = [1000, 64], strides = [1, 1]} : vector<1000x1024xbf16> to vector<1000x64xbf16>
    %add3A_251 = arith.addf %slice3A_249, %slice3A_250 : vector<1000x64xbf16>
    %convert_element_type3A_252 = arith.extf %add3A_251 : vector<1000x64xbf16> to vector<1000x64xf32>
    %add3A_253 = arith.addf %add3A_248, %convert_element_type3A_252 : vector<1000x64xf32>
    %slice3A_254 = vector.extract_strided_slice %mul3A_224 {offsets = [0, 768], sizes = [1000, 64], strides = [1, 1]} : vector<1000x1024xbf16> to vector<1000x64xbf16>
    %slice3A_255 = vector.extract_strided_slice %mul3A_224 {offsets = [0, 832], sizes = [1000, 64], strides = [1, 1]} : vector<1000x1024xbf16> to vector<1000x64xbf16>
    %add3A_256 = arith.addf %slice3A_254, %slice3A_255 : vector<1000x64xbf16>
    %convert_element_type3A_257 = arith.extf %add3A_256 : vector<1000x64xbf16> to vector<1000x64xf32>
    %add3A_258 = arith.addf %add3A_253, %convert_element_type3A_257 : vector<1000x64xf32>
    %slice3A_259 = vector.extract_strided_slice %mul3A_224 {offsets = [0, 896], sizes = [1000, 64], strides = [1, 1]} : vector<1000x1024xbf16> to vector<1000x64xbf16>
    %slice3A_260 = vector.extract_strided_slice %mul3A_224 {offsets = [0, 960], sizes = [1000, 64], strides = [1, 1]} : vector<1000x1024xbf16> to vector<1000x64xbf16>
    %add3A_261 = arith.addf %slice3A_259, %slice3A_260 : vector<1000x64xbf16>
    %convert_element_type3A_262 = arith.extf %add3A_261 : vector<1000x64xbf16> to vector<1000x64xf32>
    %add3A_263 = arith.addf %add3A_258, %convert_element_type3A_262 : vector<1000x64xf32>
    %add3A_264 = arith.addf %add3A_263, %get3A_102 : vector<1000x64xf32>
    %mul3A_265 = arith.mulf %add3A_264, %add3A_264 : vector<1000x64xf32>
    %dot_general3A_266 = arith.constant dense<0.000000e+00> : vector<1000x4xf32>
    %dot_general3A_267 = tpu.matmul %mul3A_265, %get3A_10, %dot_general3A_266 {dimension_numbers = #tpu.dot_dimension_numbers<[1], [0], [0], [1], [0, 0, 1, 1], [], []>, transpose_lhs_hint = false} : vector<1000x64xf32>, vector<64x4xf32>, vector<1000x4xf32> -> vector<1000x4xf32>
    %sqrt3A_268 = math.sqrt %dot_general3A_267 : vector<1000x4xf32>
    %max3A_269 = arith.constant 9.99999996E-13 : f32
    %max3A_270 = vector.broadcast %max3A_269 : f32 to vector<1000x4xf32>
    %max3A_271 = arith.maximumf %sqrt3A_268, %max3A_270 : vector<1000x4xf32>
    %div3A_272 = arith.constant 1.000000e+00 : f32
    %div3A_273 = vector.broadcast %div3A_272 : f32 to vector<1000x4xf32>
    %div3A_274 = arith.divf %div3A_273, %max3A_271 : vector<1000x4xf32>
    %dot_general3A_275 = arith.constant dense<0.000000e+00> : vector<1000x64xf32>
    %dot_general3A_276 = tpu.matmul %div3A_274, %get3A_13, %dot_general3A_275 {dimension_numbers = #tpu.dot_dimension_numbers<[1], [0], [0], [1], [0, 0, 1, 1], [], []>, transpose_lhs_hint = false} : vector<1000x4xf32>, vector<4x64xf32>, vector<1000x64xf32> -> vector<1000x64xf32>
    %mul3A_277 = arith.mulf %add3A_264, %dot_general3A_276 : vector<1000x64xf32>
    %concatenate3A_278 = tpu.concatenate %mul3A_211, %mul3A_211, %mul3A_211, %mul3A_211, %mul3A_211, %mul3A_211, %mul3A_211, %mul3A_211, %mul3A_211, %mul3A_211, %mul3A_211, %mul3A_211, %mul3A_211, %mul3A_211, %mul3A_211, %mul3A_211 in 1 : vector<1000x64xf32>, vector<1000x64xf32>, vector<1000x64xf32>, vector<1000x64xf32>, vector<1000x64xf32>, vector<1000x64xf32>, vector<1000x64xf32>, vector<1000x64xf32>, vector<1000x64xf32>, vector<1000x64xf32>, vector<1000x64xf32>, vector<1000x64xf32>, vector<1000x64xf32>, vector<1000x64xf32>, vector<1000x64xf32>, vector<1000x64xf32> -> vector<1000x1024xf32>
    %convert_element_type3A_279 = arith.truncf %concatenate3A_278 : vector<1000x1024xf32> to vector<1000x1024xbf16>
    %mul3A_280 = arith.mulf %concatenate3A_99, %convert_element_type3A_279 : vector<1000x1024xbf16>
    %dot_general3A_281 = arith.constant dense<0.000000e+00> : vector<1000x64xf32>
    %dot_general3A_282 = tpu.matmul %mul3A_280, %get3A_1, %dot_general3A_281 {dimension_numbers = #tpu.dot_dimension_numbers<[1], [0], [0], [1], [0, 0, 1, 1], [], []>, transpose_lhs_hint = false} : vector<1000x1024xbf16>, vector<1024x64xbf16>, vector<1000x64xf32> -> vector<1000x64xf32>
    %exp3A_283 = math.exp %dot_general3A_282 : vector<1000x64xf32>
    %dot_general3A_284 = arith.constant dense<0.000000e+00> : vector<1000x64xf32>
    %dot_general3A_285 = tpu.matmul %exp3A_283, %get3A_7, %dot_general3A_284 {dimension_numbers = #tpu.dot_dimension_numbers<[1], [0], [0], [1], [0, 0, 1, 1], [], []>, transpose_lhs_hint = false} : vector<1000x64xf32>, vector<64x64xf32>, vector<1000x64xf32> -> vector<1000x64xf32>
    %div3A_286 = arith.divf %exp3A_283, %dot_general3A_285 : vector<1000x64xf32>
    %convert_element_type3A_287 = arith.truncf %div3A_286 : vector<1000x64xf32> to vector<1000x64xbf16>
    %dot_general3A_288 = arith.constant dense<0.000000e+00> : vector<1000x1024xf32>
    %dot_general3A_289 = tpu.matmul %convert_element_type3A_287, %get3A_4, %dot_general3A_288 {dimension_numbers = #tpu.dot_dimension_numbers<[1], [0], [0], [1], [0, 0, 1, 1], [], []>, transpose_lhs_hint = false} : vector<1000x64xbf16>, vector<64x1024xbf16>, vector<1000x1024xf32> -> vector<1000x1024xf32>
    %convert_element_type3A_290 = arith.truncf %dot_general3A_289 : vector<1000x1024xf32> to vector<1000x1024xbf16>
    %mul3A_291 = arith.mulf %concatenate3A_99, %convert_element_type3A_290 : vector<1000x1024xbf16>
    %slice3A_292 = vector.extract_strided_slice %mul3A_291 {offsets = [0, 0], sizes = [1000, 64], strides = [1, 1]} : vector<1000x1024xbf16> to vector<1000x64xbf16>
    %slice3A_293 = vector.extract_strided_slice %mul3A_291 {offsets = [0, 64], sizes = [1000, 64], strides = [1, 1]} : vector<1000x1024xbf16> to vector<1000x64xbf16>
    %add3A_294 = arith.addf %slice3A_292, %slice3A_293 : vector<1000x64xbf16>
    %convert_element_type3A_295 = arith.extf %add3A_294 : vector<1000x64xbf16> to vector<1000x64xf32>
    %slice3A_296 = vector.extract_strided_slice %mul3A_291 {offsets = [0, 128], sizes = [1000, 64], strides = [1, 1]} : vector<1000x1024xbf16> to vector<1000x64xbf16>
    %slice3A_297 = vector.extract_strided_slice %mul3A_291 {offsets = [0, 192], sizes = [1000, 64], strides = [1, 1]} : vector<1000x1024xbf16> to vector<1000x64xbf16>
    %add3A_298 = arith.addf %slice3A_296, %slice3A_297 : vector<1000x64xbf16>
    %convert_element_type3A_299 = arith.extf %add3A_298 : vector<1000x64xbf16> to vector<1000x64xf32>
    %add3A_300 = arith.addf %convert_element_type3A_295, %convert_element_type3A_299 : vector<1000x64xf32>
    %slice3A_301 = vector.extract_strided_slice %mul3A_291 {offsets = [0, 256], sizes = [1000, 64], strides = [1, 1]} : vector<1000x1024xbf16> to vector<1000x64xbf16>
    %slice3A_302 = vector.extract_strided_slice %mul3A_291 {offsets = [0, 320], sizes = [1000, 64], strides = [1, 1]} : vector<1000x1024xbf16> to vector<1000x64xbf16>
    %add3A_303 = arith.addf %slice3A_301, %slice3A_302 : vector<1000x64xbf16>
    %convert_element_type3A_304 = arith.extf %add3A_303 : vector<1000x64xbf16> to vector<1000x64xf32>
    %add3A_305 = arith.addf %add3A_300, %convert_element_type3A_304 : vector<1000x64xf32>
    %slice3A_306 = vector.extract_strided_slice %mul3A_291 {offsets = [0, 384], sizes = [1000, 64], strides = [1, 1]} : vector<1000x1024xbf16> to vector<1000x64xbf16>
    %slice3A_307 = vector.extract_strided_slice %mul3A_291 {offsets = [0, 448], sizes = [1000, 64], strides = [1, 1]} : vector<1000x1024xbf16> to vector<1000x64xbf16>
    %add3A_308 = arith.addf %slice3A_306, %slice3A_307 : vector<1000x64xbf16>
    %convert_element_type3A_309 = arith.extf %add3A_308 : vector<1000x64xbf16> to vector<1000x64xf32>
    %add3A_310 = arith.addf %add3A_305, %convert_element_type3A_309 : vector<1000x64xf32>
    %slice3A_311 = vector.extract_strided_slice %mul3A_291 {offsets = [0, 512], sizes = [1000, 64], strides = [1, 1]} : vector<1000x1024xbf16> to vector<1000x64xbf16>
    %slice3A_312 = vector.extract_strided_slice %mul3A_291 {offsets = [0, 576], sizes = [1000, 64], strides = [1, 1]} : vector<1000x1024xbf16> to vector<1000x64xbf16>
    %add3A_313 = arith.addf %slice3A_311, %slice3A_312 : vector<1000x64xbf16>
    %convert_element_type3A_314 = arith.extf %add3A_313 : vector<1000x64xbf16> to vector<1000x64xf32>
    %add3A_315 = arith.addf %add3A_310, %convert_element_type3A_314 : vector<1000x64xf32>
    %slice3A_316 = vector.extract_strided_slice %mul3A_291 {offsets = [0, 640], sizes = [1000, 64], strides = [1, 1]} : vector<1000x1024xbf16> to vector<1000x64xbf16>
    %slice3A_317 = vector.extract_strided_slice %mul3A_291 {offsets = [0, 704], sizes = [1000, 64], strides = [1, 1]} : vector<1000x1024xbf16> to vector<1000x64xbf16>
    %add3A_318 = arith.addf %slice3A_316, %slice3A_317 : vector<1000x64xbf16>
    %convert_element_type3A_319 = arith.extf %add3A_318 : vector<1000x64xbf16> to vector<1000x64xf32>
    %add3A_320 = arith.addf %add3A_315, %convert_element_type3A_319 : vector<1000x64xf32>
    %slice3A_321 = vector.extract_strided_slice %mul3A_291 {offsets = [0, 768], sizes = [1000, 64], strides = [1, 1]} : vector<1000x1024xbf16> to vector<1000x64xbf16>
    %slice3A_322 = vector.extract_strided_slice %mul3A_291 {offsets = [0, 832], sizes = [1000, 64], strides = [1, 1]} : vector<1000x1024xbf16> to vector<1000x64xbf16>
    %add3A_323 = arith.addf %slice3A_321, %slice3A_322 : vector<1000x64xbf16>
    %convert_element_type3A_324 = arith.extf %add3A_323 : vector<1000x64xbf16> to vector<1000x64xf32>
    %add3A_325 = arith.addf %add3A_320, %convert_element_type3A_324 : vector<1000x64xf32>
    %slice3A_326 = vector.extract_strided_slice %mul3A_291 {offsets = [0, 896], sizes = [1000, 64], strides = [1, 1]} : vector<1000x1024xbf16> to vector<1000x64xbf16>
    %slice3A_327 = vector.extract_strided_slice %mul3A_291 {offsets = [0, 960], sizes = [1000, 64], strides = [1, 1]} : vector<1000x1024xbf16> to vector<1000x64xbf16>
    %add3A_328 = arith.addf %slice3A_326, %slice3A_327 : vector<1000x64xbf16>
    %convert_element_type3A_329 = arith.extf %add3A_328 : vector<1000x64xbf16> to vector<1000x64xf32>
    %add3A_330 = arith.addf %add3A_325, %convert_element_type3A_329 : vector<1000x64xf32>
    %add3A_331 = arith.addf %add3A_330, %get3A_105 : vector<1000x64xf32>
    %mul3A_332 = arith.mulf %add3A_331, %add3A_331 : vector<1000x64xf32>
    %dot_general3A_333 = arith.constant dense<0.000000e+00> : vector<1000x4xf32>
    %dot_general3A_334 = tpu.matmul %mul3A_332, %get3A_10, %dot_general3A_333 {dimension_numbers = #tpu.dot_dimension_numbers<[1], [0], [0], [1], [0, 0, 1, 1], [], []>, transpose_lhs_hint = false} : vector<1000x64xf32>, vector<64x4xf32>, vector<1000x4xf32> -> vector<1000x4xf32>
    %sqrt3A_335 = math.sqrt %dot_general3A_334 : vector<1000x4xf32>
    %max3A_336 = arith.constant 9.99999996E-13 : f32
    %max3A_337 = vector.broadcast %max3A_336 : f32 to vector<1000x4xf32>
    %max3A_338 = arith.maximumf %sqrt3A_335, %max3A_337 : vector<1000x4xf32>
    %div3A_339 = arith.constant 1.000000e+00 : f32
    %div3A_340 = vector.broadcast %div3A_339 : f32 to vector<1000x4xf32>
    %div3A_341 = arith.divf %div3A_340, %max3A_338 : vector<1000x4xf32>
    %dot_general3A_342 = arith.constant dense<0.000000e+00> : vector<1000x64xf32>
    %dot_general3A_343 = tpu.matmul %div3A_341, %get3A_13, %dot_general3A_342 {dimension_numbers = #tpu.dot_dimension_numbers<[1], [0], [0], [1], [0, 0, 1, 1], [], []>, transpose_lhs_hint = false} : vector<1000x4xf32>, vector<4x64xf32>, vector<1000x64xf32> -> vector<1000x64xf32>
    %mul3A_344 = arith.mulf %add3A_331, %dot_general3A_343 : vector<1000x64xf32>
    %concatenate3A_345 = tpu.concatenate %mul3A_277, %mul3A_277, %mul3A_277, %mul3A_277, %mul3A_277, %mul3A_277, %mul3A_277, %mul3A_277, %mul3A_277, %mul3A_277, %mul3A_277, %mul3A_277, %mul3A_277, %mul3A_277, %mul3A_277, %mul3A_277 in 1 : vector<1000x64xf32>, vector<1000x64xf32>, vector<1000x64xf32>, vector<1000x64xf32>, vector<1000x64xf32>, vector<1000x64xf32>, vector<1000x64xf32>, vector<1000x64xf32>, vector<1000x64xf32>, vector<1000x64xf32>, vector<1000x64xf32>, vector<1000x64xf32>, vector<1000x64xf32>, vector<1000x64xf32>, vector<1000x64xf32>, vector<1000x64xf32> -> vector<1000x1024xf32>
    %convert_element_type3A_346 = arith.truncf %concatenate3A_345 : vector<1000x1024xf32> to vector<1000x1024xbf16>
    %mul3A_347 = arith.mulf %concatenate3A, %convert_element_type3A_346 : vector<1000x1024xbf16>
    %dot_general3A_348 = arith.constant dense<0.000000e+00> : vector<1000x64xf32>
    %dot_general3A_349 = tpu.matmul %mul3A_347, %get3A_1, %dot_general3A_348 {dimension_numbers = #tpu.dot_dimension_numbers<[1], [0], [0], [1], [0, 0, 1, 1], [], []>, transpose_lhs_hint = false} : vector<1000x1024xbf16>, vector<1024x64xbf16>, vector<1000x64xf32> -> vector<1000x64xf32>
    %exp3A_350 = math.exp %dot_general3A_349 : vector<1000x64xf32>
    %dot_general3A_351 = arith.constant dense<0.000000e+00> : vector<1000x64xf32>
    %dot_general3A_352 = tpu.matmul %exp3A_350, %get3A_7, %dot_general3A_351 {dimension_numbers = #tpu.dot_dimension_numbers<[1], [0], [0], [1], [0, 0, 1, 1], [], []>, transpose_lhs_hint = false} : vector<1000x64xf32>, vector<64x64xf32>, vector<1000x64xf32> -> vector<1000x64xf32>
    %div3A_353 = arith.divf %exp3A_350, %dot_general3A_352 : vector<1000x64xf32>
    %convert_element_type3A_354 = arith.truncf %div3A_353 : vector<1000x64xf32> to vector<1000x64xbf16>
    %dot_general3A_355 = arith.constant dense<0.000000e+00> : vector<1000x1024xf32>
    %dot_general3A_356 = tpu.matmul %convert_element_type3A_354, %get3A_4, %dot_general3A_355 {dimension_numbers = #tpu.dot_dimension_numbers<[1], [0], [0], [1], [0, 0, 1, 1], [], []>, transpose_lhs_hint = false} : vector<1000x64xbf16>, vector<64x1024xbf16>, vector<1000x1024xf32> -> vector<1000x1024xf32>
    %convert_element_type3A_357 = arith.truncf %dot_general3A_356 : vector<1000x1024xf32> to vector<1000x1024xbf16>
    %mul3A_358 = arith.mulf %concatenate3A, %convert_element_type3A_357 : vector<1000x1024xbf16>
    %slice3A_359 = vector.extract_strided_slice %mul3A_358 {offsets = [0, 0], sizes = [1000, 64], strides = [1, 1]} : vector<1000x1024xbf16> to vector<1000x64xbf16>
    %slice3A_360 = vector.extract_strided_slice %mul3A_358 {offsets = [0, 64], sizes = [1000, 64], strides = [1, 1]} : vector<1000x1024xbf16> to vector<1000x64xbf16>
    %add3A_361 = arith.addf %slice3A_359, %slice3A_360 : vector<1000x64xbf16>
    %convert_element_type3A_362 = arith.extf %add3A_361 : vector<1000x64xbf16> to vector<1000x64xf32>
    %slice3A_363 = vector.extract_strided_slice %mul3A_358 {offsets = [0, 128], sizes = [1000, 64], strides = [1, 1]} : vector<1000x1024xbf16> to vector<1000x64xbf16>
    %slice3A_364 = vector.extract_strided_slice %mul3A_358 {offsets = [0, 192], sizes = [1000, 64], strides = [1, 1]} : vector<1000x1024xbf16> to vector<1000x64xbf16>
    %add3A_365 = arith.addf %slice3A_363, %slice3A_364 : vector<1000x64xbf16>
    %convert_element_type3A_366 = arith.extf %add3A_365 : vector<1000x64xbf16> to vector<1000x64xf32>
    %add3A_367 = arith.addf %convert_element_type3A_362, %convert_element_type3A_366 : vector<1000x64xf32>
    %slice3A_368 = vector.extract_strided_slice %mul3A_358 {offsets = [0, 256], sizes = [1000, 64], strides = [1, 1]} : vector<1000x1024xbf16> to vector<1000x64xbf16>
    %slice3A_369 = vector.extract_strided_slice %mul3A_358 {offsets = [0, 320], sizes = [1000, 64], strides = [1, 1]} : vector<1000x1024xbf16> to vector<1000x64xbf16>
    %add3A_370 = arith.addf %slice3A_368, %slice3A_369 : vector<1000x64xbf16>
    %convert_element_type3A_371 = arith.extf %add3A_370 : vector<1000x64xbf16> to vector<1000x64xf32>
    %add3A_372 = arith.addf %add3A_367, %convert_element_type3A_371 : vector<1000x64xf32>
    %slice3A_373 = vector.extract_strided_slice %mul3A_358 {offsets = [0, 384], sizes = [1000, 64], strides = [1, 1]} : vector<1000x1024xbf16> to vector<1000x64xbf16>
    %slice3A_374 = vector.extract_strided_slice %mul3A_358 {offsets = [0, 448], sizes = [1000, 64], strides = [1, 1]} : vector<1000x1024xbf16> to vector<1000x64xbf16>
    %add3A_375 = arith.addf %slice3A_373, %slice3A_374 : vector<1000x64xbf16>
    %convert_element_type3A_376 = arith.extf %add3A_375 : vector<1000x64xbf16> to vector<1000x64xf32>
    %add3A_377 = arith.addf %add3A_372, %convert_element_type3A_376 : vector<1000x64xf32>
    %slice3A_378 = vector.extract_strided_slice %mul3A_358 {offsets = [0, 512], sizes = [1000, 64], strides = [1, 1]} : vector<1000x1024xbf16> to vector<1000x64xbf16>
    %slice3A_379 = vector.extract_strided_slice %mul3A_358 {offsets = [0, 576], sizes = [1000, 64], strides = [1, 1]} : vector<1000x1024xbf16> to vector<1000x64xbf16>
    %add3A_380 = arith.addf %slice3A_378, %slice3A_379 : vector<1000x64xbf16>
    %convert_element_type3A_381 = arith.extf %add3A_380 : vector<1000x64xbf16> to vector<1000x64xf32>
    %add3A_382 = arith.addf %add3A_377, %convert_element_type3A_381 : vector<1000x64xf32>
    %slice3A_383 = vector.extract_strided_slice %mul3A_358 {offsets = [0, 640], sizes = [1000, 64], strides = [1, 1]} : vector<1000x1024xbf16> to vector<1000x64xbf16>
    %slice3A_384 = vector.extract_strided_slice %mul3A_358 {offsets = [0, 704], sizes = [1000, 64], strides = [1, 1]} : vector<1000x1024xbf16> to vector<1000x64xbf16>
    %add3A_385 = arith.addf %slice3A_383, %slice3A_384 : vector<1000x64xbf16>
    %convert_element_type3A_386 = arith.extf %add3A_385 : vector<1000x64xbf16> to vector<1000x64xf32>
    %add3A_387 = arith.addf %add3A_382, %convert_element_type3A_386 : vector<1000x64xf32>
    %slice3A_388 = vector.extract_strided_slice %mul3A_358 {offsets = [0, 768], sizes = [1000, 64], strides = [1, 1]} : vector<1000x1024xbf16> to vector<1000x64xbf16>
    %slice3A_389 = vector.extract_strided_slice %mul3A_358 {offsets = [0, 832], sizes = [1000, 64], strides = [1, 1]} : vector<1000x1024xbf16> to vector<1000x64xbf16>
    %add3A_390 = arith.addf %slice3A_388, %slice3A_389 : vector<1000x64xbf16>
    %convert_element_type3A_391 = arith.extf %add3A_390 : vector<1000x64xbf16> to vector<1000x64xf32>
    %add3A_392 = arith.addf %add3A_387, %convert_element_type3A_391 : vector<1000x64xf32>
    %slice3A_393 = vector.extract_strided_slice %mul3A_358 {offsets = [0, 896], sizes = [1000, 64], strides = [1, 1]} : vector<1000x1024xbf16> to vector<1000x64xbf16>
    %slice3A_394 = vector.extract_strided_slice %mul3A_358 {offsets = [0, 960], sizes = [1000, 64], strides = [1, 1]} : vector<1000x1024xbf16> to vector<1000x64xbf16>
    %add3A_395 = arith.addf %slice3A_393, %slice3A_394 : vector<1000x64xbf16>
    %convert_element_type3A_396 = arith.extf %add3A_395 : vector<1000x64xbf16> to vector<1000x64xf32>
    %add3A_397 = arith.addf %add3A_392, %convert_element_type3A_396 : vector<1000x64xf32>
    %add3A_398 = arith.addf %add3A_397, %get3A_102 : vector<1000x64xf32>
    %mul3A_399 = arith.mulf %add3A_398, %add3A_398 : vector<1000x64xf32>
    %dot_general3A_400 = arith.constant dense<0.000000e+00> : vector<1000x4xf32>
    %dot_general3A_401 = tpu.matmul %mul3A_399, %get3A_10, %dot_general3A_400 {dimension_numbers = #tpu.dot_dimension_numbers<[1], [0], [0], [1], [0, 0, 1, 1], [], []>, transpose_lhs_hint = false} : vector<1000x64xf32>, vector<64x4xf32>, vector<1000x4xf32> -> vector<1000x4xf32>
    %sqrt3A_402 = math.sqrt %dot_general3A_401 : vector<1000x4xf32>
    %max3A_403 = arith.constant 9.99999996E-13 : f32
    %max3A_404 = vector.broadcast %max3A_403 : f32 to vector<1000x4xf32>
    %max3A_405 = arith.maximumf %sqrt3A_402, %max3A_404 : vector<1000x4xf32>
    %div3A_406 = arith.constant 1.000000e+00 : f32
    %div3A_407 = vector.broadcast %div3A_406 : f32 to vector<1000x4xf32>
    %div3A_408 = arith.divf %div3A_407, %max3A_405 : vector<1000x4xf32>
    %dot_general3A_409 = arith.constant dense<0.000000e+00> : vector<1000x64xf32>
    %dot_general3A_410 = tpu.matmul %div3A_408, %get3A_13, %dot_general3A_409 {dimension_numbers = #tpu.dot_dimension_numbers<[1], [0], [0], [1], [0, 0, 1, 1], [], []>, transpose_lhs_hint = false} : vector<1000x4xf32>, vector<4x64xf32>, vector<1000x64xf32> -> vector<1000x64xf32>
    %mul3A_411 = arith.mulf %add3A_398, %dot_general3A_410 : vector<1000x64xf32>
    %concatenate3A_412 = tpu.concatenate %mul3A_344, %mul3A_344, %mul3A_344, %mul3A_344, %mul3A_344, %mul3A_344, %mul3A_344, %mul3A_344, %mul3A_344, %mul3A_344, %mul3A_344, %mul3A_344, %mul3A_344, %mul3A_344, %mul3A_344, %mul3A_344 in 1 : vector<1000x64xf32>, vector<1000x64xf32>, vector<1000x64xf32>, vector<1000x64xf32>, vector<1000x64xf32>, vector<1000x64xf32>, vector<1000x64xf32>, vector<1000x64xf32>, vector<1000x64xf32>, vector<1000x64xf32>, vector<1000x64xf32>, vector<1000x64xf32>, vector<1000x64xf32>, vector<1000x64xf32>, vector<1000x64xf32>, vector<1000x64xf32> -> vector<1000x1024xf32>
    %convert_element_type3A_413 = arith.truncf %concatenate3A_412 : vector<1000x1024xf32> to vector<1000x1024xbf16>
    %mul3A_414 = arith.mulf %concatenate3A_99, %convert_element_type3A_413 : vector<1000x1024xbf16>
    %dot_general3A_415 = arith.constant dense<0.000000e+00> : vector<1000x64xf32>
    %dot_general3A_416 = tpu.matmul %mul3A_414, %get3A_1, %dot_general3A_415 {dimension_numbers = #tpu.dot_dimension_numbers<[1], [0], [0], [1], [0, 0, 1, 1], [], []>, transpose_lhs_hint = false} : vector<1000x1024xbf16>, vector<1024x64xbf16>, vector<1000x64xf32> -> vector<1000x64xf32>
    %exp3A_417 = math.exp %dot_general3A_416 : vector<1000x64xf32>
    %dot_general3A_418 = arith.constant dense<0.000000e+00> : vector<1000x64xf32>
    %dot_general3A_419 = tpu.matmul %exp3A_417, %get3A_7, %dot_general3A_418 {dimension_numbers = #tpu.dot_dimension_numbers<[1], [0], [0], [1], [0, 0, 1, 1], [], []>, transpose_lhs_hint = false} : vector<1000x64xf32>, vector<64x64xf32>, vector<1000x64xf32> -> vector<1000x64xf32>
    %div3A_420 = arith.divf %exp3A_417, %dot_general3A_419 : vector<1000x64xf32>
    %convert_element_type3A_421 = arith.truncf %div3A_420 : vector<1000x64xf32> to vector<1000x64xbf16>
    %dot_general3A_422 = arith.constant dense<0.000000e+00> : vector<1000x1024xf32>
    %dot_general3A_423 = tpu.matmul %convert_element_type3A_421, %get3A_4, %dot_general3A_422 {dimension_numbers = #tpu.dot_dimension_numbers<[1], [0], [0], [1], [0, 0, 1, 1], [], []>, transpose_lhs_hint = false} : vector<1000x64xbf16>, vector<64x1024xbf16>, vector<1000x1024xf32> -> vector<1000x1024xf32>
    %convert_element_type3A_424 = arith.truncf %dot_general3A_423 : vector<1000x1024xf32> to vector<1000x1024xbf16>
    %mul3A_425 = arith.mulf %concatenate3A_99, %convert_element_type3A_424 : vector<1000x1024xbf16>
    %slice3A_426 = vector.extract_strided_slice %mul3A_425 {offsets = [0, 0], sizes = [1000, 64], strides = [1, 1]} : vector<1000x1024xbf16> to vector<1000x64xbf16>
    %slice3A_427 = vector.extract_strided_slice %mul3A_425 {offsets = [0, 64], sizes = [1000, 64], strides = [1, 1]} : vector<1000x1024xbf16> to vector<1000x64xbf16>
    %add3A_428 = arith.addf %slice3A_426, %slice3A_427 : vector<1000x64xbf16>
    %convert_element_type3A_429 = arith.extf %add3A_428 : vector<1000x64xbf16> to vector<1000x64xf32>
    %slice3A_430 = vector.extract_strided_slice %mul3A_425 {offsets = [0, 128], sizes = [1000, 64], strides = [1, 1]} : vector<1000x1024xbf16> to vector<1000x64xbf16>
    %slice3A_431 = vector.extract_strided_slice %mul3A_425 {offsets = [0, 192], sizes = [1000, 64], strides = [1, 1]} : vector<1000x1024xbf16> to vector<1000x64xbf16>
    %add3A_432 = arith.addf %slice3A_430, %slice3A_431 : vector<1000x64xbf16>
    %convert_element_type3A_433 = arith.extf %add3A_432 : vector<1000x64xbf16> to vector<1000x64xf32>
    %add3A_434 = arith.addf %convert_element_type3A_429, %convert_element_type3A_433 : vector<1000x64xf32>
    %slice3A_435 = vector.extract_strided_slice %mul3A_425 {offsets = [0, 256], sizes = [1000, 64], strides = [1, 1]} : vector<1000x1024xbf16> to vector<1000x64xbf16>
    %slice3A_436 = vector.extract_strided_slice %mul3A_425 {offsets = [0, 320], sizes = [1000, 64], strides = [1, 1]} : vector<1000x1024xbf16> to vector<1000x64xbf16>
    %add3A_437 = arith.addf %slice3A_435, %slice3A_436 : vector<1000x64xbf16>
    %convert_element_type3A_438 = arith.extf %add3A_437 : vector<1000x64xbf16> to vector<1000x64xf32>
    %add3A_439 = arith.addf %add3A_434, %convert_element_type3A_438 : vector<1000x64xf32>
    %slice3A_440 = vector.extract_strided_slice %mul3A_425 {offsets = [0, 384], sizes = [1000, 64], strides = [1, 1]} : vector<1000x1024xbf16> to vector<1000x64xbf16>
    %slice3A_441 = vector.extract_strided_slice %mul3A_425 {offsets = [0, 448], sizes = [1000, 64], strides = [1, 1]} : vector<1000x1024xbf16> to vector<1000x64xbf16>
    %add3A_442 = arith.addf %slice3A_440, %slice3A_441 : vector<1000x64xbf16>
    %convert_element_type3A_443 = arith.extf %add3A_442 : vector<1000x64xbf16> to vector<1000x64xf32>
    %add3A_444 = arith.addf %add3A_439, %convert_element_type3A_443 : vector<1000x64xf32>
    %slice3A_445 = vector.extract_strided_slice %mul3A_425 {offsets = [0, 512], sizes = [1000, 64], strides = [1, 1]} : vector<1000x1024xbf16> to vector<1000x64xbf16>
    %slice3A_446 = vector.extract_strided_slice %mul3A_425 {offsets = [0, 576], sizes = [1000, 64], strides = [1, 1]} : vector<1000x1024xbf16> to vector<1000x64xbf16>
    %add3A_447 = arith.addf %slice3A_445, %slice3A_446 : vector<1000x64xbf16>
    %convert_element_type3A_448 = arith.extf %add3A_447 : vector<1000x64xbf16> to vector<1000x64xf32>
    %add3A_449 = arith.addf %add3A_444, %convert_element_type3A_448 : vector<1000x64xf32>
    %slice3A_450 = vector.extract_strided_slice %mul3A_425 {offsets = [0, 640], sizes = [1000, 64], strides = [1, 1]} : vector<1000x1024xbf16> to vector<1000x64xbf16>
    %slice3A_451 = vector.extract_strided_slice %mul3A_425 {offsets = [0, 704], sizes = [1000, 64], strides = [1, 1]} : vector<1000x1024xbf16> to vector<1000x64xbf16>
    %add3A_452 = arith.addf %slice3A_450, %slice3A_451 : vector<1000x64xbf16>
    %convert_element_type3A_453 = arith.extf %add3A_452 : vector<1000x64xbf16> to vector<1000x64xf32>
    %add3A_454 = arith.addf %add3A_449, %convert_element_type3A_453 : vector<1000x64xf32>
    %slice3A_455 = vector.extract_strided_slice %mul3A_425 {offsets = [0, 768], sizes = [1000, 64], strides = [1, 1]} : vector<1000x1024xbf16> to vector<1000x64xbf16>
    %slice3A_456 = vector.extract_strided_slice %mul3A_425 {offsets = [0, 832], sizes = [1000, 64], strides = [1, 1]} : vector<1000x1024xbf16> to vector<1000x64xbf16>
    %add3A_457 = arith.addf %slice3A_455, %slice3A_456 : vector<1000x64xbf16>
    %convert_element_type3A_458 = arith.extf %add3A_457 : vector<1000x64xbf16> to vector<1000x64xf32>
    %add3A_459 = arith.addf %add3A_454, %convert_element_type3A_458 : vector<1000x64xf32>
    %slice3A_460 = vector.extract_strided_slice %mul3A_425 {offsets = [0, 896], sizes = [1000, 64], strides = [1, 1]} : vector<1000x1024xbf16> to vector<1000x64xbf16>
    %slice3A_461 = vector.extract_strided_slice %mul3A_425 {offsets = [0, 960], sizes = [1000, 64], strides = [1, 1]} : vector<1000x1024xbf16> to vector<1000x64xbf16>
    %add3A_462 = arith.addf %slice3A_460, %slice3A_461 : vector<1000x64xbf16>
    %convert_element_type3A_463 = arith.extf %add3A_462 : vector<1000x64xbf16> to vector<1000x64xf32>
    %add3A_464 = arith.addf %add3A_459, %convert_element_type3A_463 : vector<1000x64xf32>
    %add3A_465 = arith.addf %add3A_464, %get3A_105 : vector<1000x64xf32>
    %mul3A_466 = arith.mulf %add3A_465, %add3A_465 : vector<1000x64xf32>
    %dot_general3A_467 = arith.constant dense<0.000000e+00> : vector<1000x4xf32>
    %dot_general3A_468 = tpu.matmul %mul3A_466, %get3A_10, %dot_general3A_467 {dimension_numbers = #tpu.dot_dimension_numbers<[1], [0], [0], [1], [0, 0, 1, 1], [], []>, transpose_lhs_hint = false} : vector<1000x64xf32>, vector<64x4xf32>, vector<1000x4xf32> -> vector<1000x4xf32>
    %sqrt3A_469 = math.sqrt %dot_general3A_468 : vector<1000x4xf32>
    %max3A_470 = arith.constant 9.99999996E-13 : f32
    %max3A_471 = vector.broadcast %max3A_470 : f32 to vector<1000x4xf32>
    %max3A_472 = arith.maximumf %sqrt3A_469, %max3A_471 : vector<1000x4xf32>
    %div3A_473 = arith.constant 1.000000e+00 : f32
    %div3A_474 = vector.broadcast %div3A_473 : f32 to vector<1000x4xf32>
    %div3A_475 = arith.divf %div3A_474, %max3A_472 : vector<1000x4xf32>
    %dot_general3A_476 = arith.constant dense<0.000000e+00> : vector<1000x64xf32>
    %dot_general3A_477 = tpu.matmul %div3A_475, %get3A_13, %dot_general3A_476 {dimension_numbers = #tpu.dot_dimension_numbers<[1], [0], [0], [1], [0, 0, 1, 1], [], []>, transpose_lhs_hint = false} : vector<1000x4xf32>, vector<4x64xf32>, vector<1000x64xf32> -> vector<1000x64xf32>
    %mul3A_478 = arith.mulf %add3A_465, %dot_general3A_477 : vector<1000x64xf32>
    %concatenate3A_479 = tpu.concatenate %mul3A_411, %mul3A_411, %mul3A_411, %mul3A_411, %mul3A_411, %mul3A_411, %mul3A_411, %mul3A_411, %mul3A_411, %mul3A_411, %mul3A_411, %mul3A_411, %mul3A_411, %mul3A_411, %mul3A_411, %mul3A_411 in 1 : vector<1000x64xf32>, vector<1000x64xf32>, vector<1000x64xf32>, vector<1000x64xf32>, vector<1000x64xf32>, vector<1000x64xf32>, vector<1000x64xf32>, vector<1000x64xf32>, vector<1000x64xf32>, vector<1000x64xf32>, vector<1000x64xf32>, vector<1000x64xf32>, vector<1000x64xf32>, vector<1000x64xf32>, vector<1000x64xf32>, vector<1000x64xf32> -> vector<1000x1024xf32>
    %convert_element_type3A_480 = arith.truncf %concatenate3A_479 : vector<1000x1024xf32> to vector<1000x1024xbf16>
    %mul3A_481 = arith.mulf %concatenate3A, %convert_element_type3A_480 : vector<1000x1024xbf16>
    %dot_general3A_482 = arith.constant dense<0.000000e+00> : vector<1000x64xf32>
    %dot_general3A_483 = tpu.matmul %mul3A_481, %get3A_1, %dot_general3A_482 {dimension_numbers = #tpu.dot_dimension_numbers<[1], [0], [0], [1], [0, 0, 1, 1], [], []>, transpose_lhs_hint = false} : vector<1000x1024xbf16>, vector<1024x64xbf16>, vector<1000x64xf32> -> vector<1000x64xf32>
    %exp3A_484 = math.exp %dot_general3A_483 : vector<1000x64xf32>
    %dot_general3A_485 = arith.constant dense<0.000000e+00> : vector<1000x64xf32>
    %dot_general3A_486 = tpu.matmul %exp3A_484, %get3A_7, %dot_general3A_485 {dimension_numbers = #tpu.dot_dimension_numbers<[1], [0], [0], [1], [0, 0, 1, 1], [], []>, transpose_lhs_hint = false} : vector<1000x64xf32>, vector<64x64xf32>, vector<1000x64xf32> -> vector<1000x64xf32>
    %div3A_487 = arith.divf %exp3A_484, %dot_general3A_486 : vector<1000x64xf32>
    %convert_element_type3A_488 = arith.truncf %div3A_487 : vector<1000x64xf32> to vector<1000x64xbf16>
    %dot_general3A_489 = arith.constant dense<0.000000e+00> : vector<1000x1024xf32>
    %dot_general3A_490 = tpu.matmul %convert_element_type3A_488, %get3A_4, %dot_general3A_489 {dimension_numbers = #tpu.dot_dimension_numbers<[1], [0], [0], [1], [0, 0, 1, 1], [], []>, transpose_lhs_hint = false} : vector<1000x64xbf16>, vector<64x1024xbf16>, vector<1000x1024xf32> -> vector<1000x1024xf32>
    %convert_element_type3A_491 = arith.truncf %dot_general3A_490 : vector<1000x1024xf32> to vector<1000x1024xbf16>
    %mul3A_492 = arith.mulf %concatenate3A, %convert_element_type3A_491 : vector<1000x1024xbf16>
    %slice3A_493 = vector.extract_strided_slice %mul3A_492 {offsets = [0, 0], sizes = [1000, 64], strides = [1, 1]} : vector<1000x1024xbf16> to vector<1000x64xbf16>
    %slice3A_494 = vector.extract_strided_slice %mul3A_492 {offsets = [0, 64], sizes = [1000, 64], strides = [1, 1]} : vector<1000x1024xbf16> to vector<1000x64xbf16>
    %add3A_495 = arith.addf %slice3A_493, %slice3A_494 : vector<1000x64xbf16>
    %convert_element_type3A_496 = arith.extf %add3A_495 : vector<1000x64xbf16> to vector<1000x64xf32>
    %slice3A_497 = vector.extract_strided_slice %mul3A_492 {offsets = [0, 128], sizes = [1000, 64], strides = [1, 1]} : vector<1000x1024xbf16> to vector<1000x64xbf16>
    %slice3A_498 = vector.extract_strided_slice %mul3A_492 {offsets = [0, 192], sizes = [1000, 64], strides = [1, 1]} : vector<1000x1024xbf16> to vector<1000x64xbf16>
    %add3A_499 = arith.addf %slice3A_497, %slice3A_498 : vector<1000x64xbf16>
    %convert_element_type3A_500 = arith.extf %add3A_499 : vector<1000x64xbf16> to vector<1000x64xf32>
    %add3A_501 = arith.addf %convert_element_type3A_496, %convert_element_type3A_500 : vector<1000x64xf32>
    %slice3A_502 = vector.extract_strided_slice %mul3A_492 {offsets = [0, 256], sizes = [1000, 64], strides = [1, 1]} : vector<1000x1024xbf16> to vector<1000x64xbf16>
    %slice3A_503 = vector.extract_strided_slice %mul3A_492 {offsets = [0, 320], sizes = [1000, 64], strides = [1, 1]} : vector<1000x1024xbf16> to vector<1000x64xbf16>
    %add3A_504 = arith.addf %slice3A_502, %slice3A_503 : vector<1000x64xbf16>
    %convert_element_type3A_505 = arith.extf %add3A_504 : vector<1000x64xbf16> to vector<1000x64xf32>
    %add3A_506 = arith.addf %add3A_501, %convert_element_type3A_505 : vector<1000x64xf32>
    %slice3A_507 = vector.extract_strided_slice %mul3A_492 {offsets = [0, 384], sizes = [1000, 64], strides = [1, 1]} : vector<1000x1024xbf16> to vector<1000x64xbf16>
    %slice3A_508 = vector.extract_strided_slice %mul3A_492 {offsets = [0, 448], sizes = [1000, 64], strides = [1, 1]} : vector<1000x1024xbf16> to vector<1000x64xbf16>
    %add3A_509 = arith.addf %slice3A_507, %slice3A_508 : vector<1000x64xbf16>
    %convert_element_type3A_510 = arith.extf %add3A_509 : vector<1000x64xbf16> to vector<1000x64xf32>
    %add3A_511 = arith.addf %add3A_506, %convert_element_type3A_510 : vector<1000x64xf32>
    %slice3A_512 = vector.extract_strided_slice %mul3A_492 {offsets = [0, 512], sizes = [1000, 64], strides = [1, 1]} : vector<1000x1024xbf16> to vector<1000x64xbf16>
    %slice3A_513 = vector.extract_strided_slice %mul3A_492 {offsets = [0, 576], sizes = [1000, 64], strides = [1, 1]} : vector<1000x1024xbf16> to vector<1000x64xbf16>
    %add3A_514 = arith.addf %slice3A_512, %slice3A_513 : vector<1000x64xbf16>
    %convert_element_type3A_515 = arith.extf %add3A_514 : vector<1000x64xbf16> to vector<1000x64xf32>
    %add3A_516 = arith.addf %add3A_511, %convert_element_type3A_515 : vector<1000x64xf32>
    %slice3A_517 = vector.extract_strided_slice %mul3A_492 {offsets = [0, 640], sizes = [1000, 64], strides = [1, 1]} : vector<1000x1024xbf16> to vector<1000x64xbf16>
    %slice3A_518 = vector.extract_strided_slice %mul3A_492 {offsets = [0, 704], sizes = [1000, 64], strides = [1, 1]} : vector<1000x1024xbf16> to vector<1000x64xbf16>
    %add3A_519 = arith.addf %slice3A_517, %slice3A_518 : vector<1000x64xbf16>
    %convert_element_type3A_520 = arith.extf %add3A_519 : vector<1000x64xbf16> to vector<1000x64xf32>
    %add3A_521 = arith.addf %add3A_516, %convert_element_type3A_520 : vector<1000x64xf32>
    %slice3A_522 = vector.extract_strided_slice %mul3A_492 {offsets = [0, 768], sizes = [1000, 64], strides = [1, 1]} : vector<1000x1024xbf16> to vector<1000x64xbf16>
    %slice3A_523 = vector.extract_strided_slice %mul3A_492 {offsets = [0, 832], sizes = [1000, 64], strides = [1, 1]} : vector<1000x1024xbf16> to vector<1000x64xbf16>
    %add3A_524 = arith.addf %slice3A_522, %slice3A_523 : vector<1000x64xbf16>
    %convert_element_type3A_525 = arith.extf %add3A_524 : vector<1000x64xbf16> to vector<1000x64xf32>
    %add3A_526 = arith.addf %add3A_521, %convert_element_type3A_525 : vector<1000x64xf32>
    %slice3A_527 = vector.extract_strided_slice %mul3A_492 {offsets = [0, 896], sizes = [1000, 64], strides = [1, 1]} : vector<1000x1024xbf16> to vector<1000x64xbf16>
    %slice3A_528 = vector.extract_strided_slice %mul3A_492 {offsets = [0, 960], sizes = [1000, 64], strides = [1, 1]} : vector<1000x1024xbf16> to vector<1000x64xbf16>
    %add3A_529 = arith.addf %slice3A_527, %slice3A_528 : vector<1000x64xbf16>
    %convert_element_type3A_530 = arith.extf %add3A_529 : vector<1000x64xbf16> to vector<1000x64xf32>
    %add3A_531 = arith.addf %add3A_526, %convert_element_type3A_530 : vector<1000x64xf32>
    %add3A_532 = arith.addf %add3A_531, %get3A_102 : vector<1000x64xf32>
    %mul3A_533 = arith.mulf %add3A_532, %add3A_532 : vector<1000x64xf32>
    %dot_general3A_534 = arith.constant dense<0.000000e+00> : vector<1000x4xf32>
    %dot_general3A_535 = tpu.matmul %mul3A_533, %get3A_10, %dot_general3A_534 {dimension_numbers = #tpu.dot_dimension_numbers<[1], [0], [0], [1], [0, 0, 1, 1], [], []>, transpose_lhs_hint = false} : vector<1000x64xf32>, vector<64x4xf32>, vector<1000x4xf32> -> vector<1000x4xf32>
    %sqrt3A_536 = math.sqrt %dot_general3A_535 : vector<1000x4xf32>
    %max3A_537 = arith.constant 9.99999996E-13 : f32
    %max3A_538 = vector.broadcast %max3A_537 : f32 to vector<1000x4xf32>
    %max3A_539 = arith.maximumf %sqrt3A_536, %max3A_538 : vector<1000x4xf32>
    %div3A_540 = arith.constant 1.000000e+00 : f32
    %div3A_541 = vector.broadcast %div3A_540 : f32 to vector<1000x4xf32>
    %div3A_542 = arith.divf %div3A_541, %max3A_539 : vector<1000x4xf32>
    %dot_general3A_543 = arith.constant dense<0.000000e+00> : vector<1000x64xf32>
    %dot_general3A_544 = tpu.matmul %div3A_542, %get3A_13, %dot_general3A_543 {dimension_numbers = #tpu.dot_dimension_numbers<[1], [0], [0], [1], [0, 0, 1, 1], [], []>, transpose_lhs_hint = false} : vector<1000x4xf32>, vector<4x64xf32>, vector<1000x64xf32> -> vector<1000x64xf32>
    %mul3A_545 = arith.mulf %add3A_532, %dot_general3A_544 : vector<1000x64xf32>
    %concatenate3A_546 = tpu.concatenate %mul3A_478, %mul3A_478, %mul3A_478, %mul3A_478, %mul3A_478, %mul3A_478, %mul3A_478, %mul3A_478, %mul3A_478, %mul3A_478, %mul3A_478, %mul3A_478, %mul3A_478, %mul3A_478, %mul3A_478, %mul3A_478 in 1 : vector<1000x64xf32>, vector<1000x64xf32>, vector<1000x64xf32>, vector<1000x64xf32>, vector<1000x64xf32>, vector<1000x64xf32>, vector<1000x64xf32>, vector<1000x64xf32>, vector<1000x64xf32>, vector<1000x64xf32>, vector<1000x64xf32>, vector<1000x64xf32>, vector<1000x64xf32>, vector<1000x64xf32>, vector<1000x64xf32>, vector<1000x64xf32> -> vector<1000x1024xf32>
    %convert_element_type3A_547 = arith.truncf %concatenate3A_546 : vector<1000x1024xf32> to vector<1000x1024xbf16>
    %mul3A_548 = arith.mulf %concatenate3A_99, %convert_element_type3A_547 : vector<1000x1024xbf16>
    %dot_general3A_549 = arith.constant dense<0.000000e+00> : vector<1000x64xf32>
    %dot_general3A_550 = tpu.matmul %mul3A_548, %get3A_1, %dot_general3A_549 {dimension_numbers = #tpu.dot_dimension_numbers<[1], [0], [0], [1], [0, 0, 1, 1], [], []>, transpose_lhs_hint = false} : vector<1000x1024xbf16>, vector<1024x64xbf16>, vector<1000x64xf32> -> vector<1000x64xf32>
    %exp3A_551 = math.exp %dot_general3A_550 : vector<1000x64xf32>
    %dot_general3A_552 = arith.constant dense<0.000000e+00> : vector<1000x64xf32>
    %dot_general3A_553 = tpu.matmul %exp3A_551, %get3A_7, %dot_general3A_552 {dimension_numbers = #tpu.dot_dimension_numbers<[1], [0], [0], [1], [0, 0, 1, 1], [], []>, transpose_lhs_hint = false} : vector<1000x64xf32>, vector<64x64xf32>, vector<1000x64xf32> -> vector<1000x64xf32>
    %div3A_554 = arith.divf %exp3A_551, %dot_general3A_553 : vector<1000x64xf32>
    %convert_element_type3A_555 = arith.truncf %div3A_554 : vector<1000x64xf32> to vector<1000x64xbf16>
    %dot_general3A_556 = arith.constant dense<0.000000e+00> : vector<1000x1024xf32>
    %dot_general3A_557 = tpu.matmul %convert_element_type3A_555, %get3A_4, %dot_general3A_556 {dimension_numbers = #tpu.dot_dimension_numbers<[1], [0], [0], [1], [0, 0, 1, 1], [], []>, transpose_lhs_hint = false} : vector<1000x64xbf16>, vector<64x1024xbf16>, vector<1000x1024xf32> -> vector<1000x1024xf32>
    %convert_element_type3A_558 = arith.truncf %dot_general3A_557 : vector<1000x1024xf32> to vector<1000x1024xbf16>
    %mul3A_559 = arith.mulf %concatenate3A_99, %convert_element_type3A_558 : vector<1000x1024xbf16>
    %slice3A_560 = vector.extract_strided_slice %mul3A_559 {offsets = [0, 0], sizes = [1000, 64], strides = [1, 1]} : vector<1000x1024xbf16> to vector<1000x64xbf16>
    %slice3A_561 = vector.extract_strided_slice %mul3A_559 {offsets = [0, 64], sizes = [1000, 64], strides = [1, 1]} : vector<1000x1024xbf16> to vector<1000x64xbf16>
    %add3A_562 = arith.addf %slice3A_560, %slice3A_561 : vector<1000x64xbf16>
    %convert_element_type3A_563 = arith.extf %add3A_562 : vector<1000x64xbf16> to vector<1000x64xf32>
    %slice3A_564 = vector.extract_strided_slice %mul3A_559 {offsets = [0, 128], sizes = [1000, 64], strides = [1, 1]} : vector<1000x1024xbf16> to vector<1000x64xbf16>
    %slice3A_565 = vector.extract_strided_slice %mul3A_559 {offsets = [0, 192], sizes = [1000, 64], strides = [1, 1]} : vector<1000x1024xbf16> to vector<1000x64xbf16>
    %add3A_566 = arith.addf %slice3A_564, %slice3A_565 : vector<1000x64xbf16>
    %convert_element_type3A_567 = arith.extf %add3A_566 : vector<1000x64xbf16> to vector<1000x64xf32>
    %add3A_568 = arith.addf %convert_element_type3A_563, %convert_element_type3A_567 : vector<1000x64xf32>
    %slice3A_569 = vector.extract_strided_slice %mul3A_559 {offsets = [0, 256], sizes = [1000, 64], strides = [1, 1]} : vector<1000x1024xbf16> to vector<1000x64xbf16>
    %slice3A_570 = vector.extract_strided_slice %mul3A_559 {offsets = [0, 320], sizes = [1000, 64], strides = [1, 1]} : vector<1000x1024xbf16> to vector<1000x64xbf16>
    %add3A_571 = arith.addf %slice3A_569, %slice3A_570 : vector<1000x64xbf16>
    %convert_element_type3A_572 = arith.extf %add3A_571 : vector<1000x64xbf16> to vector<1000x64xf32>
    %add3A_573 = arith.addf %add3A_568, %convert_element_type3A_572 : vector<1000x64xf32>
    %slice3A_574 = vector.extract_strided_slice %mul3A_559 {offsets = [0, 384], sizes = [1000, 64], strides = [1, 1]} : vector<1000x1024xbf16> to vector<1000x64xbf16>
    %slice3A_575 = vector.extract_strided_slice %mul3A_559 {offsets = [0, 448], sizes = [1000, 64], strides = [1, 1]} : vector<1000x1024xbf16> to vector<1000x64xbf16>
    %add3A_576 = arith.addf %slice3A_574, %slice3A_575 : vector<1000x64xbf16>
    %convert_element_type3A_577 = arith.extf %add3A_576 : vector<1000x64xbf16> to vector<1000x64xf32>
    %add3A_578 = arith.addf %add3A_573, %convert_element_type3A_577 : vector<1000x64xf32>
    %slice3A_579 = vector.extract_strided_slice %mul3A_559 {offsets = [0, 512], sizes = [1000, 64], strides = [1, 1]} : vector<1000x1024xbf16> to vector<1000x64xbf16>
    %slice3A_580 = vector.extract_strided_slice %mul3A_559 {offsets = [0, 576], sizes = [1000, 64], strides = [1, 1]} : vector<1000x1024xbf16> to vector<1000x64xbf16>
    %add3A_581 = arith.addf %slice3A_579, %slice3A_580 : vector<1000x64xbf16>
    %convert_element_type3A_582 = arith.extf %add3A_581 : vector<1000x64xbf16> to vector<1000x64xf32>
    %add3A_583 = arith.addf %add3A_578, %convert_element_type3A_582 : vector<1000x64xf32>
    %slice3A_584 = vector.extract_strided_slice %mul3A_559 {offsets = [0, 640], sizes = [1000, 64], strides = [1, 1]} : vector<1000x1024xbf16> to vector<1000x64xbf16>
    %slice3A_585 = vector.extract_strided_slice %mul3A_559 {offsets = [0, 704], sizes = [1000, 64], strides = [1, 1]} : vector<1000x1024xbf16> to vector<1000x64xbf16>
    %add3A_586 = arith.addf %slice3A_584, %slice3A_585 : vector<1000x64xbf16>
    %convert_element_type3A_587 = arith.extf %add3A_586 : vector<1000x64xbf16> to vector<1000x64xf32>
    %add3A_588 = arith.addf %add3A_583, %convert_element_type3A_587 : vector<1000x64xf32>
    %slice3A_589 = vector.extract_strided_slice %mul3A_559 {offsets = [0, 768], sizes = [1000, 64], strides = [1, 1]} : vector<1000x1024xbf16> to vector<1000x64xbf16>
    %slice3A_590 = vector.extract_strided_slice %mul3A_559 {offsets = [0, 832], sizes = [1000, 64], strides = [1, 1]} : vector<1000x1024xbf16> to vector<1000x64xbf16>
    %add3A_591 = arith.addf %slice3A_589, %slice3A_590 : vector<1000x64xbf16>
    %convert_element_type3A_592 = arith.extf %add3A_591 : vector<1000x64xbf16> to vector<1000x64xf32>
    %add3A_593 = arith.addf %add3A_588, %convert_element_type3A_592 : vector<1000x64xf32>
    %slice3A_594 = vector.extract_strided_slice %mul3A_559 {offsets = [0, 896], sizes = [1000, 64], strides = [1, 1]} : vector<1000x1024xbf16> to vector<1000x64xbf16>
    %slice3A_595 = vector.extract_strided_slice %mul3A_559 {offsets = [0, 960], sizes = [1000, 64], strides = [1, 1]} : vector<1000x1024xbf16> to vector<1000x64xbf16>
    %add3A_596 = arith.addf %slice3A_594, %slice3A_595 : vector<1000x64xbf16>
    %convert_element_type3A_597 = arith.extf %add3A_596 : vector<1000x64xbf16> to vector<1000x64xf32>
    %add3A_598 = arith.addf %add3A_593, %convert_element_type3A_597 : vector<1000x64xf32>
    %add3A_599 = arith.addf %add3A_598, %get3A_105 : vector<1000x64xf32>
    %mul3A_600 = arith.mulf %add3A_599, %add3A_599 : vector<1000x64xf32>
    %dot_general3A_601 = arith.constant dense<0.000000e+00> : vector<1000x4xf32>
    %dot_general3A_602 = tpu.matmul %mul3A_600, %get3A_10, %dot_general3A_601 {dimension_numbers = #tpu.dot_dimension_numbers<[1], [0], [0], [1], [0, 0, 1, 1], [], []>, transpose_lhs_hint = false} : vector<1000x64xf32>, vector<64x4xf32>, vector<1000x4xf32> -> vector<1000x4xf32>
    %sqrt3A_603 = math.sqrt %dot_general3A_602 : vector<1000x4xf32>
    %max3A_604 = arith.constant 9.99999996E-13 : f32
    %max3A_605 = vector.broadcast %max3A_604 : f32 to vector<1000x4xf32>
    %max3A_606 = arith.maximumf %sqrt3A_603, %max3A_605 : vector<1000x4xf32>
    %div3A_607 = arith.constant 1.000000e+00 : f32
    %div3A_608 = vector.broadcast %div3A_607 : f32 to vector<1000x4xf32>
    %div3A_609 = arith.divf %div3A_608, %max3A_606 : vector<1000x4xf32>
    %dot_general3A_610 = arith.constant dense<0.000000e+00> : vector<1000x64xf32>
    %dot_general3A_611 = tpu.matmul %div3A_609, %get3A_13, %dot_general3A_610 {dimension_numbers = #tpu.dot_dimension_numbers<[1], [0], [0], [1], [0, 0, 1, 1], [], []>, transpose_lhs_hint = false} : vector<1000x4xf32>, vector<4x64xf32>, vector<1000x64xf32> -> vector<1000x64xf32>
    %mul3A_612 = arith.mulf %add3A_599, %dot_general3A_611 : vector<1000x64xf32>
    %concatenate3A_613 = tpu.concatenate %mul3A_545, %mul3A_545, %mul3A_545, %mul3A_545, %mul3A_545, %mul3A_545, %mul3A_545, %mul3A_545, %mul3A_545, %mul3A_545, %mul3A_545, %mul3A_545, %mul3A_545, %mul3A_545, %mul3A_545, %mul3A_545 in 1 : vector<1000x64xf32>, vector<1000x64xf32>, vector<1000x64xf32>, vector<1000x64xf32>, vector<1000x64xf32>, vector<1000x64xf32>, vector<1000x64xf32>, vector<1000x64xf32>, vector<1000x64xf32>, vector<1000x64xf32>, vector<1000x64xf32>, vector<1000x64xf32>, vector<1000x64xf32>, vector<1000x64xf32>, vector<1000x64xf32>, vector<1000x64xf32> -> vector<1000x1024xf32>
    %convert_element_type3A_614 = arith.truncf %concatenate3A_613 : vector<1000x1024xf32> to vector<1000x1024xbf16>
    %mul3A_615 = arith.mulf %concatenate3A, %convert_element_type3A_614 : vector<1000x1024xbf16>
    %dot_general3A_616 = arith.constant dense<0.000000e+00> : vector<1000x64xf32>
    %dot_general3A_617 = tpu.matmul %mul3A_615, %get3A_1, %dot_general3A_616 {dimension_numbers = #tpu.dot_dimension_numbers<[1], [0], [0], [1], [0, 0, 1, 1], [], []>, transpose_lhs_hint = false} : vector<1000x1024xbf16>, vector<1024x64xbf16>, vector<1000x64xf32> -> vector<1000x64xf32>
    %exp3A_618 = math.exp %dot_general3A_617 : vector<1000x64xf32>
    %dot_general3A_619 = arith.constant dense<0.000000e+00> : vector<1000x64xf32>
    %dot_general3A_620 = tpu.matmul %exp3A_618, %get3A_7, %dot_general3A_619 {dimension_numbers = #tpu.dot_dimension_numbers<[1], [0], [0], [1], [0, 0, 1, 1], [], []>, transpose_lhs_hint = false} : vector<1000x64xf32>, vector<64x64xf32>, vector<1000x64xf32> -> vector<1000x64xf32>
    %div3A_621 = arith.divf %exp3A_618, %dot_general3A_620 : vector<1000x64xf32>
    %convert_element_type3A_622 = arith.truncf %div3A_621 : vector<1000x64xf32> to vector<1000x64xbf16>
    %dot_general3A_623 = arith.constant dense<0.000000e+00> : vector<1000x1024xf32>
    %dot_general3A_624 = tpu.matmul %convert_element_type3A_622, %get3A_4, %dot_general3A_623 {dimension_numbers = #tpu.dot_dimension_numbers<[1], [0], [0], [1], [0, 0, 1, 1], [], []>, transpose_lhs_hint = false} : vector<1000x64xbf16>, vector<64x1024xbf16>, vector<1000x1024xf32> -> vector<1000x1024xf32>
    %convert_element_type3A_625 = arith.truncf %dot_general3A_624 : vector<1000x1024xf32> to vector<1000x1024xbf16>
    %mul3A_626 = arith.mulf %concatenate3A, %convert_element_type3A_625 : vector<1000x1024xbf16>
    %slice3A_627 = vector.extract_strided_slice %mul3A_626 {offsets = [0, 0], sizes = [1000, 64], strides = [1, 1]} : vector<1000x1024xbf16> to vector<1000x64xbf16>
    %slice3A_628 = vector.extract_strided_slice %mul3A_626 {offsets = [0, 64], sizes = [1000, 64], strides = [1, 1]} : vector<1000x1024xbf16> to vector<1000x64xbf16>
    %add3A_629 = arith.addf %slice3A_627, %slice3A_628 : vector<1000x64xbf16>
    %convert_element_type3A_630 = arith.extf %add3A_629 : vector<1000x64xbf16> to vector<1000x64xf32>
    %slice3A_631 = vector.extract_strided_slice %mul3A_626 {offsets = [0, 128], sizes = [1000, 64], strides = [1, 1]} : vector<1000x1024xbf16> to vector<1000x64xbf16>
    %slice3A_632 = vector.extract_strided_slice %mul3A_626 {offsets = [0, 192], sizes = [1000, 64], strides = [1, 1]} : vector<1000x1024xbf16> to vector<1000x64xbf16>
    %add3A_633 = arith.addf %slice3A_631, %slice3A_632 : vector<1000x64xbf16>
    %convert_element_type3A_634 = arith.extf %add3A_633 : vector<1000x64xbf16> to vector<1000x64xf32>
    %add3A_635 = arith.addf %convert_element_type3A_630, %convert_element_type3A_634 : vector<1000x64xf32>
    %slice3A_636 = vector.extract_strided_slice %mul3A_626 {offsets = [0, 256], sizes = [1000, 64], strides = [1, 1]} : vector<1000x1024xbf16> to vector<1000x64xbf16>
    %slice3A_637 = vector.extract_strided_slice %mul3A_626 {offsets = [0, 320], sizes = [1000, 64], strides = [1, 1]} : vector<1000x1024xbf16> to vector<1000x64xbf16>
    %add3A_638 = arith.addf %slice3A_636, %slice3A_637 : vector<1000x64xbf16>
    %convert_element_type3A_639 = arith.extf %add3A_638 : vector<1000x64xbf16> to vector<1000x64xf32>
    %add3A_640 = arith.addf %add3A_635, %convert_element_type3A_639 : vector<1000x64xf32>
    %slice3A_641 = vector.extract_strided_slice %mul3A_626 {offsets = [0, 384], sizes = [1000, 64], strides = [1, 1]} : vector<1000x1024xbf16> to vector<1000x64xbf16>
    %slice3A_642 = vector.extract_strided_slice %mul3A_626 {offsets = [0, 448], sizes = [1000, 64], strides = [1, 1]} : vector<1000x1024xbf16> to vector<1000x64xbf16>
    %add3A_643 = arith.addf %slice3A_641, %slice3A_642 : vector<1000x64xbf16>
    %convert_element_type3A_644 = arith.extf %add3A_643 : vector<1000x64xbf16> to vector<1000x64xf32>
    %add3A_645 = arith.addf %add3A_640, %convert_element_type3A_644 : vector<1000x64xf32>
    %slice3A_646 = vector.extract_strided_slice %mul3A_626 {offsets = [0, 512], sizes = [1000, 64], strides = [1, 1]} : vector<1000x1024xbf16> to vector<1000x64xbf16>
    %slice3A_647 = vector.extract_strided_slice %mul3A_626 {offsets = [0, 576], sizes = [1000, 64], strides = [1, 1]} : vector<1000x1024xbf16> to vector<1000x64xbf16>
    %add3A_648 = arith.addf %slice3A_646, %slice3A_647 : vector<1000x64xbf16>
    %convert_element_type3A_649 = arith.extf %add3A_648 : vector<1000x64xbf16> to vector<1000x64xf32>
    %add3A_650 = arith.addf %add3A_645, %convert_element_type3A_649 : vector<1000x64xf32>
    %slice3A_651 = vector.extract_strided_slice %mul3A_626 {offsets = [0, 640], sizes = [1000, 64], strides = [1, 1]} : vector<1000x1024xbf16> to vector<1000x64xbf16>
    %slice3A_652 = vector.extract_strided_slice %mul3A_626 {offsets = [0, 704], sizes = [1000, 64], strides = [1, 1]} : vector<1000x1024xbf16> to vector<1000x64xbf16>
    %add3A_653 = arith.addf %slice3A_651, %slice3A_652 : vector<1000x64xbf16>
    %convert_element_type3A_654 = arith.extf %add3A_653 : vector<1000x64xbf16> to vector<1000x64xf32>
    %add3A_655 = arith.addf %add3A_650, %convert_element_type3A_654 : vector<1000x64xf32>
    %slice3A_656 = vector.extract_strided_slice %mul3A_626 {offsets = [0, 768], sizes = [1000, 64], strides = [1, 1]} : vector<1000x1024xbf16> to vector<1000x64xbf16>
    %slice3A_657 = vector.extract_strided_slice %mul3A_626 {offsets = [0, 832], sizes = [1000, 64], strides = [1, 1]} : vector<1000x1024xbf16> to vector<1000x64xbf16>
    %add3A_658 = arith.addf %slice3A_656, %slice3A_657 : vector<1000x64xbf16>
    %convert_element_type3A_659 = arith.extf %add3A_658 : vector<1000x64xbf16> to vector<1000x64xf32>
    %add3A_660 = arith.addf %add3A_655, %convert_element_type3A_659 : vector<1000x64xf32>
    %slice3A_661 = vector.extract_strided_slice %mul3A_626 {offsets = [0, 896], sizes = [1000, 64], strides = [1, 1]} : vector<1000x1024xbf16> to vector<1000x64xbf16>
    %slice3A_662 = vector.extract_strided_slice %mul3A_626 {offsets = [0, 960], sizes = [1000, 64], strides = [1, 1]} : vector<1000x1024xbf16> to vector<1000x64xbf16>
    %add3A_663 = arith.addf %slice3A_661, %slice3A_662 : vector<1000x64xbf16>
    %convert_element_type3A_664 = arith.extf %add3A_663 : vector<1000x64xbf16> to vector<1000x64xf32>
    %add3A_665 = arith.addf %add3A_660, %convert_element_type3A_664 : vector<1000x64xf32>
    %add3A_666 = arith.addf %add3A_665, %get3A_102 : vector<1000x64xf32>
    %mul3A_667 = arith.mulf %add3A_666, %add3A_666 : vector<1000x64xf32>
    %dot_general3A_668 = arith.constant dense<0.000000e+00> : vector<1000x4xf32>
    %dot_general3A_669 = tpu.matmul %mul3A_667, %get3A_10, %dot_general3A_668 {dimension_numbers = #tpu.dot_dimension_numbers<[1], [0], [0], [1], [0, 0, 1, 1], [], []>, transpose_lhs_hint = false} : vector<1000x64xf32>, vector<64x4xf32>, vector<1000x4xf32> -> vector<1000x4xf32>
    %sqrt3A_670 = math.sqrt %dot_general3A_669 : vector<1000x4xf32>
    %max3A_671 = arith.constant 9.99999996E-13 : f32
    %max3A_672 = vector.broadcast %max3A_671 : f32 to vector<1000x4xf32>
    %max3A_673 = arith.maximumf %sqrt3A_670, %max3A_672 : vector<1000x4xf32>
    %div3A_674 = arith.constant 1.000000e+00 : f32
    %div3A_675 = vector.broadcast %div3A_674 : f32 to vector<1000x4xf32>
    %div3A_676 = arith.divf %div3A_675, %max3A_673 : vector<1000x4xf32>
    %dot_general3A_677 = arith.constant dense<0.000000e+00> : vector<1000x64xf32>
    %dot_general3A_678 = tpu.matmul %div3A_676, %get3A_13, %dot_general3A_677 {dimension_numbers = #tpu.dot_dimension_numbers<[1], [0], [0], [1], [0, 0, 1, 1], [], []>, transpose_lhs_hint = false} : vector<1000x4xf32>, vector<4x64xf32>, vector<1000x64xf32> -> vector<1000x64xf32>
    %mul3A_679 = arith.mulf %add3A_666, %dot_general3A_678 : vector<1000x64xf32>
    %concatenate3A_680 = tpu.concatenate %mul3A_612, %mul3A_612, %mul3A_612, %mul3A_612, %mul3A_612, %mul3A_612, %mul3A_612, %mul3A_612, %mul3A_612, %mul3A_612, %mul3A_612, %mul3A_612, %mul3A_612, %mul3A_612, %mul3A_612, %mul3A_612 in 1 : vector<1000x64xf32>, vector<1000x64xf32>, vector<1000x64xf32>, vector<1000x64xf32>, vector<1000x64xf32>, vector<1000x64xf32>, vector<1000x64xf32>, vector<1000x64xf32>, vector<1000x64xf32>, vector<1000x64xf32>, vector<1000x64xf32>, vector<1000x64xf32>, vector<1000x64xf32>, vector<1000x64xf32>, vector<1000x64xf32>, vector<1000x64xf32> -> vector<1000x1024xf32>
    %convert_element_type3A_681 = arith.truncf %concatenate3A_680 : vector<1000x1024xf32> to vector<1000x1024xbf16>
    %mul3A_682 = arith.mulf %concatenate3A_99, %convert_element_type3A_681 : vector<1000x1024xbf16>
    %dot_general3A_683 = arith.constant dense<0.000000e+00> : vector<1000x64xf32>
    %dot_general3A_684 = tpu.matmul %mul3A_682, %get3A_1, %dot_general3A_683 {dimension_numbers = #tpu.dot_dimension_numbers<[1], [0], [0], [1], [0, 0, 1, 1], [], []>, transpose_lhs_hint = false} : vector<1000x1024xbf16>, vector<1024x64xbf16>, vector<1000x64xf32> -> vector<1000x64xf32>
    %exp3A_685 = math.exp %dot_general3A_684 : vector<1000x64xf32>
    %dot_general3A_686 = arith.constant dense<0.000000e+00> : vector<1000x64xf32>
    %dot_general3A_687 = tpu.matmul %exp3A_685, %get3A_7, %dot_general3A_686 {dimension_numbers = #tpu.dot_dimension_numbers<[1], [0], [0], [1], [0, 0, 1, 1], [], []>, transpose_lhs_hint = false} : vector<1000x64xf32>, vector<64x64xf32>, vector<1000x64xf32> -> vector<1000x64xf32>
    %div3A_688 = arith.divf %exp3A_685, %dot_general3A_687 : vector<1000x64xf32>
    %convert_element_type3A_689 = arith.truncf %div3A_688 : vector<1000x64xf32> to vector<1000x64xbf16>
    %dot_general3A_690 = arith.constant dense<0.000000e+00> : vector<1000x1024xf32>
    %dot_general3A_691 = tpu.matmul %convert_element_type3A_689, %get3A_4, %dot_general3A_690 {dimension_numbers = #tpu.dot_dimension_numbers<[1], [0], [0], [1], [0, 0, 1, 1], [], []>, transpose_lhs_hint = false} : vector<1000x64xbf16>, vector<64x1024xbf16>, vector<1000x1024xf32> -> vector<1000x1024xf32>
    %convert_element_type3A_692 = arith.truncf %dot_general3A_691 : vector<1000x1024xf32> to vector<1000x1024xbf16>
    %mul3A_693 = arith.mulf %concatenate3A_99, %convert_element_type3A_692 : vector<1000x1024xbf16>
    %slice3A_694 = vector.extract_strided_slice %mul3A_693 {offsets = [0, 0], sizes = [1000, 64], strides = [1, 1]} : vector<1000x1024xbf16> to vector<1000x64xbf16>
    %slice3A_695 = vector.extract_strided_slice %mul3A_693 {offsets = [0, 64], sizes = [1000, 64], strides = [1, 1]} : vector<1000x1024xbf16> to vector<1000x64xbf16>
    %add3A_696 = arith.addf %slice3A_694, %slice3A_695 : vector<1000x64xbf16>
    %convert_element_type3A_697 = arith.extf %add3A_696 : vector<1000x64xbf16> to vector<1000x64xf32>
    %slice3A_698 = vector.extract_strided_slice %mul3A_693 {offsets = [0, 128], sizes = [1000, 64], strides = [1, 1]} : vector<1000x1024xbf16> to vector<1000x64xbf16>
    %slice3A_699 = vector.extract_strided_slice %mul3A_693 {offsets = [0, 192], sizes = [1000, 64], strides = [1, 1]} : vector<1000x1024xbf16> to vector<1000x64xbf16>
    %add3A_700 = arith.addf %slice3A_698, %slice3A_699 : vector<1000x64xbf16>
    %convert_element_type3A_701 = arith.extf %add3A_700 : vector<1000x64xbf16> to vector<1000x64xf32>
    %add3A_702 = arith.addf %convert_element_type3A_697, %convert_element_type3A_701 : vector<1000x64xf32>
    %slice3A_703 = vector.extract_strided_slice %mul3A_693 {offsets = [0, 256], sizes = [1000, 64], strides = [1, 1]} : vector<1000x1024xbf16> to vector<1000x64xbf16>
    %slice3A_704 = vector.extract_strided_slice %mul3A_693 {offsets = [0, 320], sizes = [1000, 64], strides = [1, 1]} : vector<1000x1024xbf16> to vector<1000x64xbf16>
    %add3A_705 = arith.addf %slice3A_703, %slice3A_704 : vector<1000x64xbf16>
    %convert_element_type3A_706 = arith.extf %add3A_705 : vector<1000x64xbf16> to vector<1000x64xf32>
    %add3A_707 = arith.addf %add3A_702, %convert_element_type3A_706 : vector<1000x64xf32>
    %slice3A_708 = vector.extract_strided_slice %mul3A_693 {offsets = [0, 384], sizes = [1000, 64], strides = [1, 1]} : vector<1000x1024xbf16> to vector<1000x64xbf16>
    %slice3A_709 = vector.extract_strided_slice %mul3A_693 {offsets = [0, 448], sizes = [1000, 64], strides = [1, 1]} : vector<1000x1024xbf16> to vector<1000x64xbf16>
    %add3A_710 = arith.addf %slice3A_708, %slice3A_709 : vector<1000x64xbf16>
    %convert_element_type3A_711 = arith.extf %add3A_710 : vector<1000x64xbf16> to vector<1000x64xf32>
    %add3A_712 = arith.addf %add3A_707, %convert_element_type3A_711 : vector<1000x64xf32>
    %slice3A_713 = vector.extract_strided_slice %mul3A_693 {offsets = [0, 512], sizes = [1000, 64], strides = [1, 1]} : vector<1000x1024xbf16> to vector<1000x64xbf16>
    %slice3A_714 = vector.extract_strided_slice %mul3A_693 {offsets = [0, 576], sizes = [1000, 64], strides = [1, 1]} : vector<1000x1024xbf16> to vector<1000x64xbf16>
    %add3A_715 = arith.addf %slice3A_713, %slice3A_714 : vector<1000x64xbf16>
    %convert_element_type3A_716 = arith.extf %add3A_715 : vector<1000x64xbf16> to vector<1000x64xf32>
    %add3A_717 = arith.addf %add3A_712, %convert_element_type3A_716 : vector<1000x64xf32>
    %slice3A_718 = vector.extract_strided_slice %mul3A_693 {offsets = [0, 640], sizes = [1000, 64], strides = [1, 1]} : vector<1000x1024xbf16> to vector<1000x64xbf16>
    %slice3A_719 = vector.extract_strided_slice %mul3A_693 {offsets = [0, 704], sizes = [1000, 64], strides = [1, 1]} : vector<1000x1024xbf16> to vector<1000x64xbf16>
    %add3A_720 = arith.addf %slice3A_718, %slice3A_719 : vector<1000x64xbf16>
    %convert_element_type3A_721 = arith.extf %add3A_720 : vector<1000x64xbf16> to vector<1000x64xf32>
    %add3A_722 = arith.addf %add3A_717, %convert_element_type3A_721 : vector<1000x64xf32>
    %slice3A_723 = vector.extract_strided_slice %mul3A_693 {offsets = [0, 768], sizes = [1000, 64], strides = [1, 1]} : vector<1000x1024xbf16> to vector<1000x64xbf16>
    %slice3A_724 = vector.extract_strided_slice %mul3A_693 {offsets = [0, 832], sizes = [1000, 64], strides = [1, 1]} : vector<1000x1024xbf16> to vector<1000x64xbf16>
    %add3A_725 = arith.addf %slice3A_723, %slice3A_724 : vector<1000x64xbf16>
    %convert_element_type3A_726 = arith.extf %add3A_725 : vector<1000x64xbf16> to vector<1000x64xf32>
    %add3A_727 = arith.addf %add3A_722, %convert_element_type3A_726 : vector<1000x64xf32>
    %slice3A_728 = vector.extract_strided_slice %mul3A_693 {offsets = [0, 896], sizes = [1000, 64], strides = [1, 1]} : vector<1000x1024xbf16> to vector<1000x64xbf16>
    %slice3A_729 = vector.extract_strided_slice %mul3A_693 {offsets = [0, 960], sizes = [1000, 64], strides = [1, 1]} : vector<1000x1024xbf16> to vector<1000x64xbf16>
    %add3A_730 = arith.addf %slice3A_728, %slice3A_729 : vector<1000x64xbf16>
    %convert_element_type3A_731 = arith.extf %add3A_730 : vector<1000x64xbf16> to vector<1000x64xf32>
    %add3A_732 = arith.addf %add3A_727, %convert_element_type3A_731 : vector<1000x64xf32>
    %add3A_733 = arith.addf %add3A_732, %get3A_105 : vector<1000x64xf32>
    %mul3A_734 = arith.mulf %add3A_733, %add3A_733 : vector<1000x64xf32>
    %dot_general3A_735 = arith.constant dense<0.000000e+00> : vector<1000x4xf32>
    %dot_general3A_736 = tpu.matmul %mul3A_734, %get3A_10, %dot_general3A_735 {dimension_numbers = #tpu.dot_dimension_numbers<[1], [0], [0], [1], [0, 0, 1, 1], [], []>, transpose_lhs_hint = false} : vector<1000x64xf32>, vector<64x4xf32>, vector<1000x4xf32> -> vector<1000x4xf32>
    %sqrt3A_737 = math.sqrt %dot_general3A_736 : vector<1000x4xf32>
    %max3A_738 = arith.constant 9.99999996E-13 : f32
    %max3A_739 = vector.broadcast %max3A_738 : f32 to vector<1000x4xf32>
    %max3A_740 = arith.maximumf %sqrt3A_737, %max3A_739 : vector<1000x4xf32>
    %div3A_741 = arith.constant 1.000000e+00 : f32
    %div3A_742 = vector.broadcast %div3A_741 : f32 to vector<1000x4xf32>
    %div3A_743 = arith.divf %div3A_742, %max3A_740 : vector<1000x4xf32>
    %dot_general3A_744 = arith.constant dense<0.000000e+00> : vector<1000x64xf32>
    %dot_general3A_745 = tpu.matmul %div3A_743, %get3A_13, %dot_general3A_744 {dimension_numbers = #tpu.dot_dimension_numbers<[1], [0], [0], [1], [0, 0, 1, 1], [], []>, transpose_lhs_hint = false} : vector<1000x4xf32>, vector<4x64xf32>, vector<1000x64xf32> -> vector<1000x64xf32>
    %mul3A_746 = arith.mulf %add3A_733, %dot_general3A_745 : vector<1000x64xf32>
    %concatenate3A_747 = tpu.concatenate %mul3A_679, %mul3A_679, %mul3A_679, %mul3A_679, %mul3A_679, %mul3A_679, %mul3A_679, %mul3A_679, %mul3A_679, %mul3A_679, %mul3A_679, %mul3A_679, %mul3A_679, %mul3A_679, %mul3A_679, %mul3A_679 in 1 : vector<1000x64xf32>, vector<1000x64xf32>, vector<1000x64xf32>, vector<1000x64xf32>, vector<1000x64xf32>, vector<1000x64xf32>, vector<1000x64xf32>, vector<1000x64xf32>, vector<1000x64xf32>, vector<1000x64xf32>, vector<1000x64xf32>, vector<1000x64xf32>, vector<1000x64xf32>, vector<1000x64xf32>, vector<1000x64xf32>, vector<1000x64xf32> -> vector<1000x1024xf32>
    %convert_element_type3A_748 = arith.truncf %concatenate3A_747 : vector<1000x1024xf32> to vector<1000x1024xbf16>
    %mul3A_749 = arith.mulf %concatenate3A, %convert_element_type3A_748 : vector<1000x1024xbf16>
    %dot_general3A_750 = arith.constant dense<0.000000e+00> : vector<1000x64xf32>
    %dot_general3A_751 = tpu.matmul %mul3A_749, %get3A_1, %dot_general3A_750 {dimension_numbers = #tpu.dot_dimension_numbers<[1], [0], [0], [1], [0, 0, 1, 1], [], []>, transpose_lhs_hint = false} : vector<1000x1024xbf16>, vector<1024x64xbf16>, vector<1000x64xf32> -> vector<1000x64xf32>
    %exp3A_752 = math.exp %dot_general3A_751 : vector<1000x64xf32>
    %dot_general3A_753 = arith.constant dense<0.000000e+00> : vector<1000x64xf32>
    %dot_general3A_754 = tpu.matmul %exp3A_752, %get3A_7, %dot_general3A_753 {dimension_numbers = #tpu.dot_dimension_numbers<[1], [0], [0], [1], [0, 0, 1, 1], [], []>, transpose_lhs_hint = false} : vector<1000x64xf32>, vector<64x64xf32>, vector<1000x64xf32> -> vector<1000x64xf32>
    %div3A_755 = arith.divf %exp3A_752, %dot_general3A_754 : vector<1000x64xf32>
    %convert_element_type3A_756 = arith.truncf %div3A_755 : vector<1000x64xf32> to vector<1000x64xbf16>
    %dot_general3A_757 = arith.constant dense<0.000000e+00> : vector<1000x1024xf32>
    %dot_general3A_758 = tpu.matmul %convert_element_type3A_756, %get3A_4, %dot_general3A_757 {dimension_numbers = #tpu.dot_dimension_numbers<[1], [0], [0], [1], [0, 0, 1, 1], [], []>, transpose_lhs_hint = false} : vector<1000x64xbf16>, vector<64x1024xbf16>, vector<1000x1024xf32> -> vector<1000x1024xf32>
    %convert_element_type3A_759 = arith.truncf %dot_general3A_758 : vector<1000x1024xf32> to vector<1000x1024xbf16>
    %mul3A_760 = arith.mulf %concatenate3A, %convert_element_type3A_759 : vector<1000x1024xbf16>
    %slice3A_761 = vector.extract_strided_slice %mul3A_760 {offsets = [0, 0], sizes = [1000, 64], strides = [1, 1]} : vector<1000x1024xbf16> to vector<1000x64xbf16>
    %slice3A_762 = vector.extract_strided_slice %mul3A_760 {offsets = [0, 64], sizes = [1000, 64], strides = [1, 1]} : vector<1000x1024xbf16> to vector<1000x64xbf16>
    %add3A_763 = arith.addf %slice3A_761, %slice3A_762 : vector<1000x64xbf16>
    %convert_element_type3A_764 = arith.extf %add3A_763 : vector<1000x64xbf16> to vector<1000x64xf32>
    %slice3A_765 = vector.extract_strided_slice %mul3A_760 {offsets = [0, 128], sizes = [1000, 64], strides = [1, 1]} : vector<1000x1024xbf16> to vector<1000x64xbf16>
    %slice3A_766 = vector.extract_strided_slice %mul3A_760 {offsets = [0, 192], sizes = [1000, 64], strides = [1, 1]} : vector<1000x1024xbf16> to vector<1000x64xbf16>
    %add3A_767 = arith.addf %slice3A_765, %slice3A_766 : vector<1000x64xbf16>
    %convert_element_type3A_768 = arith.extf %add3A_767 : vector<1000x64xbf16> to vector<1000x64xf32>
    %add3A_769 = arith.addf %convert_element_type3A_764, %convert_element_type3A_768 : vector<1000x64xf32>
    %slice3A_770 = vector.extract_strided_slice %mul3A_760 {offsets = [0, 256], sizes = [1000, 64], strides = [1, 1]} : vector<1000x1024xbf16> to vector<1000x64xbf16>
    %slice3A_771 = vector.extract_strided_slice %mul3A_760 {offsets = [0, 320], sizes = [1000, 64], strides = [1, 1]} : vector<1000x1024xbf16> to vector<1000x64xbf16>
    %add3A_772 = arith.addf %slice3A_770, %slice3A_771 : vector<1000x64xbf16>
    %convert_element_type3A_773 = arith.extf %add3A_772 : vector<1000x64xbf16> to vector<1000x64xf32>
    %add3A_774 = arith.addf %add3A_769, %convert_element_type3A_773 : vector<1000x64xf32>
    %slice3A_775 = vector.extract_strided_slice %mul3A_760 {offsets = [0, 384], sizes = [1000, 64], strides = [1, 1]} : vector<1000x1024xbf16> to vector<1000x64xbf16>
    %slice3A_776 = vector.extract_strided_slice %mul3A_760 {offsets = [0, 448], sizes = [1000, 64], strides = [1, 1]} : vector<1000x1024xbf16> to vector<1000x64xbf16>
    %add3A_777 = arith.addf %slice3A_775, %slice3A_776 : vector<1000x64xbf16>
    %convert_element_type3A_778 = arith.extf %add3A_777 : vector<1000x64xbf16> to vector<1000x64xf32>
    %add3A_779 = arith.addf %add3A_774, %convert_element_type3A_778 : vector<1000x64xf32>
    %slice3A_780 = vector.extract_strided_slice %mul3A_760 {offsets = [0, 512], sizes = [1000, 64], strides = [1, 1]} : vector<1000x1024xbf16> to vector<1000x64xbf16>
    %slice3A_781 = vector.extract_strided_slice %mul3A_760 {offsets = [0, 576], sizes = [1000, 64], strides = [1, 1]} : vector<1000x1024xbf16> to vector<1000x64xbf16>
    %add3A_782 = arith.addf %slice3A_780, %slice3A_781 : vector<1000x64xbf16>
    %convert_element_type3A_783 = arith.extf %add3A_782 : vector<1000x64xbf16> to vector<1000x64xf32>
    %add3A_784 = arith.addf %add3A_779, %convert_element_type3A_783 : vector<1000x64xf32>
    %slice3A_785 = vector.extract_strided_slice %mul3A_760 {offsets = [0, 640], sizes = [1000, 64], strides = [1, 1]} : vector<1000x1024xbf16> to vector<1000x64xbf16>
    %slice3A_786 = vector.extract_strided_slice %mul3A_760 {offsets = [0, 704], sizes = [1000, 64], strides = [1, 1]} : vector<1000x1024xbf16> to vector<1000x64xbf16>
    %add3A_787 = arith.addf %slice3A_785, %slice3A_786 : vector<1000x64xbf16>
    %convert_element_type3A_788 = arith.extf %add3A_787 : vector<1000x64xbf16> to vector<1000x64xf32>
    %add3A_789 = arith.addf %add3A_784, %convert_element_type3A_788 : vector<1000x64xf32>
    %slice3A_790 = vector.extract_strided_slice %mul3A_760 {offsets = [0, 768], sizes = [1000, 64], strides = [1, 1]} : vector<1000x1024xbf16> to vector<1000x64xbf16>
    %slice3A_791 = vector.extract_strided_slice %mul3A_760 {offsets = [0, 832], sizes = [1000, 64], strides = [1, 1]} : vector<1000x1024xbf16> to vector<1000x64xbf16>
    %add3A_792 = arith.addf %slice3A_790, %slice3A_791 : vector<1000x64xbf16>
    %convert_element_type3A_793 = arith.extf %add3A_792 : vector<1000x64xbf16> to vector<1000x64xf32>
    %add3A_794 = arith.addf %add3A_789, %convert_element_type3A_793 : vector<1000x64xf32>
    %slice3A_795 = vector.extract_strided_slice %mul3A_760 {offsets = [0, 896], sizes = [1000, 64], strides = [1, 1]} : vector<1000x1024xbf16> to vector<1000x64xbf16>
    %slice3A_796 = vector.extract_strided_slice %mul3A_760 {offsets = [0, 960], sizes = [1000, 64], strides = [1, 1]} : vector<1000x1024xbf16> to vector<1000x64xbf16>
    %add3A_797 = arith.addf %slice3A_795, %slice3A_796 : vector<1000x64xbf16>
    %convert_element_type3A_798 = arith.extf %add3A_797 : vector<1000x64xbf16> to vector<1000x64xf32>
    %add3A_799 = arith.addf %add3A_794, %convert_element_type3A_798 : vector<1000x64xf32>
    %add3A_800 = arith.addf %add3A_799, %get3A_102 : vector<1000x64xf32>
    %concatenate3A_801 = tpu.concatenate %mul3A_746, %mul3A_746, %mul3A_746, %mul3A_746, %mul3A_746, %mul3A_746, %mul3A_746, %mul3A_746, %mul3A_746, %mul3A_746, %mul3A_746, %mul3A_746, %mul3A_746, %mul3A_746, %mul3A_746, %mul3A_746 in 1 : vector<1000x64xf32>, vector<1000x64xf32>, vector<1000x64xf32>, vector<1000x64xf32>, vector<1000x64xf32>, vector<1000x64xf32>, vector<1000x64xf32>, vector<1000x64xf32>, vector<1000x64xf32>, vector<1000x64xf32>, vector<1000x64xf32>, vector<1000x64xf32>, vector<1000x64xf32>, vector<1000x64xf32>, vector<1000x64xf32>, vector<1000x64xf32> -> vector<1000x1024xf32>
    %convert_element_type3A_802 = arith.truncf %concatenate3A_801 : vector<1000x1024xf32> to vector<1000x1024xbf16>
    %mul3A_803 = arith.mulf %concatenate3A_99, %convert_element_type3A_802 : vector<1000x1024xbf16>
    %dot_general3A_804 = arith.constant dense<0.000000e+00> : vector<1000x64xf32>
    %dot_general3A_805 = tpu.matmul %mul3A_803, %get3A_1, %dot_general3A_804 {dimension_numbers = #tpu.dot_dimension_numbers<[1], [0], [0], [1], [0, 0, 1, 1], [], []>, transpose_lhs_hint = false} : vector<1000x1024xbf16>, vector<1024x64xbf16>, vector<1000x64xf32> -> vector<1000x64xf32>
    %exp3A_806 = math.exp %dot_general3A_805 : vector<1000x64xf32>
    %dot_general3A_807 = arith.constant dense<0.000000e+00> : vector<1000x64xf32>
    %dot_general3A_808 = tpu.matmul %exp3A_806, %get3A_7, %dot_general3A_807 {dimension_numbers = #tpu.dot_dimension_numbers<[1], [0], [0], [1], [0, 0, 1, 1], [], []>, transpose_lhs_hint = false} : vector<1000x64xf32>, vector<64x64xf32>, vector<1000x64xf32> -> vector<1000x64xf32>
    %div3A_809 = arith.divf %exp3A_806, %dot_general3A_808 : vector<1000x64xf32>
    %convert_element_type3A_810 = arith.truncf %div3A_809 : vector<1000x64xf32> to vector<1000x64xbf16>
    %dot_general3A_811 = arith.constant dense<0.000000e+00> : vector<1000x1024xf32>
    %dot_general3A_812 = tpu.matmul %convert_element_type3A_810, %get3A_4, %dot_general3A_811 {dimension_numbers = #tpu.dot_dimension_numbers<[1], [0], [0], [1], [0, 0, 1, 1], [], []>, transpose_lhs_hint = false} : vector<1000x64xbf16>, vector<64x1024xbf16>, vector<1000x1024xf32> -> vector<1000x1024xf32>
    %convert_element_type3A_813 = arith.truncf %dot_general3A_812 : vector<1000x1024xf32> to vector<1000x1024xbf16>
    %mul3A_814 = arith.mulf %concatenate3A_99, %convert_element_type3A_813 : vector<1000x1024xbf16>
    %slice3A_815 = vector.extract_strided_slice %mul3A_814 {offsets = [0, 0], sizes = [1000, 64], strides = [1, 1]} : vector<1000x1024xbf16> to vector<1000x64xbf16>
    %slice3A_816 = vector.extract_strided_slice %mul3A_814 {offsets = [0, 64], sizes = [1000, 64], strides = [1, 1]} : vector<1000x1024xbf16> to vector<1000x64xbf16>
    %add3A_817 = arith.addf %slice3A_815, %slice3A_816 : vector<1000x64xbf16>
    %convert_element_type3A_818 = arith.extf %add3A_817 : vector<1000x64xbf16> to vector<1000x64xf32>
    %slice3A_819 = vector.extract_strided_slice %mul3A_814 {offsets = [0, 128], sizes = [1000, 64], strides = [1, 1]} : vector<1000x1024xbf16> to vector<1000x64xbf16>
    %slice3A_820 = vector.extract_strided_slice %mul3A_814 {offsets = [0, 192], sizes = [1000, 64], strides = [1, 1]} : vector<1000x1024xbf16> to vector<1000x64xbf16>
    %add3A_821 = arith.addf %slice3A_819, %slice3A_820 : vector<1000x64xbf16>
    %convert_element_type3A_822 = arith.extf %add3A_821 : vector<1000x64xbf16> to vector<1000x64xf32>
    %add3A_823 = arith.addf %convert_element_type3A_818, %convert_element_type3A_822 : vector<1000x64xf32>
    %slice3A_824 = vector.extract_strided_slice %mul3A_814 {offsets = [0, 256], sizes = [1000, 64], strides = [1, 1]} : vector<1000x1024xbf16> to vector<1000x64xbf16>
    %slice3A_825 = vector.extract_strided_slice %mul3A_814 {offsets = [0, 320], sizes = [1000, 64], strides = [1, 1]} : vector<1000x1024xbf16> to vector<1000x64xbf16>
    %add3A_826 = arith.addf %slice3A_824, %slice3A_825 : vector<1000x64xbf16>
    %convert_element_type3A_827 = arith.extf %add3A_826 : vector<1000x64xbf16> to vector<1000x64xf32>
    %add3A_828 = arith.addf %add3A_823, %convert_element_type3A_827 : vector<1000x64xf32>
    %slice3A_829 = vector.extract_strided_slice %mul3A_814 {offsets = [0, 384], sizes = [1000, 64], strides = [1, 1]} : vector<1000x1024xbf16> to vector<1000x64xbf16>
    %slice3A_830 = vector.extract_strided_slice %mul3A_814 {offsets = [0, 448], sizes = [1000, 64], strides = [1, 1]} : vector<1000x1024xbf16> to vector<1000x64xbf16>
    %add3A_831 = arith.addf %slice3A_829, %slice3A_830 : vector<1000x64xbf16>
    %convert_element_type3A_832 = arith.extf %add3A_831 : vector<1000x64xbf16> to vector<1000x64xf32>
    %add3A_833 = arith.addf %add3A_828, %convert_element_type3A_832 : vector<1000x64xf32>
    %slice3A_834 = vector.extract_strided_slice %mul3A_814 {offsets = [0, 512], sizes = [1000, 64], strides = [1, 1]} : vector<1000x1024xbf16> to vector<1000x64xbf16>
    %slice3A_835 = vector.extract_strided_slice %mul3A_814 {offsets = [0, 576], sizes = [1000, 64], strides = [1, 1]} : vector<1000x1024xbf16> to vector<1000x64xbf16>
    %add3A_836 = arith.addf %slice3A_834, %slice3A_835 : vector<1000x64xbf16>
    %convert_element_type3A_837 = arith.extf %add3A_836 : vector<1000x64xbf16> to vector<1000x64xf32>
    %add3A_838 = arith.addf %add3A_833, %convert_element_type3A_837 : vector<1000x64xf32>
    %slice3A_839 = vector.extract_strided_slice %mul3A_814 {offsets = [0, 640], sizes = [1000, 64], strides = [1, 1]} : vector<1000x1024xbf16> to vector<1000x64xbf16>
    %slice3A_840 = vector.extract_strided_slice %mul3A_814 {offsets = [0, 704], sizes = [1000, 64], strides = [1, 1]} : vector<1000x1024xbf16> to vector<1000x64xbf16>
    %add3A_841 = arith.addf %slice3A_839, %slice3A_840 : vector<1000x64xbf16>
    %convert_element_type3A_842 = arith.extf %add3A_841 : vector<1000x64xbf16> to vector<1000x64xf32>
    %add3A_843 = arith.addf %add3A_838, %convert_element_type3A_842 : vector<1000x64xf32>
    %slice3A_844 = vector.extract_strided_slice %mul3A_814 {offsets = [0, 768], sizes = [1000, 64], strides = [1, 1]} : vector<1000x1024xbf16> to vector<1000x64xbf16>
    %slice3A_845 = vector.extract_strided_slice %mul3A_814 {offsets = [0, 832], sizes = [1000, 64], strides = [1, 1]} : vector<1000x1024xbf16> to vector<1000x64xbf16>
    %add3A_846 = arith.addf %slice3A_844, %slice3A_845 : vector<1000x64xbf16>
    %convert_element_type3A_847 = arith.extf %add3A_846 : vector<1000x64xbf16> to vector<1000x64xf32>
    %add3A_848 = arith.addf %add3A_843, %convert_element_type3A_847 : vector<1000x64xf32>
    %slice3A_849 = vector.extract_strided_slice %mul3A_814 {offsets = [0, 896], sizes = [1000, 64], strides = [1, 1]} : vector<1000x1024xbf16> to vector<1000x64xbf16>
    %slice3A_850 = vector.extract_strided_slice %mul3A_814 {offsets = [0, 960], sizes = [1000, 64], strides = [1, 1]} : vector<1000x1024xbf16> to vector<1000x64xbf16>
    %add3A_851 = arith.addf %slice3A_849, %slice3A_850 : vector<1000x64xbf16>
    %convert_element_type3A_852 = arith.extf %add3A_851 : vector<1000x64xbf16> to vector<1000x64xf32>
    %add3A_853 = arith.addf %add3A_848, %convert_element_type3A_852 : vector<1000x64xf32>
    %add3A_854 = arith.addf %add3A_853, %get3A_105 : vector<1000x64xf32>
    %max3A_855 = arith.constant 0.000000e+00 : f32
    %max3A_856 = vector.broadcast %max3A_855 : f32 to vector<1000x64xf32>
    %max3A_857 = arith.maximumf %add3A_800, %max3A_856 : vector<1000x64xf32>
    %mul3A_858 = arith.mulf %max3A_857, %max3A_857 : vector<1000x64xf32>
    %dot_general3A_859 = arith.constant dense<0.000000e+00> : vector<1000x4xf32>
    %dot_general3A_860 = tpu.matmul %mul3A_858, %get3A_10, %dot_general3A_859 {dimension_numbers = #tpu.dot_dimension_numbers<[1], [0], [0], [1], [0, 0, 1, 1], [], []>, transpose_lhs_hint = false} : vector<1000x64xf32>, vector<64x4xf32>, vector<1000x4xf32> -> vector<1000x4xf32>
    %sqrt3A_861 = math.sqrt %dot_general3A_860 : vector<1000x4xf32>
    %max3A_862 = arith.constant 9.99999996E-13 : f32
    %max3A_863 = vector.broadcast %max3A_862 : f32 to vector<1000x4xf32>
    %max3A_864 = arith.maximumf %sqrt3A_861, %max3A_863 : vector<1000x4xf32>
    %div3A_865 = arith.constant 1.000000e+00 : f32
    %div3A_866 = vector.broadcast %div3A_865 : f32 to vector<1000x4xf32>
    %div3A_867 = arith.divf %div3A_866, %max3A_864 : vector<1000x4xf32>
    %dot_general3A_868 = arith.constant dense<0.000000e+00> : vector<1000x64xf32>
    %dot_general3A_869 = tpu.matmul %div3A_867, %get3A_13, %dot_general3A_868 {dimension_numbers = #tpu.dot_dimension_numbers<[1], [0], [0], [1], [0, 0, 1, 1], [], []>, transpose_lhs_hint = false} : vector<1000x4xf32>, vector<4x64xf32>, vector<1000x64xf32> -> vector<1000x64xf32>
    %mul3A_870 = arith.mulf %max3A_857, %dot_general3A_869 : vector<1000x64xf32>
    %swap3A = arith.constant 0 : index
    %swap3A_871 = arith.constant 0 : index
    %swap3A_872 = vector.load %arg8[%swap3A, %swap3A_871] : memref<2000x64xf32, #tpu.memory_space<vmem>>, vector<1000x64xf32>
    tpu.vector_store %arg8[%swap3A, %swap3A_871], %mul3A_870 {strides = array<i32>} : memref<2000x64xf32, #tpu.memory_space<vmem>>, vector<1000x64xf32>,
    %convert_element_type3A_873 = arith.truncf %mul3A_870 : vector<1000x64xf32> to vector<1000x64xbf16>
    %slice3A_874 = vector.extract_strided_slice %convert_element_type3A_873 {offsets = [0, 0], sizes = [1000, 32], strides = [1, 1]} : vector<1000x64xbf16> to vector<1000x32xbf16>
    %bitcast_convert_type3A_875 = tpu.bitcast %slice3A_874 : vector<1000x32xbf16> -> vector<1000x32xi16>
    %convert_element_type3A_876 = arith.extui %bitcast_convert_type3A_875 : vector<1000x32xi16> to vector<1000x32xi32>
    %slice3A_877 = vector.extract_strided_slice %convert_element_type3A_873 {offsets = [0, 32], sizes = [1000, 32], strides = [1, 1]} : vector<1000x64xbf16> to vector<1000x32xbf16>
    %bitcast_convert_type3A_878 = tpu.bitcast %slice3A_877 : vector<1000x32xbf16> -> vector<1000x32xi16>
    %convert_element_type3A_879 = arith.extui %bitcast_convert_type3A_878 : vector<1000x32xi16> to vector<1000x32xi32>
    %shift_left3A = arith.constant 16 : i32
    %shift_left3A_880 = vector.broadcast %shift_left3A : i32 to vector<1000x32xi32>
    %shift_left3A_881 = arith.shli %convert_element_type3A_879, %shift_left3A_880 : vector<1000x32xi32>
    %or3A = arith.ori %convert_element_type3A_876, %shift_left3A_881 : vector<1000x32xi32>
    %swap3A_882 = arith.constant 0 : index
    %swap3A_883 = arith.constant 0 : index
    %swap3A_884 = vector.load %arg9[%swap3A_882, %swap3A_883] : memref<2000x32xi32, #tpu.memory_space<vmem>>, vector<1000x32xi32>
    tpu.vector_store %arg9[%swap3A_882, %swap3A_883], %or3A {strides = array<i32>} : memref<2000x32xi32, #tpu.memory_space<vmem>>, vector<1000x32xi32>,
    %max3A_885 = arith.constant 0.000000e+00 : f32
    %max3A_886 = vector.broadcast %max3A_885 : f32 to vector<1000x64xf32>
    %max3A_887 = arith.maximumf %add3A_854, %max3A_886 : vector<1000x64xf32>
    %mul3A_888 = arith.mulf %max3A_887, %max3A_887 : vector<1000x64xf32>
    %dot_general3A_889 = arith.constant dense<0.000000e+00> : vector<1000x4xf32>
    %dot_general3A_890 = tpu.matmul %mul3A_888, %get3A_10, %dot_general3A_889 {dimension_numbers = #tpu.dot_dimension_numbers<[1], [0], [0], [1], [0, 0, 1, 1], [], []>, transpose_lhs_hint = false} : vector<1000x64xf32>, vector<64x4xf32>, vector<1000x4xf32> -> vector<1000x4xf32>
    %sqrt3A_891 = math.sqrt %dot_general3A_890 : vector<1000x4xf32>
    %max3A_892 = arith.constant 9.99999996E-13 : f32
    %max3A_893 = vector.broadcast %max3A_892 : f32 to vector<1000x4xf32>
    %max3A_894 = arith.maximumf %sqrt3A_891, %max3A_893 : vector<1000x4xf32>
    %div3A_895 = arith.constant 1.000000e+00 : f32
    %div3A_896 = vector.broadcast %div3A_895 : f32 to vector<1000x4xf32>
    %div3A_897 = arith.divf %div3A_896, %max3A_894 : vector<1000x4xf32>
    %dot_general3A_898 = arith.constant dense<0.000000e+00> : vector<1000x64xf32>
    %dot_general3A_899 = tpu.matmul %div3A_897, %get3A_13, %dot_general3A_898 {dimension_numbers = #tpu.dot_dimension_numbers<[1], [0], [0], [1], [0, 0, 1, 1], [], []>, transpose_lhs_hint = false} : vector<1000x4xf32>, vector<4x64xf32>, vector<1000x64xf32> -> vector<1000x64xf32>
    %mul3A_900 = arith.mulf %max3A_887, %dot_general3A_899 : vector<1000x64xf32>
    %swap3A_901 = arith.constant 1000 : index
    %swap3A_902 = arith.constant 0 : index
    %swap3A_903 = vector.load %arg8[%swap3A_901, %swap3A_902] : memref<2000x64xf32, #tpu.memory_space<vmem>>, vector<1000x64xf32>
    tpu.vector_store %arg8[%swap3A_901, %swap3A_902], %mul3A_900 {strides = array<i32>} : memref<2000x64xf32, #tpu.memory_space<vmem>>, vector<1000x64xf32>,
    %convert_element_type3A_904 = arith.truncf %mul3A_900 : vector<1000x64xf32> to vector<1000x64xbf16>
    %slice3A_905 = vector.extract_strided_slice %convert_element_type3A_904 {offsets = [0, 0], sizes = [1000, 32], strides = [1, 1]} : vector<1000x64xbf16> to vector<1000x32xbf16>
    %bitcast_convert_type3A_906 = tpu.bitcast %slice3A_905 : vector<1000x32xbf16> -> vector<1000x32xi16>
    %convert_element_type3A_907 = arith.extui %bitcast_convert_type3A_906 : vector<1000x32xi16> to vector<1000x32xi32>
    %slice3A_908 = vector.extract_strided_slice %convert_element_type3A_904 {offsets = [0, 32], sizes = [1000, 32], strides = [1, 1]} : vector<1000x64xbf16> to vector<1000x32xbf16>
    %bitcast_convert_type3A_909 = tpu.bitcast %slice3A_908 : vector<1000x32xbf16> -> vector<1000x32xi16>
    %convert_element_type3A_910 = arith.extui %bitcast_convert_type3A_909 : vector<1000x32xi16> to vector<1000x32xi32>
    %shift_left3A_911 = arith.constant 16 : i32
    %shift_left3A_912 = vector.broadcast %shift_left3A_911 : i32 to vector<1000x32xi32>
    %shift_left3A_913 = arith.shli %convert_element_type3A_910, %shift_left3A_912 : vector<1000x32xi32>
    %or3A_914 = arith.ori %convert_element_type3A_907, %shift_left3A_913 : vector<1000x32xi32>
    %swap3A_915 = arith.constant 1000 : index
    %swap3A_916 = arith.constant 0 : index
    %swap3A_917 = vector.load %arg9[%swap3A_915, %swap3A_916] : memref<2000x32xi32, #tpu.memory_space<vmem>>, vector<1000x32xi32>
    tpu.vector_store %arg9[%swap3A_915, %swap3A_916], %or3A_914 {strides = array<i32>} : memref<2000x32xi32, #tpu.memory_space<vmem>>, vector<1000x32xi32>,
    return
  }
  func.func @transform_0(%arg0: i32) -> (i32, i32) {
    %c0_i32 = arith.constant 0 : i32
    %c0_i32_0 = arith.constant 0 : i32
    return %arg0, %c0_i32 : i32, i32
  }
  func.func @transform_1(%arg0: i32) -> (i32, i32) {
    %c0_i32 = arith.constant 0 : i32
    %c0_i32_0 = arith.constant 0 : i32
    return %arg0, %c0_i32 : i32, i32
  }
  func.func @transform_2(%arg0: i32) -> (i32, i32) {
    %c0_i32 = arith.constant 0 : i32
    %c0_i32_0 = arith.constant 0 : i32
    %c0_i32_1 = arith.constant 0 : i32
    return %c0_i32, %c0_i32_0 : i32, i32
  }
  func.func @transform_3(%arg0: i32) -> (i32, i32) {
    %c0_i32 = arith.constant 0 : i32
    %c0_i32_0 = arith.constant 0 : i32
    %c0_i32_1 = arith.constant 0 : i32
    return %c0_i32, %c0_i32_0 : i32, i32
  }
  func.func @transform_4(%arg0: i32) -> (i32, i32) {
    %c0_i32 = arith.constant 0 : i32
    %c0_i32_0 = arith.constant 0 : i32
    %c0_i32_1 = arith.constant 0 : i32
    return %c0_i32, %c0_i32_0 : i32, i32
  }
  func.func @transform_5(%arg0: i32) -> (i32, i32) {
    %c0_i32 = arith.constant 0 : i32
    %c0_i32_0 = arith.constant 0 : i32
    %c0_i32_1 = arith.constant 0 : i32
    return %c0_i32, %c0_i32_0 : i32, i32
  }
  func.func @transform_6(%arg0: i32) -> (i32, i32) {
    %c0_i32 = arith.constant 0 : i32
    %c0_i32_0 = arith.constant 0 : i32
    %c0_i32_1 = arith.constant 0 : i32
    return %c0_i32, %c0_i32_0 : i32, i32
  }
  func.func @transform_7(%arg0: i32) -> (i32, i32) {
    %c0_i32 = arith.constant 0 : i32
    %c0_i32_0 = arith.constant 0 : i32
    return %arg0, %c0_i32 : i32, i32
  }
  func.func @transform_8(%arg0: i32) -> (i32, i32) {
    %c0_i32 = arith.constant 0 : i32
    %c0_i32_0 = arith.constant 0 : i32
    return %arg0, %c0_i32 : i32, i32
  }
}

module attributes {stable_mosaic.version = 14 : i64} {
  func.func @_route_body(%arg0: i32, %arg1: memref<2000x512xi32, #tpu.memory_space<vmem>>, %arg2: memref<2000x64xf32, #tpu.memory_space<vmem>>, %arg3: memref<1024x64xbf16, #tpu.memory_space<vmem>>, %arg4: memref<64x1024xbf16, #tpu.memory_space<vmem>>, %arg5: memref<64x64xf32, #tpu.memory_space<vmem>>, %arg6: memref<64x4xf32, #tpu.memory_space<vmem>>, %arg7: memref<4x64xf32, #tpu.memory_space<vmem>>, %arg8: memref<2000x64xf32, #tpu.memory_space<vmem>>, %arg9: memref<2000x32xi32, #tpu.memory_space<vmem>>) attributes {dimension_semantics = [#tpu.dimension_semantics<arbitrary>], iteration_bounds = array<i64: 25>, scalar_prefetch = 0 : i64, scratch_operands = 0 : i64, tpu.core_type = #tpu.core_type<tc>, window_params = [{transform_indices = @transform_0, window_bounds = array<i64: 2000, 512>}, {transform_indices = @transform_1, window_bounds = array<i64: 2000, 64>}, {pipeline_mode = #tpu.pipeline_mode<synchronous>, transform_indices = @transform_2, window_bounds = array<i64: 1024, 64>}, {pipeline_mode = #tpu.pipeline_mode<synchronous>, transform_indices = @transform_3, window_bounds = array<i64: 64, 1024>}, {pipeline_mode = #tpu.pipeline_mode<synchronous>, transform_indices = @transform_4, window_bounds = array<i64: 64, 64>}, {pipeline_mode = #tpu.pipeline_mode<synchronous>, transform_indices = @transform_5, window_bounds = array<i64: 64, 4>}, {pipeline_mode = #tpu.pipeline_mode<synchronous>, transform_indices = @transform_6, window_bounds = array<i64: 4, 64>}, {transform_indices = @transform_7, window_bounds = array<i64: 2000, 64>}, {transform_indices = @transform_8, window_bounds = array<i64: 2000, 32>}]} {
    %get3A = arith.constant 0 : index
    %get3A_0 = arith.constant 0 : index
    %get3A_1 = vector.load %arg3[%get3A, %get3A_0] : memref<1024x64xbf16, #tpu.memory_space<vmem>>, vector<1024x64xbf16>
    %get3A_2 = arith.constant 0 : index
    %get3A_3 = arith.constant 0 : index
    %get3A_4 = vector.load %arg4[%get3A_2, %get3A_3] : memref<64x1024xbf16, #tpu.memory_space<vmem>>, vector<64x1024xbf16>
    %get3A_5 = arith.constant 0 : index
    %get3A_6 = arith.constant 0 : index
    %get3A_7 = vector.load %arg5[%get3A_5, %get3A_6] : memref<64x64xf32, #tpu.memory_space<vmem>>, vector<64x64xf32>
    %get3A_8 = arith.constant 0 : index
    %get3A_9 = arith.constant 0 : index
    %get3A_10 = vector.load %arg6[%get3A_8, %get3A_9] : memref<64x4xf32, #tpu.memory_space<vmem>>, vector<64x4xf32>
    %get3A_11 = arith.constant 0 : index
    %get3A_12 = arith.constant 0 : index
    %get3A_13 = vector.load %arg7[%get3A_11, %get3A_12] : memref<4x64xf32, #tpu.memory_space<vmem>>, vector<4x64xf32>
    %get3A_14 = arith.constant 0 : index
    %get3A_15 = arith.constant 0 : index
    %get3A_16 = vector.load %arg1[%get3A_14, %get3A_15] : memref<2000x512xi32, #tpu.memory_space<vmem>>, vector<1000x512xi32>
    %and3A = arith.constant 65535 : i32
    %and3A_17 = vector.broadcast %and3A : i32 to vector<1000x512xi32>
    %and3A_18 = arith.andi %get3A_16, %and3A_17 : vector<1000x512xi32>
    %convert_element_type3A = arith.trunci %and3A_18 : vector<1000x512xi32> to vector<1000x512xi16>
    %bitcast_convert_type3A = tpu.bitcast %convert_element_type3A : vector<1000x512xi16> -> vector<1000x512xbf16>
    %shift_right_logical3A = arith.constant 16 : i32
    %shift_right_logical3A_19 = vector.broadcast %shift_right_logical3A : i32 to vector<1000x512xi32>
    %shift_right_logical3A_20 = arith.shrui %get3A_16, %shift_right_logical3A_19 : vector<1000x512xi32>
    %convert_element_type3A_21 = arith.trunci %shift_right_logical3A_20 : vector<1000x512xi32> to vector<1000x512xi16>
    %bitcast_convert_type3A_22 = tpu.bitcast %convert_element_type3A_21 : vector<1000x512xi16> -> vector<1000x512xbf16>
    %slice3A = vector.extract_strided_slice %bitcast_convert_type3A {offsets = [0, 0], sizes = [1000, 32], strides = [1, 1]} : vector<1000x512xbf16> to vector<1000x32xbf16>
    %slice3A_23 = vector.extract_strided_slice %bitcast_convert_type3A_22 {offsets = [0, 0], sizes = [1000, 32], strides = [1, 1]} : vector<1000x512xbf16> to vector<1000x32xbf16>
    %slice3A_24 = vector.extract_strided_slice %bitcast_convert_type3A {offsets = [0, 32], sizes = [1000, 32], strides = [1, 1]} : vector<1000x512xbf16> to vector<1000x32xbf16>
    %slice3A_25 = vector.extract_strided_slice %bitcast_convert_type3A_22 {offsets = [0, 32], sizes = [1000, 32], strides = [1, 1]} : vector<1000x512xbf16> to vector<1000x32xbf16>
    %slice3A_26 = vector.extract_strided_slice %bitcast_convert_type3A {offsets = [0, 64], sizes = [1000, 32], strides = [1, 1]} : vector<1000x512xbf16> to vector<1000x32xbf16>
    %slice3A_27 = vector.extract_strided_slice %bitcast_convert_type3A_22 {offsets = [0, 64], sizes = [1000, 32], strides = [1, 1]} : vector<1000x512xbf16> to vector<1000x32xbf16>
    %slice3A_28 = vector.extract_strided_slice %bitcast_convert_type3A {offsets = [0, 96], sizes = [1000, 32], strides = [1, 1]} : vector<1000x512xbf16> to vector<1000x32xbf16>
    %slice3A_29 = vector.extract_strided_slice %bitcast_convert_type3A_22 {offsets = [0, 96], sizes = [1000, 32], strides = [1, 1]} : vector<1000x512xbf16> to vector<1000x32xbf16>
    %slice3A_30 = vector.extract_strided_slice %bitcast_convert_type3A {offsets = [0, 128], sizes = [1000, 32], strides = [1, 1]} : vector<1000x512xbf16> to vector<1000x32xbf16>
    %slice3A_31 = vector.extract_strided_slice %bitcast_convert_type3A_22 {offsets = [0, 128], sizes = [1000, 32], strides = [1, 1]} : vector<1000x512xbf16> to vector<1000x32xbf16>
    %slice3A_32 = vector.extract_strided_slice %bitcast_convert_type3A {offsets = [0, 160], sizes = [1000, 32], strides = [1, 1]} : vector<1000x512xbf16> to vector<1000x32xbf16>
    %slice3A_33 = vector.extract_strided_slice %bitcast_convert_type3A_22 {offsets = [0, 160], sizes = [1000, 32], strides = [1, 1]} : vector<1000x512xbf16> to vector<1000x32xbf16>
    %slice3A_34 = vector.extract_strided_slice %bitcast_convert_type3A {offsets = [0, 192], sizes = [1000, 32], strides = [1, 1]} : vector<1000x512xbf16> to vector<1000x32xbf16>
    %slice3A_35 = vector.extract_strided_slice %bitcast_convert_type3A_22 {offsets = [0, 192], sizes = [1000, 32], strides = [1, 1]} : vector<1000x512xbf16> to vector<1000x32xbf16>
    %slice3A_36 = vector.extract_strided_slice %bitcast_convert_type3A {offsets = [0, 224], sizes = [1000, 32], strides = [1, 1]} : vector<1000x512xbf16> to vector<1000x32xbf16>
    %slice3A_37 = vector.extract_strided_slice %bitcast_convert_type3A_22 {offsets = [0, 224], sizes = [1000, 32], strides = [1, 1]} : vector<1000x512xbf16> to vector<1000x32xbf16>
    %slice3A_38 = vector.extract_strided_slice %bitcast_convert_type3A {offsets = [0, 256], sizes = [1000, 32], strides = [1, 1]} : vector<1000x512xbf16> to vector<1000x32xbf16>
    %slice3A_39 = vector.extract_strided_slice %bitcast_convert_type3A_22 {offsets = [0, 256], sizes = [1000, 32], strides = [1, 1]} : vector<1000x512xbf16> to vector<1000x32xbf16>
    %slice3A_40 = vector.extract_strided_slice %bitcast_convert_type3A {offsets = [0, 288], sizes = [1000, 32], strides = [1, 1]} : vector<1000x512xbf16> to vector<1000x32xbf16>
    %slice3A_41 = vector.extract_strided_slice %bitcast_convert_type3A_22 {offsets = [0, 288], sizes = [1000, 32], strides = [1, 1]} : vector<1000x512xbf16> to vector<1000x32xbf16>
    %slice3A_42 = vector.extract_strided_slice %bitcast_convert_type3A {offsets = [0, 320], sizes = [1000, 32], strides = [1, 1]} : vector<1000x512xbf16> to vector<1000x32xbf16>
    %slice3A_43 = vector.extract_strided_slice %bitcast_convert_type3A_22 {offsets = [0, 320], sizes = [1000, 32], strides = [1, 1]} : vector<1000x512xbf16> to vector<1000x32xbf16>
    %slice3A_44 = vector.extract_strided_slice %bitcast_convert_type3A {offsets = [0, 352], sizes = [1000, 32], strides = [1, 1]} : vector<1000x512xbf16> to vector<1000x32xbf16>
    %slice3A_45 = vector.extract_strided_slice %bitcast_convert_type3A_22 {offsets = [0, 352], sizes = [1000, 32], strides = [1, 1]} : vector<1000x512xbf16> to vector<1000x32xbf16>
    %slice3A_46 = vector.extract_strided_slice %bitcast_convert_type3A {offsets = [0, 384], sizes = [1000, 32], strides = [1, 1]} : vector<1000x512xbf16> to vector<1000x32xbf16>
    %slice3A_47 = vector.extract_strided_slice %bitcast_convert_type3A_22 {offsets = [0, 384], sizes = [1000, 32], strides = [1, 1]} : vector<1000x512xbf16> to vector<1000x32xbf16>
    %slice3A_48 = vector.extract_strided_slice %bitcast_convert_type3A {offsets = [0, 416], sizes = [1000, 32], strides = [1, 1]} : vector<1000x512xbf16> to vector<1000x32xbf16>
    %slice3A_49 = vector.extract_strided_slice %bitcast_convert_type3A_22 {offsets = [0, 416], sizes = [1000, 32], strides = [1, 1]} : vector<1000x512xbf16> to vector<1000x32xbf16>
    %slice3A_50 = vector.extract_strided_slice %bitcast_convert_type3A {offsets = [0, 448], sizes = [1000, 32], strides = [1, 1]} : vector<1000x512xbf16> to vector<1000x32xbf16>
    %slice3A_51 = vector.extract_strided_slice %bitcast_convert_type3A_22 {offsets = [0, 448], sizes = [1000, 32], strides = [1, 1]} : vector<1000x512xbf16> to vector<1000x32xbf16>
    %slice3A_52 = vector.extract_strided_slice %bitcast_convert_type3A {offsets = [0, 480], sizes = [1000, 32], strides = [1, 1]} : vector<1000x512xbf16> to vector<1000x32xbf16>
    %slice3A_53 = vector.extract_strided_slice %bitcast_convert_type3A_22 {offsets = [0, 480], sizes = [1000, 32], strides = [1, 1]} : vector<1000x512xbf16> to vector<1000x32xbf16>
    %concatenate3A = tpu.concatenate %slice3A, %slice3A_23, %slice3A_24, %slice3A_25, %slice3A_26, %slice3A_27, %slice3A_28, %slice3A_29, %slice3A_30, %slice3A_31, %slice3A_32, %slice3A_33, %slice3A_34, %slice3A_35, %slice3A_36, %slice3A_37, %slice3A_38, %slice3A_39, %slice3A_40, %slice3A_41, %slice3A_42, %slice3A_43, %slice3A_44, %slice3A_45, %slice3A_46, %slice3A_47, %slice3A_48, %slice3A_49, %slice3A_50, %slice3A_51, %slice3A_52, %slice3A_53 in 1 : vector<1000x32xbf16>, vector<1000x32xbf16>, vector<1000x32xbf16>, vector<1000x32xbf16>, vector<1000x32xbf16>, vector<1000x32xbf16>, vector<1000x32xbf16>, vector<1000x32xbf16>, vector<1000x32xbf16>, vector<1000x32xbf16>, vector<1000x32xbf16>, vector<1000x32xbf16>, vector<1000x32xbf16>, vector<1000x32xbf16>, vector<1000x32xbf16>, vector<1000x32xbf16>, vector<1000x32xbf16>, vector<1000x32xbf16>, vector<1000x32xbf16>, vector<1000x32xbf16>, vector<1000x32xbf16>, vector<1000x32xbf16>, vector<1000x32xbf16>, vector<1000x32xbf16>, vector<1000x32xbf16>, vector<1000x32xbf16>, vector<1000x32xbf16>, vector<1000x32xbf16>, vector<1000x32xbf16>, vector<1000x32xbf16>, vector<1000x32xbf16>, vector<1000x32xbf16> -> vector<1000x1024xbf16>
    %get3A_54 = arith.constant 1000 : index
    %get3A_55 = arith.constant 0 : index
    %get3A_56 = vector.load %arg1[%get3A_54, %get3A_55] : memref<2000x512xi32, #tpu.memory_space<vmem>>, vector<1000x512xi32>
    %and3A_57 = arith.constant 65535 : i32
    %and3A_58 = vector.broadcast %and3A_57 : i32 to vector<1000x512xi32>
    %and3A_59 = arith.andi %get3A_56, %and3A_58 : vector<1000x512xi32>
    %convert_element_type3A_60 = arith.trunci %and3A_59 : vector<1000x512xi32> to vector<1000x512xi16>
    %bitcast_convert_type3A_61 = tpu.bitcast %convert_element_type3A_60 : vector<1000x512xi16> -> vector<1000x512xbf16>
    %shift_right_logical3A_62 = arith.constant 16 : i32
    %shift_right_logical3A_63 = vector.broadcast %shift_right_logical3A_62 : i32 to vector<1000x512xi32>
    %shift_right_logical3A_64 = arith.shrui %get3A_56, %shift_right_logical3A_63 : vector<1000x512xi32>
    %convert_element_type3A_65 = arith.trunci %shift_right_logical3A_64 : vector<1000x512xi32> to vector<1000x512xi16>
    %bitcast_convert_type3A_66 = tpu.bitcast %convert_element_type3A_65 : vector<1000x512xi16> -> vector<1000x512xbf16>
    %slice3A_67 = vector.extract_strided_slice %bitcast_convert_type3A_61 {offsets = [0, 0], sizes = [1000, 32], strides = [1, 1]} : vector<1000x512xbf16> to vector<1000x32xbf16>
    %slice3A_68 = vector.extract_strided_slice %bitcast_convert_type3A_66 {offsets = [0, 0], sizes = [1000, 32], strides = [1, 1]} : vector<1000x512xbf16> to vector<1000x32xbf16>
    %slice3A_69 = vector.extract_strided_slice %bitcast_convert_type3A_61 {offsets = [0, 32], sizes = [1000, 32], strides = [1, 1]} : vector<1000x512xbf16> to vector<1000x32xbf16>
    %slice3A_70 = vector.extract_strided_slice %bitcast_convert_type3A_66 {offsets = [0, 32], sizes = [1000, 32], strides = [1, 1]} : vector<1000x512xbf16> to vector<1000x32xbf16>
    %slice3A_71 = vector.extract_strided_slice %bitcast_convert_type3A_61 {offsets = [0, 64], sizes = [1000, 32], strides = [1, 1]} : vector<1000x512xbf16> to vector<1000x32xbf16>
    %slice3A_72 = vector.extract_strided_slice %bitcast_convert_type3A_66 {offsets = [0, 64], sizes = [1000, 32], strides = [1, 1]} : vector<1000x512xbf16> to vector<1000x32xbf16>
    %slice3A_73 = vector.extract_strided_slice %bitcast_convert_type3A_61 {offsets = [0, 96], sizes = [1000, 32], strides = [1, 1]} : vector<1000x512xbf16> to vector<1000x32xbf16>
    %slice3A_74 = vector.extract_strided_slice %bitcast_convert_type3A_66 {offsets = [0, 96], sizes = [1000, 32], strides = [1, 1]} : vector<1000x512xbf16> to vector<1000x32xbf16>
    %slice3A_75 = vector.extract_strided_slice %bitcast_convert_type3A_61 {offsets = [0, 128], sizes = [1000, 32], strides = [1, 1]} : vector<1000x512xbf16> to vector<1000x32xbf16>
    %slice3A_76 = vector.extract_strided_slice %bitcast_convert_type3A_66 {offsets = [0, 128], sizes = [1000, 32], strides = [1, 1]} : vector<1000x512xbf16> to vector<1000x32xbf16>
    %slice3A_77 = vector.extract_strided_slice %bitcast_convert_type3A_61 {offsets = [0, 160], sizes = [1000, 32], strides = [1, 1]} : vector<1000x512xbf16> to vector<1000x32xbf16>
    %slice3A_78 = vector.extract_strided_slice %bitcast_convert_type3A_66 {offsets = [0, 160], sizes = [1000, 32], strides = [1, 1]} : vector<1000x512xbf16> to vector<1000x32xbf16>
    %slice3A_79 = vector.extract_strided_slice %bitcast_convert_type3A_61 {offsets = [0, 192], sizes = [1000, 32], strides = [1, 1]} : vector<1000x512xbf16> to vector<1000x32xbf16>
    %slice3A_80 = vector.extract_strided_slice %bitcast_convert_type3A_66 {offsets = [0, 192], sizes = [1000, 32], strides = [1, 1]} : vector<1000x512xbf16> to vector<1000x32xbf16>
    %slice3A_81 = vector.extract_strided_slice %bitcast_convert_type3A_61 {offsets = [0, 224], sizes = [1000, 32], strides = [1, 1]} : vector<1000x512xbf16> to vector<1000x32xbf16>
    %slice3A_82 = vector.extract_strided_slice %bitcast_convert_type3A_66 {offsets = [0, 224], sizes = [1000, 32], strides = [1, 1]} : vector<1000x512xbf16> to vector<1000x32xbf16>
    %slice3A_83 = vector.extract_strided_slice %bitcast_convert_type3A_61 {offsets = [0, 256], sizes = [1000, 32], strides = [1, 1]} : vector<1000x512xbf16> to vector<1000x32xbf16>
    %slice3A_84 = vector.extract_strided_slice %bitcast_convert_type3A_66 {offsets = [0, 256], sizes = [1000, 32], strides = [1, 1]} : vector<1000x512xbf16> to vector<1000x32xbf16>
    %slice3A_85 = vector.extract_strided_slice %bitcast_convert_type3A_61 {offsets = [0, 288], sizes = [1000, 32], strides = [1, 1]} : vector<1000x512xbf16> to vector<1000x32xbf16>
    %slice3A_86 = vector.extract_strided_slice %bitcast_convert_type3A_66 {offsets = [0, 288], sizes = [1000, 32], strides = [1, 1]} : vector<1000x512xbf16> to vector<1000x32xbf16>
    %slice3A_87 = vector.extract_strided_slice %bitcast_convert_type3A_61 {offsets = [0, 320], sizes = [1000, 32], strides = [1, 1]} : vector<1000x512xbf16> to vector<1000x32xbf16>
    %slice3A_88 = vector.extract_strided_slice %bitcast_convert_type3A_66 {offsets = [0, 320], sizes = [1000, 32], strides = [1, 1]} : vector<1000x512xbf16> to vector<1000x32xbf16>
    %slice3A_89 = vector.extract_strided_slice %bitcast_convert_type3A_61 {offsets = [0, 352], sizes = [1000, 32], strides = [1, 1]} : vector<1000x512xbf16> to vector<1000x32xbf16>
    %slice3A_90 = vector.extract_strided_slice %bitcast_convert_type3A_66 {offsets = [0, 352], sizes = [1000, 32], strides = [1, 1]} : vector<1000x512xbf16> to vector<1000x32xbf16>
    %slice3A_91 = vector.extract_strided_slice %bitcast_convert_type3A_61 {offsets = [0, 384], sizes = [1000, 32], strides = [1, 1]} : vector<1000x512xbf16> to vector<1000x32xbf16>
    %slice3A_92 = vector.extract_strided_slice %bitcast_convert_type3A_66 {offsets = [0, 384], sizes = [1000, 32], strides = [1, 1]} : vector<1000x512xbf16> to vector<1000x32xbf16>
    %slice3A_93 = vector.extract_strided_slice %bitcast_convert_type3A_61 {offsets = [0, 416], sizes = [1000, 32], strides = [1, 1]} : vector<1000x512xbf16> to vector<1000x32xbf16>
    %slice3A_94 = vector.extract_strided_slice %bitcast_convert_type3A_66 {offsets = [0, 416], sizes = [1000, 32], strides = [1, 1]} : vector<1000x512xbf16> to vector<1000x32xbf16>
    %slice3A_95 = vector.extract_strided_slice %bitcast_convert_type3A_61 {offsets = [0, 448], sizes = [1000, 32], strides = [1, 1]} : vector<1000x512xbf16> to vector<1000x32xbf16>
    %slice3A_96 = vector.extract_strided_slice %bitcast_convert_type3A_66 {offsets = [0, 448], sizes = [1000, 32], strides = [1, 1]} : vector<1000x512xbf16> to vector<1000x32xbf16>
    %slice3A_97 = vector.extract_strided_slice %bitcast_convert_type3A_61 {offsets = [0, 480], sizes = [1000, 32], strides = [1, 1]} : vector<1000x512xbf16> to vector<1000x32xbf16>
    %slice3A_98 = vector.extract_strided_slice %bitcast_convert_type3A_66 {offsets = [0, 480], sizes = [1000, 32], strides = [1, 1]} : vector<1000x512xbf16> to vector<1000x32xbf16>
    %concatenate3A_99 = tpu.concatenate %slice3A_67, %slice3A_68, %slice3A_69, %slice3A_70, %slice3A_71, %slice3A_72, %slice3A_73, %slice3A_74, %slice3A_75, %slice3A_76, %slice3A_77, %slice3A_78, %slice3A_79, %slice3A_80, %slice3A_81, %slice3A_82, %slice3A_83, %slice3A_84, %slice3A_85, %slice3A_86, %slice3A_87, %slice3A_88, %slice3A_89, %slice3A_90, %slice3A_91, %slice3A_92, %slice3A_93, %slice3A_94, %slice3A_95, %slice3A_96, %slice3A_97, %slice3A_98 in 1 : vector<1000x32xbf16>, vector<1000x32xbf16>, vector<1000x32xbf16>, vector<1000x32xbf16>, vector<1000x32xbf16>, vector<1000x32xbf16>, vector<1000x32xbf16>, vector<1000x32xbf16>, vector<1000x32xbf16>, vector<1000x32xbf16>, vector<1000x32xbf16>, vector<1000x32xbf16>, vector<1000x32xbf16>, vector<1000x32xbf16>, vector<1000x32xbf16>, vector<1000x32xbf16>, vector<1000x32xbf16>, vector<1000x32xbf16>, vector<1000x32xbf16>, vector<1000x32xbf16>, vector<1000x32xbf16>, vector<1000x32xbf16>, vector<1000x32xbf16>, vector<1000x32xbf16>, vector<1000x32xbf16>, vector<1000x32xbf16>, vector<1000x32xbf16>, vector<1000x32xbf16>, vector<1000x32xbf16>, vector<1000x32xbf16>, vector<1000x32xbf16>, vector<1000x32xbf16> -> vector<1000x1024xbf16>
    %get3A_100 = arith.constant 0 : index
    %get3A_101 = arith.constant 0 : index
    %get3A_102 = vector.load %arg2[%get3A_100, %get3A_101] : memref<2000x64xf32, #tpu.memory_space<vmem>>, vector<1000x64xf32>
    %get3A_103 = arith.constant 1000 : index
    %get3A_104 = arith.constant 0 : index
    %get3A_105 = vector.load %arg2[%get3A_103, %get3A_104] : memref<2000x64xf32, #tpu.memory_space<vmem>>, vector<1000x64xf32>
    %slice3A_106 = vector.extract_strided_slice %concatenate3A {offsets = [0, 0], sizes = [1000, 64], strides = [1, 1]} : vector<1000x1024xbf16> to vector<1000x64xbf16>
    %slice3A_107 = vector.extract_strided_slice %concatenate3A {offsets = [0, 64], sizes = [1000, 64], strides = [1, 1]} : vector<1000x1024xbf16> to vector<1000x64xbf16>
    %add3A = arith.addf %slice3A_106, %slice3A_107 : vector<1000x64xbf16>
    %convert_element_type3A_108 = arith.extf %add3A : vector<1000x64xbf16> to vector<1000x64xf32>
    %slice3A_109 = vector.extract_strided_slice %concatenate3A {offsets = [0, 128], sizes = [1000, 64], strides = [1, 1]} : vector<1000x1024xbf16> to vector<1000x64xbf16>
    %slice3A_110 = vector.extract_strided_slice %concatenate3A {offsets = [0, 192], sizes = [1000, 64], strides = [1, 1]} : vector<1000x1024xbf16> to vector<1000x64xbf16>
    %add3A_111 = arith.addf %slice3A_109, %slice3A_110 : vector<1000x64xbf16>
    %convert_element_type3A_112 = arith.extf %add3A_111 : vector<1000x64xbf16> to vector<1000x64xf32>
    %add3A_113 = arith.addf %convert_element_type3A_108, %convert_element_type3A_112 : vector<1000x64xf32>
    %slice3A_114 = vector.extract_strided_slice %concatenate3A {offsets = [0, 256], sizes = [1000, 64], strides = [1, 1]} : vector<1000x1024xbf16> to vector<1000x64xbf16>
    %slice3A_115 = vector.extract_strided_slice %concatenate3A {offsets = [0, 320], sizes = [1000, 64], strides = [1, 1]} : vector<1000x1024xbf16> to vector<1000x64xbf16>
    %add3A_116 = arith.addf %slice3A_114, %slice3A_115 : vector<1000x64xbf16>
    %convert_element_type3A_117 = arith.extf %add3A_116 : vector<1000x64xbf16> to vector<1000x64xf32>
    %add3A_118 = arith.addf %add3A_113, %convert_element_type3A_117 : vector<1000x64xf32>
    %slice3A_119 = vector.extract_strided_slice %concatenate3A {offsets = [0, 384], sizes = [1000, 64], strides = [1, 1]} : vector<1000x1024xbf16> to vector<1000x64xbf16>
    %slice3A_120 = vector.extract_strided_slice %concatenate3A {offsets = [0, 448], sizes = [1000, 64], strides = [1, 1]} : vector<1000x1024xbf16> to vector<1000x64xbf16>
    %add3A_121 = arith.addf %slice3A_119, %slice3A_120 : vector<1000x64xbf16>
    %convert_element_type3A_122 = arith.extf %add3A_121 : vector<1000x64xbf16> to vector<1000x64xf32>
    %add3A_123 = arith.addf %add3A_118, %convert_element_type3A_122 : vector<1000x64xf32>
    %slice3A_124 = vector.extract_strided_slice %concatenate3A {offsets = [0, 512], sizes = [1000, 64], strides = [1, 1]} : vector<1000x1024xbf16> to vector<1000x64xbf16>
    %slice3A_125 = vector.extract_strided_slice %concatenate3A {offsets = [0, 576], sizes = [1000, 64], strides = [1, 1]} : vector<1000x1024xbf16> to vector<1000x64xbf16>
    %add3A_126 = arith.addf %slice3A_124, %slice3A_125 : vector<1000x64xbf16>
    %convert_element_type3A_127 = arith.extf %add3A_126 : vector<1000x64xbf16> to vector<1000x64xf32>
    %add3A_128 = arith.addf %add3A_123, %convert_element_type3A_127 : vector<1000x64xf32>
    %slice3A_129 = vector.extract_strided_slice %concatenate3A {offsets = [0, 640], sizes = [1000, 64], strides = [1, 1]} : vector<1000x1024xbf16> to vector<1000x64xbf16>
    %slice3A_130 = vector.extract_strided_slice %concatenate3A {offsets = [0, 704], sizes = [1000, 64], strides = [1, 1]} : vector<1000x1024xbf16> to vector<1000x64xbf16>
    %add3A_131 = arith.addf %slice3A_129, %slice3A_130 : vector<1000x64xbf16>
    %convert_element_type3A_132 = arith.extf %add3A_131 : vector<1000x64xbf16> to vector<1000x64xf32>
    %add3A_133 = arith.addf %add3A_128, %convert_element_type3A_132 : vector<1000x64xf32>
    %slice3A_134 = vector.extract_strided_slice %concatenate3A {offsets = [0, 768], sizes = [1000, 64], strides = [1, 1]} : vector<1000x1024xbf16> to vector<1000x64xbf16>
    %slice3A_135 = vector.extract_strided_slice %concatenate3A {offsets = [0, 832], sizes = [1000, 64], strides = [1, 1]} : vector<1000x1024xbf16> to vector<1000x64xbf16>
    %add3A_136 = arith.addf %slice3A_134, %slice3A_135 : vector<1000x64xbf16>
    %convert_element_type3A_137 = arith.extf %add3A_136 : vector<1000x64xbf16> to vector<1000x64xf32>
    %add3A_138 = arith.addf %add3A_133, %convert_element_type3A_137 : vector<1000x64xf32>
    %slice3A_139 = vector.extract_strided_slice %concatenate3A {offsets = [0, 896], sizes = [1000, 64], strides = [1, 1]} : vector<1000x1024xbf16> to vector<1000x64xbf16>
    %slice3A_140 = vector.extract_strided_slice %concatenate3A {offsets = [0, 960], sizes = [1000, 64], strides = [1, 1]} : vector<1000x1024xbf16> to vector<1000x64xbf16>
    %add3A_141 = arith.addf %slice3A_139, %slice3A_140 : vector<1000x64xbf16>
    %convert_element_type3A_142 = arith.extf %add3A_141 : vector<1000x64xbf16> to vector<1000x64xf32>
    %add3A_143 = arith.addf %add3A_138, %convert_element_type3A_142 : vector<1000x64xf32>
    %mul3A = arith.constant 2.500000e-01 : f32
    %mul3A_144 = vector.broadcast %mul3A : f32 to vector<1000x64xf32>
    %mul3A_145 = arith.mulf %mul3A_144, %add3A_143 : vector<1000x64xf32>
    %add3A_146 = arith.addf %mul3A_145, %get3A_102 : vector<1000x64xf32>
    %mul3A_147 = arith.mulf %add3A_146, %add3A_146 : vector<1000x64xf32>
    %dot_general3A = arith.constant dense<0.000000e+00> : vector<1000x4xf32>
    %dot_general3A_148 = tpu.matmul %mul3A_147, %get3A_10, %dot_general3A {dimension_numbers = #tpu.dot_dimension_numbers<[1], [0], [0], [1], [0, 0, 1, 1], [], []>, transpose_lhs_hint = false} : vector<1000x64xf32>, vector<64x4xf32>, vector<1000x4xf32> -> vector<1000x4xf32>
    %sqrt3A = math.sqrt %dot_general3A_148 : vector<1000x4xf32>
    %max3A = arith.constant 9.99999996E-13 : f32
    %max3A_149 = vector.broadcast %max3A : f32 to vector<1000x4xf32>
    %max3A_150 = arith.maximumf %sqrt3A, %max3A_149 : vector<1000x4xf32>
    %div3A = arith.constant 1.000000e+00 : f32
    %div3A_151 = vector.broadcast %div3A : f32 to vector<1000x4xf32>
    %div3A_152 = arith.divf %div3A_151, %max3A_150 : vector<1000x4xf32>
    %dot_general3A_153 = arith.constant dense<0.000000e+00> : vector<1000x64xf32>
    %dot_general3A_154 = tpu.matmul %div3A_152, %get3A_13, %dot_general3A_153 {dimension_numbers = #tpu.dot_dimension_numbers<[1], [0], [0], [1], [0, 0, 1, 1], [], []>, transpose_lhs_hint = false} : vector<1000x4xf32>, vector<4x64xf32>, vector<1000x64xf32> -> vector<1000x64xf32>
    %mul3A_155 = arith.mulf %add3A_146, %dot_general3A_154 : vector<1000x64xf32>
    %slice3A_156 = vector.extract_strided_slice %concatenate3A_99 {offsets = [0, 0], sizes = [1000, 64], strides = [1, 1]} : vector<1000x1024xbf16> to vector<1000x64xbf16>
    %slice3A_157 = vector.extract_strided_slice %concatenate3A_99 {offsets = [0, 64], sizes = [1000, 64], strides = [1, 1]} : vector<1000x1024xbf16> to vector<1000x64xbf16>
    %add3A_158 = arith.addf %slice3A_156, %slice3A_157 : vector<1000x64xbf16>
    %convert_element_type3A_159 = arith.extf %add3A_158 : vector<1000x64xbf16> to vector<1000x64xf32>
    %slice3A_160 = vector.extract_strided_slice %concatenate3A_99 {offsets = [0, 128], sizes = [1000, 64], strides = [1, 1]} : vector<1000x1024xbf16> to vector<1000x64xbf16>
    %slice3A_161 = vector.extract_strided_slice %concatenate3A_99 {offsets = [0, 192], sizes = [1000, 64], strides = [1, 1]} : vector<1000x1024xbf16> to vector<1000x64xbf16>
    %add3A_162 = arith.addf %slice3A_160, %slice3A_161 : vector<1000x64xbf16>
    %convert_element_type3A_163 = arith.extf %add3A_162 : vector<1000x64xbf16> to vector<1000x64xf32>
    %add3A_164 = arith.addf %convert_element_type3A_159, %convert_element_type3A_163 : vector<1000x64xf32>
    %slice3A_165 = vector.extract_strided_slice %concatenate3A_99 {offsets = [0, 256], sizes = [1000, 64], strides = [1, 1]} : vector<1000x1024xbf16> to vector<1000x64xbf16>
    %slice3A_166 = vector.extract_strided_slice %concatenate3A_99 {offsets = [0, 320], sizes = [1000, 64], strides = [1, 1]} : vector<1000x1024xbf16> to vector<1000x64xbf16>
    %add3A_167 = arith.addf %slice3A_165, %slice3A_166 : vector<1000x64xbf16>
    %convert_element_type3A_168 = arith.extf %add3A_167 : vector<1000x64xbf16> to vector<1000x64xf32>
    %add3A_169 = arith.addf %add3A_164, %convert_element_type3A_168 : vector<1000x64xf32>
    %slice3A_170 = vector.extract_strided_slice %concatenate3A_99 {offsets = [0, 384], sizes = [1000, 64], strides = [1, 1]} : vector<1000x1024xbf16> to vector<1000x64xbf16>
    %slice3A_171 = vector.extract_strided_slice %concatenate3A_99 {offsets = [0, 448], sizes = [1000, 64], strides = [1, 1]} : vector<1000x1024xbf16> to vector<1000x64xbf16>
    %add3A_172 = arith.addf %slice3A_170, %slice3A_171 : vector<1000x64xbf16>
    %convert_element_type3A_173 = arith.extf %add3A_172 : vector<1000x64xbf16> to vector<1000x64xf32>
    %add3A_174 = arith.addf %add3A_169, %convert_element_type3A_173 : vector<1000x64xf32>
    %slice3A_175 = vector.extract_strided_slice %concatenate3A_99 {offsets = [0, 512], sizes = [1000, 64], strides = [1, 1]} : vector<1000x1024xbf16> to vector<1000x64xbf16>
    %slice3A_176 = vector.extract_strided_slice %concatenate3A_99 {offsets = [0, 576], sizes = [1000, 64], strides = [1, 1]} : vector<1000x1024xbf16> to vector<1000x64xbf16>
    %add3A_177 = arith.addf %slice3A_175, %slice3A_176 : vector<1000x64xbf16>
    %convert_element_type3A_178 = arith.extf %add3A_177 : vector<1000x64xbf16> to vector<1000x64xf32>
    %add3A_179 = arith.addf %add3A_174, %convert_element_type3A_178 : vector<1000x64xf32>
    %slice3A_180 = vector.extract_strided_slice %concatenate3A_99 {offsets = [0, 640], sizes = [1000, 64], strides = [1, 1]} : vector<1000x1024xbf16> to vector<1000x64xbf16>
    %slice3A_181 = vector.extract_strided_slice %concatenate3A_99 {offsets = [0, 704], sizes = [1000, 64], strides = [1, 1]} : vector<1000x1024xbf16> to vector<1000x64xbf16>
    %add3A_182 = arith.addf %slice3A_180, %slice3A_181 : vector<1000x64xbf16>
    %convert_element_type3A_183 = arith.extf %add3A_182 : vector<1000x64xbf16> to vector<1000x64xf32>
    %add3A_184 = arith.addf %add3A_179, %convert_element_type3A_183 : vector<1000x64xf32>
    %slice3A_185 = vector.extract_strided_slice %concatenate3A_99 {offsets = [0, 768], sizes = [1000, 64], strides = [1, 1]} : vector<1000x1024xbf16> to vector<1000x64xbf16>
    %slice3A_186 = vector.extract_strided_slice %concatenate3A_99 {offsets = [0, 832], sizes = [1000, 64], strides = [1, 1]} : vector<1000x1024xbf16> to vector<1000x64xbf16>
    %add3A_187 = arith.addf %slice3A_185, %slice3A_186 : vector<1000x64xbf16>
    %convert_element_type3A_188 = arith.extf %add3A_187 : vector<1000x64xbf16> to vector<1000x64xf32>
    %add3A_189 = arith.addf %add3A_184, %convert_element_type3A_188 : vector<1000x64xf32>
    %slice3A_190 = vector.extract_strided_slice %concatenate3A_99 {offsets = [0, 896], sizes = [1000, 64], strides = [1, 1]} : vector<1000x1024xbf16> to vector<1000x64xbf16>
    %slice3A_191 = vector.extract_strided_slice %concatenate3A_99 {offsets = [0, 960], sizes = [1000, 64], strides = [1, 1]} : vector<1000x1024xbf16> to vector<1000x64xbf16>
    %add3A_192 = arith.addf %slice3A_190, %slice3A_191 : vector<1000x64xbf16>
    %convert_element_type3A_193 = arith.extf %add3A_192 : vector<1000x64xbf16> to vector<1000x64xf32>
    %add3A_194 = arith.addf %add3A_189, %convert_element_type3A_193 : vector<1000x64xf32>
    %mul3A_195 = arith.constant 2.500000e-01 : f32
    %mul3A_196 = vector.broadcast %mul3A_195 : f32 to vector<1000x64xf32>
    %mul3A_197 = arith.mulf %mul3A_196, %add3A_194 : vector<1000x64xf32>
    %add3A_198 = arith.addf %mul3A_197, %get3A_105 : vector<1000x64xf32>
    %mul3A_199 = arith.mulf %add3A_198, %add3A_198 : vector<1000x64xf32>
    %dot_general3A_200 = arith.constant dense<0.000000e+00> : vector<1000x4xf32>
    %dot_general3A_201 = tpu.matmul %mul3A_199, %get3A_10, %dot_general3A_200 {dimension_numbers = #tpu.dot_dimension_numbers<[1], [0], [0], [1], [0, 0, 1, 1], [], []>, transpose_lhs_hint = false} : vector<1000x64xf32>, vector<64x4xf32>, vector<1000x4xf32> -> vector<1000x4xf32>
    %sqrt3A_202 = math.sqrt %dot_general3A_201 : vector<1000x4xf32>
    %max3A_203 = arith.constant 9.99999996E-13 : f32
    %max3A_204 = vector.broadcast %max3A_203 : f32 to vector<1000x4xf32>
    %max3A_205 = arith.maximumf %sqrt3A_202, %max3A_204 : vector<1000x4xf32>
    %div3A_206 = arith.constant 1.000000e+00 : f32
    %div3A_207 = vector.broadcast %div3A_206 : f32 to vector<1000x4xf32>
    %div3A_208 = arith.divf %div3A_207, %max3A_205 : vector<1000x4xf32>
    %dot_general3A_209 = arith.constant dense<0.000000e+00> : vector<1000x64xf32>
    %dot_general3A_210 = tpu.matmul %div3A_208, %get3A_13, %dot_general3A_209 {dimension_numbers = #tpu.dot_dimension_numbers<[1], [0], [0], [1], [0, 0, 1, 1], [], []>, transpose_lhs_hint = false} : vector<1000x4xf32>, vector<4x64xf32>, vector<1000x64xf32> -> vector<1000x64xf32>
    %mul3A_211 = arith.mulf %add3A_198, %dot_general3A_210 : vector<1000x64xf32>
    %concatenate3A_212 = tpu.concatenate %mul3A_155, %mul3A_155, %mul3A_155, %mul3A_155, %mul3A_155, %mul3A_155, %mul3A_155, %mul3A_155, %mul3A_155, %mul3A_155, %mul3A_155, %mul3A_155, %mul3A_155, %mul3A_155, %mul3A_155, %mul3A_155 in 1 : vector<1000x64xf32>, vector<1000x64xf32>, vector<1000x64xf32>, vector<1000x64xf32>, vector<1000x64xf32>, vector<1000x64xf32>, vector<1000x64xf32>, vector<1000x64xf32>, vector<1000x64xf32>, vector<1000x64xf32>, vector<1000x64xf32>, vector<1000x64xf32>, vector<1000x64xf32>, vector<1000x64xf32>, vector<1000x64xf32>, vector<1000x64xf32> -> vector<1000x1024xf32>
    %convert_element_type3A_213 = arith.truncf %concatenate3A_212 : vector<1000x1024xf32> to vector<1000x1024xbf16>
    %mul3A_214 = arith.mulf %concatenate3A, %convert_element_type3A_213 : vector<1000x1024xbf16>
    %dot_general3A_215 = arith.constant dense<0.000000e+00> : vector<1000x64xf32>
    %dot_general3A_216 = tpu.matmul %mul3A_214, %get3A_1, %dot_general3A_215 {dimension_numbers = #tpu.dot_dimension_numbers<[1], [0], [0], [1], [0, 0, 1, 1], [], []>, transpose_lhs_hint = false} : vector<1000x1024xbf16>, vector<1024x64xbf16>, vector<1000x64xf32> -> vector<1000x64xf32>
    %exp3A = math.exp %dot_general3A_216 : vector<1000x64xf32>
    %dot_general3A_217 = arith.constant dense<0.000000e+00> : vector<1000x64xf32>
    %dot_general3A_218 = tpu.matmul %exp3A, %get3A_7, %dot_general3A_217 {dimension_numbers = #tpu.dot_dimension_numbers<[1], [0], [0], [1], [0, 0, 1, 1], [], []>, transpose_lhs_hint = false} : vector<1000x64xf32>, vector<64x64xf32>, vector<1000x64xf32> -> vector<1000x64xf32>
    %div3A_219 = arith.divf %exp3A, %dot_general3A_218 : vector<1000x64xf32>
    %convert_element_type3A_220 = arith.truncf %div3A_219 : vector<1000x64xf32> to vector<1000x64xbf16>
    %dot_general3A_221 = arith.constant dense<0.000000e+00> : vector<1000x1024xf32>
    %dot_general3A_222 = tpu.matmul %convert_element_type3A_220, %get3A_4, %dot_general3A_221 {dimension_numbers = #tpu.dot_dimension_numbers<[1], [0], [0], [1], [0, 0, 1, 1], [], []>, transpose_lhs_hint = false} : vector<1000x64xbf16>, vector<64x1024xbf16>, vector<1000x1024xf32> -> vector<1000x1024xf32>
    %convert_element_type3A_223 = arith.truncf %dot_general3A_222 : vector<1000x1024xf32> to vector<1000x1024xbf16>
    %mul3A_224 = arith.mulf %concatenate3A, %convert_element_type3A_223 : vector<1000x1024xbf16>
    %slice3A_225 = vector.extract_strided_slice %mul3A_224 {offsets = [0, 0], sizes = [1000, 64], strides = [1, 1]} : vector<1000x1024xbf16> to vector<1000x64xbf16>
    %slice3A_226 = vector.extract_strided_slice %mul3A_224 {offsets = [0, 64], sizes = [1000, 64], strides = [1, 1]} : vector<1000x1024xbf16> to vector<1000x64xbf16>
    %add3A_227 = arith.addf %slice3A_225, %slice3A_226 : vector<1000x64xbf16>
    %convert_element_type3A_228 = arith.extf %add3A_227 : vector<1000x64xbf16> to vector<1000x64xf32>
    %slice3A_229 = vector.extract_strided_slice %mul3A_224 {offsets = [0, 128], sizes = [1000, 64], strides = [1, 1]} : vector<1000x1024xbf16> to vector<1000x64xbf16>
    %slice3A_230 = vector.extract_strided_slice %mul3A_224 {offsets = [0, 192], sizes = [1000, 64], strides = [1, 1]} : vector<1000x1024xbf16> to vector<1000x64xbf16>
    %add3A_231 = arith.addf %slice3A_229, %slice3A_230 : vector<1000x64xbf16>
    %convert_element_type3A_232 = arith.extf %add3A_231 : vector<1000x64xbf16> to vector<1000x64xf32>
    %add3A_233 = arith.addf %convert_element_type3A_228, %convert_element_type3A_232 : vector<1000x64xf32>
    %slice3A_234 = vector.extract_strided_slice %mul3A_224 {offsets = [0, 256], sizes = [1000, 64], strides = [1, 1]} : vector<1000x1024xbf16> to vector<1000x64xbf16>
    %slice3A_235 = vector.extract_strided_slice %mul3A_224 {offsets = [0, 320], sizes = [1000, 64], strides = [1, 1]} : vector<1000x1024xbf16> to vector<1000x64xbf16>
    %add3A_236 = arith.addf %slice3A_234, %slice3A_235 : vector<1000x64xbf16>
    %convert_element_type3A_237 = arith.extf %add3A_236 : vector<1000x64xbf16> to vector<1000x64xf32>
    %add3A_238 = arith.addf %add3A_233, %convert_element_type3A_237 : vector<1000x64xf32>
    %slice3A_239 = vector.extract_strided_slice %mul3A_224 {offsets = [0, 384], sizes = [1000, 64], strides = [1, 1]} : vector<1000x1024xbf16> to vector<1000x64xbf16>
    %slice3A_240 = vector.extract_strided_slice %mul3A_224 {offsets = [0, 448], sizes = [1000, 64], strides = [1, 1]} : vector<1000x1024xbf16> to vector<1000x64xbf16>
    %add3A_241 = arith.addf %slice3A_239, %slice3A_240 : vector<1000x64xbf16>
    %convert_element_type3A_242 = arith.extf %add3A_241 : vector<1000x64xbf16> to vector<1000x64xf32>
    %add3A_243 = arith.addf %add3A_238, %convert_element_type3A_242 : vector<1000x64xf32>
    %slice3A_244 = vector.extract_strided_slice %mul3A_224 {offsets = [0, 512], sizes = [1000, 64], strides = [1, 1]} : vector<1000x1024xbf16> to vector<1000x64xbf16>
    %slice3A_245 = vector.extract_strided_slice %mul3A_224 {offsets = [0, 576], sizes = [1000, 64], strides = [1, 1]} : vector<1000x1024xbf16> to vector<1000x64xbf16>
    %add3A_246 = arith.addf %slice3A_244, %slice3A_245 : vector<1000x64xbf16>
    %convert_element_type3A_247 = arith.extf %add3A_246 : vector<1000x64xbf16> to vector<1000x64xf32>
    %add3A_248 = arith.addf %add3A_243, %convert_element_type3A_247 : vector<1000x64xf32>
    %slice3A_249 = vector.extract_strided_slice %mul3A_224 {offsets = [0, 640], sizes = [1000, 64], strides = [1, 1]} : vector<1000x1024xbf16> to vector<1000x64xbf16>
    %slice3A_250 = vector.extract_strided_slice %mul3A_224 {offsets = [0, 704], sizes = [1000, 64], strides = [1, 1]} : vector<1000x1024xbf16> to vector<1000x64xbf16>
    %add3A_251 = arith.addf %slice3A_249, %slice3A_250 : vector<1000x64xbf16>
    %convert_element_type3A_252 = arith.extf %add3A_251 : vector<1000x64xbf16> to vector<1000x64xf32>
    %add3A_253 = arith.addf %add3A_248, %convert_element_type3A_252 : vector<1000x64xf32>
    %slice3A_254 = vector.extract_strided_slice %mul3A_224 {offsets = [0, 768], sizes = [1000, 64], strides = [1, 1]} : vector<1000x1024xbf16> to vector<1000x64xbf16>
    %slice3A_255 = vector.extract_strided_slice %mul3A_224 {offsets = [0, 832], sizes = [1000, 64], strides = [1, 1]} : vector<1000x1024xbf16> to vector<1000x64xbf16>
    %add3A_256 = arith.addf %slice3A_254, %slice3A_255 : vector<1000x64xbf16>
    %convert_element_type3A_257 = arith.extf %add3A_256 : vector<1000x64xbf16> to vector<1000x64xf32>
    %add3A_258 = arith.addf %add3A_253, %convert_element_type3A_257 : vector<1000x64xf32>
    %slice3A_259 = vector.extract_strided_slice %mul3A_224 {offsets = [0, 896], sizes = [1000, 64], strides = [1, 1]} : vector<1000x1024xbf16> to vector<1000x64xbf16>
    %slice3A_260 = vector.extract_strided_slice %mul3A_224 {offsets = [0, 960], sizes = [1000, 64], strides = [1, 1]} : vector<1000x1024xbf16> to vector<1000x64xbf16>
    %add3A_261 = arith.addf %slice3A_259, %slice3A_260 : vector<1000x64xbf16>
    %convert_element_type3A_262 = arith.extf %add3A_261 : vector<1000x64xbf16> to vector<1000x64xf32>
    %add3A_263 = arith.addf %add3A_258, %convert_element_type3A_262 : vector<1000x64xf32>
    %add3A_264 = arith.addf %add3A_263, %get3A_102 : vector<1000x64xf32>
    %mul3A_265 = arith.mulf %add3A_264, %add3A_264 : vector<1000x64xf32>
    %dot_general3A_266 = arith.constant dense<0.000000e+00> : vector<1000x4xf32>
    %dot_general3A_267 = tpu.matmul %mul3A_265, %get3A_10, %dot_general3A_266 {dimension_numbers = #tpu.dot_dimension_numbers<[1], [0], [0], [1], [0, 0, 1, 1], [], []>, transpose_lhs_hint = false} : vector<1000x64xf32>, vector<64x4xf32>, vector<1000x4xf32> -> vector<1000x4xf32>
    %sqrt3A_268 = math.sqrt %dot_general3A_267 : vector<1000x4xf32>
    %max3A_269 = arith.constant 9.99999996E-13 : f32
    %max3A_270 = vector.broadcast %max3A_269 : f32 to vector<1000x4xf32>
    %max3A_271 = arith.maximumf %sqrt3A_268, %max3A_270 : vector<1000x4xf32>
    %div3A_272 = arith.constant 1.000000e+00 : f32
    %div3A_273 = vector.broadcast %div3A_272 : f32 to vector<1000x4xf32>
    %div3A_274 = arith.divf %div3A_273, %max3A_271 : vector<1000x4xf32>
    %dot_general3A_275 = arith.constant dense<0.000000e+00> : vector<1000x64xf32>
    %dot_general3A_276 = tpu.matmul %div3A_274, %get3A_13, %dot_general3A_275 {dimension_numbers = #tpu.dot_dimension_numbers<[1], [0], [0], [1], [0, 0, 1, 1], [], []>, transpose_lhs_hint = false} : vector<1000x4xf32>, vector<4x64xf32>, vector<1000x64xf32> -> vector<1000x64xf32>
    %mul3A_277 = arith.mulf %add3A_264, %dot_general3A_276 : vector<1000x64xf32>
    %concatenate3A_278 = tpu.concatenate %mul3A_211, %mul3A_211, %mul3A_211, %mul3A_211, %mul3A_211, %mul3A_211, %mul3A_211, %mul3A_211, %mul3A_211, %mul3A_211, %mul3A_211, %mul3A_211, %mul3A_211, %mul3A_211, %mul3A_211, %mul3A_211 in 1 : vector<1000x64xf32>, vector<1000x64xf32>, vector<1000x64xf32>, vector<1000x64xf32>, vector<1000x64xf32>, vector<1000x64xf32>, vector<1000x64xf32>, vector<1000x64xf32>, vector<1000x64xf32>, vector<1000x64xf32>, vector<1000x64xf32>, vector<1000x64xf32>, vector<1000x64xf32>, vector<1000x64xf32>, vector<1000x64xf32>, vector<1000x64xf32> -> vector<1000x1024xf32>
    %convert_element_type3A_279 = arith.truncf %concatenate3A_278 : vector<1000x1024xf32> to vector<1000x1024xbf16>
    %mul3A_280 = arith.mulf %concatenate3A_99, %convert_element_type3A_279 : vector<1000x1024xbf16>
    %dot_general3A_281 = arith.constant dense<0.000000e+00> : vector<1000x64xf32>
    %dot_general3A_282 = tpu.matmul %mul3A_280, %get3A_1, %dot_general3A_281 {dimension_numbers = #tpu.dot_dimension_numbers<[1], [0], [0], [1], [0, 0, 1, 1], [], []>, transpose_lhs_hint = false} : vector<1000x1024xbf16>, vector<1024x64xbf16>, vector<1000x64xf32> -> vector<1000x64xf32>
    %exp3A_283 = math.exp %dot_general3A_282 : vector<1000x64xf32>
    %dot_general3A_284 = arith.constant dense<0.000000e+00> : vector<1000x64xf32>
    %dot_general3A_285 = tpu.matmul %exp3A_283, %get3A_7, %dot_general3A_284 {dimension_numbers = #tpu.dot_dimension_numbers<[1], [0], [0], [1], [0, 0, 1, 1], [], []>, transpose_lhs_hint = false} : vector<1000x64xf32>, vector<64x64xf32>, vector<1000x64xf32> -> vector<1000x64xf32>
    %div3A_286 = arith.divf %exp3A_283, %dot_general3A_285 : vector<1000x64xf32>
    %convert_element_type3A_287 = arith.truncf %div3A_286 : vector<1000x64xf32> to vector<1000x64xbf16>
    %dot_general3A_288 = arith.constant dense<0.000000e+00> : vector<1000x1024xf32>
    %dot_general3A_289 = tpu.matmul %convert_element_type3A_287, %get3A_4, %dot_general3A_288 {dimension_numbers = #tpu.dot_dimension_numbers<[1], [0], [0], [1], [0, 0, 1, 1], [], []>, transpose_lhs_hint = false} : vector<1000x64xbf16>, vector<64x1024xbf16>, vector<1000x1024xf32> -> vector<1000x1024xf32>
    %convert_element_type3A_290 = arith.truncf %dot_general3A_289 : vector<1000x1024xf32> to vector<1000x1024xbf16>
    %mul3A_291 = arith.mulf %concatenate3A_99, %convert_element_type3A_290 : vector<1000x1024xbf16>
    %slice3A_292 = vector.extract_strided_slice %mul3A_291 {offsets = [0, 0], sizes = [1000, 64], strides = [1, 1]} : vector<1000x1024xbf16> to vector<1000x64xbf16>
    %slice3A_293 = vector.extract_strided_slice %mul3A_291 {offsets = [0, 64], sizes = [1000, 64], strides = [1, 1]} : vector<1000x1024xbf16> to vector<1000x64xbf16>
    %add3A_294 = arith.addf %slice3A_292, %slice3A_293 : vector<1000x64xbf16>
    %convert_element_type3A_295 = arith.extf %add3A_294 : vector<1000x64xbf16> to vector<1000x64xf32>
    %slice3A_296 = vector.extract_strided_slice %mul3A_291 {offsets = [0, 128], sizes = [1000, 64], strides = [1, 1]} : vector<1000x1024xbf16> to vector<1000x64xbf16>
    %slice3A_297 = vector.extract_strided_slice %mul3A_291 {offsets = [0, 192], sizes = [1000, 64], strides = [1, 1]} : vector<1000x1024xbf16> to vector<1000x64xbf16>
    %add3A_298 = arith.addf %slice3A_296, %slice3A_297 : vector<1000x64xbf16>
    %convert_element_type3A_299 = arith.extf %add3A_298 : vector<1000x64xbf16> to vector<1000x64xf32>
    %add3A_300 = arith.addf %convert_element_type3A_295, %convert_element_type3A_299 : vector<1000x64xf32>
    %slice3A_301 = vector.extract_strided_slice %mul3A_291 {offsets = [0, 256], sizes = [1000, 64], strides = [1, 1]} : vector<1000x1024xbf16> to vector<1000x64xbf16>
    %slice3A_302 = vector.extract_strided_slice %mul3A_291 {offsets = [0, 320], sizes = [1000, 64], strides = [1, 1]} : vector<1000x1024xbf16> to vector<1000x64xbf16>
    %add3A_303 = arith.addf %slice3A_301, %slice3A_302 : vector<1000x64xbf16>
    %convert_element_type3A_304 = arith.extf %add3A_303 : vector<1000x64xbf16> to vector<1000x64xf32>
    %add3A_305 = arith.addf %add3A_300, %convert_element_type3A_304 : vector<1000x64xf32>
    %slice3A_306 = vector.extract_strided_slice %mul3A_291 {offsets = [0, 384], sizes = [1000, 64], strides = [1, 1]} : vector<1000x1024xbf16> to vector<1000x64xbf16>
    %slice3A_307 = vector.extract_strided_slice %mul3A_291 {offsets = [0, 448], sizes = [1000, 64], strides = [1, 1]} : vector<1000x1024xbf16> to vector<1000x64xbf16>
    %add3A_308 = arith.addf %slice3A_306, %slice3A_307 : vector<1000x64xbf16>
    %convert_element_type3A_309 = arith.extf %add3A_308 : vector<1000x64xbf16> to vector<1000x64xf32>
    %add3A_310 = arith.addf %add3A_305, %convert_element_type3A_309 : vector<1000x64xf32>
    %slice3A_311 = vector.extract_strided_slice %mul3A_291 {offsets = [0, 512], sizes = [1000, 64], strides = [1, 1]} : vector<1000x1024xbf16> to vector<1000x64xbf16>
    %slice3A_312 = vector.extract_strided_slice %mul3A_291 {offsets = [0, 576], sizes = [1000, 64], strides = [1, 1]} : vector<1000x1024xbf16> to vector<1000x64xbf16>
    %add3A_313 = arith.addf %slice3A_311, %slice3A_312 : vector<1000x64xbf16>
    %convert_element_type3A_314 = arith.extf %add3A_313 : vector<1000x64xbf16> to vector<1000x64xf32>
    %add3A_315 = arith.addf %add3A_310, %convert_element_type3A_314 : vector<1000x64xf32>
    %slice3A_316 = vector.extract_strided_slice %mul3A_291 {offsets = [0, 640], sizes = [1000, 64], strides = [1, 1]} : vector<1000x1024xbf16> to vector<1000x64xbf16>
    %slice3A_317 = vector.extract_strided_slice %mul3A_291 {offsets = [0, 704], sizes = [1000, 64], strides = [1, 1]} : vector<1000x1024xbf16> to vector<1000x64xbf16>
    %add3A_318 = arith.addf %slice3A_316, %slice3A_317 : vector<1000x64xbf16>
    %convert_element_type3A_319 = arith.extf %add3A_318 : vector<1000x64xbf16> to vector<1000x64xf32>
    %add3A_320 = arith.addf %add3A_315, %convert_element_type3A_319 : vector<1000x64xf32>
    %slice3A_321 = vector.extract_strided_slice %mul3A_291 {offsets = [0, 768], sizes = [1000, 64], strides = [1, 1]} : vector<1000x1024xbf16> to vector<1000x64xbf16>
    %slice3A_322 = vector.extract_strided_slice %mul3A_291 {offsets = [0, 832], sizes = [1000, 64], strides = [1, 1]} : vector<1000x1024xbf16> to vector<1000x64xbf16>
    %add3A_323 = arith.addf %slice3A_321, %slice3A_322 : vector<1000x64xbf16>
    %convert_element_type3A_324 = arith.extf %add3A_323 : vector<1000x64xbf16> to vector<1000x64xf32>
    %add3A_325 = arith.addf %add3A_320, %convert_element_type3A_324 : vector<1000x64xf32>
    %slice3A_326 = vector.extract_strided_slice %mul3A_291 {offsets = [0, 896], sizes = [1000, 64], strides = [1, 1]} : vector<1000x1024xbf16> to vector<1000x64xbf16>
    %slice3A_327 = vector.extract_strided_slice %mul3A_291 {offsets = [0, 960], sizes = [1000, 64], strides = [1, 1]} : vector<1000x1024xbf16> to vector<1000x64xbf16>
    %add3A_328 = arith.addf %slice3A_326, %slice3A_327 : vector<1000x64xbf16>
    %convert_element_type3A_329 = arith.extf %add3A_328 : vector<1000x64xbf16> to vector<1000x64xf32>
    %add3A_330 = arith.addf %add3A_325, %convert_element_type3A_329 : vector<1000x64xf32>
    %add3A_331 = arith.addf %add3A_330, %get3A_105 : vector<1000x64xf32>
    %mul3A_332 = arith.mulf %add3A_331, %add3A_331 : vector<1000x64xf32>
    %dot_general3A_333 = arith.constant dense<0.000000e+00> : vector<1000x4xf32>
    %dot_general3A_334 = tpu.matmul %mul3A_332, %get3A_10, %dot_general3A_333 {dimension_numbers = #tpu.dot_dimension_numbers<[1], [0], [0], [1], [0, 0, 1, 1], [], []>, transpose_lhs_hint = false} : vector<1000x64xf32>, vector<64x4xf32>, vector<1000x4xf32> -> vector<1000x4xf32>
    %sqrt3A_335 = math.sqrt %dot_general3A_334 : vector<1000x4xf32>
    %max3A_336 = arith.constant 9.99999996E-13 : f32
    %max3A_337 = vector.broadcast %max3A_336 : f32 to vector<1000x4xf32>
    %max3A_338 = arith.maximumf %sqrt3A_335, %max3A_337 : vector<1000x4xf32>
    %div3A_339 = arith.constant 1.000000e+00 : f32
    %div3A_340 = vector.broadcast %div3A_339 : f32 to vector<1000x4xf32>
    %div3A_341 = arith.divf %div3A_340, %max3A_338 : vector<1000x4xf32>
    %dot_general3A_342 = arith.constant dense<0.000000e+00> : vector<1000x64xf32>
    %dot_general3A_343 = tpu.matmul %div3A_341, %get3A_13, %dot_general3A_342 {dimension_numbers = #tpu.dot_dimension_numbers<[1], [0], [0], [1], [0, 0, 1, 1], [], []>, transpose_lhs_hint = false} : vector<1000x4xf32>, vector<4x64xf32>, vector<1000x64xf32> -> vector<1000x64xf32>
    %mul3A_344 = arith.mulf %add3A_331, %dot_general3A_343 : vector<1000x64xf32>
    %concatenate3A_345 = tpu.concatenate %mul3A_277, %mul3A_277, %mul3A_277, %mul3A_277, %mul3A_277, %mul3A_277, %mul3A_277, %mul3A_277, %mul3A_277, %mul3A_277, %mul3A_277, %mul3A_277, %mul3A_277, %mul3A_277, %mul3A_277, %mul3A_277 in 1 : vector<1000x64xf32>, vector<1000x64xf32>, vector<1000x64xf32>, vector<1000x64xf32>, vector<1000x64xf32>, vector<1000x64xf32>, vector<1000x64xf32>, vector<1000x64xf32>, vector<1000x64xf32>, vector<1000x64xf32>, vector<1000x64xf32>, vector<1000x64xf32>, vector<1000x64xf32>, vector<1000x64xf32>, vector<1000x64xf32>, vector<1000x64xf32> -> vector<1000x1024xf32>
    %convert_element_type3A_346 = arith.truncf %concatenate3A_345 : vector<1000x1024xf32> to vector<1000x1024xbf16>
    %mul3A_347 = arith.mulf %concatenate3A, %convert_element_type3A_346 : vector<1000x1024xbf16>
    %dot_general3A_348 = arith.constant dense<0.000000e+00> : vector<1000x64xf32>
    %dot_general3A_349 = tpu.matmul %mul3A_347, %get3A_1, %dot_general3A_348 {dimension_numbers = #tpu.dot_dimension_numbers<[1], [0], [0], [1], [0, 0, 1, 1], [], []>, transpose_lhs_hint = false} : vector<1000x1024xbf16>, vector<1024x64xbf16>, vector<1000x64xf32> -> vector<1000x64xf32>
    %exp3A_350 = math.exp %dot_general3A_349 : vector<1000x64xf32>
    %dot_general3A_351 = arith.constant dense<0.000000e+00> : vector<1000x64xf32>
    %dot_general3A_352 = tpu.matmul %exp3A_350, %get3A_7, %dot_general3A_351 {dimension_numbers = #tpu.dot_dimension_numbers<[1], [0], [0], [1], [0, 0, 1, 1], [], []>, transpose_lhs_hint = false} : vector<1000x64xf32>, vector<64x64xf32>, vector<1000x64xf32> -> vector<1000x64xf32>
    %div3A_353 = arith.divf %exp3A_350, %dot_general3A_352 : vector<1000x64xf32>
    %convert_element_type3A_354 = arith.truncf %div3A_353 : vector<1000x64xf32> to vector<1000x64xbf16>
    %dot_general3A_355 = arith.constant dense<0.000000e+00> : vector<1000x1024xf32>
    %dot_general3A_356 = tpu.matmul %convert_element_type3A_354, %get3A_4, %dot_general3A_355 {dimension_numbers = #tpu.dot_dimension_numbers<[1], [0], [0], [1], [0, 0, 1, 1], [], []>, transpose_lhs_hint = false} : vector<1000x64xbf16>, vector<64x1024xbf16>, vector<1000x1024xf32> -> vector<1000x1024xf32>
    %convert_element_type3A_357 = arith.truncf %dot_general3A_356 : vector<1000x1024xf32> to vector<1000x1024xbf16>
    %mul3A_358 = arith.mulf %concatenate3A, %convert_element_type3A_357 : vector<1000x1024xbf16>
    %slice3A_359 = vector.extract_strided_slice %mul3A_358 {offsets = [0, 0], sizes = [1000, 64], strides = [1, 1]} : vector<1000x1024xbf16> to vector<1000x64xbf16>
    %slice3A_360 = vector.extract_strided_slice %mul3A_358 {offsets = [0, 64], sizes = [1000, 64], strides = [1, 1]} : vector<1000x1024xbf16> to vector<1000x64xbf16>
    %add3A_361 = arith.addf %slice3A_359, %slice3A_360 : vector<1000x64xbf16>
    %convert_element_type3A_362 = arith.extf %add3A_361 : vector<1000x64xbf16> to vector<1000x64xf32>
    %slice3A_363 = vector.extract_strided_slice %mul3A_358 {offsets = [0, 128], sizes = [1000, 64], strides = [1, 1]} : vector<1000x1024xbf16> to vector<1000x64xbf16>
    %slice3A_364 = vector.extract_strided_slice %mul3A_358 {offsets = [0, 192], sizes = [1000, 64], strides = [1, 1]} : vector<1000x1024xbf16> to vector<1000x64xbf16>
    %add3A_365 = arith.addf %slice3A_363, %slice3A_364 : vector<1000x64xbf16>
    %convert_element_type3A_366 = arith.extf %add3A_365 : vector<1000x64xbf16> to vector<1000x64xf32>
    %add3A_367 = arith.addf %convert_element_type3A_362, %convert_element_type3A_366 : vector<1000x64xf32>
    %slice3A_368 = vector.extract_strided_slice %mul3A_358 {offsets = [0, 256], sizes = [1000, 64], strides = [1, 1]} : vector<1000x1024xbf16> to vector<1000x64xbf16>
    %slice3A_369 = vector.extract_strided_slice %mul3A_358 {offsets = [0, 320], sizes = [1000, 64], strides = [1, 1]} : vector<1000x1024xbf16> to vector<1000x64xbf16>
    %add3A_370 = arith.addf %slice3A_368, %slice3A_369 : vector<1000x64xbf16>
    %convert_element_type3A_371 = arith.extf %add3A_370 : vector<1000x64xbf16> to vector<1000x64xf32>
    %add3A_372 = arith.addf %add3A_367, %convert_element_type3A_371 : vector<1000x64xf32>
    %slice3A_373 = vector.extract_strided_slice %mul3A_358 {offsets = [0, 384], sizes = [1000, 64], strides = [1, 1]} : vector<1000x1024xbf16> to vector<1000x64xbf16>
    %slice3A_374 = vector.extract_strided_slice %mul3A_358 {offsets = [0, 448], sizes = [1000, 64], strides = [1, 1]} : vector<1000x1024xbf16> to vector<1000x64xbf16>
    %add3A_375 = arith.addf %slice3A_373, %slice3A_374 : vector<1000x64xbf16>
    %convert_element_type3A_376 = arith.extf %add3A_375 : vector<1000x64xbf16> to vector<1000x64xf32>
    %add3A_377 = arith.addf %add3A_372, %convert_element_type3A_376 : vector<1000x64xf32>
    %slice3A_378 = vector.extract_strided_slice %mul3A_358 {offsets = [0, 512], sizes = [1000, 64], strides = [1, 1]} : vector<1000x1024xbf16> to vector<1000x64xbf16>
    %slice3A_379 = vector.extract_strided_slice %mul3A_358 {offsets = [0, 576], sizes = [1000, 64], strides = [1, 1]} : vector<1000x1024xbf16> to vector<1000x64xbf16>
    %add3A_380 = arith.addf %slice3A_378, %slice3A_379 : vector<1000x64xbf16>
    %convert_element_type3A_381 = arith.extf %add3A_380 : vector<1000x64xbf16> to vector<1000x64xf32>
    %add3A_382 = arith.addf %add3A_377, %convert_element_type3A_381 : vector<1000x64xf32>
    %slice3A_383 = vector.extract_strided_slice %mul3A_358 {offsets = [0, 640], sizes = [1000, 64], strides = [1, 1]} : vector<1000x1024xbf16> to vector<1000x64xbf16>
    %slice3A_384 = vector.extract_strided_slice %mul3A_358 {offsets = [0, 704], sizes = [1000, 64], strides = [1, 1]} : vector<1000x1024xbf16> to vector<1000x64xbf16>
    %add3A_385 = arith.addf %slice3A_383, %slice3A_384 : vector<1000x64xbf16>
    %convert_element_type3A_386 = arith.extf %add3A_385 : vector<1000x64xbf16> to vector<1000x64xf32>
    %add3A_387 = arith.addf %add3A_382, %convert_element_type3A_386 : vector<1000x64xf32>
    %slice3A_388 = vector.extract_strided_slice %mul3A_358 {offsets = [0, 768], sizes = [1000, 64], strides = [1, 1]} : vector<1000x1024xbf16> to vector<1000x64xbf16>
    %slice3A_389 = vector.extract_strided_slice %mul3A_358 {offsets = [0, 832], sizes = [1000, 64], strides = [1, 1]} : vector<1000x1024xbf16> to vector<1000x64xbf16>
    %add3A_390 = arith.addf %slice3A_388, %slice3A_389 : vector<1000x64xbf16>
    %convert_element_type3A_391 = arith.extf %add3A_390 : vector<1000x64xbf16> to vector<1000x64xf32>
    %add3A_392 = arith.addf %add3A_387, %convert_element_type3A_391 : vector<1000x64xf32>
    %slice3A_393 = vector.extract_strided_slice %mul3A_358 {offsets = [0, 896], sizes = [1000, 64], strides = [1, 1]} : vector<1000x1024xbf16> to vector<1000x64xbf16>
    %slice3A_394 = vector.extract_strided_slice %mul3A_358 {offsets = [0, 960], sizes = [1000, 64], strides = [1, 1]} : vector<1000x1024xbf16> to vector<1000x64xbf16>
    %add3A_395 = arith.addf %slice3A_393, %slice3A_394 : vector<1000x64xbf16>
    %convert_element_type3A_396 = arith.extf %add3A_395 : vector<1000x64xbf16> to vector<1000x64xf32>
    %add3A_397 = arith.addf %add3A_392, %convert_element_type3A_396 : vector<1000x64xf32>
    %add3A_398 = arith.addf %add3A_397, %get3A_102 : vector<1000x64xf32>
    %mul3A_399 = arith.mulf %add3A_398, %add3A_398 : vector<1000x64xf32>
    %dot_general3A_400 = arith.constant dense<0.000000e+00> : vector<1000x4xf32>
    %dot_general3A_401 = tpu.matmul %mul3A_399, %get3A_10, %dot_general3A_400 {dimension_numbers = #tpu.dot_dimension_numbers<[1], [0], [0], [1], [0, 0, 1, 1], [], []>, transpose_lhs_hint = false} : vector<1000x64xf32>, vector<64x4xf32>, vector<1000x4xf32> -> vector<1000x4xf32>
    %sqrt3A_402 = math.sqrt %dot_general3A_401 : vector<1000x4xf32>
    %max3A_403 = arith.constant 9.99999996E-13 : f32
    %max3A_404 = vector.broadcast %max3A_403 : f32 to vector<1000x4xf32>
    %max3A_405 = arith.maximumf %sqrt3A_402, %max3A_404 : vector<1000x4xf32>
    %div3A_406 = arith.constant 1.000000e+00 : f32
    %div3A_407 = vector.broadcast %div3A_406 : f32 to vector<1000x4xf32>
    %div3A_408 = arith.divf %div3A_407, %max3A_405 : vector<1000x4xf32>
    %dot_general3A_409 = arith.constant dense<0.000000e+00> : vector<1000x64xf32>
    %dot_general3A_410 = tpu.matmul %div3A_408, %get3A_13, %dot_general3A_409 {dimension_numbers = #tpu.dot_dimension_numbers<[1], [0], [0], [1], [0, 0, 1, 1], [], []>, transpose_lhs_hint = false} : vector<1000x4xf32>, vector<4x64xf32>, vector<1000x64xf32> -> vector<1000x64xf32>
    %mul3A_411 = arith.mulf %add3A_398, %dot_general3A_410 : vector<1000x64xf32>
    %concatenate3A_412 = tpu.concatenate %mul3A_344, %mul3A_344, %mul3A_344, %mul3A_344, %mul3A_344, %mul3A_344, %mul3A_344, %mul3A_344, %mul3A_344, %mul3A_344, %mul3A_344, %mul3A_344, %mul3A_344, %mul3A_344, %mul3A_344, %mul3A_344 in 1 : vector<1000x64xf32>, vector<1000x64xf32>, vector<1000x64xf32>, vector<1000x64xf32>, vector<1000x64xf32>, vector<1000x64xf32>, vector<1000x64xf32>, vector<1000x64xf32>, vector<1000x64xf32>, vector<1000x64xf32>, vector<1000x64xf32>, vector<1000x64xf32>, vector<1000x64xf32>, vector<1000x64xf32>, vector<1000x64xf32>, vector<1000x64xf32> -> vector<1000x1024xf32>
    %convert_element_type3A_413 = arith.truncf %concatenate3A_412 : vector<1000x1024xf32> to vector<1000x1024xbf16>
    %mul3A_414 = arith.mulf %concatenate3A_99, %convert_element_type3A_413 : vector<1000x1024xbf16>
    %dot_general3A_415 = arith.constant dense<0.000000e+00> : vector<1000x64xf32>
    %dot_general3A_416 = tpu.matmul %mul3A_414, %get3A_1, %dot_general3A_415 {dimension_numbers = #tpu.dot_dimension_numbers<[1], [0], [0], [1], [0, 0, 1, 1], [], []>, transpose_lhs_hint = false} : vector<1000x1024xbf16>, vector<1024x64xbf16>, vector<1000x64xf32> -> vector<1000x64xf32>
    %exp3A_417 = math.exp %dot_general3A_416 : vector<1000x64xf32>
    %dot_general3A_418 = arith.constant dense<0.000000e+00> : vector<1000x64xf32>
    %dot_general3A_419 = tpu.matmul %exp3A_417, %get3A_7, %dot_general3A_418 {dimension_numbers = #tpu.dot_dimension_numbers<[1], [0], [0], [1], [0, 0, 1, 1], [], []>, transpose_lhs_hint = false} : vector<1000x64xf32>, vector<64x64xf32>, vector<1000x64xf32> -> vector<1000x64xf32>
    %div3A_420 = arith.divf %exp3A_417, %dot_general3A_419 : vector<1000x64xf32>
    %convert_element_type3A_421 = arith.truncf %div3A_420 : vector<1000x64xf32> to vector<1000x64xbf16>
    %dot_general3A_422 = arith.constant dense<0.000000e+00> : vector<1000x1024xf32>
    %dot_general3A_423 = tpu.matmul %convert_element_type3A_421, %get3A_4, %dot_general3A_422 {dimension_numbers = #tpu.dot_dimension_numbers<[1], [0], [0], [1], [0, 0, 1, 1], [], []>, transpose_lhs_hint = false} : vector<1000x64xbf16>, vector<64x1024xbf16>, vector<1000x1024xf32> -> vector<1000x1024xf32>
    %convert_element_type3A_424 = arith.truncf %dot_general3A_423 : vector<1000x1024xf32> to vector<1000x1024xbf16>
    %mul3A_425 = arith.mulf %concatenate3A_99, %convert_element_type3A_424 : vector<1000x1024xbf16>
    %slice3A_426 = vector.extract_strided_slice %mul3A_425 {offsets = [0, 0], sizes = [1000, 64], strides = [1, 1]} : vector<1000x1024xbf16> to vector<1000x64xbf16>
    %slice3A_427 = vector.extract_strided_slice %mul3A_425 {offsets = [0, 64], sizes = [1000, 64], strides = [1, 1]} : vector<1000x1024xbf16> to vector<1000x64xbf16>
    %add3A_428 = arith.addf %slice3A_426, %slice3A_427 : vector<1000x64xbf16>
    %convert_element_type3A_429 = arith.extf %add3A_428 : vector<1000x64xbf16> to vector<1000x64xf32>
    %slice3A_430 = vector.extract_strided_slice %mul3A_425 {offsets = [0, 128], sizes = [1000, 64], strides = [1, 1]} : vector<1000x1024xbf16> to vector<1000x64xbf16>
    %slice3A_431 = vector.extract_strided_slice %mul3A_425 {offsets = [0, 192], sizes = [1000, 64], strides = [1, 1]} : vector<1000x1024xbf16> to vector<1000x64xbf16>
    %add3A_432 = arith.addf %slice3A_430, %slice3A_431 : vector<1000x64xbf16>
    %convert_element_type3A_433 = arith.extf %add3A_432 : vector<1000x64xbf16> to vector<1000x64xf32>
    %add3A_434 = arith.addf %convert_element_type3A_429, %convert_element_type3A_433 : vector<1000x64xf32>
    %slice3A_435 = vector.extract_strided_slice %mul3A_425 {offsets = [0, 256], sizes = [1000, 64], strides = [1, 1]} : vector<1000x1024xbf16> to vector<1000x64xbf16>
    %slice3A_436 = vector.extract_strided_slice %mul3A_425 {offsets = [0, 320], sizes = [1000, 64], strides = [1, 1]} : vector<1000x1024xbf16> to vector<1000x64xbf16>
    %add3A_437 = arith.addf %slice3A_435, %slice3A_436 : vector<1000x64xbf16>
    %convert_element_type3A_438 = arith.extf %add3A_437 : vector<1000x64xbf16> to vector<1000x64xf32>
    %add3A_439 = arith.addf %add3A_434, %convert_element_type3A_438 : vector<1000x64xf32>
    %slice3A_440 = vector.extract_strided_slice %mul3A_425 {offsets = [0, 384], sizes = [1000, 64], strides = [1, 1]} : vector<1000x1024xbf16> to vector<1000x64xbf16>
    %slice3A_441 = vector.extract_strided_slice %mul3A_425 {offsets = [0, 448], sizes = [1000, 64], strides = [1, 1]} : vector<1000x1024xbf16> to vector<1000x64xbf16>
    %add3A_442 = arith.addf %slice3A_440, %slice3A_441 : vector<1000x64xbf16>
    %convert_element_type3A_443 = arith.extf %add3A_442 : vector<1000x64xbf16> to vector<1000x64xf32>
    %add3A_444 = arith.addf %add3A_439, %convert_element_type3A_443 : vector<1000x64xf32>
    %slice3A_445 = vector.extract_strided_slice %mul3A_425 {offsets = [0, 512], sizes = [1000, 64], strides = [1, 1]} : vector<1000x1024xbf16> to vector<1000x64xbf16>
    %slice3A_446 = vector.extract_strided_slice %mul3A_425 {offsets = [0, 576], sizes = [1000, 64], strides = [1, 1]} : vector<1000x1024xbf16> to vector<1000x64xbf16>
    %add3A_447 = arith.addf %slice3A_445, %slice3A_446 : vector<1000x64xbf16>
    %convert_element_type3A_448 = arith.extf %add3A_447 : vector<1000x64xbf16> to vector<1000x64xf32>
    %add3A_449 = arith.addf %add3A_444, %convert_element_type3A_448 : vector<1000x64xf32>
    %slice3A_450 = vector.extract_strided_slice %mul3A_425 {offsets = [0, 640], sizes = [1000, 64], strides = [1, 1]} : vector<1000x1024xbf16> to vector<1000x64xbf16>
    %slice3A_451 = vector.extract_strided_slice %mul3A_425 {offsets = [0, 704], sizes = [1000, 64], strides = [1, 1]} : vector<1000x1024xbf16> to vector<1000x64xbf16>
    %add3A_452 = arith.addf %slice3A_450, %slice3A_451 : vector<1000x64xbf16>
    %convert_element_type3A_453 = arith.extf %add3A_452 : vector<1000x64xbf16> to vector<1000x64xf32>
    %add3A_454 = arith.addf %add3A_449, %convert_element_type3A_453 : vector<1000x64xf32>
    %slice3A_455 = vector.extract_strided_slice %mul3A_425 {offsets = [0, 768], sizes = [1000, 64], strides = [1, 1]} : vector<1000x1024xbf16> to vector<1000x64xbf16>
    %slice3A_456 = vector.extract_strided_slice %mul3A_425 {offsets = [0, 832], sizes = [1000, 64], strides = [1, 1]} : vector<1000x1024xbf16> to vector<1000x64xbf16>
    %add3A_457 = arith.addf %slice3A_455, %slice3A_456 : vector<1000x64xbf16>
    %convert_element_type3A_458 = arith.extf %add3A_457 : vector<1000x64xbf16> to vector<1000x64xf32>
    %add3A_459 = arith.addf %add3A_454, %convert_element_type3A_458 : vector<1000x64xf32>
    %slice3A_460 = vector.extract_strided_slice %mul3A_425 {offsets = [0, 896], sizes = [1000, 64], strides = [1, 1]} : vector<1000x1024xbf16> to vector<1000x64xbf16>
    %slice3A_461 = vector.extract_strided_slice %mul3A_425 {offsets = [0, 960], sizes = [1000, 64], strides = [1, 1]} : vector<1000x1024xbf16> to vector<1000x64xbf16>
    %add3A_462 = arith.addf %slice3A_460, %slice3A_461 : vector<1000x64xbf16>
    %convert_element_type3A_463 = arith.extf %add3A_462 : vector<1000x64xbf16> to vector<1000x64xf32>
    %add3A_464 = arith.addf %add3A_459, %convert_element_type3A_463 : vector<1000x64xf32>
    %add3A_465 = arith.addf %add3A_464, %get3A_105 : vector<1000x64xf32>
    %mul3A_466 = arith.mulf %add3A_465, %add3A_465 : vector<1000x64xf32>
    %dot_general3A_467 = arith.constant dense<0.000000e+00> : vector<1000x4xf32>
    %dot_general3A_468 = tpu.matmul %mul3A_466, %get3A_10, %dot_general3A_467 {dimension_numbers = #tpu.dot_dimension_numbers<[1], [0], [0], [1], [0, 0, 1, 1], [], []>, transpose_lhs_hint = false} : vector<1000x64xf32>, vector<64x4xf32>, vector<1000x4xf32> -> vector<1000x4xf32>
    %sqrt3A_469 = math.sqrt %dot_general3A_468 : vector<1000x4xf32>
    %max3A_470 = arith.constant 9.99999996E-13 : f32
    %max3A_471 = vector.broadcast %max3A_470 : f32 to vector<1000x4xf32>
    %max3A_472 = arith.maximumf %sqrt3A_469, %max3A_471 : vector<1000x4xf32>
    %div3A_473 = arith.constant 1.000000e+00 : f32
    %div3A_474 = vector.broadcast %div3A_473 : f32 to vector<1000x4xf32>
    %div3A_475 = arith.divf %div3A_474, %max3A_472 : vector<1000x4xf32>
    %dot_general3A_476 = arith.constant dense<0.000000e+00> : vector<1000x64xf32>
    %dot_general3A_477 = tpu.matmul %div3A_475, %get3A_13, %dot_general3A_476 {dimension_numbers = #tpu.dot_dimension_numbers<[1], [0], [0], [1], [0, 0, 1, 1], [], []>, transpose_lhs_hint = false} : vector<1000x4xf32>, vector<4x64xf32>, vector<1000x64xf32> -> vector<1000x64xf32>
    %mul3A_478 = arith.mulf %add3A_465, %dot_general3A_477 : vector<1000x64xf32>
    %concatenate3A_479 = tpu.concatenate %mul3A_411, %mul3A_411, %mul3A_411, %mul3A_411, %mul3A_411, %mul3A_411, %mul3A_411, %mul3A_411, %mul3A_411, %mul3A_411, %mul3A_411, %mul3A_411, %mul3A_411, %mul3A_411, %mul3A_411, %mul3A_411 in 1 : vector<1000x64xf32>, vector<1000x64xf32>, vector<1000x64xf32>, vector<1000x64xf32>, vector<1000x64xf32>, vector<1000x64xf32>, vector<1000x64xf32>, vector<1000x64xf32>, vector<1000x64xf32>, vector<1000x64xf32>, vector<1000x64xf32>, vector<1000x64xf32>, vector<1000x64xf32>, vector<1000x64xf32>, vector<1000x64xf32>, vector<1000x64xf32> -> vector<1000x1024xf32>
    %convert_element_type3A_480 = arith.truncf %concatenate3A_479 : vector<1000x1024xf32> to vector<1000x1024xbf16>
    %mul3A_481 = arith.mulf %concatenate3A, %convert_element_type3A_480 : vector<1000x1024xbf16>
    %dot_general3A_482 = arith.constant dense<0.000000e+00> : vector<1000x64xf32>
    %dot_general3A_483 = tpu.matmul %mul3A_481, %get3A_1, %dot_general3A_482 {dimension_numbers = #tpu.dot_dimension_numbers<[1], [0], [0], [1], [0, 0, 1, 1], [], []>, transpose_lhs_hint = false} : vector<1000x1024xbf16>, vector<1024x64xbf16>, vector<1000x64xf32> -> vector<1000x64xf32>
    %exp3A_484 = math.exp %dot_general3A_483 : vector<1000x64xf32>
    %dot_general3A_485 = arith.constant dense<0.000000e+00> : vector<1000x64xf32>
    %dot_general3A_486 = tpu.matmul %exp3A_484, %get3A_7, %dot_general3A_485 {dimension_numbers = #tpu.dot_dimension_numbers<[1], [0], [0], [1], [0, 0, 1, 1], [], []>, transpose_lhs_hint = false} : vector<1000x64xf32>, vector<64x64xf32>, vector<1000x64xf32> -> vector<1000x64xf32>
    %div3A_487 = arith.divf %exp3A_484, %dot_general3A_486 : vector<1000x64xf32>
    %convert_element_type3A_488 = arith.truncf %div3A_487 : vector<1000x64xf32> to vector<1000x64xbf16>
    %dot_general3A_489 = arith.constant dense<0.000000e+00> : vector<1000x1024xf32>
    %dot_general3A_490 = tpu.matmul %convert_element_type3A_488, %get3A_4, %dot_general3A_489 {dimension_numbers = #tpu.dot_dimension_numbers<[1], [0], [0], [1], [0, 0, 1, 1], [], []>, transpose_lhs_hint = false} : vector<1000x64xbf16>, vector<64x1024xbf16>, vector<1000x1024xf32> -> vector<1000x1024xf32>
    %convert_element_type3A_491 = arith.truncf %dot_general3A_490 : vector<1000x1024xf32> to vector<1000x1024xbf16>
    %mul3A_492 = arith.mulf %concatenate3A, %convert_element_type3A_491 : vector<1000x1024xbf16>
    %slice3A_493 = vector.extract_strided_slice %mul3A_492 {offsets = [0, 0], sizes = [1000, 64], strides = [1, 1]} : vector<1000x1024xbf16> to vector<1000x64xbf16>
    %slice3A_494 = vector.extract_strided_slice %mul3A_492 {offsets = [0, 64], sizes = [1000, 64], strides = [1, 1]} : vector<1000x1024xbf16> to vector<1000x64xbf16>
    %add3A_495 = arith.addf %slice3A_493, %slice3A_494 : vector<1000x64xbf16>
    %convert_element_type3A_496 = arith.extf %add3A_495 : vector<1000x64xbf16> to vector<1000x64xf32>
    %slice3A_497 = vector.extract_strided_slice %mul3A_492 {offsets = [0, 128], sizes = [1000, 64], strides = [1, 1]} : vector<1000x1024xbf16> to vector<1000x64xbf16>
    %slice3A_498 = vector.extract_strided_slice %mul3A_492 {offsets = [0, 192], sizes = [1000, 64], strides = [1, 1]} : vector<1000x1024xbf16> to vector<1000x64xbf16>
    %add3A_499 = arith.addf %slice3A_497, %slice3A_498 : vector<1000x64xbf16>
    %convert_element_type3A_500 = arith.extf %add3A_499 : vector<1000x64xbf16> to vector<1000x64xf32>
    %add3A_501 = arith.addf %convert_element_type3A_496, %convert_element_type3A_500 : vector<1000x64xf32>
    %slice3A_502 = vector.extract_strided_slice %mul3A_492 {offsets = [0, 256], sizes = [1000, 64], strides = [1, 1]} : vector<1000x1024xbf16> to vector<1000x64xbf16>
    %slice3A_503 = vector.extract_strided_slice %mul3A_492 {offsets = [0, 320], sizes = [1000, 64], strides = [1, 1]} : vector<1000x1024xbf16> to vector<1000x64xbf16>
    %add3A_504 = arith.addf %slice3A_502, %slice3A_503 : vector<1000x64xbf16>
    %convert_element_type3A_505 = arith.extf %add3A_504 : vector<1000x64xbf16> to vector<1000x64xf32>
    %add3A_506 = arith.addf %add3A_501, %convert_element_type3A_505 : vector<1000x64xf32>
    %slice3A_507 = vector.extract_strided_slice %mul3A_492 {offsets = [0, 384], sizes = [1000, 64], strides = [1, 1]} : vector<1000x1024xbf16> to vector<1000x64xbf16>
    %slice3A_508 = vector.extract_strided_slice %mul3A_492 {offsets = [0, 448], sizes = [1000, 64], strides = [1, 1]} : vector<1000x1024xbf16> to vector<1000x64xbf16>
    %add3A_509 = arith.addf %slice3A_507, %slice3A_508 : vector<1000x64xbf16>
    %convert_element_type3A_510 = arith.extf %add3A_509 : vector<1000x64xbf16> to vector<1000x64xf32>
    %add3A_511 = arith.addf %add3A_506, %convert_element_type3A_510 : vector<1000x64xf32>
    %slice3A_512 = vector.extract_strided_slice %mul3A_492 {offsets = [0, 512], sizes = [1000, 64], strides = [1, 1]} : vector<1000x1024xbf16> to vector<1000x64xbf16>
    %slice3A_513 = vector.extract_strided_slice %mul3A_492 {offsets = [0, 576], sizes = [1000, 64], strides = [1, 1]} : vector<1000x1024xbf16> to vector<1000x64xbf16>
    %add3A_514 = arith.addf %slice3A_512, %slice3A_513 : vector<1000x64xbf16>
    %convert_element_type3A_515 = arith.extf %add3A_514 : vector<1000x64xbf16> to vector<1000x64xf32>
    %add3A_516 = arith.addf %add3A_511, %convert_element_type3A_515 : vector<1000x64xf32>
    %slice3A_517 = vector.extract_strided_slice %mul3A_492 {offsets = [0, 640], sizes = [1000, 64], strides = [1, 1]} : vector<1000x1024xbf16> to vector<1000x64xbf16>
    %slice3A_518 = vector.extract_strided_slice %mul3A_492 {offsets = [0, 704], sizes = [1000, 64], strides = [1, 1]} : vector<1000x1024xbf16> to vector<1000x64xbf16>
    %add3A_519 = arith.addf %slice3A_517, %slice3A_518 : vector<1000x64xbf16>
    %convert_element_type3A_520 = arith.extf %add3A_519 : vector<1000x64xbf16> to vector<1000x64xf32>
    %add3A_521 = arith.addf %add3A_516, %convert_element_type3A_520 : vector<1000x64xf32>
    %slice3A_522 = vector.extract_strided_slice %mul3A_492 {offsets = [0, 768], sizes = [1000, 64], strides = [1, 1]} : vector<1000x1024xbf16> to vector<1000x64xbf16>
    %slice3A_523 = vector.extract_strided_slice %mul3A_492 {offsets = [0, 832], sizes = [1000, 64], strides = [1, 1]} : vector<1000x1024xbf16> to vector<1000x64xbf16>
    %add3A_524 = arith.addf %slice3A_522, %slice3A_523 : vector<1000x64xbf16>
    %convert_element_type3A_525 = arith.extf %add3A_524 : vector<1000x64xbf16> to vector<1000x64xf32>
    %add3A_526 = arith.addf %add3A_521, %convert_element_type3A_525 : vector<1000x64xf32>
    %slice3A_527 = vector.extract_strided_slice %mul3A_492 {offsets = [0, 896], sizes = [1000, 64], strides = [1, 1]} : vector<1000x1024xbf16> to vector<1000x64xbf16>
    %slice3A_528 = vector.extract_strided_slice %mul3A_492 {offsets = [0, 960], sizes = [1000, 64], strides = [1, 1]} : vector<1000x1024xbf16> to vector<1000x64xbf16>
    %add3A_529 = arith.addf %slice3A_527, %slice3A_528 : vector<1000x64xbf16>
    %convert_element_type3A_530 = arith.extf %add3A_529 : vector<1000x64xbf16> to vector<1000x64xf32>
    %add3A_531 = arith.addf %add3A_526, %convert_element_type3A_530 : vector<1000x64xf32>
    %add3A_532 = arith.addf %add3A_531, %get3A_102 : vector<1000x64xf32>
    %mul3A_533 = arith.mulf %add3A_532, %add3A_532 : vector<1000x64xf32>
    %dot_general3A_534 = arith.constant dense<0.000000e+00> : vector<1000x4xf32>
    %dot_general3A_535 = tpu.matmul %mul3A_533, %get3A_10, %dot_general3A_534 {dimension_numbers = #tpu.dot_dimension_numbers<[1], [0], [0], [1], [0, 0, 1, 1], [], []>, transpose_lhs_hint = false} : vector<1000x64xf32>, vector<64x4xf32>, vector<1000x4xf32> -> vector<1000x4xf32>
    %sqrt3A_536 = math.sqrt %dot_general3A_535 : vector<1000x4xf32>
    %max3A_537 = arith.constant 9.99999996E-13 : f32
    %max3A_538 = vector.broadcast %max3A_537 : f32 to vector<1000x4xf32>
    %max3A_539 = arith.maximumf %sqrt3A_536, %max3A_538 : vector<1000x4xf32>
    %div3A_540 = arith.constant 1.000000e+00 : f32
    %div3A_541 = vector.broadcast %div3A_540 : f32 to vector<1000x4xf32>
    %div3A_542 = arith.divf %div3A_541, %max3A_539 : vector<1000x4xf32>
    %dot_general3A_543 = arith.constant dense<0.000000e+00> : vector<1000x64xf32>
    %dot_general3A_544 = tpu.matmul %div3A_542, %get3A_13, %dot_general3A_543 {dimension_numbers = #tpu.dot_dimension_numbers<[1], [0], [0], [1], [0, 0, 1, 1], [], []>, transpose_lhs_hint = false} : vector<1000x4xf32>, vector<4x64xf32>, vector<1000x64xf32> -> vector<1000x64xf32>
    %mul3A_545 = arith.mulf %add3A_532, %dot_general3A_544 : vector<1000x64xf32>
    %concatenate3A_546 = tpu.concatenate %mul3A_478, %mul3A_478, %mul3A_478, %mul3A_478, %mul3A_478, %mul3A_478, %mul3A_478, %mul3A_478, %mul3A_478, %mul3A_478, %mul3A_478, %mul3A_478, %mul3A_478, %mul3A_478, %mul3A_478, %mul3A_478 in 1 : vector<1000x64xf32>, vector<1000x64xf32>, vector<1000x64xf32>, vector<1000x64xf32>, vector<1000x64xf32>, vector<1000x64xf32>, vector<1000x64xf32>, vector<1000x64xf32>, vector<1000x64xf32>, vector<1000x64xf32>, vector<1000x64xf32>, vector<1000x64xf32>, vector<1000x64xf32>, vector<1000x64xf32>, vector<1000x64xf32>, vector<1000x64xf32> -> vector<1000x1024xf32>
    %convert_element_type3A_547 = arith.truncf %concatenate3A_546 : vector<1000x1024xf32> to vector<1000x1024xbf16>
    %mul3A_548 = arith.mulf %concatenate3A_99, %convert_element_type3A_547 : vector<1000x1024xbf16>
    %dot_general3A_549 = arith.constant dense<0.000000e+00> : vector<1000x64xf32>
    %dot_general3A_550 = tpu.matmul %mul3A_548, %get3A_1, %dot_general3A_549 {dimension_numbers = #tpu.dot_dimension_numbers<[1], [0], [0], [1], [0, 0, 1, 1], [], []>, transpose_lhs_hint = false} : vector<1000x1024xbf16>, vector<1024x64xbf16>, vector<1000x64xf32> -> vector<1000x64xf32>
    %exp3A_551 = math.exp %dot_general3A_550 : vector<1000x64xf32>
    %dot_general3A_552 = arith.constant dense<0.000000e+00> : vector<1000x64xf32>
    %dot_general3A_553 = tpu.matmul %exp3A_551, %get3A_7, %dot_general3A_552 {dimension_numbers = #tpu.dot_dimension_numbers<[1], [0], [0], [1], [0, 0, 1, 1], [], []>, transpose_lhs_hint = false} : vector<1000x64xf32>, vector<64x64xf32>, vector<1000x64xf32> -> vector<1000x64xf32>
    %div3A_554 = arith.divf %exp3A_551, %dot_general3A_553 : vector<1000x64xf32>
    %convert_element_type3A_555 = arith.truncf %div3A_554 : vector<1000x64xf32> to vector<1000x64xbf16>
    %dot_general3A_556 = arith.constant dense<0.000000e+00> : vector<1000x1024xf32>
    %dot_general3A_557 = tpu.matmul %convert_element_type3A_555, %get3A_4, %dot_general3A_556 {dimension_numbers = #tpu.dot_dimension_numbers<[1], [0], [0], [1], [0, 0, 1, 1], [], []>, transpose_lhs_hint = false} : vector<1000x64xbf16>, vector<64x1024xbf16>, vector<1000x1024xf32> -> vector<1000x1024xf32>
    %convert_element_type3A_558 = arith.truncf %dot_general3A_557 : vector<1000x1024xf32> to vector<1000x1024xbf16>
    %mul3A_559 = arith.mulf %concatenate3A_99, %convert_element_type3A_558 : vector<1000x1024xbf16>
    %slice3A_560 = vector.extract_strided_slice %mul3A_559 {offsets = [0, 0], sizes = [1000, 64], strides = [1, 1]} : vector<1000x1024xbf16> to vector<1000x64xbf16>
    %slice3A_561 = vector.extract_strided_slice %mul3A_559 {offsets = [0, 64], sizes = [1000, 64], strides = [1, 1]} : vector<1000x1024xbf16> to vector<1000x64xbf16>
    %add3A_562 = arith.addf %slice3A_560, %slice3A_561 : vector<1000x64xbf16>
    %convert_element_type3A_563 = arith.extf %add3A_562 : vector<1000x64xbf16> to vector<1000x64xf32>
    %slice3A_564 = vector.extract_strided_slice %mul3A_559 {offsets = [0, 128], sizes = [1000, 64], strides = [1, 1]} : vector<1000x1024xbf16> to vector<1000x64xbf16>
    %slice3A_565 = vector.extract_strided_slice %mul3A_559 {offsets = [0, 192], sizes = [1000, 64], strides = [1, 1]} : vector<1000x1024xbf16> to vector<1000x64xbf16>
    %add3A_566 = arith.addf %slice3A_564, %slice3A_565 : vector<1000x64xbf16>
    %convert_element_type3A_567 = arith.extf %add3A_566 : vector<1000x64xbf16> to vector<1000x64xf32>
    %add3A_568 = arith.addf %convert_element_type3A_563, %convert_element_type3A_567 : vector<1000x64xf32>
    %slice3A_569 = vector.extract_strided_slice %mul3A_559 {offsets = [0, 256], sizes = [1000, 64], strides = [1, 1]} : vector<1000x1024xbf16> to vector<1000x64xbf16>
    %slice3A_570 = vector.extract_strided_slice %mul3A_559 {offsets = [0, 320], sizes = [1000, 64], strides = [1, 1]} : vector<1000x1024xbf16> to vector<1000x64xbf16>
    %add3A_571 = arith.addf %slice3A_569, %slice3A_570 : vector<1000x64xbf16>
    %convert_element_type3A_572 = arith.extf %add3A_571 : vector<1000x64xbf16> to vector<1000x64xf32>
    %add3A_573 = arith.addf %add3A_568, %convert_element_type3A_572 : vector<1000x64xf32>
    %slice3A_574 = vector.extract_strided_slice %mul3A_559 {offsets = [0, 384], sizes = [1000, 64], strides = [1, 1]} : vector<1000x1024xbf16> to vector<1000x64xbf16>
    %slice3A_575 = vector.extract_strided_slice %mul3A_559 {offsets = [0, 448], sizes = [1000, 64], strides = [1, 1]} : vector<1000x1024xbf16> to vector<1000x64xbf16>
    %add3A_576 = arith.addf %slice3A_574, %slice3A_575 : vector<1000x64xbf16>
    %convert_element_type3A_577 = arith.extf %add3A_576 : vector<1000x64xbf16> to vector<1000x64xf32>
    %add3A_578 = arith.addf %add3A_573, %convert_element_type3A_577 : vector<1000x64xf32>
    %slice3A_579 = vector.extract_strided_slice %mul3A_559 {offsets = [0, 512], sizes = [1000, 64], strides = [1, 1]} : vector<1000x1024xbf16> to vector<1000x64xbf16>
    %slice3A_580 = vector.extract_strided_slice %mul3A_559 {offsets = [0, 576], sizes = [1000, 64], strides = [1, 1]} : vector<1000x1024xbf16> to vector<1000x64xbf16>
    %add3A_581 = arith.addf %slice3A_579, %slice3A_580 : vector<1000x64xbf16>
    %convert_element_type3A_582 = arith.extf %add3A_581 : vector<1000x64xbf16> to vector<1000x64xf32>
    %add3A_583 = arith.addf %add3A_578, %convert_element_type3A_582 : vector<1000x64xf32>
    %slice3A_584 = vector.extract_strided_slice %mul3A_559 {offsets = [0, 640], sizes = [1000, 64], strides = [1, 1]} : vector<1000x1024xbf16> to vector<1000x64xbf16>
    %slice3A_585 = vector.extract_strided_slice %mul3A_559 {offsets = [0, 704], sizes = [1000, 64], strides = [1, 1]} : vector<1000x1024xbf16> to vector<1000x64xbf16>
    %add3A_586 = arith.addf %slice3A_584, %slice3A_585 : vector<1000x64xbf16>
    %convert_element_type3A_587 = arith.extf %add3A_586 : vector<1000x64xbf16> to vector<1000x64xf32>
    %add3A_588 = arith.addf %add3A_583, %convert_element_type3A_587 : vector<1000x64xf32>
    %slice3A_589 = vector.extract_strided_slice %mul3A_559 {offsets = [0, 768], sizes = [1000, 64], strides = [1, 1]} : vector<1000x1024xbf16> to vector<1000x64xbf16>
    %slice3A_590 = vector.extract_strided_slice %mul3A_559 {offsets = [0, 832], sizes = [1000, 64], strides = [1, 1]} : vector<1000x1024xbf16> to vector<1000x64xbf16>
    %add3A_591 = arith.addf %slice3A_589, %slice3A_590 : vector<1000x64xbf16>
    %convert_element_type3A_592 = arith.extf %add3A_591 : vector<1000x64xbf16> to vector<1000x64xf32>
    %add3A_593 = arith.addf %add3A_588, %convert_element_type3A_592 : vector<1000x64xf32>
    %slice3A_594 = vector.extract_strided_slice %mul3A_559 {offsets = [0, 896], sizes = [1000, 64], strides = [1, 1]} : vector<1000x1024xbf16> to vector<1000x64xbf16>
    %slice3A_595 = vector.extract_strided_slice %mul3A_559 {offsets = [0, 960], sizes = [1000, 64], strides = [1, 1]} : vector<1000x1024xbf16> to vector<1000x64xbf16>
    %add3A_596 = arith.addf %slice3A_594, %slice3A_595 : vector<1000x64xbf16>
    %convert_element_type3A_597 = arith.extf %add3A_596 : vector<1000x64xbf16> to vector<1000x64xf32>
    %add3A_598 = arith.addf %add3A_593, %convert_element_type3A_597 : vector<1000x64xf32>
    %add3A_599 = arith.addf %add3A_598, %get3A_105 : vector<1000x64xf32>
    %mul3A_600 = arith.mulf %add3A_599, %add3A_599 : vector<1000x64xf32>
    %dot_general3A_601 = arith.constant dense<0.000000e+00> : vector<1000x4xf32>
    %dot_general3A_602 = tpu.matmul %mul3A_600, %get3A_10, %dot_general3A_601 {dimension_numbers = #tpu.dot_dimension_numbers<[1], [0], [0], [1], [0, 0, 1, 1], [], []>, transpose_lhs_hint = false} : vector<1000x64xf32>, vector<64x4xf32>, vector<1000x4xf32> -> vector<1000x4xf32>
    %sqrt3A_603 = math.sqrt %dot_general3A_602 : vector<1000x4xf32>
    %max3A_604 = arith.constant 9.99999996E-13 : f32
    %max3A_605 = vector.broadcast %max3A_604 : f32 to vector<1000x4xf32>
    %max3A_606 = arith.maximumf %sqrt3A_603, %max3A_605 : vector<1000x4xf32>
    %div3A_607 = arith.constant 1.000000e+00 : f32
    %div3A_608 = vector.broadcast %div3A_607 : f32 to vector<1000x4xf32>
    %div3A_609 = arith.divf %div3A_608, %max3A_606 : vector<1000x4xf32>
    %dot_general3A_610 = arith.constant dense<0.000000e+00> : vector<1000x64xf32>
    %dot_general3A_611 = tpu.matmul %div3A_609, %get3A_13, %dot_general3A_610 {dimension_numbers = #tpu.dot_dimension_numbers<[1], [0], [0], [1], [0, 0, 1, 1], [], []>, transpose_lhs_hint = false} : vector<1000x4xf32>, vector<4x64xf32>, vector<1000x64xf32> -> vector<1000x64xf32>
    %mul3A_612 = arith.mulf %add3A_599, %dot_general3A_611 : vector<1000x64xf32>
    %concatenate3A_613 = tpu.concatenate %mul3A_545, %mul3A_545, %mul3A_545, %mul3A_545, %mul3A_545, %mul3A_545, %mul3A_545, %mul3A_545, %mul3A_545, %mul3A_545, %mul3A_545, %mul3A_545, %mul3A_545, %mul3A_545, %mul3A_545, %mul3A_545 in 1 : vector<1000x64xf32>, vector<1000x64xf32>, vector<1000x64xf32>, vector<1000x64xf32>, vector<1000x64xf32>, vector<1000x64xf32>, vector<1000x64xf32>, vector<1000x64xf32>, vector<1000x64xf32>, vector<1000x64xf32>, vector<1000x64xf32>, vector<1000x64xf32>, vector<1000x64xf32>, vector<1000x64xf32>, vector<1000x64xf32>, vector<1000x64xf32> -> vector<1000x1024xf32>
    %convert_element_type3A_614 = arith.truncf %concatenate3A_613 : vector<1000x1024xf32> to vector<1000x1024xbf16>
    %mul3A_615 = arith.mulf %concatenate3A, %convert_element_type3A_614 : vector<1000x1024xbf16>
    %dot_general3A_616 = arith.constant dense<0.000000e+00> : vector<1000x64xf32>
    %dot_general3A_617 = tpu.matmul %mul3A_615, %get3A_1, %dot_general3A_616 {dimension_numbers = #tpu.dot_dimension_numbers<[1], [0], [0], [1], [0, 0, 1, 1], [], []>, transpose_lhs_hint = false} : vector<1000x1024xbf16>, vector<1024x64xbf16>, vector<1000x64xf32> -> vector<1000x64xf32>
    %exp3A_618 = math.exp %dot_general3A_617 : vector<1000x64xf32>
    %dot_general3A_619 = arith.constant dense<0.000000e+00> : vector<1000x64xf32>
    %dot_general3A_620 = tpu.matmul %exp3A_618, %get3A_7, %dot_general3A_619 {dimension_numbers = #tpu.dot_dimension_numbers<[1], [0], [0], [1], [0, 0, 1, 1], [], []>, transpose_lhs_hint = false} : vector<1000x64xf32>, vector<64x64xf32>, vector<1000x64xf32> -> vector<1000x64xf32>
    %div3A_621 = arith.divf %exp3A_618, %dot_general3A_620 : vector<1000x64xf32>
    %convert_element_type3A_622 = arith.truncf %div3A_621 : vector<1000x64xf32> to vector<1000x64xbf16>
    %dot_general3A_623 = arith.constant dense<0.000000e+00> : vector<1000x1024xf32>
    %dot_general3A_624 = tpu.matmul %convert_element_type3A_622, %get3A_4, %dot_general3A_623 {dimension_numbers = #tpu.dot_dimension_numbers<[1], [0], [0], [1], [0, 0, 1, 1], [], []>, transpose_lhs_hint = false} : vector<1000x64xbf16>, vector<64x1024xbf16>, vector<1000x1024xf32> -> vector<1000x1024xf32>
    %convert_element_type3A_625 = arith.truncf %dot_general3A_624 : vector<1000x1024xf32> to vector<1000x1024xbf16>
    %mul3A_626 = arith.mulf %concatenate3A, %convert_element_type3A_625 : vector<1000x1024xbf16>
    %slice3A_627 = vector.extract_strided_slice %mul3A_626 {offsets = [0, 0], sizes = [1000, 64], strides = [1, 1]} : vector<1000x1024xbf16> to vector<1000x64xbf16>
    %slice3A_628 = vector.extract_strided_slice %mul3A_626 {offsets = [0, 64], sizes = [1000, 64], strides = [1, 1]} : vector<1000x1024xbf16> to vector<1000x64xbf16>
    %add3A_629 = arith.addf %slice3A_627, %slice3A_628 : vector<1000x64xbf16>
    %convert_element_type3A_630 = arith.extf %add3A_629 : vector<1000x64xbf16> to vector<1000x64xf32>
    %slice3A_631 = vector.extract_strided_slice %mul3A_626 {offsets = [0, 128], sizes = [1000, 64], strides = [1, 1]} : vector<1000x1024xbf16> to vector<1000x64xbf16>
    %slice3A_632 = vector.extract_strided_slice %mul3A_626 {offsets = [0, 192], sizes = [1000, 64], strides = [1, 1]} : vector<1000x1024xbf16> to vector<1000x64xbf16>
    %add3A_633 = arith.addf %slice3A_631, %slice3A_632 : vector<1000x64xbf16>
    %convert_element_type3A_634 = arith.extf %add3A_633 : vector<1000x64xbf16> to vector<1000x64xf32>
    %add3A_635 = arith.addf %convert_element_type3A_630, %convert_element_type3A_634 : vector<1000x64xf32>
    %slice3A_636 = vector.extract_strided_slice %mul3A_626 {offsets = [0, 256], sizes = [1000, 64], strides = [1, 1]} : vector<1000x1024xbf16> to vector<1000x64xbf16>
    %slice3A_637 = vector.extract_strided_slice %mul3A_626 {offsets = [0, 320], sizes = [1000, 64], strides = [1, 1]} : vector<1000x1024xbf16> to vector<1000x64xbf16>
    %add3A_638 = arith.addf %slice3A_636, %slice3A_637 : vector<1000x64xbf16>
    %convert_element_type3A_639 = arith.extf %add3A_638 : vector<1000x64xbf16> to vector<1000x64xf32>
    %add3A_640 = arith.addf %add3A_635, %convert_element_type3A_639 : vector<1000x64xf32>
    %slice3A_641 = vector.extract_strided_slice %mul3A_626 {offsets = [0, 384], sizes = [1000, 64], strides = [1, 1]} : vector<1000x1024xbf16> to vector<1000x64xbf16>
    %slice3A_642 = vector.extract_strided_slice %mul3A_626 {offsets = [0, 448], sizes = [1000, 64], strides = [1, 1]} : vector<1000x1024xbf16> to vector<1000x64xbf16>
    %add3A_643 = arith.addf %slice3A_641, %slice3A_642 : vector<1000x64xbf16>
    %convert_element_type3A_644 = arith.extf %add3A_643 : vector<1000x64xbf16> to vector<1000x64xf32>
    %add3A_645 = arith.addf %add3A_640, %convert_element_type3A_644 : vector<1000x64xf32>
    %slice3A_646 = vector.extract_strided_slice %mul3A_626 {offsets = [0, 512], sizes = [1000, 64], strides = [1, 1]} : vector<1000x1024xbf16> to vector<1000x64xbf16>
    %slice3A_647 = vector.extract_strided_slice %mul3A_626 {offsets = [0, 576], sizes = [1000, 64], strides = [1, 1]} : vector<1000x1024xbf16> to vector<1000x64xbf16>
    %add3A_648 = arith.addf %slice3A_646, %slice3A_647 : vector<1000x64xbf16>
    %convert_element_type3A_649 = arith.extf %add3A_648 : vector<1000x64xbf16> to vector<1000x64xf32>
    %add3A_650 = arith.addf %add3A_645, %convert_element_type3A_649 : vector<1000x64xf32>
    %slice3A_651 = vector.extract_strided_slice %mul3A_626 {offsets = [0, 640], sizes = [1000, 64], strides = [1, 1]} : vector<1000x1024xbf16> to vector<1000x64xbf16>
    %slice3A_652 = vector.extract_strided_slice %mul3A_626 {offsets = [0, 704], sizes = [1000, 64], strides = [1, 1]} : vector<1000x1024xbf16> to vector<1000x64xbf16>
    %add3A_653 = arith.addf %slice3A_651, %slice3A_652 : vector<1000x64xbf16>
    %convert_element_type3A_654 = arith.extf %add3A_653 : vector<1000x64xbf16> to vector<1000x64xf32>
    %add3A_655 = arith.addf %add3A_650, %convert_element_type3A_654 : vector<1000x64xf32>
    %slice3A_656 = vector.extract_strided_slice %mul3A_626 {offsets = [0, 768], sizes = [1000, 64], strides = [1, 1]} : vector<1000x1024xbf16> to vector<1000x64xbf16>
    %slice3A_657 = vector.extract_strided_slice %mul3A_626 {offsets = [0, 832], sizes = [1000, 64], strides = [1, 1]} : vector<1000x1024xbf16> to vector<1000x64xbf16>
    %add3A_658 = arith.addf %slice3A_656, %slice3A_657 : vector<1000x64xbf16>
    %convert_element_type3A_659 = arith.extf %add3A_658 : vector<1000x64xbf16> to vector<1000x64xf32>
    %add3A_660 = arith.addf %add3A_655, %convert_element_type3A_659 : vector<1000x64xf32>
    %slice3A_661 = vector.extract_strided_slice %mul3A_626 {offsets = [0, 896], sizes = [1000, 64], strides = [1, 1]} : vector<1000x1024xbf16> to vector<1000x64xbf16>
    %slice3A_662 = vector.extract_strided_slice %mul3A_626 {offsets = [0, 960], sizes = [1000, 64], strides = [1, 1]} : vector<1000x1024xbf16> to vector<1000x64xbf16>
    %add3A_663 = arith.addf %slice3A_661, %slice3A_662 : vector<1000x64xbf16>
    %convert_element_type3A_664 = arith.extf %add3A_663 : vector<1000x64xbf16> to vector<1000x64xf32>
    %add3A_665 = arith.addf %add3A_660, %convert_element_type3A_664 : vector<1000x64xf32>
    %add3A_666 = arith.addf %add3A_665, %get3A_102 : vector<1000x64xf32>
    %mul3A_667 = arith.mulf %add3A_666, %add3A_666 : vector<1000x64xf32>
    %dot_general3A_668 = arith.constant dense<0.000000e+00> : vector<1000x4xf32>
    %dot_general3A_669 = tpu.matmul %mul3A_667, %get3A_10, %dot_general3A_668 {dimension_numbers = #tpu.dot_dimension_numbers<[1], [0], [0], [1], [0, 0, 1, 1], [], []>, transpose_lhs_hint = false} : vector<1000x64xf32>, vector<64x4xf32>, vector<1000x4xf32> -> vector<1000x4xf32>
    %sqrt3A_670 = math.sqrt %dot_general3A_669 : vector<1000x4xf32>
    %max3A_671 = arith.constant 9.99999996E-13 : f32
    %max3A_672 = vector.broadcast %max3A_671 : f32 to vector<1000x4xf32>
    %max3A_673 = arith.maximumf %sqrt3A_670, %max3A_672 : vector<1000x4xf32>
    %div3A_674 = arith.constant 1.000000e+00 : f32
    %div3A_675 = vector.broadcast %div3A_674 : f32 to vector<1000x4xf32>
    %div3A_676 = arith.divf %div3A_675, %max3A_673 : vector<1000x4xf32>
    %dot_general3A_677 = arith.constant dense<0.000000e+00> : vector<1000x64xf32>
    %dot_general3A_678 = tpu.matmul %div3A_676, %get3A_13, %dot_general3A_677 {dimension_numbers = #tpu.dot_dimension_numbers<[1], [0], [0], [1], [0, 0, 1, 1], [], []>, transpose_lhs_hint = false} : vector<1000x4xf32>, vector<4x64xf32>, vector<1000x64xf32> -> vector<1000x64xf32>
    %mul3A_679 = arith.mulf %add3A_666, %dot_general3A_678 : vector<1000x64xf32>
    %concatenate3A_680 = tpu.concatenate %mul3A_612, %mul3A_612, %mul3A_612, %mul3A_612, %mul3A_612, %mul3A_612, %mul3A_612, %mul3A_612, %mul3A_612, %mul3A_612, %mul3A_612, %mul3A_612, %mul3A_612, %mul3A_612, %mul3A_612, %mul3A_612 in 1 : vector<1000x64xf32>, vector<1000x64xf32>, vector<1000x64xf32>, vector<1000x64xf32>, vector<1000x64xf32>, vector<1000x64xf32>, vector<1000x64xf32>, vector<1000x64xf32>, vector<1000x64xf32>, vector<1000x64xf32>, vector<1000x64xf32>, vector<1000x64xf32>, vector<1000x64xf32>, vector<1000x64xf32>, vector<1000x64xf32>, vector<1000x64xf32> -> vector<1000x1024xf32>
    %convert_element_type3A_681 = arith.truncf %concatenate3A_680 : vector<1000x1024xf32> to vector<1000x1024xbf16>
    %mul3A_682 = arith.mulf %concatenate3A_99, %convert_element_type3A_681 : vector<1000x1024xbf16>
    %dot_general3A_683 = arith.constant dense<0.000000e+00> : vector<1000x64xf32>
    %dot_general3A_684 = tpu.matmul %mul3A_682, %get3A_1, %dot_general3A_683 {dimension_numbers = #tpu.dot_dimension_numbers<[1], [0], [0], [1], [0, 0, 1, 1], [], []>, transpose_lhs_hint = false} : vector<1000x1024xbf16>, vector<1024x64xbf16>, vector<1000x64xf32> -> vector<1000x64xf32>
    %exp3A_685 = math.exp %dot_general3A_684 : vector<1000x64xf32>
    %dot_general3A_686 = arith.constant dense<0.000000e+00> : vector<1000x64xf32>
    %dot_general3A_687 = tpu.matmul %exp3A_685, %get3A_7, %dot_general3A_686 {dimension_numbers = #tpu.dot_dimension_numbers<[1], [0], [0], [1], [0, 0, 1, 1], [], []>, transpose_lhs_hint = false} : vector<1000x64xf32>, vector<64x64xf32>, vector<1000x64xf32> -> vector<1000x64xf32>
    %div3A_688 = arith.divf %exp3A_685, %dot_general3A_687 : vector<1000x64xf32>
    %convert_element_type3A_689 = arith.truncf %div3A_688 : vector<1000x64xf32> to vector<1000x64xbf16>
    %dot_general3A_690 = arith.constant dense<0.000000e+00> : vector<1000x1024xf32>
    %dot_general3A_691 = tpu.matmul %convert_element_type3A_689, %get3A_4, %dot_general3A_690 {dimension_numbers = #tpu.dot_dimension_numbers<[1], [0], [0], [1], [0, 0, 1, 1], [], []>, transpose_lhs_hint = false} : vector<1000x64xbf16>, vector<64x1024xbf16>, vector<1000x1024xf32> -> vector<1000x1024xf32>
    %convert_element_type3A_692 = arith.truncf %dot_general3A_691 : vector<1000x1024xf32> to vector<1000x1024xbf16>
    %mul3A_693 = arith.mulf %concatenate3A_99, %convert_element_type3A_692 : vector<1000x1024xbf16>
    %slice3A_694 = vector.extract_strided_slice %mul3A_693 {offsets = [0, 0], sizes = [1000, 64], strides = [1, 1]} : vector<1000x1024xbf16> to vector<1000x64xbf16>
    %slice3A_695 = vector.extract_strided_slice %mul3A_693 {offsets = [0, 64], sizes = [1000, 64], strides = [1, 1]} : vector<1000x1024xbf16> to vector<1000x64xbf16>
    %add3A_696 = arith.addf %slice3A_694, %slice3A_695 : vector<1000x64xbf16>
    %convert_element_type3A_697 = arith.extf %add3A_696 : vector<1000x64xbf16> to vector<1000x64xf32>
    %slice3A_698 = vector.extract_strided_slice %mul3A_693 {offsets = [0, 128], sizes = [1000, 64], strides = [1, 1]} : vector<1000x1024xbf16> to vector<1000x64xbf16>
    %slice3A_699 = vector.extract_strided_slice %mul3A_693 {offsets = [0, 192], sizes = [1000, 64], strides = [1, 1]} : vector<1000x1024xbf16> to vector<1000x64xbf16>
    %add3A_700 = arith.addf %slice3A_698, %slice3A_699 : vector<1000x64xbf16>
    %convert_element_type3A_701 = arith.extf %add3A_700 : vector<1000x64xbf16> to vector<1000x64xf32>
    %add3A_702 = arith.addf %convert_element_type3A_697, %convert_element_type3A_701 : vector<1000x64xf32>
    %slice3A_703 = vector.extract_strided_slice %mul3A_693 {offsets = [0, 256], sizes = [1000, 64], strides = [1, 1]} : vector<1000x1024xbf16> to vector<1000x64xbf16>
    %slice3A_704 = vector.extract_strided_slice %mul3A_693 {offsets = [0, 320], sizes = [1000, 64], strides = [1, 1]} : vector<1000x1024xbf16> to vector<1000x64xbf16>
    %add3A_705 = arith.addf %slice3A_703, %slice3A_704 : vector<1000x64xbf16>
    %convert_element_type3A_706 = arith.extf %add3A_705 : vector<1000x64xbf16> to vector<1000x64xf32>
    %add3A_707 = arith.addf %add3A_702, %convert_element_type3A_706 : vector<1000x64xf32>
    %slice3A_708 = vector.extract_strided_slice %mul3A_693 {offsets = [0, 384], sizes = [1000, 64], strides = [1, 1]} : vector<1000x1024xbf16> to vector<1000x64xbf16>
    %slice3A_709 = vector.extract_strided_slice %mul3A_693 {offsets = [0, 448], sizes = [1000, 64], strides = [1, 1]} : vector<1000x1024xbf16> to vector<1000x64xbf16>
    %add3A_710 = arith.addf %slice3A_708, %slice3A_709 : vector<1000x64xbf16>
    %convert_element_type3A_711 = arith.extf %add3A_710 : vector<1000x64xbf16> to vector<1000x64xf32>
    %add3A_712 = arith.addf %add3A_707, %convert_element_type3A_711 : vector<1000x64xf32>
    %slice3A_713 = vector.extract_strided_slice %mul3A_693 {offsets = [0, 512], sizes = [1000, 64], strides = [1, 1]} : vector<1000x1024xbf16> to vector<1000x64xbf16>
    %slice3A_714 = vector.extract_strided_slice %mul3A_693 {offsets = [0, 576], sizes = [1000, 64], strides = [1, 1]} : vector<1000x1024xbf16> to vector<1000x64xbf16>
    %add3A_715 = arith.addf %slice3A_713, %slice3A_714 : vector<1000x64xbf16>
    %convert_element_type3A_716 = arith.extf %add3A_715 : vector<1000x64xbf16> to vector<1000x64xf32>
    %add3A_717 = arith.addf %add3A_712, %convert_element_type3A_716 : vector<1000x64xf32>
    %slice3A_718 = vector.extract_strided_slice %mul3A_693 {offsets = [0, 640], sizes = [1000, 64], strides = [1, 1]} : vector<1000x1024xbf16> to vector<1000x64xbf16>
    %slice3A_719 = vector.extract_strided_slice %mul3A_693 {offsets = [0, 704], sizes = [1000, 64], strides = [1, 1]} : vector<1000x1024xbf16> to vector<1000x64xbf16>
    %add3A_720 = arith.addf %slice3A_718, %slice3A_719 : vector<1000x64xbf16>
    %convert_element_type3A_721 = arith.extf %add3A_720 : vector<1000x64xbf16> to vector<1000x64xf32>
    %add3A_722 = arith.addf %add3A_717, %convert_element_type3A_721 : vector<1000x64xf32>
    %slice3A_723 = vector.extract_strided_slice %mul3A_693 {offsets = [0, 768], sizes = [1000, 64], strides = [1, 1]} : vector<1000x1024xbf16> to vector<1000x64xbf16>
    %slice3A_724 = vector.extract_strided_slice %mul3A_693 {offsets = [0, 832], sizes = [1000, 64], strides = [1, 1]} : vector<1000x1024xbf16> to vector<1000x64xbf16>
    %add3A_725 = arith.addf %slice3A_723, %slice3A_724 : vector<1000x64xbf16>
    %convert_element_type3A_726 = arith.extf %add3A_725 : vector<1000x64xbf16> to vector<1000x64xf32>
    %add3A_727 = arith.addf %add3A_722, %convert_element_type3A_726 : vector<1000x64xf32>
    %slice3A_728 = vector.extract_strided_slice %mul3A_693 {offsets = [0, 896], sizes = [1000, 64], strides = [1, 1]} : vector<1000x1024xbf16> to vector<1000x64xbf16>
    %slice3A_729 = vector.extract_strided_slice %mul3A_693 {offsets = [0, 960], sizes = [1000, 64], strides = [1, 1]} : vector<1000x1024xbf16> to vector<1000x64xbf16>
    %add3A_730 = arith.addf %slice3A_728, %slice3A_729 : vector<1000x64xbf16>
    %convert_element_type3A_731 = arith.extf %add3A_730 : vector<1000x64xbf16> to vector<1000x64xf32>
    %add3A_732 = arith.addf %add3A_727, %convert_element_type3A_731 : vector<1000x64xf32>
    %add3A_733 = arith.addf %add3A_732, %get3A_105 : vector<1000x64xf32>
    %mul3A_734 = arith.mulf %add3A_733, %add3A_733 : vector<1000x64xf32>
    %dot_general3A_735 = arith.constant dense<0.000000e+00> : vector<1000x4xf32>
    %dot_general3A_736 = tpu.matmul %mul3A_734, %get3A_10, %dot_general3A_735 {dimension_numbers = #tpu.dot_dimension_numbers<[1], [0], [0], [1], [0, 0, 1, 1], [], []>, transpose_lhs_hint = false} : vector<1000x64xf32>, vector<64x4xf32>, vector<1000x4xf32> -> vector<1000x4xf32>
    %sqrt3A_737 = math.sqrt %dot_general3A_736 : vector<1000x4xf32>
    %max3A_738 = arith.constant 9.99999996E-13 : f32
    %max3A_739 = vector.broadcast %max3A_738 : f32 to vector<1000x4xf32>
    %max3A_740 = arith.maximumf %sqrt3A_737, %max3A_739 : vector<1000x4xf32>
    %div3A_741 = arith.constant 1.000000e+00 : f32
    %div3A_742 = vector.broadcast %div3A_741 : f32 to vector<1000x4xf32>
    %div3A_743 = arith.divf %div3A_742, %max3A_740 : vector<1000x4xf32>
    %dot_general3A_744 = arith.constant dense<0.000000e+00> : vector<1000x64xf32>
    %dot_general3A_745 = tpu.matmul %div3A_743, %get3A_13, %dot_general3A_744 {dimension_numbers = #tpu.dot_dimension_numbers<[1], [0], [0], [1], [0, 0, 1, 1], [], []>, transpose_lhs_hint = false} : vector<1000x4xf32>, vector<4x64xf32>, vector<1000x64xf32> -> vector<1000x64xf32>
    %mul3A_746 = arith.mulf %add3A_733, %dot_general3A_745 : vector<1000x64xf32>
    %concatenate3A_747 = tpu.concatenate %mul3A_679, %mul3A_679, %mul3A_679, %mul3A_679, %mul3A_679, %mul3A_679, %mul3A_679, %mul3A_679, %mul3A_679, %mul3A_679, %mul3A_679, %mul3A_679, %mul3A_679, %mul3A_679, %mul3A_679, %mul3A_679 in 1 : vector<1000x64xf32>, vector<1000x64xf32>, vector<1000x64xf32>, vector<1000x64xf32>, vector<1000x64xf32>, vector<1000x64xf32>, vector<1000x64xf32>, vector<1000x64xf32>, vector<1000x64xf32>, vector<1000x64xf32>, vector<1000x64xf32>, vector<1000x64xf32>, vector<1000x64xf32>, vector<1000x64xf32>, vector<1000x64xf32>, vector<1000x64xf32> -> vector<1000x1024xf32>
    %convert_element_type3A_748 = arith.truncf %concatenate3A_747 : vector<1000x1024xf32> to vector<1000x1024xbf16>
    %mul3A_749 = arith.mulf %concatenate3A, %convert_element_type3A_748 : vector<1000x1024xbf16>
    %dot_general3A_750 = arith.constant dense<0.000000e+00> : vector<1000x64xf32>
    %dot_general3A_751 = tpu.matmul %mul3A_749, %get3A_1, %dot_general3A_750 {dimension_numbers = #tpu.dot_dimension_numbers<[1], [0], [0], [1], [0, 0, 1, 1], [], []>, transpose_lhs_hint = false} : vector<1000x1024xbf16>, vector<1024x64xbf16>, vector<1000x64xf32> -> vector<1000x64xf32>
    %exp3A_752 = math.exp %dot_general3A_751 : vector<1000x64xf32>
    %dot_general3A_753 = arith.constant dense<0.000000e+00> : vector<1000x64xf32>
    %dot_general3A_754 = tpu.matmul %exp3A_752, %get3A_7, %dot_general3A_753 {dimension_numbers = #tpu.dot_dimension_numbers<[1], [0], [0], [1], [0, 0, 1, 1], [], []>, transpose_lhs_hint = false} : vector<1000x64xf32>, vector<64x64xf32>, vector<1000x64xf32> -> vector<1000x64xf32>
    %div3A_755 = arith.divf %exp3A_752, %dot_general3A_754 : vector<1000x64xf32>
    %convert_element_type3A_756 = arith.truncf %div3A_755 : vector<1000x64xf32> to vector<1000x64xbf16>
    %dot_general3A_757 = arith.constant dense<0.000000e+00> : vector<1000x1024xf32>
    %dot_general3A_758 = tpu.matmul %convert_element_type3A_756, %get3A_4, %dot_general3A_757 {dimension_numbers = #tpu.dot_dimension_numbers<[1], [0], [0], [1], [0, 0, 1, 1], [], []>, transpose_lhs_hint = false} : vector<1000x64xbf16>, vector<64x1024xbf16>, vector<1000x1024xf32> -> vector<1000x1024xf32>
    %convert_element_type3A_759 = arith.truncf %dot_general3A_758 : vector<1000x1024xf32> to vector<1000x1024xbf16>
    %mul3A_760 = arith.mulf %concatenate3A, %convert_element_type3A_759 : vector<1000x1024xbf16>
    %slice3A_761 = vector.extract_strided_slice %mul3A_760 {offsets = [0, 0], sizes = [1000, 64], strides = [1, 1]} : vector<1000x1024xbf16> to vector<1000x64xbf16>
    %slice3A_762 = vector.extract_strided_slice %mul3A_760 {offsets = [0, 64], sizes = [1000, 64], strides = [1, 1]} : vector<1000x1024xbf16> to vector<1000x64xbf16>
    %add3A_763 = arith.addf %slice3A_761, %slice3A_762 : vector<1000x64xbf16>
    %convert_element_type3A_764 = arith.extf %add3A_763 : vector<1000x64xbf16> to vector<1000x64xf32>
    %slice3A_765 = vector.extract_strided_slice %mul3A_760 {offsets = [0, 128], sizes = [1000, 64], strides = [1, 1]} : vector<1000x1024xbf16> to vector<1000x64xbf16>
    %slice3A_766 = vector.extract_strided_slice %mul3A_760 {offsets = [0, 192], sizes = [1000, 64], strides = [1, 1]} : vector<1000x1024xbf16> to vector<1000x64xbf16>
    %add3A_767 = arith.addf %slice3A_765, %slice3A_766 : vector<1000x64xbf16>
    %convert_element_type3A_768 = arith.extf %add3A_767 : vector<1000x64xbf16> to vector<1000x64xf32>
    %add3A_769 = arith.addf %convert_element_type3A_764, %convert_element_type3A_768 : vector<1000x64xf32>
    %slice3A_770 = vector.extract_strided_slice %mul3A_760 {offsets = [0, 256], sizes = [1000, 64], strides = [1, 1]} : vector<1000x1024xbf16> to vector<1000x64xbf16>
    %slice3A_771 = vector.extract_strided_slice %mul3A_760 {offsets = [0, 320], sizes = [1000, 64], strides = [1, 1]} : vector<1000x1024xbf16> to vector<1000x64xbf16>
    %add3A_772 = arith.addf %slice3A_770, %slice3A_771 : vector<1000x64xbf16>
    %convert_element_type3A_773 = arith.extf %add3A_772 : vector<1000x64xbf16> to vector<1000x64xf32>
    %add3A_774 = arith.addf %add3A_769, %convert_element_type3A_773 : vector<1000x64xf32>
    %slice3A_775 = vector.extract_strided_slice %mul3A_760 {offsets = [0, 384], sizes = [1000, 64], strides = [1, 1]} : vector<1000x1024xbf16> to vector<1000x64xbf16>
    %slice3A_776 = vector.extract_strided_slice %mul3A_760 {offsets = [0, 448], sizes = [1000, 64], strides = [1, 1]} : vector<1000x1024xbf16> to vector<1000x64xbf16>
    %add3A_777 = arith.addf %slice3A_775, %slice3A_776 : vector<1000x64xbf16>
    %convert_element_type3A_778 = arith.extf %add3A_777 : vector<1000x64xbf16> to vector<1000x64xf32>
    %add3A_779 = arith.addf %add3A_774, %convert_element_type3A_778 : vector<1000x64xf32>
    %slice3A_780 = vector.extract_strided_slice %mul3A_760 {offsets = [0, 512], sizes = [1000, 64], strides = [1, 1]} : vector<1000x1024xbf16> to vector<1000x64xbf16>
    %slice3A_781 = vector.extract_strided_slice %mul3A_760 {offsets = [0, 576], sizes = [1000, 64], strides = [1, 1]} : vector<1000x1024xbf16> to vector<1000x64xbf16>
    %add3A_782 = arith.addf %slice3A_780, %slice3A_781 : vector<1000x64xbf16>
    %convert_element_type3A_783 = arith.extf %add3A_782 : vector<1000x64xbf16> to vector<1000x64xf32>
    %add3A_784 = arith.addf %add3A_779, %convert_element_type3A_783 : vector<1000x64xf32>
    %slice3A_785 = vector.extract_strided_slice %mul3A_760 {offsets = [0, 640], sizes = [1000, 64], strides = [1, 1]} : vector<1000x1024xbf16> to vector<1000x64xbf16>
    %slice3A_786 = vector.extract_strided_slice %mul3A_760 {offsets = [0, 704], sizes = [1000, 64], strides = [1, 1]} : vector<1000x1024xbf16> to vector<1000x64xbf16>
    %add3A_787 = arith.addf %slice3A_785, %slice3A_786 : vector<1000x64xbf16>
    %convert_element_type3A_788 = arith.extf %add3A_787 : vector<1000x64xbf16> to vector<1000x64xf32>
    %add3A_789 = arith.addf %add3A_784, %convert_element_type3A_788 : vector<1000x64xf32>
    %slice3A_790 = vector.extract_strided_slice %mul3A_760 {offsets = [0, 768], sizes = [1000, 64], strides = [1, 1]} : vector<1000x1024xbf16> to vector<1000x64xbf16>
    %slice3A_791 = vector.extract_strided_slice %mul3A_760 {offsets = [0, 832], sizes = [1000, 64], strides = [1, 1]} : vector<1000x1024xbf16> to vector<1000x64xbf16>
    %add3A_792 = arith.addf %slice3A_790, %slice3A_791 : vector<1000x64xbf16>
    %convert_element_type3A_793 = arith.extf %add3A_792 : vector<1000x64xbf16> to vector<1000x64xf32>
    %add3A_794 = arith.addf %add3A_789, %convert_element_type3A_793 : vector<1000x64xf32>
    %slice3A_795 = vector.extract_strided_slice %mul3A_760 {offsets = [0, 896], sizes = [1000, 64], strides = [1, 1]} : vector<1000x1024xbf16> to vector<1000x64xbf16>
    %slice3A_796 = vector.extract_strided_slice %mul3A_760 {offsets = [0, 960], sizes = [1000, 64], strides = [1, 1]} : vector<1000x1024xbf16> to vector<1000x64xbf16>
    %add3A_797 = arith.addf %slice3A_795, %slice3A_796 : vector<1000x64xbf16>
    %convert_element_type3A_798 = arith.extf %add3A_797 : vector<1000x64xbf16> to vector<1000x64xf32>
    %add3A_799 = arith.addf %add3A_794, %convert_element_type3A_798 : vector<1000x64xf32>
    %add3A_800 = arith.addf %add3A_799, %get3A_102 : vector<1000x64xf32>
    %concatenate3A_801 = tpu.concatenate %mul3A_746, %mul3A_746, %mul3A_746, %mul3A_746, %mul3A_746, %mul3A_746, %mul3A_746, %mul3A_746, %mul3A_746, %mul3A_746, %mul3A_746, %mul3A_746, %mul3A_746, %mul3A_746, %mul3A_746, %mul3A_746 in 1 : vector<1000x64xf32>, vector<1000x64xf32>, vector<1000x64xf32>, vector<1000x64xf32>, vector<1000x64xf32>, vector<1000x64xf32>, vector<1000x64xf32>, vector<1000x64xf32>, vector<1000x64xf32>, vector<1000x64xf32>, vector<1000x64xf32>, vector<1000x64xf32>, vector<1000x64xf32>, vector<1000x64xf32>, vector<1000x64xf32>, vector<1000x64xf32> -> vector<1000x1024xf32>
    %convert_element_type3A_802 = arith.truncf %concatenate3A_801 : vector<1000x1024xf32> to vector<1000x1024xbf16>
    %mul3A_803 = arith.mulf %concatenate3A_99, %convert_element_type3A_802 : vector<1000x1024xbf16>
    %dot_general3A_804 = arith.constant dense<0.000000e+00> : vector<1000x64xf32>
    %dot_general3A_805 = tpu.matmul %mul3A_803, %get3A_1, %dot_general3A_804 {dimension_numbers = #tpu.dot_dimension_numbers<[1], [0], [0], [1], [0, 0, 1, 1], [], []>, transpose_lhs_hint = false} : vector<1000x1024xbf16>, vector<1024x64xbf16>, vector<1000x64xf32> -> vector<1000x64xf32>
    %exp3A_806 = math.exp %dot_general3A_805 : vector<1000x64xf32>
    %dot_general3A_807 = arith.constant dense<0.000000e+00> : vector<1000x64xf32>
    %dot_general3A_808 = tpu.matmul %exp3A_806, %get3A_7, %dot_general3A_807 {dimension_numbers = #tpu.dot_dimension_numbers<[1], [0], [0], [1], [0, 0, 1, 1], [], []>, transpose_lhs_hint = false} : vector<1000x64xf32>, vector<64x64xf32>, vector<1000x64xf32> -> vector<1000x64xf32>
    %div3A_809 = arith.divf %exp3A_806, %dot_general3A_808 : vector<1000x64xf32>
    %convert_element_type3A_810 = arith.truncf %div3A_809 : vector<1000x64xf32> to vector<1000x64xbf16>
    %dot_general3A_811 = arith.constant dense<0.000000e+00> : vector<1000x1024xf32>
    %dot_general3A_812 = tpu.matmul %convert_element_type3A_810, %get3A_4, %dot_general3A_811 {dimension_numbers = #tpu.dot_dimension_numbers<[1], [0], [0], [1], [0, 0, 1, 1], [], []>, transpose_lhs_hint = false} : vector<1000x64xbf16>, vector<64x1024xbf16>, vector<1000x1024xf32> -> vector<1000x1024xf32>
    %convert_element_type3A_813 = arith.truncf %dot_general3A_812 : vector<1000x1024xf32> to vector<1000x1024xbf16>
    %mul3A_814 = arith.mulf %concatenate3A_99, %convert_element_type3A_813 : vector<1000x1024xbf16>
    %slice3A_815 = vector.extract_strided_slice %mul3A_814 {offsets = [0, 0], sizes = [1000, 64], strides = [1, 1]} : vector<1000x1024xbf16> to vector<1000x64xbf16>
    %slice3A_816 = vector.extract_strided_slice %mul3A_814 {offsets = [0, 64], sizes = [1000, 64], strides = [1, 1]} : vector<1000x1024xbf16> to vector<1000x64xbf16>
    %add3A_817 = arith.addf %slice3A_815, %slice3A_816 : vector<1000x64xbf16>
    %convert_element_type3A_818 = arith.extf %add3A_817 : vector<1000x64xbf16> to vector<1000x64xf32>
    %slice3A_819 = vector.extract_strided_slice %mul3A_814 {offsets = [0, 128], sizes = [1000, 64], strides = [1, 1]} : vector<1000x1024xbf16> to vector<1000x64xbf16>
    %slice3A_820 = vector.extract_strided_slice %mul3A_814 {offsets = [0, 192], sizes = [1000, 64], strides = [1, 1]} : vector<1000x1024xbf16> to vector<1000x64xbf16>
    %add3A_821 = arith.addf %slice3A_819, %slice3A_820 : vector<1000x64xbf16>
    %convert_element_type3A_822 = arith.extf %add3A_821 : vector<1000x64xbf16> to vector<1000x64xf32>
    %add3A_823 = arith.addf %convert_element_type3A_818, %convert_element_type3A_822 : vector<1000x64xf32>
    %slice3A_824 = vector.extract_strided_slice %mul3A_814 {offsets = [0, 256], sizes = [1000, 64], strides = [1, 1]} : vector<1000x1024xbf16> to vector<1000x64xbf16>
    %slice3A_825 = vector.extract_strided_slice %mul3A_814 {offsets = [0, 320], sizes = [1000, 64], strides = [1, 1]} : vector<1000x1024xbf16> to vector<1000x64xbf16>
    %add3A_826 = arith.addf %slice3A_824, %slice3A_825 : vector<1000x64xbf16>
    %convert_element_type3A_827 = arith.extf %add3A_826 : vector<1000x64xbf16> to vector<1000x64xf32>
    %add3A_828 = arith.addf %add3A_823, %convert_element_type3A_827 : vector<1000x64xf32>
    %slice3A_829 = vector.extract_strided_slice %mul3A_814 {offsets = [0, 384], sizes = [1000, 64], strides = [1, 1]} : vector<1000x1024xbf16> to vector<1000x64xbf16>
    %slice3A_830 = vector.extract_strided_slice %mul3A_814 {offsets = [0, 448], sizes = [1000, 64], strides = [1, 1]} : vector<1000x1024xbf16> to vector<1000x64xbf16>
    %add3A_831 = arith.addf %slice3A_829, %slice3A_830 : vector<1000x64xbf16>
    %convert_element_type3A_832 = arith.extf %add3A_831 : vector<1000x64xbf16> to vector<1000x64xf32>
    %add3A_833 = arith.addf %add3A_828, %convert_element_type3A_832 : vector<1000x64xf32>
    %slice3A_834 = vector.extract_strided_slice %mul3A_814 {offsets = [0, 512], sizes = [1000, 64], strides = [1, 1]} : vector<1000x1024xbf16> to vector<1000x64xbf16>
    %slice3A_835 = vector.extract_strided_slice %mul3A_814 {offsets = [0, 576], sizes = [1000, 64], strides = [1, 1]} : vector<1000x1024xbf16> to vector<1000x64xbf16>
    %add3A_836 = arith.addf %slice3A_834, %slice3A_835 : vector<1000x64xbf16>
    %convert_element_type3A_837 = arith.extf %add3A_836 : vector<1000x64xbf16> to vector<1000x64xf32>
    %add3A_838 = arith.addf %add3A_833, %convert_element_type3A_837 : vector<1000x64xf32>
    %slice3A_839 = vector.extract_strided_slice %mul3A_814 {offsets = [0, 640], sizes = [1000, 64], strides = [1, 1]} : vector<1000x1024xbf16> to vector<1000x64xbf16>
    %slice3A_840 = vector.extract_strided_slice %mul3A_814 {offsets = [0, 704], sizes = [1000, 64], strides = [1, 1]} : vector<1000x1024xbf16> to vector<1000x64xbf16>
    %add3A_841 = arith.addf %slice3A_839, %slice3A_840 : vector<1000x64xbf16>
    %convert_element_type3A_842 = arith.extf %add3A_841 : vector<1000x64xbf16> to vector<1000x64xf32>
    %add3A_843 = arith.addf %add3A_838, %convert_element_type3A_842 : vector<1000x64xf32>
    %slice3A_844 = vector.extract_strided_slice %mul3A_814 {offsets = [0, 768], sizes = [1000, 64], strides = [1, 1]} : vector<1000x1024xbf16> to vector<1000x64xbf16>
    %slice3A_845 = vector.extract_strided_slice %mul3A_814 {offsets = [0, 832], sizes = [1000, 64], strides = [1, 1]} : vector<1000x1024xbf16> to vector<1000x64xbf16>
    %add3A_846 = arith.addf %slice3A_844, %slice3A_845 : vector<1000x64xbf16>
    %convert_element_type3A_847 = arith.extf %add3A_846 : vector<1000x64xbf16> to vector<1000x64xf32>
    %add3A_848 = arith.addf %add3A_843, %convert_element_type3A_847 : vector<1000x64xf32>
    %slice3A_849 = vector.extract_strided_slice %mul3A_814 {offsets = [0, 896], sizes = [1000, 64], strides = [1, 1]} : vector<1000x1024xbf16> to vector<1000x64xbf16>
    %slice3A_850 = vector.extract_strided_slice %mul3A_814 {offsets = [0, 960], sizes = [1000, 64], strides = [1, 1]} : vector<1000x1024xbf16> to vector<1000x64xbf16>
    %add3A_851 = arith.addf %slice3A_849, %slice3A_850 : vector<1000x64xbf16>
    %convert_element_type3A_852 = arith.extf %add3A_851 : vector<1000x64xbf16> to vector<1000x64xf32>
    %add3A_853 = arith.addf %add3A_848, %convert_element_type3A_852 : vector<1000x64xf32>
    %add3A_854 = arith.addf %add3A_853, %get3A_105 : vector<1000x64xf32>
    %swap3A = arith.constant 0 : index
    %swap3A_855 = arith.constant 0 : index
    %swap3A_856 = vector.load %arg8[%swap3A, %swap3A_855] : memref<2000x64xf32, #tpu.memory_space<vmem>>, vector<1000x64xf32>
    tpu.vector_store %arg8[%swap3A, %swap3A_855], %add3A_800 {strides = array<i32>} : memref<2000x64xf32, #tpu.memory_space<vmem>>, vector<1000x64xf32>,
    %convert_element_type3A_857 = arith.truncf %add3A_800 : vector<1000x64xf32> to vector<1000x64xbf16>
    %slice3A_858 = vector.extract_strided_slice %convert_element_type3A_857 {offsets = [0, 0], sizes = [1000, 32], strides = [1, 1]} : vector<1000x64xbf16> to vector<1000x32xbf16>
    %bitcast_convert_type3A_859 = tpu.bitcast %slice3A_858 : vector<1000x32xbf16> -> vector<1000x32xi16>
    %convert_element_type3A_860 = arith.extui %bitcast_convert_type3A_859 : vector<1000x32xi16> to vector<1000x32xi32>
    %slice3A_861 = vector.extract_strided_slice %convert_element_type3A_857 {offsets = [0, 32], sizes = [1000, 32], strides = [1, 1]} : vector<1000x64xbf16> to vector<1000x32xbf16>
    %bitcast_convert_type3A_862 = tpu.bitcast %slice3A_861 : vector<1000x32xbf16> -> vector<1000x32xi16>
    %convert_element_type3A_863 = arith.extui %bitcast_convert_type3A_862 : vector<1000x32xi16> to vector<1000x32xi32>
    %shift_left3A = arith.constant 16 : i32
    %shift_left3A_864 = vector.broadcast %shift_left3A : i32 to vector<1000x32xi32>
    %shift_left3A_865 = arith.shli %convert_element_type3A_863, %shift_left3A_864 : vector<1000x32xi32>
    %or3A = arith.ori %convert_element_type3A_860, %shift_left3A_865 : vector<1000x32xi32>
    %swap3A_866 = arith.constant 0 : index
    %swap3A_867 = arith.constant 0 : index
    %swap3A_868 = vector.load %arg9[%swap3A_866, %swap3A_867] : memref<2000x32xi32, #tpu.memory_space<vmem>>, vector<1000x32xi32>
    tpu.vector_store %arg9[%swap3A_866, %swap3A_867], %or3A {strides = array<i32>} : memref<2000x32xi32, #tpu.memory_space<vmem>>, vector<1000x32xi32>,
    %swap3A_869 = arith.constant 1000 : index
    %swap3A_870 = arith.constant 0 : index
    %swap3A_871 = vector.load %arg8[%swap3A_869, %swap3A_870] : memref<2000x64xf32, #tpu.memory_space<vmem>>, vector<1000x64xf32>
    tpu.vector_store %arg8[%swap3A_869, %swap3A_870], %add3A_854 {strides = array<i32>} : memref<2000x64xf32, #tpu.memory_space<vmem>>, vector<1000x64xf32>,
    %convert_element_type3A_872 = arith.truncf %add3A_854 : vector<1000x64xf32> to vector<1000x64xbf16>
    %slice3A_873 = vector.extract_strided_slice %convert_element_type3A_872 {offsets = [0, 0], sizes = [1000, 32], strides = [1, 1]} : vector<1000x64xbf16> to vector<1000x32xbf16>
    %bitcast_convert_type3A_874 = tpu.bitcast %slice3A_873 : vector<1000x32xbf16> -> vector<1000x32xi16>
    %convert_element_type3A_875 = arith.extui %bitcast_convert_type3A_874 : vector<1000x32xi16> to vector<1000x32xi32>
    %slice3A_876 = vector.extract_strided_slice %convert_element_type3A_872 {offsets = [0, 32], sizes = [1000, 32], strides = [1, 1]} : vector<1000x64xbf16> to vector<1000x32xbf16>
    %bitcast_convert_type3A_877 = tpu.bitcast %slice3A_876 : vector<1000x32xbf16> -> vector<1000x32xi16>
    %convert_element_type3A_878 = arith.extui %bitcast_convert_type3A_877 : vector<1000x32xi16> to vector<1000x32xi32>
    %shift_left3A_879 = arith.constant 16 : i32
    %shift_left3A_880 = vector.broadcast %shift_left3A_879 : i32 to vector<1000x32xi32>
    %shift_left3A_881 = arith.shli %convert_element_type3A_878, %shift_left3A_880 : vector<1000x32xi32>
    %or3A_882 = arith.ori %convert_element_type3A_875, %shift_left3A_881 : vector<1000x32xi32>
    %swap3A_883 = arith.constant 1000 : index
    %swap3A_884 = arith.constant 0 : index
    %swap3A_885 = vector.load %arg9[%swap3A_883, %swap3A_884] : memref<2000x32xi32, #tpu.memory_space<vmem>>, vector<1000x32xi32>
    tpu.vector_store %arg9[%swap3A_883, %swap3A_884], %or3A_882 {strides = array<i32>} : memref<2000x32xi32, #tpu.memory_space<vmem>>, vector<1000x32xi32>,
    return
  }
  func.func @transform_0(%arg0: i32) -> (i32, i32) {
    %c0_i32 = arith.constant 0 : i32
    %c0_i32_0 = arith.constant 0 : i32
    return %arg0, %c0_i32 : i32, i32
  }
  func.func @transform_1(%arg0: i32) -> (i32, i32) {
    %c0_i32 = arith.constant 0 : i32
    %c0_i32_0 = arith.constant 0 : i32
    return %arg0, %c0_i32 : i32, i32
  }
  func.func @transform_2(%arg0: i32) -> (i32, i32) {
    %c0_i32 = arith.constant 0 : i32
    %c0_i32_0 = arith.constant 0 : i32
    %c0_i32_1 = arith.constant 0 : i32
    return %c0_i32, %c0_i32_0 : i32, i32
  }
  func.func @transform_3(%arg0: i32) -> (i32, i32) {
    %c0_i32 = arith.constant 0 : i32
    %c0_i32_0 = arith.constant 0 : i32
    %c0_i32_1 = arith.constant 0 : i32
    return %c0_i32, %c0_i32_0 : i32, i32
  }
  func.func @transform_4(%arg0: i32) -> (i32, i32) {
    %c0_i32 = arith.constant 0 : i32
    %c0_i32_0 = arith.constant 0 : i32
    %c0_i32_1 = arith.constant 0 : i32
    return %c0_i32, %c0_i32_0 : i32, i32
  }
  func.func @transform_5(%arg0: i32) -> (i32, i32) {
    %c0_i32 = arith.constant 0 : i32
    %c0_i32_0 = arith.constant 0 : i32
    %c0_i32_1 = arith.constant 0 : i32
    return %c0_i32, %c0_i32_0 : i32, i32
  }
  func.func @transform_6(%arg0: i32) -> (i32, i32) {
    %c0_i32 = arith.constant 0 : i32
    %c0_i32_0 = arith.constant 0 : i32
    %c0_i32_1 = arith.constant 0 : i32
    return %c0_i32, %c0_i32_0 : i32, i32
  }
  func.func @transform_7(%arg0: i32) -> (i32, i32) {
    %c0_i32 = arith.constant 0 : i32
    %c0_i32_0 = arith.constant 0 : i32
    return %arg0, %c0_i32 : i32, i32
  }
  func.func @transform_8(%arg0: i32) -> (i32, i32) {
    %c0_i32 = arith.constant 0 : i32
    %c0_i32_0 = arith.constant 0 : i32
    return %arg0, %c0_i32 : i32, i32
  }
}

module attributes {stable_mosaic.version = 14 : i64} {
  func.func @_head_body(%arg0: i32, %arg1: memref<2000x64xf32, #tpu.memory_space<vmem>>, %arg2: memref<1x64xf32, #tpu.memory_space<vmem>>, %arg3: memref<4x16xf32, #tpu.memory_space<vmem>>, %arg4: memref<1x16xf32, #tpu.memory_space<vmem>>, %arg5: memref<64x16xf32, #tpu.memory_space<vmem>>, %arg6: memref<1x16xf32, #tpu.memory_space<vmem>>, %arg7: memref<2000x16xf32, #tpu.memory_space<vmem>>, %arg8: memref<2000x4xf32, #tpu.memory_space<vmem>>, %arg9: memref<2000x16xf32, #tpu.memory_space<vmem>>, %arg10: memref<2000x64xf32, #tpu.memory_space<vmem>>) attributes {dimension_semantics = [#tpu.dimension_semantics<arbitrary>], iteration_bounds = array<i64: 25>, scalar_prefetch = 0 : i64, scratch_operands = 0 : i64, tpu.core_type = #tpu.core_type<tc>, window_params = [{transform_indices = @transform_0, window_bounds = array<i64: 2000, 64>}, {pipeline_mode = #tpu.pipeline_mode<synchronous>, transform_indices = @transform_1, window_bounds = array<i64: 1, 64>}, {pipeline_mode = #tpu.pipeline_mode<synchronous>, transform_indices = @transform_2, window_bounds = array<i64: 4, 16>}, {pipeline_mode = #tpu.pipeline_mode<synchronous>, transform_indices = @transform_3, window_bounds = array<i64: 1, 16>}, {pipeline_mode = #tpu.pipeline_mode<synchronous>, transform_indices = @transform_4, window_bounds = array<i64: 64, 16>}, {pipeline_mode = #tpu.pipeline_mode<synchronous>, transform_indices = @transform_5, window_bounds = array<i64: 1, 16>}, {transform_indices = @transform_6, window_bounds = array<i64: 2000, 16>}, {transform_indices = @transform_7, window_bounds = array<i64: 2000, 4>}, {transform_indices = @transform_8, window_bounds = array<i64: 2000, 16>}, {transform_indices = @transform_9, window_bounds = array<i64: 2000, 64>}]} {
    %get3A = arith.constant 0 : index
    %get3A_0 = arith.constant 0 : index
    %get3A_1 = vector.load %arg1[%get3A, %get3A_0] : memref<2000x64xf32, #tpu.memory_space<vmem>>, vector<2000x64xf32>
    %iota3A = tpu.iota {dimensions = array<i32: 0>} : vector<64x4xi32>
    %iota3A_2 = tpu.iota {dimensions = array<i32: 1>} : vector<64x4xi32>
    %jit3A = arith.constant 16 : i32
    %div3A = vector.broadcast %jit3A : i32 to vector<64x4xi32>
    %div3A_3 = arith.divsi %iota3A, %div3A : vector<64x4xi32>
    %sign3A = arith.constant 0 : i32
    %sign3A_4 = vector.broadcast %sign3A : i32 to vector<64x4xi32>
    %sign3A_5 = arith.cmpi sgt, %iota3A, %sign3A_4 : vector<64x4xi32>
    %sign3A_6 = arith.extui %sign3A_5 : vector<64x4xi1> to vector<64x4xi32>
    %sign3A_7 = arith.constant 0 : i32
    %sign3A_8 = vector.broadcast %sign3A_7 : i32 to vector<64x4xi32>
    %sign3A_9 = arith.cmpi slt, %iota3A, %sign3A_8 : vector<64x4xi32>
    %sign3A_10 = arith.extui %sign3A_9 : vector<64x4xi1> to vector<64x4xi32>
    %sign3A_11 = arith.subi %sign3A_6, %sign3A_10 : vector<64x4xi32>
    %sign3A_12 = arith.constant 0 : i32
    %sign3A_13 = arith.cmpi sgt, %jit3A, %sign3A_12 : i32
    %sign3A_14 = arith.extui %sign3A_13 : i1 to i32
    %sign3A_15 = arith.constant 0 : i32
    %sign3A_16 = arith.cmpi slt, %jit3A, %sign3A_15 : i32
    %sign3A_17 = arith.extui %sign3A_16 : i1 to i32
    %sign3A_18 = arith.subi %sign3A_14, %sign3A_17 : i32
    %ne3A = vector.broadcast %sign3A_18 : i32 to vector<64x4xi32>
    %ne3A_19 = arith.cmpi ne, %sign3A_11, %ne3A : vector<64x4xi32>
    %rem3A = vector.broadcast %jit3A : i32 to vector<64x4xi32>
    %rem3A_20 = arith.remsi %iota3A, %rem3A : vector<64x4xi32>
    %ne3A_21 = arith.constant 0 : i32
    %ne3A_22 = vector.broadcast %ne3A_21 : i32 to vector<64x4xi32>
    %ne3A_23 = arith.cmpi ne, %rem3A_20, %ne3A_22 : vector<64x4xi32>
    %and3A = arith.andi %ne3A_19, %ne3A_23 : vector<64x4xi1>
    %sub3A = arith.constant 1 : i32
    %sub3A_24 = vector.broadcast %sub3A : i32 to vector<64x4xi32>
    %sub3A_25 = arith.subi %div3A_3, %sub3A_24 : vector<64x4xi32>
    %select_n3A = arith.select %and3A, %sub3A_25, %div3A_3 : vector<64x4xi1>, vector<64x4xi32>
    %eq3A = arith.cmpi eq, %select_n3A, %iota3A_2 : vector<64x4xi32>
    %convert_element_type3A = arith.extui %eq3A : vector<64x4xi1> to vector<64x4xi32>
    %convert_element_type3A_26 = arith.sitofp %convert_element_type3A : vector<64x4xi32> to vector<64x4xf32>
    %iota3A_27 = tpu.iota {dimensions = array<i32: 0>} : vector<4x64xi32>
    %iota3A_28 = tpu.iota {dimensions = array<i32: 1>} : vector<4x64xi32>
    %jit3A_29 = arith.constant 16 : i32
    %div3A_30 = vector.broadcast %jit3A_29 : i32 to vector<4x64xi32>
    %div3A_31 = arith.divsi %iota3A_28, %div3A_30 : vector<4x64xi32>
    %sign3A_32 = arith.constant 0 : i32
    %sign3A_33 = vector.broadcast %sign3A_32 : i32 to vector<4x64xi32>
    %sign3A_34 = arith.cmpi sgt, %iota3A_28, %sign3A_33 : vector<4x64xi32>
    %sign3A_35 = arith.extui %sign3A_34 : vector<4x64xi1> to vector<4x64xi32>
    %sign3A_36 = arith.constant 0 : i32
    %sign3A_37 = vector.broadcast %sign3A_36 : i32 to vector<4x64xi32>
    %sign3A_38 = arith.cmpi slt, %iota3A_28, %sign3A_37 : vector<4x64xi32>
    %sign3A_39 = arith.extui %sign3A_38 : vector<4x64xi1> to vector<4x64xi32>
    %sign3A_40 = arith.subi %sign3A_35, %sign3A_39 : vector<4x64xi32>
    %sign3A_41 = arith.constant 0 : i32
    %sign3A_42 = arith.cmpi sgt, %jit3A_29, %sign3A_41 : i32
    %sign3A_43 = arith.extui %sign3A_42 : i1 to i32
    %sign3A_44 = arith.constant 0 : i32
    %sign3A_45 = arith.cmpi slt, %jit3A_29, %sign3A_44 : i32
    %sign3A_46 = arith.extui %sign3A_45 : i1 to i32
    %sign3A_47 = arith.subi %sign3A_43, %sign3A_46 : i32
    %ne3A_48 = vector.broadcast %sign3A_47 : i32 to vector<4x64xi32>
    %ne3A_49 = arith.cmpi ne, %sign3A_40, %ne3A_48 : vector<4x64xi32>
    %rem3A_50 = vector.broadcast %jit3A_29 : i32 to vector<4x64xi32>
    %rem3A_51 = arith.remsi %iota3A_28, %rem3A_50 : vector<4x64xi32>
    %ne3A_52 = arith.constant 0 : i32
    %ne3A_53 = vector.broadcast %ne3A_52 : i32 to vector<4x64xi32>
    %ne3A_54 = arith.cmpi ne, %rem3A_51, %ne3A_53 : vector<4x64xi32>
    %and3A_55 = arith.andi %ne3A_49, %ne3A_54 : vector<4x64xi1>
    %sub3A_56 = arith.constant 1 : i32
    %sub3A_57 = vector.broadcast %sub3A_56 : i32 to vector<4x64xi32>
    %sub3A_58 = arith.subi %div3A_31, %sub3A_57 : vector<4x64xi32>
    %select_n3A_59 = arith.select %and3A_55, %sub3A_58, %div3A_31 : vector<4x64xi1>, vector<4x64xi32>
    %eq3A_60 = arith.cmpi eq, %select_n3A_59, %iota3A_27 : vector<4x64xi32>
    %convert_element_type3A_61 = arith.extui %eq3A_60 : vector<4x64xi1> to vector<4x64xi32>
    %convert_element_type3A_62 = arith.sitofp %convert_element_type3A_61 : vector<4x64xi32> to vector<4x64xf32>
    %get3A_63 = arith.constant 0 : index
    %get3A_64 = arith.constant 0 : index
    %get3A_65 = vector.load %arg2[%get3A_63, %get3A_64] : memref<1x64xf32, #tpu.memory_space<vmem>>, vector<1x64xf32>
    %mul3A = vector.broadcast %get3A_65 : vector<1x64xf32> to vector<2000x64xf32>
    %mul3A_66 = arith.mulf %get3A_1, %mul3A : vector<2000x64xf32>
    %dot_general3A = arith.constant dense<0.000000e+00> : vector<2000x4xf32>
    %dot_general3A_67 = tpu.matmul %mul3A_66, %convert_element_type3A_26, %dot_general3A {dimension_numbers = #tpu.dot_dimension_numbers<[1], [0], [0], [1], [0, 0, 1, 1], [], []>, transpose_lhs_hint = false} : vector<2000x64xf32>, vector<64x4xf32>, vector<2000x4xf32> -> vector<2000x4xf32>
    %reduce_max3A = arith.constant dense<0xFF800000> : vector<2000xf32>
    %reduce_max3A_68 = vector.multi_reduction <maximumf>, %dot_general3A_67, %reduce_max3A [1] : vector<2000x4xf32> to vector<2000xf32>
    %broadcast_in_dim3A = vector.shape_cast %reduce_max3A_68 : vector<2000xf32> to vector<2000x1xf32>
    %sub3A_69 = vector.broadcast %broadcast_in_dim3A : vector<2000x1xf32> to vector<2000x4xf32>
    %sub3A_70 = arith.subf %dot_general3A_67, %sub3A_69 : vector<2000x4xf32>
    %exp3A = math.exp %sub3A_70 : vector<2000x4xf32>
    %reduce_sum3A = arith.constant dense<0.000000e+00> : vector<2000xf32>
    %reduce_sum3A_71 = vector.multi_reduction <add>, %exp3A, %reduce_sum3A [1] : vector<2000x4xf32> to vector<2000xf32>
    %broadcast_in_dim3A_72 = vector.shape_cast %reduce_sum3A_71 : vector<2000xf32> to vector<2000x1xf32>
    %div3A_73 = vector.broadcast %broadcast_in_dim3A_72 : vector<2000x1xf32> to vector<2000x4xf32>
    %div3A_74 = arith.divf %exp3A, %div3A_73 : vector<2000x4xf32>
    %dot_general3A_75 = arith.constant dense<0.000000e+00> : vector<2000x64xf32>
    %dot_general3A_76 = tpu.matmul %div3A_74, %convert_element_type3A_62, %dot_general3A_75 {dimension_numbers = #tpu.dot_dimension_numbers<[1], [0], [0], [1], [0, 0, 1, 1], [], []>, transpose_lhs_hint = false} : vector<2000x4xf32>, vector<4x64xf32>, vector<2000x64xf32> -> vector<2000x64xf32>
    %mul3A_77 = arith.mulf %get3A_1, %dot_general3A_76 : vector<2000x64xf32>
    %get3A_78 = arith.constant 0 : index
    %get3A_79 = arith.constant 0 : index
    %get3A_80 = vector.load %arg3[%get3A_78, %get3A_79] : memref<4x16xf32, #tpu.memory_space<vmem>>, vector<4x16xf32>
    %dot_general3A_81 = arith.constant dense<0.000000e+00> : vector<2000x16xf32>
    %dot_general3A_82 = tpu.matmul %div3A_74, %get3A_80, %dot_general3A_81 {dimension_numbers = #tpu.dot_dimension_numbers<[1], [0], [0], [1], [0, 0, 1, 1], [], []>, transpose_lhs_hint = false} : vector<2000x4xf32>, vector<4x16xf32>, vector<2000x16xf32> -> vector<2000x16xf32>
    %get3A_83 = arith.constant 0 : index
    %get3A_84 = arith.constant 0 : index
    %get3A_85 = vector.load %arg4[%get3A_83, %get3A_84] : memref<1x16xf32, #tpu.memory_space<vmem>>, vector<1x16xf32>
    %add3A = vector.broadcast %get3A_85 : vector<1x16xf32> to vector<2000x16xf32>
    %add3A_86 = arith.addf %dot_general3A_82, %add3A : vector<2000x16xf32>
    %reduce_max3A_87 = arith.constant dense<0xFF800000> : vector<2000xf32>
    %reduce_max3A_88 = vector.multi_reduction <maximumf>, %add3A_86, %reduce_max3A_87 [1] : vector<2000x16xf32> to vector<2000xf32>
    %broadcast_in_dim3A_89 = vector.shape_cast %reduce_max3A_88 : vector<2000xf32> to vector<2000x1xf32>
    %sub3A_90 = vector.broadcast %broadcast_in_dim3A_89 : vector<2000x1xf32> to vector<2000x16xf32>
    %sub3A_91 = arith.subf %add3A_86, %sub3A_90 : vector<2000x16xf32>
    %exp3A_92 = math.exp %sub3A_91 : vector<2000x16xf32>
    %reduce_sum3A_93 = arith.constant dense<0.000000e+00> : vector<2000xf32>
    %reduce_sum3A_94 = vector.multi_reduction <add>, %exp3A_92, %reduce_sum3A_93 [1] : vector<2000x16xf32> to vector<2000xf32>
    %broadcast_in_dim3A_95 = vector.shape_cast %reduce_sum3A_94 : vector<2000xf32> to vector<2000x1xf32>
    %log3A = math.log %broadcast_in_dim3A_95 : vector<2000x1xf32>
    %sub3A_96 = vector.broadcast %log3A : vector<2000x1xf32> to vector<2000x16xf32>
    %sub3A_97 = arith.subf %sub3A_91, %sub3A_96 : vector<2000x16xf32>
    %get3A_98 = arith.constant 0 : index
    %get3A_99 = arith.constant 0 : index
    %get3A_100 = vector.load %arg5[%get3A_98, %get3A_99] : memref<64x16xf32, #tpu.memory_space<vmem>>, vector<64x16xf32>
    %dot_general3A_101 = arith.constant dense<0.000000e+00> : vector<2000x16xf32>
    %dot_general3A_102 = tpu.matmul %mul3A_77, %get3A_100, %dot_general3A_101 {dimension_numbers = #tpu.dot_dimension_numbers<[1], [0], [0], [1], [0, 0, 1, 1], [], []>, transpose_lhs_hint = false} : vector<2000x64xf32>, vector<64x16xf32>, vector<2000x16xf32> -> vector<2000x16xf32>
    %get3A_103 = arith.constant 0 : index
    %get3A_104 = arith.constant 0 : index
    %get3A_105 = vector.load %arg6[%get3A_103, %get3A_104] : memref<1x16xf32, #tpu.memory_space<vmem>>, vector<1x16xf32>
    %add3A_106 = vector.broadcast %get3A_105 : vector<1x16xf32> to vector<2000x16xf32>
    %add3A_107 = arith.addf %dot_general3A_102, %add3A_106 : vector<2000x16xf32>
    %reduce_max3A_108 = arith.constant dense<0xFF800000> : vector<2000xf32>
    %reduce_max3A_109 = vector.multi_reduction <maximumf>, %add3A_107, %reduce_max3A_108 [1] : vector<2000x16xf32> to vector<2000xf32>
    %broadcast_in_dim3A_110 = vector.shape_cast %reduce_max3A_109 : vector<2000xf32> to vector<2000x1xf32>
    %sub3A_111 = vector.broadcast %broadcast_in_dim3A_110 : vector<2000x1xf32> to vector<2000x16xf32>
    %sub3A_112 = arith.subf %add3A_107, %sub3A_111 : vector<2000x16xf32>
    %exp3A_113 = math.exp %sub3A_112 : vector<2000x16xf32>
    %reduce_sum3A_114 = arith.constant dense<0.000000e+00> : vector<2000xf32>
    %reduce_sum3A_115 = vector.multi_reduction <add>, %exp3A_113, %reduce_sum3A_114 [1] : vector<2000x16xf32> to vector<2000xf32>
    %broadcast_in_dim3A_116 = vector.shape_cast %reduce_sum3A_115 : vector<2000xf32> to vector<2000x1xf32>
    %log3A_117 = math.log %broadcast_in_dim3A_116 : vector<2000x1xf32>
    %sub3A_118 = vector.broadcast %log3A_117 : vector<2000x1xf32> to vector<2000x16xf32>
    %sub3A_119 = arith.subf %sub3A_112, %sub3A_118 : vector<2000x16xf32>
    %swap3A = arith.constant 0 : index
    %swap3A_120 = arith.constant 0 : index
    %swap3A_121 = vector.load %arg7[%swap3A, %swap3A_120] : memref<2000x16xf32, #tpu.memory_space<vmem>>, vector<2000x16xf32>
    tpu.vector_store %arg7[%swap3A, %swap3A_120], %sub3A_119 {strides = array<i32>} : memref<2000x16xf32, #tpu.memory_space<vmem>>, vector<2000x16xf32>,
    %swap3A_122 = arith.constant 0 : index
    %swap3A_123 = arith.constant 0 : index
    %swap3A_124 = vector.load %arg8[%swap3A_122, %swap3A_123] : memref<2000x4xf32, #tpu.memory_space<vmem>>, vector<2000x4xf32>
    tpu.vector_store %arg8[%swap3A_122, %swap3A_123], %div3A_74 {strides = array<i32>} : memref<2000x4xf32, #tpu.memory_space<vmem>>, vector<2000x4xf32>,
    %swap3A_125 = arith.constant 0 : index
    %swap3A_126 = arith.constant 0 : index
    %swap3A_127 = vector.load %arg9[%swap3A_125, %swap3A_126] : memref<2000x16xf32, #tpu.memory_space<vmem>>, vector<2000x16xf32>
    tpu.vector_store %arg9[%swap3A_125, %swap3A_126], %sub3A_97 {strides = array<i32>} : memref<2000x16xf32, #tpu.memory_space<vmem>>, vector<2000x16xf32>,
    %swap3A_128 = arith.constant 0 : index
    %swap3A_129 = arith.constant 0 : index
    %swap3A_130 = vector.load %arg10[%swap3A_128, %swap3A_129] : memref<2000x64xf32, #tpu.memory_space<vmem>>, vector<2000x64xf32>
    tpu.vector_store %arg10[%swap3A_128, %swap3A_129], %mul3A_77 {strides = array<i32>} : memref<2000x64xf32, #tpu.memory_space<vmem>>, vector<2000x64xf32>,
    return
  }
  func.func @transform_0(%arg0: i32) -> (i32, i32) {
    %c0_i32 = arith.constant 0 : i32
    %c0_i32_0 = arith.constant 0 : i32
    return %arg0, %c0_i32 : i32, i32
  }
  func.func @transform_1(%arg0: i32) -> (i32, i32) {
    %c0_i32 = arith.constant 0 : i32
    %c0_i32_0 = arith.constant 0 : i32
    %c0_i32_1 = arith.constant 0 : i32
    return %c0_i32, %c0_i32_0 : i32, i32
  }
  func.func @transform_2(%arg0: i32) -> (i32, i32) {
    %c0_i32 = arith.constant 0 : i32
    %c0_i32_0 = arith.constant 0 : i32
    %c0_i32_1 = arith.constant 0 : i32
    return %c0_i32, %c0_i32_0 : i32, i32
  }
  func.func @transform_3(%arg0: i32) -> (i32, i32) {
    %c0_i32 = arith.constant 0 : i32
    %c0_i32_0 = arith.constant 0 : i32
    %c0_i32_1 = arith.constant 0 : i32
    return %c0_i32, %c0_i32_0 : i32, i32
  }
  func.func @transform_4(%arg0: i32) -> (i32, i32) {
    %c0_i32 = arith.constant 0 : i32
    %c0_i32_0 = arith.constant 0 : i32
    %c0_i32_1 = arith.constant 0 : i32
    return %c0_i32, %c0_i32_0 : i32, i32
  }
  func.func @transform_5(%arg0: i32) -> (i32, i32) {
    %c0_i32 = arith.constant 0 : i32
    %c0_i32_0 = arith.constant 0 : i32
    %c0_i32_1 = arith.constant 0 : i32
    return %c0_i32, %c0_i32_0 : i32, i32
  }
  func.func @transform_6(%arg0: i32) -> (i32, i32) {
    %c0_i32 = arith.constant 0 : i32
    %c0_i32_0 = arith.constant 0 : i32
    return %arg0, %c0_i32 : i32, i32
  }
  func.func @transform_7(%arg0: i32) -> (i32, i32) {
    %c0_i32 = arith.constant 0 : i32
    %c0_i32_0 = arith.constant 0 : i32
    return %arg0, %c0_i32 : i32, i32
  }
  func.func @transform_8(%arg0: i32) -> (i32, i32) {
    %c0_i32 = arith.constant 0 : i32
    %c0_i32_0 = arith.constant 0 : i32
    return %arg0, %c0_i32 : i32, i32
  }
  func.func @transform_9(%arg0: i32) -> (i32, i32) {
    %c0_i32 = arith.constant 0 : i32
    %c0_i32_0 = arith.constant 0 : i32
    return %arg0, %c0_i32 : i32, i32
  }
}

</mosaic_0001>

<sc_bundles>
// kernel: kernel.10.cloned.1.call-start
scs
__scs_entry_jumppad:
0x0: {  	(pc) =	sbr.rel $0x88, $3  }
0x1: {  	(tag) =	ssettag $0x0;
	lr =	simm.s32 $0x1  }
0x2: {  	[smem:$0x3F98] =	sst lr;
	_ =	strace $0xD0000000  }
0x3: {  	_ = 	snop  }
0x4: {  	_ = 	snop  }
0x5: {  	_ = 	snop  }
0x6: {  	_ = 	snop  }
0x7: {  	_ = 	snop  }
__scs_overlays_trampoline_lowered:
0x8: {  	[smem:$0x3FA7] =	sst s0  }
0x9: {  	[smem:$0x3FA8] =	sst s1  }
0xa: {  	[smem:$0x3FA9] =	sst s2  }
0xb: {  	[smem:$0x3FAA] =	sst s3  }
0xc: {  	[smem:$0x3FAB] =	sst s4  }
0xd: {  	[smem:$0x3FAC] =	sst s5  }
0xe: {  	[smem:$0x3FAD] =	sst s6  }
0xf: {  	[smem:$0x3FAE] =	sst s7  }
0x10: {  	[smem:$0x3FAF] =	sst s8  }
0x11: {  	[smem:$0x3FB0] =	sst s9;
	s0 =	simm.s32 @!p0 $0x0  }
0x12: {  	s1 =	sld [smem:$0x3F96];
	s0 =	simm.s32 @p0 $0x1  }
0x13: {  	[smem:$0x3FB1] =	sst s0;
	s0 =	simm.s32 @!p1 $0x0  }
0x14: {  	s2 =	sld [smem:$0x3F95];
	s0 =	simm.s32 @p1 $0x1  }
0x15: {  	[smem:$0x3FB2] =	sst s0;
	s0 =	simm.s32 @!p2 $0x0  }
0x16: {  	s3 =	sld [smem:$0x3FDB];
	s0 =	simm.s32 @p2 $0x1  }
0x17: {  	s4 =	simm.s32 $0x1BF5;
	[smem:$0x3FB4] =	sst s0  }
0x18: {  	s0 =	sld [smem:$0x3F97];
	_ =	swait.ge [sflag:s4], $0x0  }
0x19: {  	s7 =	sld [smem:$0x3F98]  }
0x1a: {  	s8 =	sadd.s32 $0xFFFFE003, lr  }
0x1b: {  	s9 =	sadd.s32 $0xFFFFFEF7, lr;
	s5 =	simm.s32 $0xFFFFFFFF;
	p2 =	slt.u32 s8, $0xFFFFF086  }
0x1c: {  	p1 =	slt.u32 s9, $0xF7A;
	s5 =	simm.s32 @!p2 $0x0  }
0x1d: {  	s5 =	simm.s32 @p1 $0x1;
	p0 =	seq.s32 s7, s2  }
0x1e: {  	s7 =	smul.u32 @!p0 $0xF7A, s2;
	p2 =	seq.s32 @!p0 s5, $0x0  }
0x1f: {  	s9 =	smul.u32 $0xF7A, s1;
	s8 =	simm.s32 @!p0 $0x1BF5;
	p2 =	por !p2, p0  }
0x20: {  	[sflag:s8] =	ssyncset.s32 @!p0 $0xFFFFF086;
	s6 =	sadd.s32 @!p0 s3, s7;
	s7 =	simm.s32 @!p0 $0x108  }
0x21: {  	s3 =	sadd.s32 s3, s9;
	s6 =	sadd.s32 @!p0 $0x88, s6;
	s7 =	simm.s32 @p2 $0x1082  }
0x22: {  	[simem:s7], [sflag:s8] =	dma.local @!p0 [hbm:s6], $0xF7A  }
0x23: {  	s9 =	sor.u32 $0xD0000000, s2;
	s6 =	simm.s32 $0x108;
	_ =	swait.ge @!p0 [sflag:s8], $0x0  }
0x24: {  	s3 =	sadd.s32 $0x88, s3;
	s6 =	simm.s32 @!p1 $0x1082;
	[sflag:s4] =	ssyncset.s32 $0xFFFFF086  }
0x25: {  	[simem:s6], [sflag:s4] =	dma.local [hbm:s3], $0xF7A  }
0x26: {  	[smem:$0x3F98] =	sst s1;
	(tag) =	ssettag s2;
	_ =	strace s9  }
0x27: {  	s1 =	sld [smem:$0x3FA8]  }
0x28: {  	s2 =	sld [smem:$0x3FA9]  }
0x29: {  	s4 =	sld [smem:$0x3FAB]  }
0x2a: {  	p0 =	seq.s32 s5, $0x0;
	s5 =	sld [smem:$0x3FAC]  }
0x2b: {  	s6 =	sld [smem:$0x3FAD]  }
0x2c: {  	s7 =	sld [smem:$0x3FAE]  }
0x2d: {  	s3 =	simm.s32 $0x108;
	s8 =	sld [smem:$0x3FAF]  }
0x2e: {  	s3 =	simm.s32 @!p0 $0x1082;
	s9 =	sld [smem:$0x3FB0]  }
0x2f: {  	lr =	sadd.s32 s0, s3;
	s0 =	sld [smem:$0x3FA7]  }
0x30: {  	s3 =	sld [smem:$0x3FAA]  }
0x31: {  	[smem:$0x3FB3] =	sst s10  }
0x32: {  	s10 =	sld [smem:$0x3FB1];
	_ =	sdelay $0x3  }
0x33: {  	p0 =	seq.s32 s10, $0x1;
	s10 =	sld [smem:$0x3FB3];
	_ =	sdelay $0x3  }
0x34: {  	[smem:$0x3FB3] =	sst s10  }
0x35: {  	s10 =	sld [smem:$0x3FB2];
	_ =	sdelay $0x3  }
0x36: {  	p1 =	seq.s32 s10, $0x1;
	s10 =	sld [smem:$0x3FB3];
	_ =	sdelay $0x3  }
0x37: {  	[smem:$0x3FB3] =	sst s10  }
0x38: {  	s10 =	sld [smem:$0x3FB4]  }
0x39: {  	_ = 	snop;
	(pc) =	sbr.ind lr, $3  }
0x3a: {  	_ = 	snop  }
0x3b: {  	_ = 	snop  }
0x3c: {  	p2 =	seq.s32 s10, $0x1;
	s10 =	sld [smem:$0x3FB3]  }
0x3d: {  	_ =	shalt  }
0x3e: {  	_ =	shalt  }
0x3f: {  	_ =	shalt  }
0x40: {  	_ =	shalt  }
0x41: {  	_ =	shalt  }
0x42: {  	_ =	shalt  }
0x43: {  	_ =	shalt  }
0x44: {  	_ =	shalt  }
0x45: {  	_ =	shalt  }
0x46: {  	_ =	shalt  }
0x47: {  	_ =	shalt  }
0x48: {  	_ =	shalt  }
0x49: {  	_ =	shalt  }
0x4a: {  	_ =	shalt  }
0x4b: {  	_ =	shalt  }
0x4c: {  	_ =	shalt  }
0x4d: {  	_ =	shalt  }
0x4e: {  	_ =	shalt  }
0x4f: {  	_ =	shalt  }
0x50: {  	_ =	shalt  }
0x51: {  	_ =	shalt  }
0x52: {  	_ =	shalt  }
0x53: {  	_ =	shalt  }
0x54: {  	_ =	shalt  }
0x55: {  	_ =	shalt  }
0x56: {  	_ =	shalt  }
0x57: {  	_ =	shalt  }
0x58: {  	_ =	shalt  }
0x59: {  	_ =	shalt  }
0x5a: {  	_ =	shalt  }
0x5b: {  	_ =	shalt  }
0x5c: {  	_ =	shalt  }
0x5d: {  	_ =	shalt  }
0x5e: {  	_ =	shalt  }
0x5f: {  	_ =	shalt  }
0x60: {  	_ =	shalt  }
0x61: {  	_ =	shalt  }
0x62: {  	_ =	shalt  }
0x63: {  	_ =	shalt  }
0x64: {  	_ =	shalt  }
0x65: {  	_ =	shalt  }
0x66: {  	_ =	shalt  }
0x67: {  	_ =	shalt  }
0x68: {  	_ =	shalt  }
0x69: {  	_ =	shalt  }
0x6a: {  	_ =	shalt  }
0x6b: {  	_ =	shalt  }
0x6c: {  	_ =	shalt  }
0x6d: {  	_ =	shalt  }
0x6e: {  	_ =	shalt  }
0x6f: {  	_ =	shalt  }
0x70: {  	_ =	shalt  }
0x71: {  	_ =	shalt  }
0x72: {  	_ =	shalt  }
0x73: {  	_ =	shalt  }
0x74: {  	_ =	shalt  }
0x75: {  	_ =	shalt  }
0x76: {  	_ =	shalt  }
0x77: {  	_ =	shalt  }
0x78: {  	_ =	shalt  }
0x79: {  	_ =	shalt  }
0x7a: {  	_ =	shalt  }
0x7b: {  	_ =	shalt  }
0x7c: {  	_ =	shalt  }
0x7d: {  	_ =	shalt  }
0x7e: {  	_ =	shalt  }
0x7f: {  	_ =	shalt  }
0x80: {  	_ =	shalt  }
0x81: {  	_ =	shalt  }
0x82: {  	_ =	shalt  }
0x83: {  	_ =	shalt  }
0x84: {  	_ =	shalt  }
0x85: {  	_ =	shalt  }
0x86: {  	_ =	shalt  }
0x87: {  	_ =	shalt  }
.Lfunc_end0:
.L_simem_size_0:
called_computation_lowered:
.L_overlay_start_0:
0x88: {  	s2 =	sld [smem:$0x3FD9]  }
0x89: {  	s3 =	sld [smem:$0x3FFE];
	_ =	sdelay $0x1  }
0x8a: {  	s1 =	srdreg.scid  }
0x8b: {  	s0 =	sand.u32 $0x1, s1  }
0x8c: {  	s14 =	sshll.u32 s0, $0xA;
	s2 =	sadd.s32 s3, s2  }
0x8d: {  	s2 =	sadd.s32 s2, s14  }
0x8e: {  	[smem:$0x3FBF] =	sst s2  }
0x8f: {  	_ = 	snop  }
0x90: {  	s2 =	sld [smem:$0x3FD0];
	_ =	sdelay $0x2  }
0x91: {  	s15 =	simm.s32 $0xA;
	s4 =	simm.s32 $0x10  }
0x92: {  	[smem:s4], [sflag:s15] =	dma.local [hbm:s2], $0x1  }
0x93: {  	_ =	swait.eq [sflag:s15], $0x1  }
0x94: {  	[sflag:s15] =	ssyncset.done $0x0  }
0x95: {  	s16 =	sld [smem:$0x13];
	[sflag:s15] =	ssyncadd.s32 $0xFFFFFFFF  }
0x96: {  	s17 =	sld [smem:$0x14];
	(tm) =	ssettm $0x1  }
0x97: {  	s18 =	sld [smem:$0x3FFB];
	_ =	sdelay $0x3  }
0x98: {  	_ =	strace s18  }
0x99: {  	s4 =	sld [smem:$0x3FFC];
	_ =	sdelay $0x3  }
0x9a: {  	_ =	strace s4  }
0x9b: {  	s4 =	sld [smem:$0x3FFD];
	_ =	sdelay $0x3  }
0x9c: {  	_ =	strace s4  }
0x9d: {  	_ =	strace $0x8FFFFFFF  }
0x9e: {  	s19 =	sld [smem:$0x3FDB];
	_ =	sdelay $0x1  }
0x9f: {  	s5 =	simm.s32 $_scs_section_size  }
0xa0: {  	s6 =	simm.s32 $_size__tile_overlayer_lowered;
	s7 =	simm.s32 $_tile_overlayer_lowered  }
0xa1: {  	s22 =	simm.s32 $0x1BFF;
	s21 =	sshll.u32 s7, $0x1;
	s4 =	sadd.s32 s5, s19  }
0xa2: {  	s8 =	simm.s32 $0x0;
	s20 =	sshll.u32 s6, $0x1;
	s6 =	sadd.s32 s21, s4  }
0xa3: {  	[timem:s8], [sflag:s22] =	dma.local [hbm:s6], s20  }
0xa4: {  	_ =	swait.ge [sflag:s22], s20  }
0xa5: {  	s5 =	ssub.s32 $0x0, s20;
	[sflag:s22] =	ssyncset.done $0x0  }
0xa6: {  	[sflag:s22] =	ssyncadd.s32 s5;
	_ =	sdelay $0x1  }
0xa7: {  	s23 =	simm.s32 $0x1B8B  }
0xa8: {  	_ =	swait.ge [sflag:s23], $0x1  }
0xa9: {  	[sflag:s23] =	ssyncset.done $0x0  }
0xaa: {  	s25 =	simm.s32 $0x1B8E;
	s24 =	sld [smem:$0x3FFE];
	[sflag:s23] =	ssyncadd.s32 $0xFFFFFFFF  }
0xab: {  	s26 =	simm.s32 $execute0_lowered;
	[smem:$0x3FD2] =	sst s25  }
0xac: {  	s6 =	sshll.u32 s26, $0x1;
	_ =	strace $0x80000046;
	[dreg:$0x1] =	wrdreg $0xFFFFFFFF  }
0xad: {  	s28 =	simm.s32 $_size_execute0_lowered;
	s4 =	sadd.s32 s4, s6;
	[dreg:$0x0] =	wrdreg $0x0  }
0xae: {  	s6 =	sshll.u32 s28, $0x1;
	[dreg:$0x2] =	wrdreg s4  }
0xaf: {  	[dreg:$0x3] =	wrdreg s6  }
0xb0: {  	[dreg:$0x4] =	wrdreg $0xC0  }
0xb1: {  	_ =	task [dreg:s8], $0x5FFFF  }
0xb2: {  	[dreg:$0x1] =	wrdreg $0xFFFFFFFF  }
0xb3: {  	[dreg:$0x0] =	wrdreg $0x60  }
0xb4: {  	[dreg:$0x2] =	wrdreg s17  }
0xb5: {  	[dreg:$0x3] =	wrdreg s16  }
0xb6: {  	[dreg:$0x4] =	wrdreg s24  }
0xb7: {  	[dreg:$0x5] =	wrdreg $0x9  }
0xb8: {  	_ =	task.clear_ibuf [dreg:s8], $0x6FFFF;
	_ =	strace $0x90000046  }
0xb9: {  	s29 =	simm.s32 $0x9;
	_ =	strace $0x80000048  }
0xba: {  	_ =	swait.ge [sflag:s29], $0x1  }
0xbb: {  	[sflag:s29] =	ssyncadd.s32 $0xFFFFFFFF  }
0xbc: {  	_ =	strace $0x90000048  }
0xbd: {  	_ =	sfence  }
0xbe: {  	s30 =	sld [smem:$0x0];
	_ =	sdelay $0x2  }
0xbf: {  	s31 =	sshll.u32 s1, $0xD;
	s1 =	sshrl.u32 s1, $0x2  }
0xc0: {  	s3 =	sand.u32 $0x4000, s31;
	s1 =	sadd.s32 s1, s30  }
0xc1: {  	s0 =	sor.u32 s3, s0;
	s1 =	sshll.u32 s1, $0x11  }
0xc2: {  	s0 =	sor.u32 s1, s0  }
0xc3: {  	s0 =	sadd.s32 $0x8F2B, s0  }
0xc4: {  	[sflag:s0] =	ssyncadd.remote.s32 $0x1  }
0xc5: {  	_ =	sfence.sel $0xFFFF  }
0xc6: {  	[dreg:$0x0] =	wrdreg $0xFFFFFFFF;
	(pc) =	sbr.abs _section_cstart, $3  }
0xc7: {  	[dreg:$0x1] =	wrdreg $0xFFFFFFFF  }
0xc8: {  	_ =	task.clear_ibuf [dreg:s8], $0x2FFFF;
	_ =	strace $0x9FFFFFFF  }
0xc9: {  	(tm) =	ssettm $0x7FFFFFFF  }
tec
execute0_lowered:
.L_overlay_start_1:
0x0: {  	(tag) =	ssettag $0x1  }
0x1: {  	s1 =	rddreg [dreg:$0x0]  }
0x2: {  	s2 =	srdreg.scid;
	s4 =	rddreg [dreg:$0x1]  }
0x3: {  	s0 =	stileid.u32;
	s6 =	rddreg [dreg:$0x2];
	s3 =	simm.s32 $0x0  }
0x4: {  	s14 =	simm.s32 $0x6300;
	s15 =	simm.s32 $0x7300;
	s16 =	simm.s32 $0x1  }
0x5: {  	s17 =	simm.s32 $0x8300;
	s18 =	simm.s32 $0x2;
	s19 =	simm.s32 $0x4  }
0x6: {  	s20 =	simm.s32 $0x3;
	s21 =	simm.s32 $0x5;
	s22 =	simm.s32 $0x6  }
0x7: {  	s23 =	simm.s32 $0x6280;
	s24 =	simm.s32 $0x0;
	s10 =	smul.u32 $0x18C, s0  }
0x8: {  	s8 =	sand.u32 $0x1, s2;
	s2 =	rddreg [dreg:$0x3];
	s30 =	smul.u32 $0x31800, s0  }
0x9: {  	s26 =	sshll.u32 s0, $0x1;
	[smem:$0x7FF] =	sst s3;
	s12 =	smul.u32 $0xC6, s8  }
0xa: {  	s5 =	sor.u32 s8, s26;
	s28 =	ssub.s32 $0x2, s8;
	s31 =	smul.u32 $0x18C00, s8  }
0xb: {  	s13 =	sadd.s32 $0x18CC00, s6;
	s7 =	smul.u32 $0xC60, s5;
	s11 =	sshrl.u32 s28, $0x1  }
0xc: {  	_ =	strace $0x80000047;
	s9 =	smul.u32 $0x18C00, s5;
	s5 =	ssub.s32 s28, s11  }
0xd: {  	s29 =	sadd.s32 s12, s10;
	s11 =	sadd.s32 s30, s13;
	s12 =	simm.s32 $0x7  }
0xe: {  	s4 =	sadd.s32 s4, s7;
	s5 =	smax.u32 s5, $0x1;
	s9 =	sadd.s32 s13, s9  }
0xf: {  	s10 =	sshll.u32 s29, $0x9;
	s11 =	sadd.s32 s31, s11;
	s6 =	sadd.s32 $0x18600, s9  }
0x10: {  	s7 =	sadd.s32 $0x18800, s9;
	s10 =	sadd.s32 s10, s13;
	s8 =	sadd.s32 $0x18A00, s9  }
0x11: {  	s13 =	simm.s32 $0x80;
	s9 =	sadd.s32 $0x400, s10;
	s10 =	sadd.s32 $0x200, s10  }
.LBB2_1:
0x12: {  	[tilespmem:s3], [sflag:$0x7] =	stream.linear.gather [hbm4b:s4+s3], $0x6300, $0x38;
	[tilespmem:$0x9300] =	vst v63  }
0x13: {  	_ =	swait.ge [sflag:s12], $0x6300  }
0x14: {  	[sflag:s12] =	ssyncset.done $0x0  }
0x15: {  	[sflag:s12] =	ssyncadd.s32 $0xFFFF9D00  }
0x16: {  	[tilespmem:s14], [sflag:$0x1] =	stream.indirect.gather [hbm4b:s1+s13], $0x20, s3, s13, $0xb8;
	[tilespmem:$0x9300] =	vst v63  }
0x17: {  	_ = 	snop  }
0x18: {  	[tilespmem:s15], [sflag:$0x2] =	stream.indirect.gather [hbm4b:s1+s13], $0x20, s13, s13, $0xb8;
	[tilespmem:$0x9300] =	vst v63  }
0x19: {  	_ =	swait.ge [sflag:s16], $0x1000  }
0x1a: {  	p0 =	por $0x1, $0x1;
	[sflag:s16] =	ssyncset.done $0x0  }
0x1b: {  	s25 =	sadd.s32 $0x0, s11;
	s26 =	simm.s32 @!p0 $0x6;
	[sflag:s16] =	ssyncadd.s32 $0xFFFFF000  }
0x1c: {  	[hbm4b:s25+s3] =	stream.linear.scatter [tilespmem:s14], [sflag:$0x4], $0x1000, $0x38;
	[tilespmem:$0x9300] =	vst v63  }
0x1d: {  	_ =	swait.ge @!p0 [sflag:s26], $0x1000  }
0x1e: {  	[sflag:s26] =	ssyncset.done @!p0 $0x0  }
0x1f: {  	s31 =	simm.s32 $0x100;
	[sflag:s26] =	ssyncadd.s32 @!p0 $0xFFFFF000  }
0x20: {  	[tilespmem:s17], [sflag:$0x3] =	stream.indirect.gather [hbm4b:s1+s13], $0x20, s31, s13, $0xb8;
	[tilespmem:$0x9300] =	vst v63  }
0x21: {  	_ =	swait.ge [sflag:s18], $0x1000  }
0x22: {  	[sflag:s18] =	ssyncset.done $0x0  }
0x23: {  	s29 =	sadd.s32 $0x0, s10;
	[sflag:s18] =	ssyncadd.s32 $0xFFFFF000  }
0x24: {  	[hbm4b:s29+s3] =	stream.linear.scatter [tilespmem:s15], [sflag:$0x5], $0x1000, $0x38;
	[tilespmem:$0x9300] =	vst v63  }
0x25: {  	_ =	swait.ge [sflag:s19], $0x1000  }
0x26: {  	[sflag:s19] =	ssyncset.done $0x0  }
0x27: {  	s30 =	simm.s32 $0x180;
	[sflag:s19] =	ssyncadd.s32 $0xFFFFF000  }
0x28: {  	[tilespmem:s14], [sflag:$0x1] =	stream.indirect.gather [hbm4b:s1+s13], $0x20, s30, s13, $0xb8;
	[tilespmem:$0x9300] =	vst v63  }
0x29: {  	_ =	swait.ge [sflag:s20], $0x1000  }
0x2a: {  	[sflag:s20] =	ssyncset.done $0x0  }
0x2b: {  	s31 =	sadd.s32 $0x0, s9;
	[sflag:s20] =	ssyncadd.s32 $0xFFFFF000  }
0x2c: {  	[hbm4b:s31+s3] =	stream.linear.scatter [tilespmem:s17], [sflag:$0x6], $0x1000, $0x38;
	[tilespmem:$0x9300] =	vst v63  }
0x2d: {  	s28 =	simm.s32 $0x200;
	_ =	swait.ge [sflag:s21], $0x1000  }
0x2e: {  	s25 =	simm.s32 $0xFFFFFFFF;
	s26 =	simm.s32 $0x600;
	[sflag:s21] =	ssyncset.done $0x0  }
.LBB2_2:
0x2f: {  	[sflag:s21] =	ssyncadd.s32 $0xFFFFF000  }
0x30: {  	s25 =	sadd.s32 $0x3, s25;
	s29 =	smov.u32 s26;
	s26 =	sadd.s32 $0x600, s26  }
0x31: {  	[tilespmem:s15], [sflag:$0x2] =	stream.indirect.gather [hbm4b:s1+s13], $0x20, s28, s13, $0xb8;
	[tilespmem:$0x9300] =	vst v63  }
0x32: {  	p0 =	sne.s32 s26, $0x18600;
	_ =	swait.ge [sflag:s16], $0x1000  }
0x33: {  	s28 =	sadd.s32 s29, s11;
	p1 =	sgt.u32 s25, $0xC2;
	[sflag:s16] =	ssyncset.done $0x0  }
0x34: {  	s30 =	simm.s32 @!p1 $0x6;
	[sflag:s16] =	ssyncadd.s32 $0xFFFFF000  }
0x35: {  	[hbm4b:s28+s3] =	stream.linear.scatter [tilespmem:s14], [sflag:$0x4], $0x1000, $0x38;
	[tilespmem:$0x9300] =	vst v63  }
0x36: {  	s28 =	sshra.s32 s29, $0x2;
	_ =	swait.ge @!p1 [sflag:s30], $0x1000  }
0x37: {  	s31 =	sadd.s32 $0x100, s28;
	[sflag:s30] =	ssyncset.done @!p1 $0x0  }
0x38: {  	[sflag:s30] =	ssyncadd.s32 @!p1 $0xFFFFF000  }
0x39: {  	[tilespmem:s17], [sflag:$0x3] =	stream.indirect.gather [hbm4b:s1+s13], $0x20, s31, s13, $0xb8;
	[tilespmem:$0x9300] =	vst v63  }
0x3a: {  	_ =	swait.ge [sflag:s18], $0x1000  }
0x3b: {  	s30 =	sadd.s32 s29, s10;
	[sflag:s18] =	ssyncset.done $0x0  }
0x3c: {  	[sflag:s18] =	ssyncadd.s32 $0xFFFFF000  }
0x3d: {  	[hbm4b:s30+s3] =	stream.linear.scatter [tilespmem:s15], [sflag:$0x5], $0x1000, $0x38;
	[tilespmem:$0x9300] =	vst v63  }
0x3e: {  	_ =	swait.ge [sflag:s19], $0x1000  }
0x3f: {  	s30 =	sadd.s32 $0x180, s28;
	[sflag:s19] =	ssyncset.done $0x0  }
0x40: {  	[sflag:s19] =	ssyncadd.s32 $0xFFFFF000  }
0x41: {  	[tilespmem:s14], [sflag:$0x1] =	stream.indirect.gather [hbm4b:s1+s13], $0x20, s30, s13, $0xb8;
	[tilespmem:$0x9300] =	vst v63  }
0x42: {  	_ =	swait.ge [sflag:s20], $0x1000  }
.Ltmp0:
0x43: {  	s29 =	sadd.s32 s29, s9;
	[sflag:s20] =	ssyncset.done $0x0;
	(pc) =	sbr.rel @p0 .LBB2_2-.Ltmp0, $4  }
0x44: {  	[sflag:s20] =	ssyncadd.s32 $0xFFFFF000  }
0x45: {  	[hbm4b:s29+s3] =	stream.linear.scatter [tilespmem:s17], [sflag:$0x6], $0x1000, $0x38;
	[tilespmem:$0x9300] =	vst v63  }
0x46: {  	_ =	swait.ge [sflag:s21], $0x1000  }
0x47: {  	s28 =	sadd.s32 $0x200, s28;
	[sflag:s21] =	ssyncset.done $0x0  }
0x48: {  	[sflag:s21] =	ssyncadd.s32 $0xFFFFF000  }
0x49: {  	[tilespmem:s15], [sflag:$0x2] =	stream.indirect.gather [hbm4b:s1+s13], $0x20, s28, s13, $0xb8;
	[tilespmem:$0x9300] =	vst v63  }
0x4a: {  	_ =	swait.ge [sflag:s16], $0x1000  }
0x4b: {  	[sflag:s16] =	ssyncset.done $0x0  }
0x4c: {  	[sflag:s16] =	ssyncadd.s32 $0xFFFFF000  }
0x4d: {  	[hbm4b:s6+s3] =	stream.linear.scatter [tilespmem:s14], [sflag:$0x4], $0x1000, $0x38;
	[tilespmem:$0x9300] =	vst v63  }
0x4e: {  	_ =	swait.ge [sflag:s22], $0x1000  }
0x4f: {  	[sflag:s22] =	ssyncset.done $0x0  }
0x50: {  	[sflag:s22] =	ssyncadd.s32 $0xFFFFF000  }
0x51: {  	[tilespmem:s17], [sflag:$0x3] =	stream.indirect.gather [hbm4b:s1+s13], $0x20, s23, s13, $0xb8;
	[tilespmem:$0x9300] =	vst v63  }
0x52: {  	_ =	swait.ge [sflag:s18], $0x1000  }
0x53: {  	[sflag:s18] =	ssyncset.done $0x0  }
0x54: {  	[sflag:s18] =	ssyncadd.s32 $0xFFFFF000  }
0x55: {  	[hbm4b:s7+s3] =	stream.linear.scatter [tilespmem:s15], [sflag:$0x5], $0x1000, $0x38;
	[tilespmem:$0x9300] =	vst v63  }
0x56: {  	_ =	swait.ge [sflag:s20], $0x1000  }
0x57: {  	[sflag:s20] =	ssyncset.done $0x0  }
0x58: {  	[sflag:s20] =	ssyncadd.s32 $0xFFFFF000  }
0x59: {  	[hbm4b:s8+s3] =	stream.linear.scatter [tilespmem:s17], [sflag:$0x6], $0x1000, $0x38;
	[tilespmem:$0x9300] =	vst v63  }
0x5a: {  	_ =	swait.ge [sflag:s19], $0x1000  }
0x5b: {  	[sflag:s19] =	ssyncset.done $0x0  }
0x5c: {  	s24 =	sadd.s32 $0x1, s24;
	[sflag:s19] =	ssyncadd.s32 $0xFFFFF000  }
0x5d: {  	p0 =	sne.s32 s24, s5;
	_ =	swait.ge [sflag:s21], $0x1000  }
.Ltmp1:
0x5e: {  	[sflag:s21] =	ssyncset.done $0x0;
	(pc) =	sbr.rel @p0 .LBB2_1-.Ltmp1, $4  }
0x5f: {  	[sflag:s21] =	ssyncadd.s32 $0xFFFFF000  }
0x60: {  	_ =	swait.ge [sflag:s22], $0x1000  }
0x61: {  	[sflag:s22] =	ssyncset.done $0x0  }
0x62: {  	[sflag:s22] =	ssyncadd.s32 $0xFFFFF000  }
0x63: {  	_ =	sfence.sel $0x180000  }
0x64: {  	[bflag:$0x0] =	sbarrier.arrive $0xFFFF  }
0x65: {  	p0 =	sne.s32 s0, $0x0;
	_ =	strace $0x90000047  }
0x66: {  	s0 =	sadd.s32 @!p0 $0x100000, s2;
	[bflag:$0x2] =	sbarrier.arrive $0xFFFF  }
0x67: {  	[sflag:s0] =	ssyncadd.tile.s32 @!p0 $0x1;
	_ =	shalt  }
.Lfunc_end2:
_tile_overlayer_lowered:
.L_overlay_start_2:
0x68: {  	(tag) =	ssettag $0x2  }
0x69: {  	s0 =	rddreg [dreg:$0x0];
	s2 =	stileid.u32  }
0x6a: {  	s1 =	rddreg [dreg:$0x1];
	p0 =	sne.s32 s2, $0x0  }
0x6b: {  	s3 =	rddreg [dreg:$0x2];
	[bflag:$0x3] =	sbarrier.arrive $0xFFFF;
	s2 =	simm.s32 @!p0 $0x1C07  }
0x6c: {  	[timem:s3], [sflag:s2] =	dma.local @!p0 [hbm:s0], s1  }
0x6d: {  	s0 =	simm.s32 @!p0 $0x7  }
0x6e: {  	_ =	swait.ge @!p0 [sflag:s0], s1  }
0x6f: {  	s1 =	ssub.s32 @!p0 $0x0, s1;
	[sflag:s0] =	ssyncset.done @!p0 $0x0  }
0x70: {  	[sflag:s0] =	ssyncadd.s32 @!p0 s1  }
0x71: {  	[bflag:$0x3] =	sbarrier.arrive $0xFFFF  }
0x72: {  	_ =	shalt  }

// kernel: kernel.13.cloned.1.call-start
scs
__scs_entry_jumppad:
0x0: {  	(pc) =	sbr.rel $0x88, $3  }
0x1: {  	(tag) =	ssettag $0x0;
	lr =	simm.s32 $0x1  }
0x2: {  	[smem:$0x3F98] =	sst lr;
	_ =	strace $0xD0000000  }
0x3: {  	_ = 	snop  }
0x4: {  	_ = 	snop  }
0x5: {  	_ = 	snop  }
0x6: {  	_ = 	snop  }
0x7: {  	_ = 	snop  }
__scs_overlays_trampoline_lowered:
0x8: {  	[smem:$0x3FA7] =	sst s0  }
0x9: {  	[smem:$0x3FA8] =	sst s1  }
0xa: {  	[smem:$0x3FA9] =	sst s2  }
0xb: {  	[smem:$0x3FAA] =	sst s3  }
0xc: {  	[smem:$0x3FAB] =	sst s4  }
0xd: {  	[smem:$0x3FAC] =	sst s5  }
0xe: {  	[smem:$0x3FAD] =	sst s6  }
0xf: {  	[smem:$0x3FAE] =	sst s7  }
0x10: {  	[smem:$0x3FAF] =	sst s8  }
0x11: {  	[smem:$0x3FB0] =	sst s9;
	s0 =	simm.s32 @!p0 $0x0  }
0x12: {  	s1 =	sld [smem:$0x3F96];
	s0 =	simm.s32 @p0 $0x1  }
0x13: {  	[smem:$0x3FB1] =	sst s0;
	s0 =	simm.s32 @!p1 $0x0  }
0x14: {  	s2 =	sld [smem:$0x3F95];
	s0 =	simm.s32 @p1 $0x1  }
0x15: {  	[smem:$0x3FB2] =	sst s0;
	s0 =	simm.s32 @!p2 $0x0  }
0x16: {  	s3 =	sld [smem:$0x3FDB];
	s0 =	simm.s32 @p2 $0x1  }
0x17: {  	s4 =	simm.s32 $0x1BF5;
	[smem:$0x3FB4] =	sst s0  }
0x18: {  	s0 =	sld [smem:$0x3F97];
	_ =	swait.ge [sflag:s4], $0x0  }
0x19: {  	s7 =	sld [smem:$0x3F98]  }
0x1a: {  	s8 =	sadd.s32 $0xFFFFE003, lr  }
0x1b: {  	s9 =	sadd.s32 $0xFFFFFEF7, lr;
	s5 =	simm.s32 $0xFFFFFFFF;
	p2 =	slt.u32 s8, $0xFFFFF086  }
0x1c: {  	p1 =	slt.u32 s9, $0xF7A;
	s5 =	simm.s32 @!p2 $0x0  }
0x1d: {  	s5 =	simm.s32 @p1 $0x1;
	p0 =	seq.s32 s7, s2  }
0x1e: {  	s7 =	smul.u32 @!p0 $0xF7A, s2;
	p2 =	seq.s32 @!p0 s5, $0x0  }
0x1f: {  	s9 =	smul.u32 $0xF7A, s1;
	s8 =	simm.s32 @!p0 $0x1BF5;
	p2 =	por !p2, p0  }
0x20: {  	[sflag:s8] =	ssyncset.s32 @!p0 $0xFFFFF086;
	s6 =	sadd.s32 @!p0 s3, s7;
	s7 =	simm.s32 @!p0 $0x108  }
0x21: {  	s3 =	sadd.s32 s3, s9;
	s6 =	sadd.s32 @!p0 $0x88, s6;
	s7 =	simm.s32 @p2 $0x1082  }
0x22: {  	[simem:s7], [sflag:s8] =	dma.local @!p0 [hbm:s6], $0xF7A  }
0x23: {  	s9 =	sor.u32 $0xD0000000, s2;
	s6 =	simm.s32 $0x108;
	_ =	swait.ge @!p0 [sflag:s8], $0x0  }
0x24: {  	s3 =	sadd.s32 $0x88, s3;
	s6 =	simm.s32 @!p1 $0x1082;
	[sflag:s4] =	ssyncset.s32 $0xFFFFF086  }
0x25: {  	[simem:s6], [sflag:s4] =	dma.local [hbm:s3], $0xF7A  }
0x26: {  	[smem:$0x3F98] =	sst s1;
	(tag) =	ssettag s2;
	_ =	strace s9  }
0x27: {  	s1 =	sld [smem:$0x3FA8]  }
0x28: {  	s2 =	sld [smem:$0x3FA9]  }
0x29: {  	s4 =	sld [smem:$0x3FAB]  }
0x2a: {  	p0 =	seq.s32 s5, $0x0;
	s5 =	sld [smem:$0x3FAC]  }
0x2b: {  	s6 =	sld [smem:$0x3FAD]  }
0x2c: {  	s7 =	sld [smem:$0x3FAE]  }
0x2d: {  	s3 =	simm.s32 $0x108;
	s8 =	sld [smem:$0x3FAF]  }
0x2e: {  	s3 =	simm.s32 @!p0 $0x1082;
	s9 =	sld [smem:$0x3FB0]  }
0x2f: {  	lr =	sadd.s32 s0, s3;
	s0 =	sld [smem:$0x3FA7]  }
0x30: {  	s3 =	sld [smem:$0x3FAA]  }
0x31: {  	[smem:$0x3FB3] =	sst s10  }
0x32: {  	s10 =	sld [smem:$0x3FB1];
	_ =	sdelay $0x3  }
0x33: {  	p0 =	seq.s32 s10, $0x1;
	s10 =	sld [smem:$0x3FB3];
	_ =	sdelay $0x3  }
0x34: {  	[smem:$0x3FB3] =	sst s10  }
0x35: {  	s10 =	sld [smem:$0x3FB2];
	_ =	sdelay $0x3  }
0x36: {  	p1 =	seq.s32 s10, $0x1;
	s10 =	sld [smem:$0x3FB3];
	_ =	sdelay $0x3  }
0x37: {  	[smem:$0x3FB3] =	sst s10  }
0x38: {  	s10 =	sld [smem:$0x3FB4]  }
0x39: {  	_ = 	snop;
	(pc) =	sbr.ind lr, $3  }
0x3a: {  	_ = 	snop  }
0x3b: {  	_ = 	snop  }
0x3c: {  	p2 =	seq.s32 s10, $0x1;
	s10 =	sld [smem:$0x3FB3]  }
0x3d: {  	_ =	shalt  }
0x3e: {  	_ =	shalt  }
0x3f: {  	_ =	shalt  }
0x40: {  	_ =	shalt  }
0x41: {  	_ =	shalt  }
0x42: {  	_ =	shalt  }
0x43: {  	_ =	shalt  }
0x44: {  	_ =	shalt  }
0x45: {  	_ =	shalt  }
0x46: {  	_ =	shalt  }
0x47: {  	_ =	shalt  }
0x48: {  	_ =	shalt  }
0x49: {  	_ =	shalt  }
0x4a: {  	_ =	shalt  }
0x4b: {  	_ =	shalt  }
0x4c: {  	_ =	shalt  }
0x4d: {  	_ =	shalt  }
0x4e: {  	_ =	shalt  }
0x4f: {  	_ =	shalt  }
0x50: {  	_ =	shalt  }
0x51: {  	_ =	shalt  }
0x52: {  	_ =	shalt  }
0x53: {  	_ =	shalt  }
0x54: {  	_ =	shalt  }
0x55: {  	_ =	shalt  }
0x56: {  	_ =	shalt  }
0x57: {  	_ =	shalt  }
0x58: {  	_ =	shalt  }
0x59: {  	_ =	shalt  }
0x5a: {  	_ =	shalt  }
0x5b: {  	_ =	shalt  }
0x5c: {  	_ =	shalt  }
0x5d: {  	_ =	shalt  }
0x5e: {  	_ =	shalt  }
0x5f: {  	_ =	shalt  }
0x60: {  	_ =	shalt  }
0x61: {  	_ =	shalt  }
0x62: {  	_ =	shalt  }
0x63: {  	_ =	shalt  }
0x64: {  	_ =	shalt  }
0x65: {  	_ =	shalt  }
0x66: {  	_ =	shalt  }
0x67: {  	_ =	shalt  }
0x68: {  	_ =	shalt  }
0x69: {  	_ =	shalt  }
0x6a: {  	_ =	shalt  }
0x6b: {  	_ =	shalt  }
0x6c: {  	_ =	shalt  }
0x6d: {  	_ =	shalt  }
0x6e: {  	_ =	shalt  }
0x6f: {  	_ =	shalt  }
0x70: {  	_ =	shalt  }
0x71: {  	_ =	shalt  }
0x72: {  	_ =	shalt  }
0x73: {  	_ =	shalt  }
0x74: {  	_ =	shalt  }
0x75: {  	_ =	shalt  }
0x76: {  	_ =	shalt  }
0x77: {  	_ =	shalt  }
0x78: {  	_ =	shalt  }
0x79: {  	_ =	shalt  }
0x7a: {  	_ =	shalt  }
0x7b: {  	_ =	shalt  }
0x7c: {  	_ =	shalt  }
0x7d: {  	_ =	shalt  }
0x7e: {  	_ =	shalt  }
0x7f: {  	_ =	shalt  }
0x80: {  	_ =	shalt  }
0x81: {  	_ =	shalt  }
0x82: {  	_ =	shalt  }
0x83: {  	_ =	shalt  }
0x84: {  	_ =	shalt  }
0x85: {  	_ =	shalt  }
0x86: {  	_ =	shalt  }
0x87: {  	_ =	shalt  }
.Lfunc_end0:
.L_simem_size_0:
called_computation.1_lowered:
.L_overlay_start_0:
0x88: {  	s2 =	sld [smem:$0x3FD9]  }
0x89: {  	s3 =	sld [smem:$0x3FFE];
	_ =	sdelay $0x1  }
0x8a: {  	s1 =	srdreg.scid  }
0x8b: {  	s0 =	sand.u32 $0x1, s1  }
0x8c: {  	s14 =	sshll.u32 s0, $0xA;
	s2 =	sadd.s32 s3, s2  }
0x8d: {  	s2 =	sadd.s32 s2, s14  }
0x8e: {  	[smem:$0x3FBF] =	sst s2  }
0x8f: {  	_ = 	snop  }
0x90: {  	s2 =	sld [smem:$0x3FD0];
	_ =	sdelay $0x2  }
0x91: {  	s15 =	simm.s32 $0xA;
	s4 =	simm.s32 $0x10  }
0x92: {  	[smem:s4], [sflag:s15] =	dma.local [hbm:s2], $0x1  }
0x93: {  	_ =	swait.eq [sflag:s15], $0x1  }
0x94: {  	[sflag:s15] =	ssyncset.done $0x0  }
0x95: {  	s16 =	sld [smem:$0x13];
	[sflag:s15] =	ssyncadd.s32 $0xFFFFFFFF  }
0x96: {  	s17 =	sld [smem:$0x14];
	(tm) =	ssettm $0x1  }
0x97: {  	s18 =	sld [smem:$0x3FFB];
	_ =	sdelay $0x3  }
0x98: {  	_ =	strace s18  }
0x99: {  	s4 =	sld [smem:$0x3FFC];
	_ =	sdelay $0x3  }
0x9a: {  	_ =	strace s4  }
0x9b: {  	s4 =	sld [smem:$0x3FFD];
	_ =	sdelay $0x3  }
0x9c: {  	_ =	strace s4  }
0x9d: {  	_ =	strace $0x8FFFFFFF  }
0x9e: {  	s19 =	sld [smem:$0x3FDB];
	_ =	sdelay $0x1  }
0x9f: {  	s5 =	simm.s32 $_scs_section_size  }
0xa0: {  	s6 =	simm.s32 $_size__tile_overlayer_lowered;
	s7 =	simm.s32 $_tile_overlayer_lowered  }
0xa1: {  	s22 =	simm.s32 $0x1BFF;
	s21 =	sshll.u32 s7, $0x1;
	s4 =	sadd.s32 s5, s19  }
0xa2: {  	s8 =	simm.s32 $0x0;
	s20 =	sshll.u32 s6, $0x1;
	s6 =	sadd.s32 s21, s4  }
0xa3: {  	[timem:s8], [sflag:s22] =	dma.local [hbm:s6], s20  }
0xa4: {  	_ =	swait.ge [sflag:s22], s20  }
0xa5: {  	s5 =	ssub.s32 $0x0, s20;
	[sflag:s22] =	ssyncset.done $0x0  }
0xa6: {  	[sflag:s22] =	ssyncadd.s32 s5;
	_ =	sdelay $0x1  }
0xa7: {  	s23 =	simm.s32 $0x1B8B  }
0xa8: {  	_ =	swait.ge [sflag:s23], $0x1  }
0xa9: {  	[sflag:s23] =	ssyncset.done $0x0  }
0xaa: {  	s25 =	simm.s32 $0x1B8E;
	s24 =	sld [smem:$0x3FFE];
	[sflag:s23] =	ssyncadd.s32 $0xFFFFFFFF  }
0xab: {  	s26 =	simm.s32 $execute0_lowered;
	[smem:$0x3FD2] =	sst s25  }
0xac: {  	s6 =	sshll.u32 s26, $0x1;
	_ =	strace $0x80000049;
	[dreg:$0x1] =	wrdreg $0xFFFFFFFF  }
0xad: {  	s28 =	simm.s32 $_size_execute0_lowered;
	s4 =	sadd.s32 s4, s6;
	[dreg:$0x0] =	wrdreg $0x0  }
0xae: {  	s6 =	sshll.u32 s28, $0x1;
	[dreg:$0x2] =	wrdreg s4  }
0xaf: {  	[dreg:$0x3] =	wrdreg s6  }
0xb0: {  	[dreg:$0x4] =	wrdreg $0xC0  }
0xb1: {  	_ =	task [dreg:s8], $0x5FFFF  }
0xb2: {  	[dreg:$0x1] =	wrdreg $0xFFFFFFFF  }
0xb3: {  	[dreg:$0x0] =	wrdreg $0x60  }
0xb4: {  	[dreg:$0x2] =	wrdreg s17  }
0xb5: {  	[dreg:$0x3] =	wrdreg s16  }
0xb6: {  	[dreg:$0x4] =	wrdreg s24  }
0xb7: {  	[dreg:$0x5] =	wrdreg $0x9  }
0xb8: {  	_ =	task.clear_ibuf [dreg:s8], $0x6FFFF;
	_ =	strace $0x90000049  }
0xb9: {  	s29 =	simm.s32 $0x9;
	_ =	strace $0x8000004B  }
0xba: {  	_ =	swait.ge [sflag:s29], $0x1  }
0xbb: {  	[sflag:s29] =	ssyncadd.s32 $0xFFFFFFFF  }
0xbc: {  	_ =	strace $0x9000004B  }
0xbd: {  	_ =	sfence  }
0xbe: {  	s30 =	sld [smem:$0x0];
	_ =	sdelay $0x2  }
0xbf: {  	s31 =	sshll.u32 s1, $0xD;
	s1 =	sshrl.u32 s1, $0x2  }
0xc0: {  	s3 =	sand.u32 $0x4000, s31;
	s1 =	sadd.s32 s1, s30  }
0xc1: {  	s0 =	sor.u32 s3, s0;
	s1 =	sshll.u32 s1, $0x11  }
0xc2: {  	s0 =	sor.u32 s1, s0  }
0xc3: {  	s0 =	sadd.s32 $0x8F2B, s0  }
0xc4: {  	[sflag:s0] =	ssyncadd.remote.s32 $0x1  }
0xc5: {  	_ =	sfence.sel $0xFFFF  }
0xc6: {  	[dreg:$0x0] =	wrdreg $0xFFFFFFFF;
	(pc) =	sbr.abs _section_cstart, $3  }
0xc7: {  	[dreg:$0x1] =	wrdreg $0xFFFFFFFF  }
0xc8: {  	_ =	task.clear_ibuf [dreg:s8], $0x2FFFF;
	_ =	strace $0x9FFFFFFF  }
0xc9: {  	(tm) =	ssettm $0x7FFFFFFF  }
tec
execute0_lowered:
.L_overlay_start_1:
0x0: {  	(tag) =	ssettag $0x1  }
0x1: {  	s1 =	rddreg [dreg:$0x0]  }
0x2: {  	s2 =	srdreg.scid;
	s4 =	rddreg [dreg:$0x1]  }
0x3: {  	s0 =	stileid.u32;
	s6 =	rddreg [dreg:$0x2];
	s3 =	simm.s32 $0x0  }
0x4: {  	s14 =	simm.s32 $0x6300;
	s15 =	simm.s32 $0x7300;
	s16 =	simm.s32 $0x1  }
0x5: {  	s17 =	simm.s32 $0x8300;
	s18 =	simm.s32 $0x2;
	s19 =	simm.s32 $0x4  }
0x6: {  	s20 =	simm.s32 $0x3;
	s21 =	simm.s32 $0x5;
	s22 =	simm.s32 $0x6  }
0x7: {  	s23 =	simm.s32 $0x6280;
	s24 =	simm.s32 $0x0;
	s10 =	smul.u32 $0x18C, s0  }
0x8: {  	s8 =	sand.u32 $0x1, s2;
	s2 =	rddreg [dreg:$0x3];
	s30 =	smul.u32 $0x31800, s0  }
0x9: {  	s26 =	sshll.u32 s0, $0x1;
	[smem:$0x7FF] =	sst s3;
	s12 =	smul.u32 $0xC6, s8  }
0xa: {  	s5 =	sor.u32 s8, s26;
	s28 =	ssub.s32 $0x2, s8;
	s31 =	smul.u32 $0x18C00, s8  }
0xb: {  	s13 =	sadd.s32 $0x250200, s6;
	s7 =	smul.u32 $0xC60, s5;
	s11 =	sshrl.u32 s28, $0x1  }
0xc: {  	_ =	strace $0x8000004A;
	s9 =	smul.u32 $0x18C00, s5;
	s5 =	ssub.s32 s28, s11  }
0xd: {  	s29 =	sadd.s32 s12, s10;
	s11 =	sadd.s32 s30, s13;
	s12 =	simm.s32 $0x7  }
0xe: {  	s4 =	sadd.s32 s4, s7;
	s5 =	smax.u32 s5, $0x1;
	s9 =	sadd.s32 s13, s9  }
0xf: {  	s10 =	sshll.u32 s29, $0x9;
	s11 =	sadd.s32 s31, s11;
	s6 =	sadd.s32 $0x18600, s9  }
0x10: {  	s7 =	sadd.s32 $0x18800, s9;
	s10 =	sadd.s32 s10, s13;
	s8 =	sadd.s32 $0x18A00, s9  }
0x11: {  	s13 =	simm.s32 $0x80;
	s9 =	sadd.s32 $0x400, s10;
	s10 =	sadd.s32 $0x200, s10  }
.LBB2_1:
0x12: {  	[tilespmem:s3], [sflag:$0x7] =	stream.linear.gather [hbm4b:s4+s3], $0x6300, $0x38;
	[tilespmem:$0x9300] =	vst v63  }
0x13: {  	_ =	swait.ge [sflag:s12], $0x6300  }
0x14: {  	[sflag:s12] =	ssyncset.done $0x0  }
0x15: {  	[sflag:s12] =	ssyncadd.s32 $0xFFFF9D00  }
0x16: {  	[tilespmem:s14], [sflag:$0x1] =	stream.indirect.gather [hbm4b:s1+s13], $0x20, s3, s13, $0xb8;
	[tilespmem:$0x9300] =	vst v63  }
0x17: {  	_ = 	snop  }
0x18: {  	[tilespmem:s15], [sflag:$0x2] =	stream.indirect.gather [hbm4b:s1+s13], $0x20, s13, s13, $0xb8;
	[tilespmem:$0x9300] =	vst v63  }
0x19: {  	_ =	swait.ge [sflag:s16], $0x1000  }
0x1a: {  	p0 =	por $0x1, $0x1;
	[sflag:s16] =	ssyncset.done $0x0  }
0x1b: {  	s25 =	sadd.s32 $0x0, s11;
	s26 =	simm.s32 @!p0 $0x6;
	[sflag:s16] =	ssyncadd.s32 $0xFFFFF000  }
0x1c: {  	[hbm4b:s25+s3] =	stream.linear.scatter [tilespmem:s14], [sflag:$0x4], $0x1000, $0x38;
	[tilespmem:$0x9300] =	vst v63  }
0x1d: {  	_ =	swait.ge @!p0 [sflag:s26], $0x1000  }
0x1e: {  	[sflag:s26] =	ssyncset.done @!p0 $0x0  }
0x1f: {  	s31 =	simm.s32 $0x100;
	[sflag:s26] =	ssyncadd.s32 @!p0 $0xFFFFF000  }
0x20: {  	[tilespmem:s17], [sflag:$0x3] =	stream.indirect.gather [hbm4b:s1+s13], $0x20, s31, s13, $0xb8;
	[tilespmem:$0x9300] =	vst v63  }
0x21: {  	_ =	swait.ge [sflag:s18], $0x1000  }
0x22: {  	[sflag:s18] =	ssyncset.done $0x0  }
0x23: {  	s29 =	sadd.s32 $0x0, s10;
	[sflag:s18] =	ssyncadd.s32 $0xFFFFF000  }
0x24: {  	[hbm4b:s29+s3] =	stream.linear.scatter [tilespmem:s15], [sflag:$0x5], $0x1000, $0x38;
	[tilespmem:$0x9300] =	vst v63  }
0x25: {  	_ =	swait.ge [sflag:s19], $0x1000  }
0x26: {  	[sflag:s19] =	ssyncset.done $0x0  }
0x27: {  	s30 =	simm.s32 $0x180;
	[sflag:s19] =	ssyncadd.s32 $0xFFFFF000  }
0x28: {  	[tilespmem:s14], [sflag:$0x1] =	stream.indirect.gather [hbm4b:s1+s13], $0x20, s30, s13, $0xb8;
	[tilespmem:$0x9300] =	vst v63  }
0x29: {  	_ =	swait.ge [sflag:s20], $0x1000  }
0x2a: {  	[sflag:s20] =	ssyncset.done $0x0  }
0x2b: {  	s31 =	sadd.s32 $0x0, s9;
	[sflag:s20] =	ssyncadd.s32 $0xFFFFF000  }
0x2c: {  	[hbm4b:s31+s3] =	stream.linear.scatter [tilespmem:s17], [sflag:$0x6], $0x1000, $0x38;
	[tilespmem:$0x9300] =	vst v63  }
0x2d: {  	s28 =	simm.s32 $0x200;
	_ =	swait.ge [sflag:s21], $0x1000  }
0x2e: {  	s25 =	simm.s32 $0xFFFFFFFF;
	s26 =	simm.s32 $0x600;
	[sflag:s21] =	ssyncset.done $0x0  }
.LBB2_2:
0x2f: {  	[sflag:s21] =	ssyncadd.s32 $0xFFFFF000  }
0x30: {  	s25 =	sadd.s32 $0x3, s25;
	s29 =	smov.u32 s26;
	s26 =	sadd.s32 $0x600, s26  }
0x31: {  	[tilespmem:s15], [sflag:$0x2] =	stream.indirect.gather [hbm4b:s1+s13], $0x20, s28, s13, $0xb8;
	[tilespmem:$0x9300] =	vst v63  }
0x32: {  	p0 =	sne.s32 s26, $0x18600;
	_ =	swait.ge [sflag:s16], $0x1000  }
0x33: {  	s28 =	sadd.s32 s29, s11;
	p1 =	sgt.u32 s25, $0xC2;
	[sflag:s16] =	ssyncset.done $0x0  }
0x34: {  	s30 =	simm.s32 @!p1 $0x6;
	[sflag:s16] =	ssyncadd.s32 $0xFFFFF000  }
0x35: {  	[hbm4b:s28+s3] =	stream.linear.scatter [tilespmem:s14], [sflag:$0x4], $0x1000, $0x38;
	[tilespmem:$0x9300] =	vst v63  }
0x36: {  	s28 =	sshra.s32 s29, $0x2;
	_ =	swait.ge @!p1 [sflag:s30], $0x1000  }
0x37: {  	s31 =	sadd.s32 $0x100, s28;
	[sflag:s30] =	ssyncset.done @!p1 $0x0  }
0x38: {  	[sflag:s30] =	ssyncadd.s32 @!p1 $0xFFFFF000  }
0x39: {  	[tilespmem:s17], [sflag:$0x3] =	stream.indirect.gather [hbm4b:s1+s13], $0x20, s31, s13, $0xb8;
	[tilespmem:$0x9300] =	vst v63  }
0x3a: {  	_ =	swait.ge [sflag:s18], $0x1000  }
0x3b: {  	s30 =	sadd.s32 s29, s10;
	[sflag:s18] =	ssyncset.done $0x0  }
0x3c: {  	[sflag:s18] =	ssyncadd.s32 $0xFFFFF000  }
0x3d: {  	[hbm4b:s30+s3] =	stream.linear.scatter [tilespmem:s15], [sflag:$0x5], $0x1000, $0x38;
	[tilespmem:$0x9300] =	vst v63  }
0x3e: {  	_ =	swait.ge [sflag:s19], $0x1000  }
0x3f: {  	s30 =	sadd.s32 $0x180, s28;
	[sflag:s19] =	ssyncset.done $0x0  }
0x40: {  	[sflag:s19] =	ssyncadd.s32 $0xFFFFF000  }
0x41: {  	[tilespmem:s14], [sflag:$0x1] =	stream.indirect.gather [hbm4b:s1+s13], $0x20, s30, s13, $0xb8;
	[tilespmem:$0x9300] =	vst v63  }
0x42: {  	_ =	swait.ge [sflag:s20], $0x1000  }
.Ltmp0:
0x43: {  	s29 =	sadd.s32 s29, s9;
	[sflag:s20] =	ssyncset.done $0x0;
	(pc) =	sbr.rel @p0 .LBB2_2-.Ltmp0, $4  }
0x44: {  	[sflag:s20] =	ssyncadd.s32 $0xFFFFF000  }
0x45: {  	[hbm4b:s29+s3] =	stream.linear.scatter [tilespmem:s17], [sflag:$0x6], $0x1000, $0x38;
	[tilespmem:$0x9300] =	vst v63  }
0x46: {  	_ =	swait.ge [sflag:s21], $0x1000  }
0x47: {  	s28 =	sadd.s32 $0x200, s28;
	[sflag:s21] =	ssyncset.done $0x0  }
0x48: {  	[sflag:s21] =	ssyncadd.s32 $0xFFFFF000  }
0x49: {  	[tilespmem:s15], [sflag:$0x2] =	stream.indirect.gather [hbm4b:s1+s13], $0x20, s28, s13, $0xb8;
	[tilespmem:$0x9300] =	vst v63  }
0x4a: {  	_ =	swait.ge [sflag:s16], $0x1000  }
0x4b: {  	[sflag:s16] =	ssyncset.done $0x0  }
0x4c: {  	[sflag:s16] =	ssyncadd.s32 $0xFFFFF000  }
0x4d: {  	[hbm4b:s6+s3] =	stream.linear.scatter [tilespmem:s14], [sflag:$0x4], $0x1000, $0x38;
	[tilespmem:$0x9300] =	vst v63  }
0x4e: {  	_ =	swait.ge [sflag:s22], $0x1000  }
0x4f: {  	[sflag:s22] =	ssyncset.done $0x0  }
0x50: {  	[sflag:s22] =	ssyncadd.s32 $0xFFFFF000  }
0x51: {  	[tilespmem:s17], [sflag:$0x3] =	stream.indirect.gather [hbm4b:s1+s13], $0x20, s23, s13, $0xb8;
	[tilespmem:$0x9300] =	vst v63  }
0x52: {  	_ =	swait.ge [sflag:s18], $0x1000  }
0x53: {  	[sflag:s18] =	ssyncset.done $0x0  }
0x54: {  	[sflag:s18] =	ssyncadd.s32 $0xFFFFF000  }
0x55: {  	[hbm4b:s7+s3] =	stream.linear.scatter [tilespmem:s15], [sflag:$0x5], $0x1000, $0x38;
	[tilespmem:$0x9300] =	vst v63  }
0x56: {  	_ =	swait.ge [sflag:s20], $0x1000  }
0x57: {  	[sflag:s20] =	ssyncset.done $0x0  }
0x58: {  	[sflag:s20] =	ssyncadd.s32 $0xFFFFF000  }
0x59: {  	[hbm4b:s8+s3] =	stream.linear.scatter [tilespmem:s17], [sflag:$0x6], $0x1000, $0x38;
	[tilespmem:$0x9300] =	vst v63  }
0x5a: {  	_ =	swait.ge [sflag:s19], $0x1000  }
0x5b: {  	[sflag:s19] =	ssyncset.done $0x0  }
0x5c: {  	s24 =	sadd.s32 $0x1, s24;
	[sflag:s19] =	ssyncadd.s32 $0xFFFFF000  }
0x5d: {  	p0 =	sne.s32 s24, s5;
	_ =	swait.ge [sflag:s21], $0x1000  }
.Ltmp1:
0x5e: {  	[sflag:s21] =	ssyncset.done $0x0;
	(pc) =	sbr.rel @p0 .LBB2_1-.Ltmp1, $4  }
0x5f: {  	[sflag:s21] =	ssyncadd.s32 $0xFFFFF000  }
0x60: {  	_ =	swait.ge [sflag:s22], $0x1000  }
0x61: {  	[sflag:s22] =	ssyncset.done $0x0  }
0x62: {  	[sflag:s22] =	ssyncadd.s32 $0xFFFFF000  }
0x63: {  	_ =	sfence.sel $0x180000  }
0x64: {  	[bflag:$0x0] =	sbarrier.arrive $0xFFFF  }
0x65: {  	p0 =	sne.s32 s0, $0x0;
	_ =	strace $0x9000004A  }
0x66: {  	s0 =	sadd.s32 @!p0 $0x100000, s2;
	[bflag:$0x2] =	sbarrier.arrive $0xFFFF  }
0x67: {  	[sflag:s0] =	ssyncadd.tile.s32 @!p0 $0x1;
	_ =	shalt  }
.Lfunc_end2:
_tile_overlayer_lowered:
.L_overlay_start_2:
0x68: {  	(tag) =	ssettag $0x2  }
0x69: {  	s0 =	rddreg [dreg:$0x0];
	s2 =	stileid.u32  }
0x6a: {  	s1 =	rddreg [dreg:$0x1];
	p0 =	sne.s32 s2, $0x0  }
0x6b: {  	s3 =	rddreg [dreg:$0x2];
	[bflag:$0x3] =	sbarrier.arrive $0xFFFF;
	s2 =	simm.s32 @!p0 $0x1C07  }
0x6c: {  	[timem:s3], [sflag:s2] =	dma.local @!p0 [hbm:s0], s1  }
0x6d: {  	s0 =	simm.s32 @!p0 $0x7  }
0x6e: {  	_ =	swait.ge @!p0 [sflag:s0], s1  }
0x6f: {  	s1 =	ssub.s32 @!p0 $0x0, s1;
	[sflag:s0] =	ssyncset.done @!p0 $0x0  }
0x70: {  	[sflag:s0] =	ssyncadd.s32 @!p0 s1  }
0x71: {  	[bflag:$0x3] =	sbarrier.arrive $0xFFFF  }
0x72: {  	_ =	shalt  }

// kernel: kernel.16.cloned.1.call-start
scs
__scs_entry_jumppad:
0x0: {  	(pc) =	sbr.rel $0x88, $3  }
0x1: {  	(tag) =	ssettag $0x0;
	lr =	simm.s32 $0x1  }
0x2: {  	[smem:$0x3F98] =	sst lr;
	_ =	strace $0xD0000000  }
0x3: {  	_ = 	snop  }
0x4: {  	_ = 	snop  }
0x5: {  	_ = 	snop  }
0x6: {  	_ = 	snop  }
0x7: {  	_ = 	snop  }
__scs_overlays_trampoline_lowered:
0x8: {  	[smem:$0x3FA7] =	sst s0  }
0x9: {  	[smem:$0x3FA8] =	sst s1  }
0xa: {  	[smem:$0x3FA9] =	sst s2  }
0xb: {  	[smem:$0x3FAA] =	sst s3  }
0xc: {  	[smem:$0x3FAB] =	sst s4  }
0xd: {  	[smem:$0x3FAC] =	sst s5  }
0xe: {  	[smem:$0x3FAD] =	sst s6  }
0xf: {  	[smem:$0x3FAE] =	sst s7  }
0x10: {  	[smem:$0x3FAF] =	sst s8  }
0x11: {  	[smem:$0x3FB0] =	sst s9;
	s0 =	simm.s32 @!p0 $0x0  }
0x12: {  	s1 =	sld [smem:$0x3F96];
	s0 =	simm.s32 @p0 $0x1  }
0x13: {  	[smem:$0x3FB1] =	sst s0;
	s0 =	simm.s32 @!p1 $0x0  }
0x14: {  	s2 =	sld [smem:$0x3F95];
	s0 =	simm.s32 @p1 $0x1  }
0x15: {  	[smem:$0x3FB2] =	sst s0;
	s0 =	simm.s32 @!p2 $0x0  }
0x16: {  	s3 =	sld [smem:$0x3FDB];
	s0 =	simm.s32 @p2 $0x1  }
0x17: {  	s4 =	simm.s32 $0x1BF5;
	[smem:$0x3FB4] =	sst s0  }
0x18: {  	s0 =	sld [smem:$0x3F97];
	_ =	swait.ge [sflag:s4], $0x0  }
0x19: {  	s7 =	sld [smem:$0x3F98]  }
0x1a: {  	s8 =	sadd.s32 $0xFFFFE003, lr  }
0x1b: {  	s9 =	sadd.s32 $0xFFFFFEF7, lr;
	s5 =	simm.s32 $0xFFFFFFFF;
	p2 =	slt.u32 s8, $0xFFFFF086  }
0x1c: {  	p1 =	slt.u32 s9, $0xF7A;
	s5 =	simm.s32 @!p2 $0x0  }
0x1d: {  	s5 =	simm.s32 @p1 $0x1;
	p0 =	seq.s32 s7, s2  }
0x1e: {  	s7 =	smul.u32 @!p0 $0xF7A, s2;
	p2 =	seq.s32 @!p0 s5, $0x0  }
0x1f: {  	s9 =	smul.u32 $0xF7A, s1;
	s8 =	simm.s32 @!p0 $0x1BF5;
	p2 =	por !p2, p0  }
0x20: {  	[sflag:s8] =	ssyncset.s32 @!p0 $0xFFFFF086;
	s6 =	sadd.s32 @!p0 s3, s7;
	s7 =	simm.s32 @!p0 $0x108  }
0x21: {  	s3 =	sadd.s32 s3, s9;
	s6 =	sadd.s32 @!p0 $0x88, s6;
	s7 =	simm.s32 @p2 $0x1082  }
0x22: {  	[simem:s7], [sflag:s8] =	dma.local @!p0 [hbm:s6], $0xF7A  }
0x23: {  	s9 =	sor.u32 $0xD0000000, s2;
	s6 =	simm.s32 $0x108;
	_ =	swait.ge @!p0 [sflag:s8], $0x0  }
0x24: {  	s3 =	sadd.s32 $0x88, s3;
	s6 =	simm.s32 @!p1 $0x1082;
	[sflag:s4] =	ssyncset.s32 $0xFFFFF086  }
0x25: {  	[simem:s6], [sflag:s4] =	dma.local [hbm:s3], $0xF7A  }
0x26: {  	[smem:$0x3F98] =	sst s1;
	(tag) =	ssettag s2;
	_ =	strace s9  }
0x27: {  	s1 =	sld [smem:$0x3FA8]  }
0x28: {  	s2 =	sld [smem:$0x3FA9]  }
0x29: {  	s4 =	sld [smem:$0x3FAB]  }
0x2a: {  	p0 =	seq.s32 s5, $0x0;
	s5 =	sld [smem:$0x3FAC]  }
0x2b: {  	s6 =	sld [smem:$0x3FAD]  }
0x2c: {  	s7 =	sld [smem:$0x3FAE]  }
0x2d: {  	s3 =	simm.s32 $0x108;
	s8 =	sld [smem:$0x3FAF]  }
0x2e: {  	s3 =	simm.s32 @!p0 $0x1082;
	s9 =	sld [smem:$0x3FB0]  }
0x2f: {  	lr =	sadd.s32 s0, s3;
	s0 =	sld [smem:$0x3FA7]  }
0x30: {  	s3 =	sld [smem:$0x3FAA]  }
0x31: {  	[smem:$0x3FB3] =	sst s10  }
0x32: {  	s10 =	sld [smem:$0x3FB1];
	_ =	sdelay $0x3  }
0x33: {  	p0 =	seq.s32 s10, $0x1;
	s10 =	sld [smem:$0x3FB3];
	_ =	sdelay $0x3  }
0x34: {  	[smem:$0x3FB3] =	sst s10  }
0x35: {  	s10 =	sld [smem:$0x3FB2];
	_ =	sdelay $0x3  }
0x36: {  	p1 =	seq.s32 s10, $0x1;
	s10 =	sld [smem:$0x3FB3];
	_ =	sdelay $0x3  }
0x37: {  	[smem:$0x3FB3] =	sst s10  }
0x38: {  	s10 =	sld [smem:$0x3FB4]  }
0x39: {  	_ = 	snop;
	(pc) =	sbr.ind lr, $3  }
0x3a: {  	_ = 	snop  }
0x3b: {  	_ = 	snop  }
0x3c: {  	p2 =	seq.s32 s10, $0x1;
	s10 =	sld [smem:$0x3FB3]  }
0x3d: {  	_ =	shalt  }
0x3e: {  	_ =	shalt  }
0x3f: {  	_ =	shalt  }
0x40: {  	_ =	shalt  }
0x41: {  	_ =	shalt  }
0x42: {  	_ =	shalt  }
0x43: {  	_ =	shalt  }
0x44: {  	_ =	shalt  }
0x45: {  	_ =	shalt  }
0x46: {  	_ =	shalt  }
0x47: {  	_ =	shalt  }
0x48: {  	_ =	shalt  }
0x49: {  	_ =	shalt  }
0x4a: {  	_ =	shalt  }
0x4b: {  	_ =	shalt  }
0x4c: {  	_ =	shalt  }
0x4d: {  	_ =	shalt  }
0x4e: {  	_ =	shalt  }
0x4f: {  	_ =	shalt  }
0x50: {  	_ =	shalt  }
0x51: {  	_ =	shalt  }
0x52: {  	_ =	shalt  }
0x53: {  	_ =	shalt  }
0x54: {  	_ =	shalt  }
0x55: {  	_ =	shalt  }
0x56: {  	_ =	shalt  }
0x57: {  	_ =	shalt  }
0x58: {  	_ =	shalt  }
0x59: {  	_ =	shalt  }
0x5a: {  	_ =	shalt  }
0x5b: {  	_ =	shalt  }
0x5c: {  	_ =	shalt  }
0x5d: {  	_ =	shalt  }
0x5e: {  	_ =	shalt  }
0x5f: {  	_ =	shalt  }
0x60: {  	_ =	shalt  }
0x61: {  	_ =	shalt  }
0x62: {  	_ =	shalt  }
0x63: {  	_ =	shalt  }
0x64: {  	_ =	shalt  }
0x65: {  	_ =	shalt  }
0x66: {  	_ =	shalt  }
0x67: {  	_ =	shalt  }
0x68: {  	_ =	shalt  }
0x69: {  	_ =	shalt  }
0x6a: {  	_ =	shalt  }
0x6b: {  	_ =	shalt  }
0x6c: {  	_ =	shalt  }
0x6d: {  	_ =	shalt  }
0x6e: {  	_ =	shalt  }
0x6f: {  	_ =	shalt  }
0x70: {  	_ =	shalt  }
0x71: {  	_ =	shalt  }
0x72: {  	_ =	shalt  }
0x73: {  	_ =	shalt  }
0x74: {  	_ =	shalt  }
0x75: {  	_ =	shalt  }
0x76: {  	_ =	shalt  }
0x77: {  	_ =	shalt  }
0x78: {  	_ =	shalt  }
0x79: {  	_ =	shalt  }
0x7a: {  	_ =	shalt  }
0x7b: {  	_ =	shalt  }
0x7c: {  	_ =	shalt  }
0x7d: {  	_ =	shalt  }
0x7e: {  	_ =	shalt  }
0x7f: {  	_ =	shalt  }
0x80: {  	_ =	shalt  }
0x81: {  	_ =	shalt  }
0x82: {  	_ =	shalt  }
0x83: {  	_ =	shalt  }
0x84: {  	_ =	shalt  }
0x85: {  	_ =	shalt  }
0x86: {  	_ =	shalt  }
0x87: {  	_ =	shalt  }
.Lfunc_end0:
.L_simem_size_0:
called_computation.2_lowered:
.L_overlay_start_0:
0x88: {  	s2 =	sld [smem:$0x3FD9]  }
0x89: {  	s3 =	sld [smem:$0x3FFE];
	_ =	sdelay $0x1  }
0x8a: {  	s1 =	srdreg.scid  }
0x8b: {  	s0 =	sand.u32 $0x1, s1  }
0x8c: {  	s14 =	sshll.u32 s0, $0xA;
	s2 =	sadd.s32 s3, s2  }
0x8d: {  	s2 =	sadd.s32 s2, s14  }
0x8e: {  	[smem:$0x3FBF] =	sst s2  }
0x8f: {  	_ = 	snop  }
0x90: {  	s2 =	sld [smem:$0x3FD0];
	_ =	sdelay $0x2  }
0x91: {  	s15 =	simm.s32 $0xA;
	s4 =	simm.s32 $0x10  }
0x92: {  	[smem:s4], [sflag:s15] =	dma.local [hbm:s2], $0x1  }
0x93: {  	_ =	swait.eq [sflag:s15], $0x1  }
0x94: {  	[sflag:s15] =	ssyncset.done $0x0  }
0x95: {  	s16 =	sld [smem:$0x13];
	[sflag:s15] =	ssyncadd.s32 $0xFFFFFFFF  }
0x96: {  	s17 =	sld [smem:$0x14];
	(tm) =	ssettm $0x1  }
0x97: {  	s18 =	sld [smem:$0x3FFB];
	_ =	sdelay $0x3  }
0x98: {  	_ =	strace s18  }
0x99: {  	s4 =	sld [smem:$0x3FFC];
	_ =	sdelay $0x3  }
0x9a: {  	_ =	strace s4  }
0x9b: {  	s4 =	sld [smem:$0x3FFD];
	_ =	sdelay $0x3  }
0x9c: {  	_ =	strace s4  }
0x9d: {  	_ =	strace $0x8FFFFFFF  }
0x9e: {  	s19 =	sld [smem:$0x3FDB];
	_ =	sdelay $0x1  }
0x9f: {  	s5 =	simm.s32 $_scs_section_size  }
0xa0: {  	s6 =	simm.s32 $_size__tile_overlayer_lowered;
	s7 =	simm.s32 $_tile_overlayer_lowered  }
0xa1: {  	s22 =	simm.s32 $0x1BFF;
	s21 =	sshll.u32 s7, $0x1;
	s4 =	sadd.s32 s5, s19  }
0xa2: {  	s8 =	simm.s32 $0x0;
	s20 =	sshll.u32 s6, $0x1;
	s6 =	sadd.s32 s21, s4  }
0xa3: {  	[timem:s8], [sflag:s22] =	dma.local [hbm:s6], s20  }
0xa4: {  	_ =	swait.ge [sflag:s22], s20  }
0xa5: {  	s5 =	ssub.s32 $0x0, s20;
	[sflag:s22] =	ssyncset.done $0x0  }
0xa6: {  	[sflag:s22] =	ssyncadd.s32 s5;
	_ =	sdelay $0x1  }
0xa7: {  	s23 =	simm.s32 $0x1B8B  }
0xa8: {  	_ =	swait.ge [sflag:s23], $0x1  }
0xa9: {  	[sflag:s23] =	ssyncset.done $0x0  }
0xaa: {  	s25 =	simm.s32 $0x1B8E;
	s24 =	sld [smem:$0x3FFE];
	[sflag:s23] =	ssyncadd.s32 $0xFFFFFFFF  }
0xab: {  	s26 =	simm.s32 $execute0_lowered;
	[smem:$0x3FD2] =	sst s25  }
0xac: {  	s6 =	sshll.u32 s26, $0x1;
	_ =	strace $0x8000004C;
	[dreg:$0x1] =	wrdreg $0xFFFFFFFF  }
0xad: {  	s28 =	simm.s32 $_size_execute0_lowered;
	s4 =	sadd.s32 s4, s6;
	[dreg:$0x0] =	wrdreg $0x0  }
0xae: {  	s6 =	sshll.u32 s28, $0x1;
	[dreg:$0x2] =	wrdreg s4  }
0xaf: {  	[dreg:$0x3] =	wrdreg s6  }
0xb0: {  	[dreg:$0x4] =	wrdreg $0xC0  }
0xb1: {  	_ =	task [dreg:s8], $0x5FFFF  }
0xb2: {  	[dreg:$0x1] =	wrdreg $0xFFFFFFFF  }
0xb3: {  	[dreg:$0x0] =	wrdreg $0x60  }
0xb4: {  	[dreg:$0x2] =	wrdreg s17  }
0xb5: {  	[dreg:$0x3] =	wrdreg s16  }
0xb6: {  	[dreg:$0x4] =	wrdreg s24  }
0xb7: {  	[dreg:$0x5] =	wrdreg $0x9  }
0xb8: {  	_ =	task.clear_ibuf [dreg:s8], $0x6FFFF;
	_ =	strace $0x9000004C  }
0xb9: {  	s29 =	simm.s32 $0x9;
	_ =	strace $0x8000004E  }
0xba: {  	_ =	swait.ge [sflag:s29], $0x1  }
0xbb: {  	[sflag:s29] =	ssyncadd.s32 $0xFFFFFFFF  }
0xbc: {  	_ =	strace $0x9000004E  }
0xbd: {  	_ =	sfence  }
0xbe: {  	s30 =	sld [smem:$0x0];
	_ =	sdelay $0x2  }
0xbf: {  	s31 =	sshll.u32 s1, $0xD;
	s1 =	sshrl.u32 s1, $0x2  }
0xc0: {  	s3 =	sand.u32 $0x4000, s31;
	s1 =	sadd.s32 s1, s30  }
0xc1: {  	s0 =	sor.u32 s3, s0;
	s1 =	sshll.u32 s1, $0x11  }
0xc2: {  	s0 =	sor.u32 s1, s0  }
0xc3: {  	s0 =	sadd.s32 $0x8F2B, s0  }
0xc4: {  	[sflag:s0] =	ssyncadd.remote.s32 $0x1  }
0xc5: {  	_ =	sfence.sel $0xFFFF  }
0xc6: {  	[dreg:$0x0] =	wrdreg $0xFFFFFFFF;
	(pc) =	sbr.abs _section_cstart, $3  }
0xc7: {  	[dreg:$0x1] =	wrdreg $0xFFFFFFFF  }
0xc8: {  	_ =	task.clear_ibuf [dreg:s8], $0x2FFFF;
	_ =	strace $0x9FFFFFFF  }
0xc9: {  	(tm) =	ssettm $0x7FFFFFFF  }
tec
execute0_lowered:
.L_overlay_start_1:
0x0: {  	(tag) =	ssettag $0x1  }
0x1: {  	s1 =	rddreg [dreg:$0x0]  }
0x2: {  	s2 =	srdreg.scid;
	s4 =	rddreg [dreg:$0x1]  }
0x3: {  	s0 =	stileid.u32;
	s6 =	rddreg [dreg:$0x2];
	s3 =	simm.s32 $0x0  }
0x4: {  	s14 =	simm.s32 $0x6300;
	s15 =	simm.s32 $0x7300;
	s16 =	simm.s32 $0x1  }
0x5: {  	s17 =	simm.s32 $0x8300;
	s18 =	simm.s32 $0x2;
	s19 =	simm.s32 $0x4  }
0x6: {  	s20 =	simm.s32 $0x3;
	s21 =	simm.s32 $0x5;
	s22 =	simm.s32 $0x6  }
0x7: {  	s23 =	simm.s32 $0x6280;
	s24 =	simm.s32 $0x0;
	s10 =	smul.u32 $0x18C, s0  }
0x8: {  	s8 =	sand.u32 $0x1, s2;
	s2 =	rddreg [dreg:$0x3];
	s30 =	smul.u32 $0x31800, s0  }
0x9: {  	s26 =	sshll.u32 s0, $0x1;
	[smem:$0x7FF] =	sst s3;
	s12 =	smul.u32 $0xC6, s8  }
0xa: {  	s5 =	sor.u32 s8, s26;
	s28 =	ssub.s32 $0x2, s8;
	s31 =	smul.u32 $0x18C00, s8  }
0xb: {  	s13 =	sadd.s32 $0x18CC00, s6;
	s7 =	smul.u32 $0xC60, s5;
	s11 =	sshrl.u32 s28, $0x1  }
0xc: {  	_ =	strace $0x8000004D;
	s9 =	smul.u32 $0x18C00, s5;
	s5 =	ssub.s32 s28, s11  }
0xd: {  	s29 =	sadd.s32 s12, s10;
	s11 =	sadd.s32 s30, s13;
	s12 =	simm.s32 $0x7  }
0xe: {  	s4 =	sadd.s32 s4, s7;
	s5 =	smax.u32 s5, $0x1;
	s9 =	sadd.s32 s13, s9  }
0xf: {  	s10 =	sshll.u32 s29, $0x9;
	s11 =	sadd.s32 s31, s11;
	s6 =	sadd.s32 $0x18600, s9  }
0x10: {  	s7 =	sadd.s32 $0x18800, s9;
	s10 =	sadd.s32 s10, s13;
	s8 =	sadd.s32 $0x18A00, s9  }
0x11: {  	s13 =	simm.s32 $0x80;
	s9 =	sadd.s32 $0x400, s10;
	s10 =	sadd.s32 $0x200, s10  }
.LBB2_1:
0x12: {  	[tilespmem:s3], [sflag:$0x7] =	stream.linear.gather [hbm4b:s4+s3], $0x6300, $0x38;
	[tilespmem:$0x9300] =	vst v63  }
0x13: {  	_ =	swait.ge [sflag:s12], $0x6300  }
0x14: {  	[sflag:s12] =	ssyncset.done $0x0  }
0x15: {  	[sflag:s12] =	ssyncadd.s32 $0xFFFF9D00  }
0x16: {  	[tilespmem:s14], [sflag:$0x1] =	stream.indirect.gather [hbm4b:s1+s13], $0x20, s3, s13, $0xb8;
	[tilespmem:$0x9300] =	vst v63  }
0x17: {  	_ = 	snop  }
0x18: {  	[tilespmem:s15], [sflag:$0x2] =	stream.indirect.gather [hbm4b:s1+s13], $0x20, s13, s13, $0xb8;
	[tilespmem:$0x9300] =	vst v63  }
0x19: {  	_ =	swait.ge [sflag:s16], $0x1000  }
0x1a: {  	p0 =	por $0x1, $0x1;
	[sflag:s16] =	ssyncset.done $0x0  }
0x1b: {  	s25 =	sadd.s32 $0x0, s11;
	s26 =	simm.s32 @!p0 $0x6;
	[sflag:s16] =	ssyncadd.s32 $0xFFFFF000  }
0x1c: {  	[hbm4b:s25+s3] =	stream.linear.scatter [tilespmem:s14], [sflag:$0x4], $0x1000, $0x38;
	[tilespmem:$0x9300] =	vst v63  }
0x1d: {  	_ =	swait.ge @!p0 [sflag:s26], $0x1000  }
0x1e: {  	[sflag:s26] =	ssyncset.done @!p0 $0x0  }
0x1f: {  	s31 =	simm.s32 $0x100;
	[sflag:s26] =	ssyncadd.s32 @!p0 $0xFFFFF000  }
0x20: {  	[tilespmem:s17], [sflag:$0x3] =	stream.indirect.gather [hbm4b:s1+s13], $0x20, s31, s13, $0xb8;
	[tilespmem:$0x9300] =	vst v63  }
0x21: {  	_ =	swait.ge [sflag:s18], $0x1000  }
0x22: {  	[sflag:s18] =	ssyncset.done $0x0  }
0x23: {  	s29 =	sadd.s32 $0x0, s10;
	[sflag:s18] =	ssyncadd.s32 $0xFFFFF000  }
0x24: {  	[hbm4b:s29+s3] =	stream.linear.scatter [tilespmem:s15], [sflag:$0x5], $0x1000, $0x38;
	[tilespmem:$0x9300] =	vst v63  }
0x25: {  	_ =	swait.ge [sflag:s19], $0x1000  }
0x26: {  	[sflag:s19] =	ssyncset.done $0x0  }
0x27: {  	s30 =	simm.s32 $0x180;
	[sflag:s19] =	ssyncadd.s32 $0xFFFFF000  }
0x28: {  	[tilespmem:s14], [sflag:$0x1] =	stream.indirect.gather [hbm4b:s1+s13], $0x20, s30, s13, $0xb8;
	[tilespmem:$0x9300] =	vst v63  }
0x29: {  	_ =	swait.ge [sflag:s20], $0x1000  }
0x2a: {  	[sflag:s20] =	ssyncset.done $0x0  }
0x2b: {  	s31 =	sadd.s32 $0x0, s9;
	[sflag:s20] =	ssyncadd.s32 $0xFFFFF000  }
0x2c: {  	[hbm4b:s31+s3] =	stream.linear.scatter [tilespmem:s17], [sflag:$0x6], $0x1000, $0x38;
	[tilespmem:$0x9300] =	vst v63  }
0x2d: {  	s28 =	simm.s32 $0x200;
	_ =	swait.ge [sflag:s21], $0x1000  }
0x2e: {  	s25 =	simm.s32 $0xFFFFFFFF;
	s26 =	simm.s32 $0x600;
	[sflag:s21] =	ssyncset.done $0x0  }
.LBB2_2:
0x2f: {  	[sflag:s21] =	ssyncadd.s32 $0xFFFFF000  }
0x30: {  	s25 =	sadd.s32 $0x3, s25;
	s29 =	smov.u32 s26;
	s26 =	sadd.s32 $0x600, s26  }
0x31: {  	[tilespmem:s15], [sflag:$0x2] =	stream.indirect.gather [hbm4b:s1+s13], $0x20, s28, s13, $0xb8;
	[tilespmem:$0x9300] =	vst v63  }
0x32: {  	p0 =	sne.s32 s26, $0x18600;
	_ =	swait.ge [sflag:s16], $0x1000  }
0x33: {  	s28 =	sadd.s32 s29, s11;
	p1 =	sgt.u32 s25, $0xC2;
	[sflag:s16] =	ssyncset.done $0x0  }
0x34: {  	s30 =	simm.s32 @!p1 $0x6;
	[sflag:s16] =	ssyncadd.s32 $0xFFFFF000  }
0x35: {  	[hbm4b:s28+s3] =	stream.linear.scatter [tilespmem:s14], [sflag:$0x4], $0x1000, $0x38;
	[tilespmem:$0x9300] =	vst v63  }
0x36: {  	s28 =	sshra.s32 s29, $0x2;
	_ =	swait.ge @!p1 [sflag:s30], $0x1000  }
0x37: {  	s31 =	sadd.s32 $0x100, s28;
	[sflag:s30] =	ssyncset.done @!p1 $0x0  }
0x38: {  	[sflag:s30] =	ssyncadd.s32 @!p1 $0xFFFFF000  }
0x39: {  	[tilespmem:s17], [sflag:$0x3] =	stream.indirect.gather [hbm4b:s1+s13], $0x20, s31, s13, $0xb8;
	[tilespmem:$0x9300] =	vst v63  }
0x3a: {  	_ =	swait.ge [sflag:s18], $0x1000  }
0x3b: {  	s30 =	sadd.s32 s29, s10;
	[sflag:s18] =	ssyncset.done $0x0  }
0x3c: {  	[sflag:s18] =	ssyncadd.s32 $0xFFFFF000  }
0x3d: {  	[hbm4b:s30+s3] =	stream.linear.scatter [tilespmem:s15], [sflag:$0x5], $0x1000, $0x38;
	[tilespmem:$0x9300] =	vst v63  }
0x3e: {  	_ =	swait.ge [sflag:s19], $0x1000  }
0x3f: {  	s30 =	sadd.s32 $0x180, s28;
	[sflag:s19] =	ssyncset.done $0x0  }
0x40: {  	[sflag:s19] =	ssyncadd.s32 $0xFFFFF000  }
0x41: {  	[tilespmem:s14], [sflag:$0x1] =	stream.indirect.gather [hbm4b:s1+s13], $0x20, s30, s13, $0xb8;
	[tilespmem:$0x9300] =	vst v63  }
0x42: {  	_ =	swait.ge [sflag:s20], $0x1000  }
.Ltmp0:
0x43: {  	s29 =	sadd.s32 s29, s9;
	[sflag:s20] =	ssyncset.done $0x0;
	(pc) =	sbr.rel @p0 .LBB2_2-.Ltmp0, $4  }
0x44: {  	[sflag:s20] =	ssyncadd.s32 $0xFFFFF000  }
0x45: {  	[hbm4b:s29+s3] =	stream.linear.scatter [tilespmem:s17], [sflag:$0x6], $0x1000, $0x38;
	[tilespmem:$0x9300] =	vst v63  }
0x46: {  	_ =	swait.ge [sflag:s21], $0x1000  }
0x47: {  	s28 =	sadd.s32 $0x200, s28;
	[sflag:s21] =	ssyncset.done $0x0  }
0x48: {  	[sflag:s21] =	ssyncadd.s32 $0xFFFFF000  }
0x49: {  	[tilespmem:s15], [sflag:$0x2] =	stream.indirect.gather [hbm4b:s1+s13], $0x20, s28, s13, $0xb8;
	[tilespmem:$0x9300] =	vst v63  }
0x4a: {  	_ =	swait.ge [sflag:s16], $0x1000  }
0x4b: {  	[sflag:s16] =	ssyncset.done $0x0  }
0x4c: {  	[sflag:s16] =	ssyncadd.s32 $0xFFFFF000  }
0x4d: {  	[hbm4b:s6+s3] =	stream.linear.scatter [tilespmem:s14], [sflag:$0x4], $0x1000, $0x38;
	[tilespmem:$0x9300] =	vst v63  }
0x4e: {  	_ =	swait.ge [sflag:s22], $0x1000  }
0x4f: {  	[sflag:s22] =	ssyncset.done $0x0  }
0x50: {  	[sflag:s22] =	ssyncadd.s32 $0xFFFFF000  }
0x51: {  	[tilespmem:s17], [sflag:$0x3] =	stream.indirect.gather [hbm4b:s1+s13], $0x20, s23, s13, $0xb8;
	[tilespmem:$0x9300] =	vst v63  }
0x52: {  	_ =	swait.ge [sflag:s18], $0x1000  }
0x53: {  	[sflag:s18] =	ssyncset.done $0x0  }
0x54: {  	[sflag:s18] =	ssyncadd.s32 $0xFFFFF000  }
0x55: {  	[hbm4b:s7+s3] =	stream.linear.scatter [tilespmem:s15], [sflag:$0x5], $0x1000, $0x38;
	[tilespmem:$0x9300] =	vst v63  }
0x56: {  	_ =	swait.ge [sflag:s20], $0x1000  }
0x57: {  	[sflag:s20] =	ssyncset.done $0x0  }
0x58: {  	[sflag:s20] =	ssyncadd.s32 $0xFFFFF000  }
0x59: {  	[hbm4b:s8+s3] =	stream.linear.scatter [tilespmem:s17], [sflag:$0x6], $0x1000, $0x38;
	[tilespmem:$0x9300] =	vst v63  }
0x5a: {  	_ =	swait.ge [sflag:s19], $0x1000  }
0x5b: {  	[sflag:s19] =	ssyncset.done $0x0  }
0x5c: {  	s24 =	sadd.s32 $0x1, s24;
	[sflag:s19] =	ssyncadd.s32 $0xFFFFF000  }
0x5d: {  	p0 =	sne.s32 s24, s5;
	_ =	swait.ge [sflag:s21], $0x1000  }
.Ltmp1:
0x5e: {  	[sflag:s21] =	ssyncset.done $0x0;
	(pc) =	sbr.rel @p0 .LBB2_1-.Ltmp1, $4  }
0x5f: {  	[sflag:s21] =	ssyncadd.s32 $0xFFFFF000  }
0x60: {  	_ =	swait.ge [sflag:s22], $0x1000  }
0x61: {  	[sflag:s22] =	ssyncset.done $0x0  }
0x62: {  	[sflag:s22] =	ssyncadd.s32 $0xFFFFF000  }
0x63: {  	_ =	sfence.sel $0x180000  }
0x64: {  	[bflag:$0x0] =	sbarrier.arrive $0xFFFF  }
0x65: {  	p0 =	sne.s32 s0, $0x0;
	_ =	strace $0x9000004D  }
0x66: {  	s0 =	sadd.s32 @!p0 $0x100000, s2;
	[bflag:$0x2] =	sbarrier.arrive $0xFFFF  }
0x67: {  	[sflag:s0] =	ssyncadd.tile.s32 @!p0 $0x1;
	_ =	shalt  }
.Lfunc_end2:
_tile_overlayer_lowered:
.L_overlay_start_2:
0x68: {  	(tag) =	ssettag $0x2  }
0x69: {  	s0 =	rddreg [dreg:$0x0];
	s2 =	stileid.u32  }
0x6a: {  	s1 =	rddreg [dreg:$0x1];
	p0 =	sne.s32 s2, $0x0  }
0x6b: {  	s3 =	rddreg [dreg:$0x2];
	[bflag:$0x3] =	sbarrier.arrive $0xFFFF;
	s2 =	simm.s32 @!p0 $0x1C07  }
0x6c: {  	[timem:s3], [sflag:s2] =	dma.local @!p0 [hbm:s0], s1  }
0x6d: {  	s0 =	simm.s32 @!p0 $0x7  }
0x6e: {  	_ =	swait.ge @!p0 [sflag:s0], s1  }
0x6f: {  	s1 =	ssub.s32 @!p0 $0x0, s1;
	[sflag:s0] =	ssyncset.done @!p0 $0x0  }
0x70: {  	[sflag:s0] =	ssyncadd.s32 @!p0 s1  }
0x71: {  	[bflag:$0x3] =	sbarrier.arrive $0xFFFF  }
0x72: {  	_ =	shalt  }

</sc_bundles>
